<compile_context>
chip_gen: v7x
topology: tpu7x:2x2x1
jax: 0.10.2.dev20260603
libtpu: 0.0.44.dev20260713+nightly
codegen_flags: <defaults>
</compile_context>

<pallas_src>
import functools

import jax
import jax.numpy as jnp
from jax import lax
from jax.experimental import pallas as pl
from jax.experimental.pallas import tpu as pltpu
from jax.experimental.pallas import tpu_sc as plsc

N = 50000
T = 4
D = 64
H = 32

NUM_TILES = 16
IDX_W = 128
ROWS_PER_CHUNK = 4
CHUNK = IDX_W * ROWS_PER_CHUNK
ACC_PER_TILE = 3128
ACC_ROWS = NUM_TILES * ACC_PER_TILE
OUT_PER_TILE = 3128
OUT_LAST = N - 15 * OUT_PER_TILE

BN = 2000
GRID = N // BN



def _mm_first_body(x_ref, wlo_ref, whi_ref, olo_ref, ohi_ref):
    h = x_ref[...]
    olo_ref[...] = jnp.dot(h, wlo_ref[...], preferred_element_type=jnp.float32)
    ohi_ref[...] = jnp.dot(h, whi_ref[...], preferred_element_type=jnp.float32)


def _mm_mid_body(lo_ref, hi_ref, b_ref, wlo_ref, whi_ref, olo_ref, ohi_ref):
    acc = jnp.concatenate([lo_ref[...], hi_ref[...]], axis=1)
    h = jax.nn.relu(acc + b_ref[...])
    olo_ref[...] = jnp.dot(h, wlo_ref[...], preferred_element_type=jnp.float32)
    ohi_ref[...] = jnp.dot(h, whi_ref[...], preferred_element_type=jnp.float32)


def _mm_adv_body(lo_ref, hi_ref, b_ref, wlo_ref, whi_ref,
                 aw1_ref, ab1_ref, aw2_ref, ab2_ref,
                 olo_ref, ohi_ref, adv_ref):
    acc = jnp.concatenate([lo_ref[...], hi_ref[...]], axis=1)
    h = jax.nn.relu(acc + b_ref[...])
    olo_ref[...] = jnp.dot(h, wlo_ref[...], preferred_element_type=jnp.float32)
    ohi_ref[...] = jnp.dot(h, whi_ref[...], preferred_element_type=jnp.float32)
    t1 = jax.nn.relu(jnp.dot(h, aw1_ref[...], preferred_element_type=jnp.float32)
                     + ab1_ref[...])
    adv_ref[...] = jnp.dot(t1, aw2_ref[...], preferred_element_type=jnp.float32) \
        + ab2_ref[...]


def _final_body(lo_ref, hi_ref, b_ref, adv_ref, out_ref):
    acc = jnp.concatenate([lo_ref[...], hi_ref[...]], axis=1)
    out_ref[...] = jax.nn.relu(acc + b_ref[...]) + adv_ref[...]


def _row_spec(w):
    return pl.BlockSpec((BN, w), lambda i: (i, 0))


def _full_spec(r, c):
    return pl.BlockSpec((r, c), lambda i: (0, 0))


def _mm_first(x, wlo, whi):
    return pl.pallas_call(
        _mm_first_body,
        grid=(GRID,),
        in_specs=[_row_spec(D), _full_spec(D, T * H), _full_spec(D, T * H)],
        out_specs=[_row_spec(T * H), _row_spec(T * H)],
        out_shape=[jax.ShapeDtypeStruct((N, T * H), jnp.float32)] * 2,
    )(x, wlo, whi)


def _mm_mid(lo, hi, b, wlo, whi):
    return pl.pallas_call(
        _mm_mid_body,
        grid=(GRID,),
        in_specs=[_row_spec(H), _row_spec(H), _full_spec(1, D),
                  _full_spec(D, T * H), _full_spec(D, T * H)],
        out_specs=[_row_spec(T * H), _row_spec(T * H)],
        out_shape=[jax.ShapeDtypeStruct((N, T * H), jnp.float32)] * 2,
    )(lo, hi, b, wlo, whi)


def _mm_adv(lo, hi, b, wlo, whi, aw1, ab1, aw2, ab2):
    return pl.pallas_call(
        _mm_adv_body,
        grid=(GRID,),
        in_specs=[_row_spec(H), _row_spec(H), _full_spec(1, D),
                  _full_spec(D, T * H), _full_spec(D, T * H),
                  _full_spec(D, 128), _full_spec(1, 128),
                  _full_spec(128, D), _full_spec(1, D)],
        out_specs=[_row_spec(T * H), _row_spec(T * H), _row_spec(D)],
        out_shape=[jax.ShapeDtypeStruct((N, T * H), jnp.float32),
                   jax.ShapeDtypeStruct((N, T * H), jnp.float32),
                   jax.ShapeDtypeStruct((N, D), jnp.float32)],
    )(lo, hi, b, wlo, whi, aw1, ab1, aw2, ab2)


def _final(lo, hi, b, adv):
    return pl.pallas_call(
        _final_body,
        grid=(GRID,),
        in_specs=[_row_spec(H), _row_spec(H), _full_spec(1, D), _row_spec(D)],
        out_specs=_row_spec(D),
        out_shape=jax.ShapeDtypeStruct((N, D), jnp.float32),
    )(lo, hi, b, adv)



def _make_sc_pass(chunks_per_tile, idx_rows):
    rows_per_tile = idx_rows // NUM_TILES
    mesh = plsc.VectorSubcoreMesh(core_axis_name="c", subcore_axis_name="s")

    @functools.partial(
        pl.kernel,
        mesh=mesh,
        compiler_params=pltpu.CompilerParams(use_tc_tiling_on_sc=False),
        out_type=(jax.ShapeDtypeStruct((N, H), jnp.float32),
                  jax.ShapeDtypeStruct((N, H), jnp.float32)),
        scratch_types=[
            pltpu.VMEM((ROWS_PER_CHUNK, IDX_W), jnp.int32),
            pltpu.VMEM((ROWS_PER_CHUNK, IDX_W), jnp.int32),
            pltpu.VMEM((CHUNK, H), jnp.float32),
            pltpu.VMEM_SHARED((ACC_ROWS, H), jnp.float32),
            pltpu.SemaphoreType.DMA,
            pltpu.SemaphoreType.DMA,
        ],
    )
    def sc_pass(gidx_hbm, didx_hbm, glo_hbm, ghi_hbm, out_lo, out_hi,
                gidx_v, didx_v, rows_v, acc, gsem, ssem):
        c = lax.axis_index("c")
        s = lax.axis_index("s")

        zv = jnp.zeros((16,), jnp.float32)

        def zrow(i, carry):
            rows_v[i, pl.ds(0, 16)] = zv
            rows_v[i, pl.ds(16, 16)] = zv
            return carry

        lax.fori_loop(0, CHUNK, zrow, 0)
        base = s * ACC_PER_TILE
        nfull = ACC_PER_TILE // CHUNK
        rem = ACC_PER_TILE - nfull * CHUNK

        def zcopy(k, carry):
            pltpu.sync_copy(rows_v, acc.at[pl.ds(base + k * CHUNK, CHUNK)])
            return carry

        lax.fori_loop(0, nfull, zcopy, 0)
        if rem:
            pltpu.sync_copy(rows_v.at[pl.ds(0, rem)],
                            acc.at[pl.ds(base + nfull * CHUNK, rem)])
        plsc.subcore_barrier()

        def run(g_hbm, out_hbm):
            def chunk_body(ci, carry):
                row0 = s * rows_per_tile + ci * ROWS_PER_CHUNK
                pltpu.sync_copy(gidx_hbm.at[pl.ds(row0, ROWS_PER_CHUNK)], gidx_v)
                pltpu.sync_copy(didx_hbm.at[pl.ds(row0, ROWS_PER_CHUNK)], didx_v)
                gd = [pltpu.async_copy(g_hbm.at[gidx_v.at[j]],
                                       rows_v.at[pl.ds(j * IDX_W, IDX_W)], gsem)
                      for j in range(ROWS_PER_CHUNK)]
                for dcp in gd:
                    dcp.wait()
                sd = [pltpu.async_copy(rows_v.at[pl.ds(j * IDX_W, IDX_W)],
                                       acc.at[didx_v.at[j]], ssem, add=True)
                      for j in range(ROWS_PER_CHUNK)]
                for dcp in sd:
                    dcp.wait()
                return carry

            lax.fori_loop(0, chunks_per_tile, chunk_body, 0)
            plsc.subcore_barrier()
            ob = s * OUT_PER_TILE

            @pl.when(s < 15)
            def _():
                pltpu.sync_copy(acc.at[pl.ds(ob, OUT_PER_TILE)],
                                out_hbm.at[pl.ds(ob, OUT_PER_TILE)])

            @pl.when(s == 15)
            def _():
                pltpu.sync_copy(acc.at[pl.ds(15 * OUT_PER_TILE, OUT_LAST)],
                                out_hbm.at[pl.ds(15 * OUT_PER_TILE, OUT_LAST)])

        @pl.when(c == 0)
        def _():
            run(glo_hbm, out_lo)

        @pl.when(c == 1)
        def _():
            run(ghi_hbm, out_hi)

    return sc_pass



def _split_w(W):
    r = W.reshape(D, T, D).transpose(2, 1, 0)
    wlo = r[:, :, :H].reshape(D, T * H)
    whi = r[:, :, H:].reshape(D, T * H)
    return wlo, whi


def kernel(x, edge_index, time_index, c1_W, c1_b, c2_W, c2_b,
           a_W1, a_b1, a_W2, a_b2):
    E = edge_index.shape[1]
    etot = E + N
    loops = jnp.arange(N, dtype=jnp.int32)
    srcf = jnp.concatenate([edge_index[0].astype(jnp.int32), loops])
    dstf = jnp.concatenate([edge_index[1].astype(jnp.int32), loops])
    gidx = srcf * T + time_index.astype(jnp.int32)

    chunks_per_tile = -(-etot // (NUM_TILES * CHUNK))
    epad = chunks_per_tile * NUM_TILES * CHUNK
    pad = epad - etot
    gidx_p = jnp.concatenate([gidx, jnp.zeros((pad,), jnp.int32)])
    didx_p = jnp.concatenate([dstf, jnp.full((pad,), N, jnp.int32)])
    idx_rows = epad // IDX_W
    gidx_p = gidx_p.reshape(idx_rows, IDX_W)
    didx_p = didx_p.reshape(idx_rows, IDX_W)

    w1lo, w1hi = _split_w(c1_W)
    w2lo, w2hi = _split_w(c2_W)
    b1 = c1_b.reshape(1, D)
    b2 = c2_b.reshape(1, D)
    aw1 = a_W1.T
    ab1 = a_b1.reshape(1, 128)
    aw2 = a_W2.T
    ab2 = a_b2.reshape(1, D)

    sc_pass = _make_sc_pass(chunks_per_tile, idx_rows)

    g1lo, g1hi = _mm_first(x, w1lo, w1hi)
    acc1lo, acc1hi = sc_pass(gidx_p, didx_p,
                             g1lo.reshape(N * T, H), g1hi.reshape(N * T, H))

    g2lo, g2hi = _mm_mid(acc1lo, acc1hi, b1, w2lo, w2hi)
    acc2lo, acc2hi = sc_pass(gidx_p, didx_p,
                             g2lo.reshape(N * T, H), g2hi.reshape(N * T, H))

    g3lo, g3hi, adv = _mm_adv(acc2lo, acc2hi, b2, w1lo, w1hi,
                              aw1, ab1, aw2, ab2)
    acc3lo, acc3hi = sc_pass(gidx_p, didx_p,
                             g3lo.reshape(N * T, H), g3hi.reshape(N * T, H))

    return _final(acc3lo, acc3hi, b1, adv)

# --- scband reference (transcript-rebuilt; emitter-appended) ---
"""Pipeline reference for scband-temporal-adversarial-gnn-78606491451780 (READ-ONLY COPY).

The authoritative reference and input builder live on the scoring server;
editing this copy changes nothing except your own understanding.
"""

import jax, jax.numpy as jnp
import numpy as np

N = 50000
E = 800000
T = 4
D = 64

def setup_inputs(seed: int = 0):
    key = jax.random.key(seed)
    ks = jax.random.split(key, 12)
    x = jax.random.normal(ks[0], (N, D), dtype=jnp.float32)
    src = jax.random.randint(ks[1], (E,), 0, N)
    dst = jax.random.randint(ks[2], (E,), 0, N)
    # avoid pre-existing self loops so add_remaining_self_loops == append one loop per node
    dst = jnp.where(dst == src, (dst + 1) % N, dst)
    edge_index = jnp.stack([src, dst], axis=0)
    # time_index must cover edges AFTER self-loop insertion (E + N columns)
    time_index = jax.random.randint(ks[3], (E + N,), 0, T)
    def lin(k, fan_out, fan_in):
        s = 1.0 / np.sqrt(fan_in)
        return jax.random.uniform(k, (fan_out, fan_in), minval=-s, maxval=s, dtype=jnp.float32)
    c1_W = lin(ks[4], D, D * T)
    c1_b = jnp.zeros((D,), dtype=jnp.float32)
    c2_W = lin(ks[5], D, D * T)
    c2_b = jnp.zeros((D,), dtype=jnp.float32)
    a_W1 = lin(ks[6], 128, D)
    a_b1 = jnp.zeros((128,), dtype=jnp.float32)
    a_W2 = lin(ks[7], D, 128)
    a_b2 = jnp.zeros((D,), dtype=jnp.float32)
    return {"x": x, "edge_index": edge_index, "time_index": time_index,
            "c1_W": c1_W, "c1_b": c1_b, "c2_W": c2_W, "c2_b": c2_b,
            "a_W1": a_W1, "a_b1": a_b1, "a_W2": a_W2, "a_b2": a_b2}

def _agnn_conv(h, src, dst, time_index, W, b, n_nodes, perturbation=None):
    # PyG MessagePassing(aggr='add'), message = x_j: out[dst] += h[src] per time slice
    outs = []
    for t in range(T):
        w = (time_index == t).astype(h.dtype)
        msgs = h[src] * w[:, None]
        outs.append(jax.ops.segment_sum(msgs, dst, num_segments=n_nodes))
    h_cat = jnp.concatenate(outs, axis=-1)
    out = jax.nn.relu(h_cat @ W.T + b)
    if perturbation is not None:
        out = out + perturbation
    return out

def reference(x, edge_index, time_index, c1_W, c1_b, c2_W, c2_b, a_W1, a_b1, a_W2, a_b2):
    n_nodes = x.shape[0]
    loops = jnp.arange(n_nodes, dtype=edge_index.dtype)
    src = jnp.concatenate([edge_index[0], loops])
    dst = jnp.concatenate([edge_index[1], loops])
    h = _agnn_conv(x, src, dst, time_index, c1_W, c1_b, n_nodes)
    h = jax.nn.relu(h)
    h2 = _agnn_conv(h, src, dst, time_index, c2_W, c2_b, n_nodes)
    adv = jax.nn.relu(h2 @ a_W1.T + a_b1) @ a_W2.T + a_b2
    out = _agnn_conv(h2, src, dst, time_index, c1_W, c1_b, n_nodes, perturbation=adv)
    return out

if __name__ == "__main__":
    import jax
    _d = setup_inputs()
    print(jax.jit(kernel)(*tuple(_d.values())))

</pallas_src>

<mosaic_0001>
#map = affine_map<(d0, d1) -> (0, 0)>
module attributes {stable_mosaic.version = 14 : i64} {
  func.func @sc_pass(%arg0: i32, %arg1: i32, %arg2: memref<6656x128xi32, #tpu.memory_space<hbm>>, %arg3: memref<6656x128xi32, #tpu.memory_space<hbm>>, %arg4: memref<200000x32xf32, #tpu.memory_space<hbm>>, %arg5: memref<200000x32xf32, #tpu.memory_space<hbm>>, %arg6: memref<50000x32xf32, #tpu.memory_space<hbm>>, %arg7: memref<50000x32xf32, #tpu.memory_space<hbm>>, %arg8: memref<4x128xi32, #tpu.memory_space<vmem>>, %arg9: memref<4x128xi32, #tpu.memory_space<vmem>>, %arg10: memref<512x32xf32, #tpu.memory_space<vmem>>, %arg11: memref<50048x32xf32, #tpu.memory_space<vmem_shared>>, %arg12: memref<!tpu.dma_semaphore, #tpu.memory_space<semaphore_mem>>, %arg13: memref<!tpu.dma_semaphore, #tpu.memory_space<semaphore_mem>>) attributes {dimension_semantics = [#tpu.dimension_semantics<core_parallel>, #tpu.dimension_semantics<subcore_parallel>], iteration_bounds = array<i64: 2, 16>, scalar_prefetch = 0 : i64, scratch_operands = 6 : i64, tpu.core_type = #tpu.core_type<sc_vector_subcore>, window_params = [{transform_indices = #map}, {transform_indices = #map}, {transform_indices = #map}, {transform_indices = #map}, {transform_indices = #map}, {transform_indices = #map}]} {
    %broadcast_in_dim3A = arith.constant 0.000000e+00 : f32
    %broadcast_in_dim3A_0 = vector.broadcast %broadcast_in_dim3A : f32 to vector<16xf32>
    %scan3A = arith.constant 0 : i32
    %scan3A_1 = arith.constant 0 : i32
    %scan3A_2 = arith.constant 512 : i32
    %scan3A_3 = arith.addi %scan3A_1, %scan3A_2 : i32
    %scan3A_4 = arith.constant 1 : i32
    scf.for %scan3A_21 = %scan3A_1 to %scan3A_3 step %scan3A_4  : i32 {
      %swap3A = arith.index_cast %scan3A_21 : i32 to index
      %swap3A_22 = arith.constant 0 : index
      %swap3A_23 = tpu.vector_load %arg10[%swap3A, %swap3A_22] {strides = array<i32>} : memref<512x32xf32, #tpu.memory_space<vmem>>, vector<1x16xf32>,
      %swap3A_24 = vector.shape_cast %swap3A_23 : vector<1x16xf32> to vector<16xf32>
      %swap3A_25 = vector.shape_cast %broadcast_in_dim3A_0 : vector<16xf32> to vector<1x16xf32>
      tpu.vector_store %arg10[%swap3A, %swap3A_22], %swap3A_25 {strides = array<i32>} : memref<512x32xf32, #tpu.memory_space<vmem>>, vector<1x16xf32>,
      %swap3A_26 = arith.index_cast %scan3A_21 : i32 to index
      %swap3A_27 = arith.constant 16 : index
      %swap3A_28 = tpu.vector_load %arg10[%swap3A_26, %swap3A_27] {strides = array<i32>} : memref<512x32xf32, #tpu.memory_space<vmem>>, vector<1x16xf32>,
      %swap3A_29 = vector.shape_cast %swap3A_28 : vector<1x16xf32> to vector<16xf32>
      %swap3A_30 = vector.shape_cast %broadcast_in_dim3A_0 : vector<16xf32> to vector<1x16xf32>
      tpu.vector_store %arg10[%swap3A_26, %swap3A_27], %swap3A_30 {strides = array<i32>} : memref<512x32xf32, #tpu.memory_space<vmem>>, vector<1x16xf32>,
    }
    %scan3A_5 = arith.constant 512 : i32
    %mul3A = arith.constant 3128 : i32
    %mul3A_6 = arith.muli %arg1, %mul3A : i32
    %scan3A_7 = arith.constant 0 : i32
    %scan3A_8 = arith.constant 0 : i32
    %scan3A_9 = arith.constant 6 : i32
    %scan3A_10 = arith.addi %scan3A_8, %scan3A_9 : i32
    %scan3A_11 = arith.constant 1 : i32
    scf.for %scan3A_21 = %scan3A_8 to %scan3A_10 step %scan3A_11  : i32 {
      %mul3A_22 = arith.constant 512 : i32
      %mul3A_23 = arith.muli %scan3A_21, %mul3A_22 : i32
      %add3A_24 = arith.addi %mul3A_6, %mul3A_23 : i32
      "tpu.region"() ({
        %run_scoped3A = tpu.sem_alloc : memref<!tpu.dma_semaphore, #tpu.memory_space<semaphore_mem>>
        %dma_start3A = arith.constant 0 : i32
        %dma_start3A_25 = tpu.memref_slice %arg11[%add3A_24, %dma_start3A] : memref<50048x32xf32, #tpu.memory_space<vmem_shared>> -> memref<512x32xf32, #tpu.memory_space<vmem_shared>>
        %dma_start3A_26 = arith.constant 0 : i32
        %dma_start3A_27 = tpu.memref_slice %arg11[%add3A_24, %dma_start3A_26] : memref<50048x32xf32, #tpu.memory_space<vmem_shared>> -> memref<512x32xf32, #tpu.memory_space<vmem_shared>>
        tpu.enqueue_dma source(%arg10 : memref<512x32xf32, #tpu.memory_space<vmem>>) target(%dma_start3A_27 : memref<512x32xf32, #tpu.memory_space<vmem_shared>>) target_semaphore(%run_scoped3A : memref<!tpu.dma_semaphore, #tpu.memory_space<semaphore_mem>>)
        %dma_wait3A = arith.constant 0 : i32
        %dma_wait3A_28 = tpu.memref_slice %arg11[%add3A_24, %dma_wait3A] : memref<50048x32xf32, #tpu.memory_space<vmem_shared>> -> memref<512x32xf32, #tpu.memory_space<vmem_shared>>
        %dma_wait3A_29 = arith.constant 0 : i32
        %dma_wait3A_30 = tpu.memref_slice %arg11[%add3A_24, %dma_wait3A_29] : memref<50048x32xf32, #tpu.memory_space<vmem_shared>> -> memref<512x32xf32, #tpu.memory_space<vmem_shared>>
        tpu.wait_dma2 semaphore(%run_scoped3A : memref<!tpu.dma_semaphore, #tpu.memory_space<semaphore_mem>>) src(%arg10 : memref<512x32xf32, #tpu.memory_space<vmem>>) dst(%dma_wait3A_30 : memref<512x32xf32, #tpu.memory_space<vmem_shared>>)
        tpu.yield
      }) : () -> ()
    }
    %scan3A_12 = arith.constant 6 : i32
    %add3A = arith.constant 3072 : i32
    %add3A_13 = arith.addi %mul3A_6, %add3A : i32
    "tpu.region"() ({
      %run_scoped3A = tpu.sem_alloc : memref<!tpu.dma_semaphore, #tpu.memory_space<semaphore_mem>>
      %dma_start3A = arith.constant 0 : i32
      %dma_start3A_21 = arith.constant 0 : i32
      %dma_start3A_22 = tpu.memref_slice %arg10[%dma_start3A, %dma_start3A_21] : memref<512x32xf32, #tpu.memory_space<vmem>> -> memref<56x32xf32, #tpu.memory_space<vmem>>
      %dma_start3A_23 = arith.constant 0 : i32
      %dma_start3A_24 = tpu.memref_slice %arg11[%add3A_13, %dma_start3A_23] : memref<50048x32xf32, #tpu.memory_space<vmem_shared>> -> memref<56x32xf32, #tpu.memory_space<vmem_shared>>
      %dma_start3A_25 = arith.constant 0 : i32
      %dma_start3A_26 = tpu.memref_slice %arg11[%add3A_13, %dma_start3A_25] : memref<50048x32xf32, #tpu.memory_space<vmem_shared>> -> memref<56x32xf32, #tpu.memory_space<vmem_shared>>
      %dma_start3A_27 = arith.constant 0 : i32
      %dma_start3A_28 = arith.constant 0 : i32
      %dma_start3A_29 = tpu.memref_slice %arg10[%dma_start3A_27, %dma_start3A_28] : memref<512x32xf32, #tpu.memory_space<vmem>> -> memref<56x32xf32, #tpu.memory_space<vmem>>
      tpu.enqueue_dma source(%dma_start3A_29 : memref<56x32xf32, #tpu.memory_space<vmem>>) target(%dma_start3A_26 : memref<56x32xf32, #tpu.memory_space<vmem_shared>>) target_semaphore(%run_scoped3A : memref<!tpu.dma_semaphore, #tpu.memory_space<semaphore_mem>>)
      %dma_wait3A = arith.constant 0 : i32
      %dma_wait3A_30 = arith.constant 0 : i32
      %dma_wait3A_31 = tpu.memref_slice %arg10[%dma_wait3A, %dma_wait3A_30] : memref<512x32xf32, #tpu.memory_space<vmem>> -> memref<56x32xf32, #tpu.memory_space<vmem>>
      %dma_wait3A_32 = arith.constant 0 : i32
      %dma_wait3A_33 = tpu.memref_slice %arg11[%add3A_13, %dma_wait3A_32] : memref<50048x32xf32, #tpu.memory_space<vmem_shared>> -> memref<56x32xf32, #tpu.memory_space<vmem_shared>>
      %dma_wait3A_34 = arith.constant 0 : i32
      %dma_wait3A_35 = tpu.memref_slice %arg11[%add3A_13, %dma_wait3A_34] : memref<50048x32xf32, #tpu.memory_space<vmem_shared>> -> memref<56x32xf32, #tpu.memory_space<vmem_shared>>
      %dma_wait3A_36 = arith.constant 0 : i32
      %dma_wait3A_37 = arith.constant 0 : i32
      %dma_wait3A_38 = tpu.memref_slice %arg10[%dma_wait3A_36, %dma_wait3A_37] : memref<512x32xf32, #tpu.memory_space<vmem>> -> memref<56x32xf32, #tpu.memory_space<vmem>>
      tpu.wait_dma2 semaphore(%run_scoped3A : memref<!tpu.dma_semaphore, #tpu.memory_space<semaphore_mem>>) src(%dma_wait3A_38 : memref<56x32xf32, #tpu.memory_space<vmem>>) dst(%dma_wait3A_35 : memref<56x32xf32, #tpu.memory_space<vmem_shared>>)
      tpu.yield
    }) : () -> ()
    %barrier3A = arith.constant 0 : index
    tpu.barrier barrier_id(%barrier3A)
    %eq3A = arith.constant 0 : i32
    %eq3A_14 = arith.cmpi eq, %arg0, %eq3A : i32
    %convert_element_type3A = arith.extui %eq3A_14 : i1 to i32
    %cond3A = arith.constant 0 : i32
    %cond3A_15 = arith.cmpi ne, %convert_element_type3A, %cond3A : i32
    scf.if %cond3A_15 {
      %scan3A_21 = arith.constant 0 : i32
      %scan3A_22 = arith.constant 0 : i32
      %scan3A_23 = arith.constant 104 : i32
      %scan3A_24 = arith.addi %scan3A_22, %scan3A_23 : i32
      %scan3A_25 = arith.constant 1 : i32
      scf.for %scan3A_39 = %scan3A_22 to %scan3A_24 step %scan3A_25  : i32 {
        %mul3A_40 = arith.constant 416 : i32
        %mul3A_41 = arith.muli %arg1, %mul3A_40 : i32
        %mul3A_42 = arith.constant 4 : i32
        %mul3A_43 = arith.muli %scan3A_39, %mul3A_42 : i32
        %add3A_44 = arith.addi %mul3A_41, %mul3A_43 : i32
        "tpu.region"() ({
          %run_scoped3A = tpu.sem_alloc : memref<!tpu.dma_semaphore, #tpu.memory_space<semaphore_mem>>
          %dma_start3A_203 = arith.constant 0 : i32
          %dma_start3A_204 = tpu.memref_slice %arg2[%add3A_44, %dma_start3A_203] : memref<6656x128xi32, #tpu.memory_space<hbm>> -> memref<4x128xi32, #tpu.memory_space<hbm>>
          %dma_start3A_205 = arith.constant 0 : i32
          %dma_start3A_206 = tpu.memref_slice %arg2[%add3A_44, %dma_start3A_205] : memref<6656x128xi32, #tpu.memory_space<hbm>> -> memref<4x128xi32, #tpu.memory_space<hbm>>
          tpu.enqueue_dma source(%dma_start3A_206 : memref<4x128xi32, #tpu.memory_space<hbm>>) target(%arg8 : memref<4x128xi32, #tpu.memory_space<vmem>>) target_semaphore(%run_scoped3A : memref<!tpu.dma_semaphore, #tpu.memory_space<semaphore_mem>>)
          %dma_wait3A_207 = arith.constant 0 : i32
          %dma_wait3A_208 = tpu.memref_slice %arg2[%add3A_44, %dma_wait3A_207] : memref<6656x128xi32, #tpu.memory_space<hbm>> -> memref<4x128xi32, #tpu.memory_space<hbm>>
          %dma_wait3A_209 = arith.constant 0 : i32
          %dma_wait3A_210 = tpu.memref_slice %arg2[%add3A_44, %dma_wait3A_209] : memref<6656x128xi32, #tpu.memory_space<hbm>> -> memref<4x128xi32, #tpu.memory_space<hbm>>
          tpu.wait_dma2 semaphore(%run_scoped3A : memref<!tpu.dma_semaphore, #tpu.memory_space<semaphore_mem>>) src(%dma_wait3A_210 : memref<4x128xi32, #tpu.memory_space<hbm>>) dst(%arg8 : memref<4x128xi32, #tpu.memory_space<vmem>>)
          tpu.yield
        }) : () -> ()
        "tpu.region"() ({
          %run_scoped3A = tpu.sem_alloc : memref<!tpu.dma_semaphore, #tpu.memory_space<semaphore_mem>>
          %dma_start3A_203 = arith.constant 0 : i32
          %dma_start3A_204 = tpu.memref_slice %arg3[%add3A_44, %dma_start3A_203] : memref<6656x128xi32, #tpu.memory_space<hbm>> -> memref<4x128xi32, #tpu.memory_space<hbm>>
          %dma_start3A_205 = arith.constant 0 : i32
          %dma_start3A_206 = tpu.memref_slice %arg3[%add3A_44, %dma_start3A_205] : memref<6656x128xi32, #tpu.memory_space<hbm>> -> memref<4x128xi32, #tpu.memory_space<hbm>>
          tpu.enqueue_dma source(%dma_start3A_206 : memref<4x128xi32, #tpu.memory_space<hbm>>) target(%arg9 : memref<4x128xi32, #tpu.memory_space<vmem>>) target_semaphore(%run_scoped3A : memref<!tpu.dma_semaphore, #tpu.memory_space<semaphore_mem>>)
          %dma_wait3A_207 = arith.constant 0 : i32
          %dma_wait3A_208 = tpu.memref_slice %arg3[%add3A_44, %dma_wait3A_207] : memref<6656x128xi32, #tpu.memory_space<hbm>> -> memref<4x128xi32, #tpu.memory_space<hbm>>
          %dma_wait3A_209 = arith.constant 0 : i32
          %dma_wait3A_210 = tpu.memref_slice %arg3[%add3A_44, %dma_wait3A_209] : memref<6656x128xi32, #tpu.memory_space<hbm>> -> memref<4x128xi32, #tpu.memory_space<hbm>>
          tpu.wait_dma2 semaphore(%run_scoped3A : memref<!tpu.dma_semaphore, #tpu.memory_space<semaphore_mem>>) src(%dma_wait3A_210 : memref<4x128xi32, #tpu.memory_space<hbm>>) dst(%arg9 : memref<4x128xi32, #tpu.memory_space<vmem>>)
          tpu.yield
        }) : () -> ()
        %dma_start3A = arith.constant 0 : i32
        %dma_start3A_45 = arith.constant 0 : i32
        %dma_start3A_46 = arith.constant 0 : i32
        %dma_start3A_47 = tpu.memref_slice %arg10[%dma_start3A_45, %dma_start3A_46] : memref<512x32xf32, #tpu.memory_space<vmem>> -> memref<128x32xf32, #tpu.memory_space<vmem>>
        %dma_start3A_48 = arith.constant 0 : i32
        %dma_start3A_49 = tpu.memref_slice %arg8[%dma_start3A, %dma_start3A_48] : memref<4x128xi32, #tpu.memory_space<vmem>> -> memref<1x128xi32, #tpu.memory_space<vmem>>
        %dma_start3A_50 = tpu.memref_squeeze %dma_start3A_49 : memref<1x128xi32, #tpu.memory_space<vmem>> -> memref<128xi32, #tpu.memory_space<vmem>>
        %dma_start3A_51 = arith.constant 0 : i32
        %dma_start3A_52 = arith.constant 0 : i32
        %dma_start3A_53 = tpu.memref_slice %arg4[%dma_start3A_51, %dma_start3A_52] : memref<200000x32xf32, #tpu.memory_space<hbm>> -> memref<200000x32xf32, #tpu.memory_space<hbm>>
        tpu.enqueue_indirect_dma source(%dma_start3A_53 : memref<200000x32xf32, #tpu.memory_space<hbm>>) target(%dma_start3A_47 : memref<128x32xf32, #tpu.memory_space<vmem>>) offsets(%dma_start3A_50 : memref<128xi32, #tpu.memory_space<vmem>>) semaphore(%arg12 : memref<!tpu.dma_semaphore, #tpu.memory_space<semaphore_mem>>)
        %dma_start3A_54 = arith.constant 1 : i32
        %dma_start3A_55 = arith.constant 128 : i32
        %dma_start3A_56 = arith.constant 0 : i32
        %dma_start3A_57 = tpu.memref_slice %arg10[%dma_start3A_55, %dma_start3A_56] : memref<512x32xf32, #tpu.memory_space<vmem>> -> memref<128x32xf32, #tpu.memory_space<vmem>>
        %dma_start3A_58 = arith.constant 0 : i32
        %dma_start3A_59 = tpu.memref_slice %arg8[%dma_start3A_54, %dma_start3A_58] : memref<4x128xi32, #tpu.memory_space<vmem>> -> memref<1x128xi32, #tpu.memory_space<vmem>>
        %dma_start3A_60 = tpu.memref_squeeze %dma_start3A_59 : memref<1x128xi32, #tpu.memory_space<vmem>> -> memref<128xi32, #tpu.memory_space<vmem>>
        %dma_start3A_61 = arith.constant 0 : i32
        %dma_start3A_62 = arith.constant 0 : i32
        %dma_start3A_63 = tpu.memref_slice %arg4[%dma_start3A_61, %dma_start3A_62] : memref<200000x32xf32, #tpu.memory_space<hbm>> -> memref<200000x32xf32, #tpu.memory_space<hbm>>
        tpu.enqueue_indirect_dma source(%dma_start3A_63 : memref<200000x32xf32, #tpu.memory_space<hbm>>) target(%dma_start3A_57 : memref<128x32xf32, #tpu.memory_space<vmem>>) offsets(%dma_start3A_60 : memref<128xi32, #tpu.memory_space<vmem>>) semaphore(%arg12 : memref<!tpu.dma_semaphore, #tpu.memory_space<semaphore_mem>>)
        %dma_start3A_64 = arith.constant 2 : i32
        %dma_start3A_65 = arith.constant 256 : i32
        %dma_start3A_66 = arith.constant 0 : i32
        %dma_start3A_67 = tpu.memref_slice %arg10[%dma_start3A_65, %dma_start3A_66] : memref<512x32xf32, #tpu.memory_space<vmem>> -> memref<128x32xf32, #tpu.memory_space<vmem>>
        %dma_start3A_68 = arith.constant 0 : i32
        %dma_start3A_69 = tpu.memref_slice %arg8[%dma_start3A_64, %dma_start3A_68] : memref<4x128xi32, #tpu.memory_space<vmem>> -> memref<1x128xi32, #tpu.memory_space<vmem>>
        %dma_start3A_70 = tpu.memref_squeeze %dma_start3A_69 : memref<1x128xi32, #tpu.memory_space<vmem>> -> memref<128xi32, #tpu.memory_space<vmem>>
        %dma_start3A_71 = arith.constant 0 : i32
        %dma_start3A_72 = arith.constant 0 : i32
        %dma_start3A_73 = tpu.memref_slice %arg4[%dma_start3A_71, %dma_start3A_72] : memref<200000x32xf32, #tpu.memory_space<hbm>> -> memref<200000x32xf32, #tpu.memory_space<hbm>>
        tpu.enqueue_indirect_dma source(%dma_start3A_73 : memref<200000x32xf32, #tpu.memory_space<hbm>>) target(%dma_start3A_67 : memref<128x32xf32, #tpu.memory_space<vmem>>) offsets(%dma_start3A_70 : memref<128xi32, #tpu.memory_space<vmem>>) semaphore(%arg12 : memref<!tpu.dma_semaphore, #tpu.memory_space<semaphore_mem>>)
        %dma_start3A_74 = arith.constant 3 : i32
        %dma_start3A_75 = arith.constant 384 : i32
        %dma_start3A_76 = arith.constant 0 : i32
        %dma_start3A_77 = tpu.memref_slice %arg10[%dma_start3A_75, %dma_start3A_76] : memref<512x32xf32, #tpu.memory_space<vmem>> -> memref<128x32xf32, #tpu.memory_space<vmem>>
        %dma_start3A_78 = arith.constant 0 : i32
        %dma_start3A_79 = tpu.memref_slice %arg8[%dma_start3A_74, %dma_start3A_78] : memref<4x128xi32, #tpu.memory_space<vmem>> -> memref<1x128xi32, #tpu.memory_space<vmem>>
        %dma_start3A_80 = tpu.memref_squeeze %dma_start3A_79 : memref<1x128xi32, #tpu.memory_space<vmem>> -> memref<128xi32, #tpu.memory_space<vmem>>
        %dma_start3A_81 = arith.constant 0 : i32
        %dma_start3A_82 = arith.constant 0 : i32
        %dma_start3A_83 = tpu.memref_slice %arg4[%dma_start3A_81, %dma_start3A_82] : memref<200000x32xf32, #tpu.memory_space<hbm>> -> memref<200000x32xf32, #tpu.memory_space<hbm>>
        tpu.enqueue_indirect_dma source(%dma_start3A_83 : memref<200000x32xf32, #tpu.memory_space<hbm>>) target(%dma_start3A_77 : memref<128x32xf32, #tpu.memory_space<vmem>>) offsets(%dma_start3A_80 : memref<128xi32, #tpu.memory_space<vmem>>) semaphore(%arg12 : memref<!tpu.dma_semaphore, #tpu.memory_space<semaphore_mem>>)
        %dma_wait3A = arith.constant 0 : i32
        %dma_wait3A_84 = arith.constant 0 : i32
        %dma_wait3A_85 = arith.constant 0 : i32
        %dma_wait3A_86 = tpu.memref_slice %arg10[%dma_wait3A_84, %dma_wait3A_85] : memref<512x32xf32, #tpu.memory_space<vmem>> -> memref<128x32xf32, #tpu.memory_space<vmem>>
        %dma_wait3A_87 = arith.constant 0 : i32
        %dma_wait3A_88 = tpu.memref_slice %arg8[%dma_wait3A, %dma_wait3A_87] : memref<4x128xi32, #tpu.memory_space<vmem>> -> memref<1x128xi32, #tpu.memory_space<vmem>>
        %dma_wait3A_89 = tpu.memref_squeeze %dma_wait3A_88 : memref<1x128xi32, #tpu.memory_space<vmem>> -> memref<128xi32, #tpu.memory_space<vmem>>
        %dma_wait3A_90 = arith.constant 0 : i32
        %dma_wait3A_91 = arith.constant 0 : i32
        %dma_wait3A_92 = tpu.memref_slice %arg4[%dma_wait3A_90, %dma_wait3A_91] : memref<200000x32xf32, #tpu.memory_space<hbm>> -> memref<200000x32xf32, #tpu.memory_space<hbm>>
        tpu.wait_indirect_dma semaphore(%arg12 : memref<!tpu.dma_semaphore, #tpu.memory_space<semaphore_mem>>) src(%dma_wait3A_92 : memref<200000x32xf32, #tpu.memory_space<hbm>>) dst(%dma_wait3A_86 : memref<128x32xf32, #tpu.memory_space<vmem>>)
        %dma_wait3A_93 = arith.constant 1 : i32
        %dma_wait3A_94 = arith.constant 128 : i32
        %dma_wait3A_95 = arith.constant 0 : i32
        %dma_wait3A_96 = tpu.memref_slice %arg10[%dma_wait3A_94, %dma_wait3A_95] : memref<512x32xf32, #tpu.memory_space<vmem>> -> memref<128x32xf32, #tpu.memory_space<vmem>>
        %dma_wait3A_97 = arith.constant 0 : i32
        %dma_wait3A_98 = tpu.memref_slice %arg8[%dma_wait3A_93, %dma_wait3A_97] : memref<4x128xi32, #tpu.memory_space<vmem>> -> memref<1x128xi32, #tpu.memory_space<vmem>>
        %dma_wait3A_99 = tpu.memref_squeeze %dma_wait3A_98 : memref<1x128xi32, #tpu.memory_space<vmem>> -> memref<128xi32, #tpu.memory_space<vmem>>
        %dma_wait3A_100 = arith.constant 0 : i32
        %dma_wait3A_101 = arith.constant 0 : i32
        %dma_wait3A_102 = tpu.memref_slice %arg4[%dma_wait3A_100, %dma_wait3A_101] : memref<200000x32xf32, #tpu.memory_space<hbm>> -> memref<200000x32xf32, #tpu.memory_space<hbm>>
        tpu.wait_indirect_dma semaphore(%arg12 : memref<!tpu.dma_semaphore, #tpu.memory_space<semaphore_mem>>) src(%dma_wait3A_102 : memref<200000x32xf32, #tpu.memory_space<hbm>>) dst(%dma_wait3A_96 : memref<128x32xf32, #tpu.memory_space<vmem>>)
        %dma_wait3A_103 = arith.constant 2 : i32
        %dma_wait3A_104 = arith.constant 256 : i32
        %dma_wait3A_105 = arith.constant 0 : i32
        %dma_wait3A_106 = tpu.memref_slice %arg10[%dma_wait3A_104, %dma_wait3A_105] : memref<512x32xf32, #tpu.memory_space<vmem>> -> memref<128x32xf32, #tpu.memory_space<vmem>>
        %dma_wait3A_107 = arith.constant 0 : i32
        %dma_wait3A_108 = tpu.memref_slice %arg8[%dma_wait3A_103, %dma_wait3A_107] : memref<4x128xi32, #tpu.memory_space<vmem>> -> memref<1x128xi32, #tpu.memory_space<vmem>>
        %dma_wait3A_109 = tpu.memref_squeeze %dma_wait3A_108 : memref<1x128xi32, #tpu.memory_space<vmem>> -> memref<128xi32, #tpu.memory_space<vmem>>
        %dma_wait3A_110 = arith.constant 0 : i32
        %dma_wait3A_111 = arith.constant 0 : i32
        %dma_wait3A_112 = tpu.memref_slice %arg4[%dma_wait3A_110, %dma_wait3A_111] : memref<200000x32xf32, #tpu.memory_space<hbm>> -> memref<200000x32xf32, #tpu.memory_space<hbm>>
        tpu.wait_indirect_dma semaphore(%arg12 : memref<!tpu.dma_semaphore, #tpu.memory_space<semaphore_mem>>) src(%dma_wait3A_112 : memref<200000x32xf32, #tpu.memory_space<hbm>>) dst(%dma_wait3A_106 : memref<128x32xf32, #tpu.memory_space<vmem>>)
        %dma_wait3A_113 = arith.constant 3 : i32
        %dma_wait3A_114 = arith.constant 384 : i32
        %dma_wait3A_115 = arith.constant 0 : i32
        %dma_wait3A_116 = tpu.memref_slice %arg10[%dma_wait3A_114, %dma_wait3A_115] : memref<512x32xf32, #tpu.memory_space<vmem>> -> memref<128x32xf32, #tpu.memory_space<vmem>>
        %dma_wait3A_117 = arith.constant 0 : i32
        %dma_wait3A_118 = tpu.memref_slice %arg8[%dma_wait3A_113, %dma_wait3A_117] : memref<4x128xi32, #tpu.memory_space<vmem>> -> memref<1x128xi32, #tpu.memory_space<vmem>>
        %dma_wait3A_119 = tpu.memref_squeeze %dma_wait3A_118 : memref<1x128xi32, #tpu.memory_space<vmem>> -> memref<128xi32, #tpu.memory_space<vmem>>
        %dma_wait3A_120 = arith.constant 0 : i32
        %dma_wait3A_121 = arith.constant 0 : i32
        %dma_wait3A_122 = tpu.memref_slice %arg4[%dma_wait3A_120, %dma_wait3A_121] : memref<200000x32xf32, #tpu.memory_space<hbm>> -> memref<200000x32xf32, #tpu.memory_space<hbm>>
        tpu.wait_indirect_dma semaphore(%arg12 : memref<!tpu.dma_semaphore, #tpu.memory_space<semaphore_mem>>) src(%dma_wait3A_122 : memref<200000x32xf32, #tpu.memory_space<hbm>>) dst(%dma_wait3A_116 : memref<128x32xf32, #tpu.memory_space<vmem>>)
        %dma_start3A_123 = arith.constant 0 : i32
        %dma_start3A_124 = arith.constant 0 : i32
        %dma_start3A_125 = arith.constant 0 : i32
        %dma_start3A_126 = tpu.memref_slice %arg10[%dma_start3A_124, %dma_start3A_125] : memref<512x32xf32, #tpu.memory_space<vmem>> -> memref<128x32xf32, #tpu.memory_space<vmem>>
        %dma_start3A_127 = arith.constant 0 : i32
        %dma_start3A_128 = tpu.memref_slice %arg9[%dma_start3A_123, %dma_start3A_127] : memref<4x128xi32, #tpu.memory_space<vmem>> -> memref<1x128xi32, #tpu.memory_space<vmem>>
        %dma_start3A_129 = tpu.memref_squeeze %dma_start3A_128 : memref<1x128xi32, #tpu.memory_space<vmem>> -> memref<128xi32, #tpu.memory_space<vmem>>
        %dma_start3A_130 = arith.constant 0 : i32
        %dma_start3A_131 = arith.constant 0 : i32
        %dma_start3A_132 = tpu.memref_slice %arg11[%dma_start3A_130, %dma_start3A_131] : memref<50048x32xf32, #tpu.memory_space<vmem_shared>> -> memref<50048x32xf32, #tpu.memory_space<vmem_shared>>
        tpu.enqueue_indirect_dma source(%dma_start3A_126 : memref<128x32xf32, #tpu.memory_space<vmem>>) target(%dma_start3A_132 : memref<50048x32xf32, #tpu.memory_space<vmem_shared>>) offsets(%dma_start3A_129 : memref<128xi32, #tpu.memory_space<vmem>>) semaphore(%arg13 : memref<!tpu.dma_semaphore, #tpu.memory_space<semaphore_mem>>) {add = true}
        %dma_start3A_133 = arith.constant 1 : i32
        %dma_start3A_134 = arith.constant 128 : i32
        %dma_start3A_135 = arith.constant 0 : i32
        %dma_start3A_136 = tpu.memref_slice %arg10[%dma_start3A_134, %dma_start3A_135] : memref<512x32xf32, #tpu.memory_space<vmem>> -> memref<128x32xf32, #tpu.memory_space<vmem>>
        %dma_start3A_137 = arith.constant 0 : i32
        %dma_start3A_138 = tpu.memref_slice %arg9[%dma_start3A_133, %dma_start3A_137] : memref<4x128xi32, #tpu.memory_space<vmem>> -> memref<1x128xi32, #tpu.memory_space<vmem>>
        %dma_start3A_139 = tpu.memref_squeeze %dma_start3A_138 : memref<1x128xi32, #tpu.memory_space<vmem>> -> memref<128xi32, #tpu.memory_space<vmem>>
        %dma_start3A_140 = arith.constant 0 : i32
        %dma_start3A_141 = arith.constant 0 : i32
        %dma_start3A_142 = tpu.memref_slice %arg11[%dma_start3A_140, %dma_start3A_141] : memref<50048x32xf32, #tpu.memory_space<vmem_shared>> -> memref<50048x32xf32, #tpu.memory_space<vmem_shared>>
        tpu.enqueue_indirect_dma source(%dma_start3A_136 : memref<128x32xf32, #tpu.memory_space<vmem>>) target(%dma_start3A_142 : memref<50048x32xf32, #tpu.memory_space<vmem_shared>>) offsets(%dma_start3A_139 : memref<128xi32, #tpu.memory_space<vmem>>) semaphore(%arg13 : memref<!tpu.dma_semaphore, #tpu.memory_space<semaphore_mem>>) {add = true}
        %dma_start3A_143 = arith.constant 2 : i32
        %dma_start3A_144 = arith.constant 256 : i32
        %dma_start3A_145 = arith.constant 0 : i32
        %dma_start3A_146 = tpu.memref_slice %arg10[%dma_start3A_144, %dma_start3A_145] : memref<512x32xf32, #tpu.memory_space<vmem>> -> memref<128x32xf32, #tpu.memory_space<vmem>>
        %dma_start3A_147 = arith.constant 0 : i32
        %dma_start3A_148 = tpu.memref_slice %arg9[%dma_start3A_143, %dma_start3A_147] : memref<4x128xi32, #tpu.memory_space<vmem>> -> memref<1x128xi32, #tpu.memory_space<vmem>>
        %dma_start3A_149 = tpu.memref_squeeze %dma_start3A_148 : memref<1x128xi32, #tpu.memory_space<vmem>> -> memref<128xi32, #tpu.memory_space<vmem>>
        %dma_start3A_150 = arith.constant 0 : i32
        %dma_start3A_151 = arith.constant 0 : i32
        %dma_start3A_152 = tpu.memref_slice %arg11[%dma_start3A_150, %dma_start3A_151] : memref<50048x32xf32, #tpu.memory_space<vmem_shared>> -> memref<50048x32xf32, #tpu.memory_space<vmem_shared>>
        tpu.enqueue_indirect_dma source(%dma_start3A_146 : memref<128x32xf32, #tpu.memory_space<vmem>>) target(%dma_start3A_152 : memref<50048x32xf32, #tpu.memory_space<vmem_shared>>) offsets(%dma_start3A_149 : memref<128xi32, #tpu.memory_space<vmem>>) semaphore(%arg13 : memref<!tpu.dma_semaphore, #tpu.memory_space<semaphore_mem>>) {add = true}
        %dma_start3A_153 = arith.constant 3 : i32
        %dma_start3A_154 = arith.constant 384 : i32
        %dma_start3A_155 = arith.constant 0 : i32
        %dma_start3A_156 = tpu.memref_slice %arg10[%dma_start3A_154, %dma_start3A_155] : memref<512x32xf32, #tpu.memory_space<vmem>> -> memref<128x32xf32, #tpu.memory_space<vmem>>
        %dma_start3A_157 = arith.constant 0 : i32
        %dma_start3A_158 = tpu.memref_slice %arg9[%dma_start3A_153, %dma_start3A_157] : memref<4x128xi32, #tpu.memory_space<vmem>> -> memref<1x128xi32, #tpu.memory_space<vmem>>
        %dma_start3A_159 = tpu.memref_squeeze %dma_start3A_158 : memref<1x128xi32, #tpu.memory_space<vmem>> -> memref<128xi32, #tpu.memory_space<vmem>>
        %dma_start3A_160 = arith.constant 0 : i32
        %dma_start3A_161 = arith.constant 0 : i32
        %dma_start3A_162 = tpu.memref_slice %arg11[%dma_start3A_160, %dma_start3A_161] : memref<50048x32xf32, #tpu.memory_space<vmem_shared>> -> memref<50048x32xf32, #tpu.memory_space<vmem_shared>>
        tpu.enqueue_indirect_dma source(%dma_start3A_156 : memref<128x32xf32, #tpu.memory_space<vmem>>) target(%dma_start3A_162 : memref<50048x32xf32, #tpu.memory_space<vmem_shared>>) offsets(%dma_start3A_159 : memref<128xi32, #tpu.memory_space<vmem>>) semaphore(%arg13 : memref<!tpu.dma_semaphore, #tpu.memory_space<semaphore_mem>>) {add = true}
        %dma_wait3A_163 = arith.constant 0 : i32
        %dma_wait3A_164 = arith.constant 0 : i32
        %dma_wait3A_165 = arith.constant 0 : i32
        %dma_wait3A_166 = tpu.memref_slice %arg10[%dma_wait3A_164, %dma_wait3A_165] : memref<512x32xf32, #tpu.memory_space<vmem>> -> memref<128x32xf32, #tpu.memory_space<vmem>>
        %dma_wait3A_167 = arith.constant 0 : i32
        %dma_wait3A_168 = tpu.memref_slice %arg9[%dma_wait3A_163, %dma_wait3A_167] : memref<4x128xi32, #tpu.memory_space<vmem>> -> memref<1x128xi32, #tpu.memory_space<vmem>>
        %dma_wait3A_169 = tpu.memref_squeeze %dma_wait3A_168 : memref<1x128xi32, #tpu.memory_space<vmem>> -> memref<128xi32, #tpu.memory_space<vmem>>
        %dma_wait3A_170 = arith.constant 0 : i32
        %dma_wait3A_171 = arith.constant 0 : i32
        %dma_wait3A_172 = tpu.memref_slice %arg11[%dma_wait3A_170, %dma_wait3A_171] : memref<50048x32xf32, #tpu.memory_space<vmem_shared>> -> memref<50048x32xf32, #tpu.memory_space<vmem_shared>>
        tpu.wait_indirect_dma semaphore(%arg13 : memref<!tpu.dma_semaphore, #tpu.memory_space<semaphore_mem>>) src(%dma_wait3A_166 : memref<128x32xf32, #tpu.memory_space<vmem>>) dst(%dma_wait3A_172 : memref<50048x32xf32, #tpu.memory_space<vmem_shared>>)
        %dma_wait3A_173 = arith.constant 1 : i32
        %dma_wait3A_174 = arith.constant 128 : i32
        %dma_wait3A_175 = arith.constant 0 : i32
        %dma_wait3A_176 = tpu.memref_slice %arg10[%dma_wait3A_174, %dma_wait3A_175] : memref<512x32xf32, #tpu.memory_space<vmem>> -> memref<128x32xf32, #tpu.memory_space<vmem>>
        %dma_wait3A_177 = arith.constant 0 : i32
        %dma_wait3A_178 = tpu.memref_slice %arg9[%dma_wait3A_173, %dma_wait3A_177] : memref<4x128xi32, #tpu.memory_space<vmem>> -> memref<1x128xi32, #tpu.memory_space<vmem>>
        %dma_wait3A_179 = tpu.memref_squeeze %dma_wait3A_178 : memref<1x128xi32, #tpu.memory_space<vmem>> -> memref<128xi32, #tpu.memory_space<vmem>>
        %dma_wait3A_180 = arith.constant 0 : i32
        %dma_wait3A_181 = arith.constant 0 : i32
        %dma_wait3A_182 = tpu.memref_slice %arg11[%dma_wait3A_180, %dma_wait3A_181] : memref<50048x32xf32, #tpu.memory_space<vmem_shared>> -> memref<50048x32xf32, #tpu.memory_space<vmem_shared>>
        tpu.wait_indirect_dma semaphore(%arg13 : memref<!tpu.dma_semaphore, #tpu.memory_space<semaphore_mem>>) src(%dma_wait3A_176 : memref<128x32xf32, #tpu.memory_space<vmem>>) dst(%dma_wait3A_182 : memref<50048x32xf32, #tpu.memory_space<vmem_shared>>)
        %dma_wait3A_183 = arith.constant 2 : i32
        %dma_wait3A_184 = arith.constant 256 : i32
        %dma_wait3A_185 = arith.constant 0 : i32
        %dma_wait3A_186 = tpu.memref_slice %arg10[%dma_wait3A_184, %dma_wait3A_185] : memref<512x32xf32, #tpu.memory_space<vmem>> -> memref<128x32xf32, #tpu.memory_space<vmem>>
        %dma_wait3A_187 = arith.constant 0 : i32
        %dma_wait3A_188 = tpu.memref_slice %arg9[%dma_wait3A_183, %dma_wait3A_187] : memref<4x128xi32, #tpu.memory_space<vmem>> -> memref<1x128xi32, #tpu.memory_space<vmem>>
        %dma_wait3A_189 = tpu.memref_squeeze %dma_wait3A_188 : memref<1x128xi32, #tpu.memory_space<vmem>> -> memref<128xi32, #tpu.memory_space<vmem>>
        %dma_wait3A_190 = arith.constant 0 : i32
        %dma_wait3A_191 = arith.constant 0 : i32
        %dma_wait3A_192 = tpu.memref_slice %arg11[%dma_wait3A_190, %dma_wait3A_191] : memref<50048x32xf32, #tpu.memory_space<vmem_shared>> -> memref<50048x32xf32, #tpu.memory_space<vmem_shared>>
        tpu.wait_indirect_dma semaphore(%arg13 : memref<!tpu.dma_semaphore, #tpu.memory_space<semaphore_mem>>) src(%dma_wait3A_186 : memref<128x32xf32, #tpu.memory_space<vmem>>) dst(%dma_wait3A_192 : memref<50048x32xf32, #tpu.memory_space<vmem_shared>>)
        %dma_wait3A_193 = arith.constant 3 : i32
        %dma_wait3A_194 = arith.constant 384 : i32
        %dma_wait3A_195 = arith.constant 0 : i32
        %dma_wait3A_196 = tpu.memref_slice %arg10[%dma_wait3A_194, %dma_wait3A_195] : memref<512x32xf32, #tpu.memory_space<vmem>> -> memref<128x32xf32, #tpu.memory_space<vmem>>
        %dma_wait3A_197 = arith.constant 0 : i32
        %dma_wait3A_198 = tpu.memref_slice %arg9[%dma_wait3A_193, %dma_wait3A_197] : memref<4x128xi32, #tpu.memory_space<vmem>> -> memref<1x128xi32, #tpu.memory_space<vmem>>
        %dma_wait3A_199 = tpu.memref_squeeze %dma_wait3A_198 : memref<1x128xi32, #tpu.memory_space<vmem>> -> memref<128xi32, #tpu.memory_space<vmem>>
        %dma_wait3A_200 = arith.constant 0 : i32
        %dma_wait3A_201 = arith.constant 0 : i32
        %dma_wait3A_202 = tpu.memref_slice %arg11[%dma_wait3A_200, %dma_wait3A_201] : memref<50048x32xf32, #tpu.memory_space<vmem_shared>> -> memref<50048x32xf32, #tpu.memory_space<vmem_shared>>
        tpu.wait_indirect_dma semaphore(%arg13 : memref<!tpu.dma_semaphore, #tpu.memory_space<semaphore_mem>>) src(%dma_wait3A_196 : memref<128x32xf32, #tpu.memory_space<vmem>>) dst(%dma_wait3A_202 : memref<50048x32xf32, #tpu.memory_space<vmem_shared>>)
      }
      %scan3A_26 = arith.constant 104 : i32
      %barrier3A_27 = arith.constant 0 : index
      tpu.barrier barrier_id(%barrier3A_27)
      %mul3A_28 = arith.constant 3128 : i32
      %mul3A_29 = arith.muli %arg1, %mul3A_28 : i32
      %lt3A = arith.constant 15 : i32
      %lt3A_30 = arith.cmpi slt, %arg1, %lt3A : i32
      %convert_element_type3A_31 = arith.extui %lt3A_30 : i1 to i32
      %cond3A_32 = arith.constant 0 : i32
      %cond3A_33 = arith.cmpi ne, %convert_element_type3A_31, %cond3A_32 : i32
      scf.if %cond3A_33 {
        "tpu.region"() ({
          %run_scoped3A = tpu.sem_alloc : memref<!tpu.dma_semaphore, #tpu.memory_space<semaphore_mem>>
          %dma_start3A = arith.constant 0 : i32
          %dma_start3A_39 = tpu.memref_slice %arg6[%mul3A_29, %dma_start3A] : memref<50000x32xf32, #tpu.memory_space<hbm>> -> memref<3128x32xf32, #tpu.memory_space<hbm>>
          %dma_start3A_40 = arith.constant 0 : i32
          %dma_start3A_41 = tpu.memref_slice %arg11[%mul3A_29, %dma_start3A_40] : memref<50048x32xf32, #tpu.memory_space<vmem_shared>> -> memref<3128x32xf32, #tpu.memory_space<vmem_shared>>
          tpu.enqueue_dma source(%dma_start3A_41 : memref<3128x32xf32, #tpu.memory_space<vmem_shared>>) target(%dma_start3A_39 : memref<3128x32xf32, #tpu.memory_space<hbm>>) target_semaphore(%run_scoped3A : memref<!tpu.dma_semaphore, #tpu.memory_space<semaphore_mem>>)
          %dma_wait3A = arith.constant 0 : i32
          %dma_wait3A_42 = tpu.memref_slice %arg6[%mul3A_29, %dma_wait3A] : memref<50000x32xf32, #tpu.memory_space<hbm>> -> memref<3128x32xf32, #tpu.memory_space<hbm>>
          %dma_wait3A_43 = arith.constant 0 : i32
          %dma_wait3A_44 = tpu.memref_slice %arg11[%mul3A_29, %dma_wait3A_43] : memref<50048x32xf32, #tpu.memory_space<vmem_shared>> -> memref<3128x32xf32, #tpu.memory_space<vmem_shared>>
          tpu.wait_dma2 semaphore(%run_scoped3A : memref<!tpu.dma_semaphore, #tpu.memory_space<semaphore_mem>>) src(%dma_wait3A_44 : memref<3128x32xf32, #tpu.memory_space<vmem_shared>>) dst(%dma_wait3A_42 : memref<3128x32xf32, #tpu.memory_space<hbm>>)
          tpu.yield
        }) : () -> ()
      } else {
      }
      %eq3A_34 = arith.constant 15 : i32
      %eq3A_35 = arith.cmpi eq, %arg1, %eq3A_34 : i32
      %convert_element_type3A_36 = arith.extui %eq3A_35 : i1 to i32
      %cond3A_37 = arith.constant 0 : i32
      %cond3A_38 = arith.cmpi ne, %convert_element_type3A_36, %cond3A_37 : i32
      scf.if %cond3A_38 {
        "tpu.region"() ({
          %run_scoped3A = tpu.sem_alloc : memref<!tpu.dma_semaphore, #tpu.memory_space<semaphore_mem>>
          %dma_start3A = arith.constant 46920 : i32
          %dma_start3A_39 = arith.constant 0 : i32
          %dma_start3A_40 = tpu.memref_slice %arg6[%dma_start3A, %dma_start3A_39] : memref<50000x32xf32, #tpu.memory_space<hbm>> -> memref<3080x32xf32, #tpu.memory_space<hbm>>
          %dma_start3A_41 = arith.constant 46920 : i32
          %dma_start3A_42 = arith.constant 0 : i32
          %dma_start3A_43 = tpu.memref_slice %arg11[%dma_start3A_41, %dma_start3A_42] : memref<50048x32xf32, #tpu.memory_space<vmem_shared>> -> memref<3080x32xf32, #tpu.memory_space<vmem_shared>>
          tpu.enqueue_dma source(%dma_start3A_43 : memref<3080x32xf32, #tpu.memory_space<vmem_shared>>) target(%dma_start3A_40 : memref<3080x32xf32, #tpu.memory_space<hbm>>) target_semaphore(%run_scoped3A : memref<!tpu.dma_semaphore, #tpu.memory_space<semaphore_mem>>)
          %dma_wait3A = arith.constant 46920 : i32
          %dma_wait3A_44 = arith.constant 0 : i32
          %dma_wait3A_45 = tpu.memref_slice %arg6[%dma_wait3A, %dma_wait3A_44] : memref<50000x32xf32, #tpu.memory_space<hbm>> -> memref<3080x32xf32, #tpu.memory_space<hbm>>
          %dma_wait3A_46 = arith.constant 46920 : i32
          %dma_wait3A_47 = arith.constant 0 : i32
          %dma_wait3A_48 = tpu.memref_slice %arg11[%dma_wait3A_46, %dma_wait3A_47] : memref<50048x32xf32, #tpu.memory_space<vmem_shared>> -> memref<3080x32xf32, #tpu.memory_space<vmem_shared>>
          tpu.wait_dma2 semaphore(%run_scoped3A : memref<!tpu.dma_semaphore, #tpu.memory_space<semaphore_mem>>) src(%dma_wait3A_48 : memref<3080x32xf32, #tpu.memory_space<vmem_shared>>) dst(%dma_wait3A_45 : memref<3080x32xf32, #tpu.memory_space<hbm>>)
          tpu.yield
        }) : () -> ()
      } else {
      }
    } else {
    }
    %eq3A_16 = arith.constant 1 : i32
    %eq3A_17 = arith.cmpi eq, %arg0, %eq3A_16 : i32
    %convert_element_type3A_18 = arith.extui %eq3A_17 : i1 to i32
    %cond3A_19 = arith.constant 0 : i32
    %cond3A_20 = arith.cmpi ne, %convert_element_type3A_18, %cond3A_19 : i32
    scf.if %cond3A_20 {
      %scan3A_21 = arith.constant 0 : i32
      %scan3A_22 = arith.constant 0 : i32
      %scan3A_23 = arith.constant 104 : i32
      %scan3A_24 = arith.addi %scan3A_22, %scan3A_23 : i32
      %scan3A_25 = arith.constant 1 : i32
      scf.for %scan3A_39 = %scan3A_22 to %scan3A_24 step %scan3A_25  : i32 {
        %mul3A_40 = arith.constant 416 : i32
        %mul3A_41 = arith.muli %arg1, %mul3A_40 : i32
        %mul3A_42 = arith.constant 4 : i32
        %mul3A_43 = arith.muli %scan3A_39, %mul3A_42 : i32
        %add3A_44 = arith.addi %mul3A_41, %mul3A_43 : i32
        "tpu.region"() ({
          %run_scoped3A = tpu.sem_alloc : memref<!tpu.dma_semaphore, #tpu.memory_space<semaphore_mem>>
          %dma_start3A_203 = arith.constant 0 : i32
          %dma_start3A_204 = tpu.memref_slice %arg2[%add3A_44, %dma_start3A_203] : memref<6656x128xi32, #tpu.memory_space<hbm>> -> memref<4x128xi32, #tpu.memory_space<hbm>>
          %dma_start3A_205 = arith.constant 0 : i32
          %dma_start3A_206 = tpu.memref_slice %arg2[%add3A_44, %dma_start3A_205] : memref<6656x128xi32, #tpu.memory_space<hbm>> -> memref<4x128xi32, #tpu.memory_space<hbm>>
          tpu.enqueue_dma source(%dma_start3A_206 : memref<4x128xi32, #tpu.memory_space<hbm>>) target(%arg8 : memref<4x128xi32, #tpu.memory_space<vmem>>) target_semaphore(%run_scoped3A : memref<!tpu.dma_semaphore, #tpu.memory_space<semaphore_mem>>)
          %dma_wait3A_207 = arith.constant 0 : i32
          %dma_wait3A_208 = tpu.memref_slice %arg2[%add3A_44, %dma_wait3A_207] : memref<6656x128xi32, #tpu.memory_space<hbm>> -> memref<4x128xi32, #tpu.memory_space<hbm>>
          %dma_wait3A_209 = arith.constant 0 : i32
          %dma_wait3A_210 = tpu.memref_slice %arg2[%add3A_44, %dma_wait3A_209] : memref<6656x128xi32, #tpu.memory_space<hbm>> -> memref<4x128xi32, #tpu.memory_space<hbm>>
          tpu.wait_dma2 semaphore(%run_scoped3A : memref<!tpu.dma_semaphore, #tpu.memory_space<semaphore_mem>>) src(%dma_wait3A_210 : memref<4x128xi32, #tpu.memory_space<hbm>>) dst(%arg8 : memref<4x128xi32, #tpu.memory_space<vmem>>)
          tpu.yield
        }) : () -> ()
        "tpu.region"() ({
          %run_scoped3A = tpu.sem_alloc : memref<!tpu.dma_semaphore, #tpu.memory_space<semaphore_mem>>
          %dma_start3A_203 = arith.constant 0 : i32
          %dma_start3A_204 = tpu.memref_slice %arg3[%add3A_44, %dma_start3A_203] : memref<6656x128xi32, #tpu.memory_space<hbm>> -> memref<4x128xi32, #tpu.memory_space<hbm>>
          %dma_start3A_205 = arith.constant 0 : i32
          %dma_start3A_206 = tpu.memref_slice %arg3[%add3A_44, %dma_start3A_205] : memref<6656x128xi32, #tpu.memory_space<hbm>> -> memref<4x128xi32, #tpu.memory_space<hbm>>
          tpu.enqueue_dma source(%dma_start3A_206 : memref<4x128xi32, #tpu.memory_space<hbm>>) target(%arg9 : memref<4x128xi32, #tpu.memory_space<vmem>>) target_semaphore(%run_scoped3A : memref<!tpu.dma_semaphore, #tpu.memory_space<semaphore_mem>>)
          %dma_wait3A_207 = arith.constant 0 : i32
          %dma_wait3A_208 = tpu.memref_slice %arg3[%add3A_44, %dma_wait3A_207] : memref<6656x128xi32, #tpu.memory_space<hbm>> -> memref<4x128xi32, #tpu.memory_space<hbm>>
          %dma_wait3A_209 = arith.constant 0 : i32
          %dma_wait3A_210 = tpu.memref_slice %arg3[%add3A_44, %dma_wait3A_209] : memref<6656x128xi32, #tpu.memory_space<hbm>> -> memref<4x128xi32, #tpu.memory_space<hbm>>
          tpu.wait_dma2 semaphore(%run_scoped3A : memref<!tpu.dma_semaphore, #tpu.memory_space<semaphore_mem>>) src(%dma_wait3A_210 : memref<4x128xi32, #tpu.memory_space<hbm>>) dst(%arg9 : memref<4x128xi32, #tpu.memory_space<vmem>>)
          tpu.yield
        }) : () -> ()
        %dma_start3A = arith.constant 0 : i32
        %dma_start3A_45 = arith.constant 0 : i32
        %dma_start3A_46 = arith.constant 0 : i32
        %dma_start3A_47 = tpu.memref_slice %arg10[%dma_start3A_45, %dma_start3A_46] : memref<512x32xf32, #tpu.memory_space<vmem>> -> memref<128x32xf32, #tpu.memory_space<vmem>>
        %dma_start3A_48 = arith.constant 0 : i32
        %dma_start3A_49 = tpu.memref_slice %arg8[%dma_start3A, %dma_start3A_48] : memref<4x128xi32, #tpu.memory_space<vmem>> -> memref<1x128xi32, #tpu.memory_space<vmem>>
        %dma_start3A_50 = tpu.memref_squeeze %dma_start3A_49 : memref<1x128xi32, #tpu.memory_space<vmem>> -> memref<128xi32, #tpu.memory_space<vmem>>
        %dma_start3A_51 = arith.constant 0 : i32
        %dma_start3A_52 = arith.constant 0 : i32
        %dma_start3A_53 = tpu.memref_slice %arg5[%dma_start3A_51, %dma_start3A_52] : memref<200000x32xf32, #tpu.memory_space<hbm>> -> memref<200000x32xf32, #tpu.memory_space<hbm>>
        tpu.enqueue_indirect_dma source(%dma_start3A_53 : memref<200000x32xf32, #tpu.memory_space<hbm>>) target(%dma_start3A_47 : memref<128x32xf32, #tpu.memory_space<vmem>>) offsets(%dma_start3A_50 : memref<128xi32, #tpu.memory_space<vmem>>) semaphore(%arg12 : memref<!tpu.dma_semaphore, #tpu.memory_space<semaphore_mem>>)
        %dma_start3A_54 = arith.constant 1 : i32
        %dma_start3A_55 = arith.constant 128 : i32
        %dma_start3A_56 = arith.constant 0 : i32
        %dma_start3A_57 = tpu.memref_slice %arg10[%dma_start3A_55, %dma_start3A_56] : memref<512x32xf32, #tpu.memory_space<vmem>> -> memref<128x32xf32, #tpu.memory_space<vmem>>
        %dma_start3A_58 = arith.constant 0 : i32
        %dma_start3A_59 = tpu.memref_slice %arg8[%dma_start3A_54, %dma_start3A_58] : memref<4x128xi32, #tpu.memory_space<vmem>> -> memref<1x128xi32, #tpu.memory_space<vmem>>
        %dma_start3A_60 = tpu.memref_squeeze %dma_start3A_59 : memref<1x128xi32, #tpu.memory_space<vmem>> -> memref<128xi32, #tpu.memory_space<vmem>>
        %dma_start3A_61 = arith.constant 0 : i32
        %dma_start3A_62 = arith.constant 0 : i32
        %dma_start3A_63 = tpu.memref_slice %arg5[%dma_start3A_61, %dma_start3A_62] : memref<200000x32xf32, #tpu.memory_space<hbm>> -> memref<200000x32xf32, #tpu.memory_space<hbm>>
        tpu.enqueue_indirect_dma source(%dma_start3A_63 : memref<200000x32xf32, #tpu.memory_space<hbm>>) target(%dma_start3A_57 : memref<128x32xf32, #tpu.memory_space<vmem>>) offsets(%dma_start3A_60 : memref<128xi32, #tpu.memory_space<vmem>>) semaphore(%arg12 : memref<!tpu.dma_semaphore, #tpu.memory_space<semaphore_mem>>)
        %dma_start3A_64 = arith.constant 2 : i32
        %dma_start3A_65 = arith.constant 256 : i32
        %dma_start3A_66 = arith.constant 0 : i32
        %dma_start3A_67 = tpu.memref_slice %arg10[%dma_start3A_65, %dma_start3A_66] : memref<512x32xf32, #tpu.memory_space<vmem>> -> memref<128x32xf32, #tpu.memory_space<vmem>>
        %dma_start3A_68 = arith.constant 0 : i32
        %dma_start3A_69 = tpu.memref_slice %arg8[%dma_start3A_64, %dma_start3A_68] : memref<4x128xi32, #tpu.memory_space<vmem>> -> memref<1x128xi32, #tpu.memory_space<vmem>>
        %dma_start3A_70 = tpu.memref_squeeze %dma_start3A_69 : memref<1x128xi32, #tpu.memory_space<vmem>> -> memref<128xi32, #tpu.memory_space<vmem>>
        %dma_start3A_71 = arith.constant 0 : i32
        %dma_start3A_72 = arith.constant 0 : i32
        %dma_start3A_73 = tpu.memref_slice %arg5[%dma_start3A_71, %dma_start3A_72] : memref<200000x32xf32, #tpu.memory_space<hbm>> -> memref<200000x32xf32, #tpu.memory_space<hbm>>
        tpu.enqueue_indirect_dma source(%dma_start3A_73 : memref<200000x32xf32, #tpu.memory_space<hbm>>) target(%dma_start3A_67 : memref<128x32xf32, #tpu.memory_space<vmem>>) offsets(%dma_start3A_70 : memref<128xi32, #tpu.memory_space<vmem>>) semaphore(%arg12 : memref<!tpu.dma_semaphore, #tpu.memory_space<semaphore_mem>>)
        %dma_start3A_74 = arith.constant 3 : i32
        %dma_start3A_75 = arith.constant 384 : i32
        %dma_start3A_76 = arith.constant 0 : i32
        %dma_start3A_77 = tpu.memref_slice %arg10[%dma_start3A_75, %dma_start3A_76] : memref<512x32xf32, #tpu.memory_space<vmem>> -> memref<128x32xf32, #tpu.memory_space<vmem>>
        %dma_start3A_78 = arith.constant 0 : i32
        %dma_start3A_79 = tpu.memref_slice %arg8[%dma_start3A_74, %dma_start3A_78] : memref<4x128xi32, #tpu.memory_space<vmem>> -> memref<1x128xi32, #tpu.memory_space<vmem>>
        %dma_start3A_80 = tpu.memref_squeeze %dma_start3A_79 : memref<1x128xi32, #tpu.memory_space<vmem>> -> memref<128xi32, #tpu.memory_space<vmem>>
        %dma_start3A_81 = arith.constant 0 : i32
        %dma_start3A_82 = arith.constant 0 : i32
        %dma_start3A_83 = tpu.memref_slice %arg5[%dma_start3A_81, %dma_start3A_82] : memref<200000x32xf32, #tpu.memory_space<hbm>> -> memref<200000x32xf32, #tpu.memory_space<hbm>>
        tpu.enqueue_indirect_dma source(%dma_start3A_83 : memref<200000x32xf32, #tpu.memory_space<hbm>>) target(%dma_start3A_77 : memref<128x32xf32, #tpu.memory_space<vmem>>) offsets(%dma_start3A_80 : memref<128xi32, #tpu.memory_space<vmem>>) semaphore(%arg12 : memref<!tpu.dma_semaphore, #tpu.memory_space<semaphore_mem>>)
        %dma_wait3A = arith.constant 0 : i32
        %dma_wait3A_84 = arith.constant 0 : i32
        %dma_wait3A_85 = arith.constant 0 : i32
        %dma_wait3A_86 = tpu.memref_slice %arg10[%dma_wait3A_84, %dma_wait3A_85] : memref<512x32xf32, #tpu.memory_space<vmem>> -> memref<128x32xf32, #tpu.memory_space<vmem>>
        %dma_wait3A_87 = arith.constant 0 : i32
        %dma_wait3A_88 = tpu.memref_slice %arg8[%dma_wait3A, %dma_wait3A_87] : memref<4x128xi32, #tpu.memory_space<vmem>> -> memref<1x128xi32, #tpu.memory_space<vmem>>
        %dma_wait3A_89 = tpu.memref_squeeze %dma_wait3A_88 : memref<1x128xi32, #tpu.memory_space<vmem>> -> memref<128xi32, #tpu.memory_space<vmem>>
        %dma_wait3A_90 = arith.constant 0 : i32
        %dma_wait3A_91 = arith.constant 0 : i32
        %dma_wait3A_92 = tpu.memref_slice %arg5[%dma_wait3A_90, %dma_wait3A_91] : memref<200000x32xf32, #tpu.memory_space<hbm>> -> memref<200000x32xf32, #tpu.memory_space<hbm>>
        tpu.wait_indirect_dma semaphore(%arg12 : memref<!tpu.dma_semaphore, #tpu.memory_space<semaphore_mem>>) src(%dma_wait3A_92 : memref<200000x32xf32, #tpu.memory_space<hbm>>) dst(%dma_wait3A_86 : memref<128x32xf32, #tpu.memory_space<vmem>>)
        %dma_wait3A_93 = arith.constant 1 : i32
        %dma_wait3A_94 = arith.constant 128 : i32
        %dma_wait3A_95 = arith.constant 0 : i32
        %dma_wait3A_96 = tpu.memref_slice %arg10[%dma_wait3A_94, %dma_wait3A_95] : memref<512x32xf32, #tpu.memory_space<vmem>> -> memref<128x32xf32, #tpu.memory_space<vmem>>
        %dma_wait3A_97 = arith.constant 0 : i32
        %dma_wait3A_98 = tpu.memref_slice %arg8[%dma_wait3A_93, %dma_wait3A_97] : memref<4x128xi32, #tpu.memory_space<vmem>> -> memref<1x128xi32, #tpu.memory_space<vmem>>
        %dma_wait3A_99 = tpu.memref_squeeze %dma_wait3A_98 : memref<1x128xi32, #tpu.memory_space<vmem>> -> memref<128xi32, #tpu.memory_space<vmem>>
        %dma_wait3A_100 = arith.constant 0 : i32
        %dma_wait3A_101 = arith.constant 0 : i32
        %dma_wait3A_102 = tpu.memref_slice %arg5[%dma_wait3A_100, %dma_wait3A_101] : memref<200000x32xf32, #tpu.memory_space<hbm>> -> memref<200000x32xf32, #tpu.memory_space<hbm>>
        tpu.wait_indirect_dma semaphore(%arg12 : memref<!tpu.dma_semaphore, #tpu.memory_space<semaphore_mem>>) src(%dma_wait3A_102 : memref<200000x32xf32, #tpu.memory_space<hbm>>) dst(%dma_wait3A_96 : memref<128x32xf32, #tpu.memory_space<vmem>>)
        %dma_wait3A_103 = arith.constant 2 : i32
        %dma_wait3A_104 = arith.constant 256 : i32
        %dma_wait3A_105 = arith.constant 0 : i32
        %dma_wait3A_106 = tpu.memref_slice %arg10[%dma_wait3A_104, %dma_wait3A_105] : memref<512x32xf32, #tpu.memory_space<vmem>> -> memref<128x32xf32, #tpu.memory_space<vmem>>
        %dma_wait3A_107 = arith.constant 0 : i32
        %dma_wait3A_108 = tpu.memref_slice %arg8[%dma_wait3A_103, %dma_wait3A_107] : memref<4x128xi32, #tpu.memory_space<vmem>> -> memref<1x128xi32, #tpu.memory_space<vmem>>
        %dma_wait3A_109 = tpu.memref_squeeze %dma_wait3A_108 : memref<1x128xi32, #tpu.memory_space<vmem>> -> memref<128xi32, #tpu.memory_space<vmem>>
        %dma_wait3A_110 = arith.constant 0 : i32
        %dma_wait3A_111 = arith.constant 0 : i32
        %dma_wait3A_112 = tpu.memref_slice %arg5[%dma_wait3A_110, %dma_wait3A_111] : memref<200000x32xf32, #tpu.memory_space<hbm>> -> memref<200000x32xf32, #tpu.memory_space<hbm>>
        tpu.wait_indirect_dma semaphore(%arg12 : memref<!tpu.dma_semaphore, #tpu.memory_space<semaphore_mem>>) src(%dma_wait3A_112 : memref<200000x32xf32, #tpu.memory_space<hbm>>) dst(%dma_wait3A_106 : memref<128x32xf32, #tpu.memory_space<vmem>>)
        %dma_wait3A_113 = arith.constant 3 : i32
        %dma_wait3A_114 = arith.constant 384 : i32
        %dma_wait3A_115 = arith.constant 0 : i32
        %dma_wait3A_116 = tpu.memref_slice %arg10[%dma_wait3A_114, %dma_wait3A_115] : memref<512x32xf32, #tpu.memory_space<vmem>> -> memref<128x32xf32, #tpu.memory_space<vmem>>
        %dma_wait3A_117 = arith.constant 0 : i32
        %dma_wait3A_118 = tpu.memref_slice %arg8[%dma_wait3A_113, %dma_wait3A_117] : memref<4x128xi32, #tpu.memory_space<vmem>> -> memref<1x128xi32, #tpu.memory_space<vmem>>
        %dma_wait3A_119 = tpu.memref_squeeze %dma_wait3A_118 : memref<1x128xi32, #tpu.memory_space<vmem>> -> memref<128xi32, #tpu.memory_space<vmem>>
        %dma_wait3A_120 = arith.constant 0 : i32
        %dma_wait3A_121 = arith.constant 0 : i32
        %dma_wait3A_122 = tpu.memref_slice %arg5[%dma_wait3A_120, %dma_wait3A_121] : memref<200000x32xf32, #tpu.memory_space<hbm>> -> memref<200000x32xf32, #tpu.memory_space<hbm>>
        tpu.wait_indirect_dma semaphore(%arg12 : memref<!tpu.dma_semaphore, #tpu.memory_space<semaphore_mem>>) src(%dma_wait3A_122 : memref<200000x32xf32, #tpu.memory_space<hbm>>) dst(%dma_wait3A_116 : memref<128x32xf32, #tpu.memory_space<vmem>>)
        %dma_start3A_123 = arith.constant 0 : i32
        %dma_start3A_124 = arith.constant 0 : i32
        %dma_start3A_125 = arith.constant 0 : i32
        %dma_start3A_126 = tpu.memref_slice %arg10[%dma_start3A_124, %dma_start3A_125] : memref<512x32xf32, #tpu.memory_space<vmem>> -> memref<128x32xf32, #tpu.memory_space<vmem>>
        %dma_start3A_127 = arith.constant 0 : i32
        %dma_start3A_128 = tpu.memref_slice %arg9[%dma_start3A_123, %dma_start3A_127] : memref<4x128xi32, #tpu.memory_space<vmem>> -> memref<1x128xi32, #tpu.memory_space<vmem>>
        %dma_start3A_129 = tpu.memref_squeeze %dma_start3A_128 : memref<1x128xi32, #tpu.memory_space<vmem>> -> memref<128xi32, #tpu.memory_space<vmem>>
        %dma_start3A_130 = arith.constant 0 : i32
        %dma_start3A_131 = arith.constant 0 : i32
        %dma_start3A_132 = tpu.memref_slice %arg11[%dma_start3A_130, %dma_start3A_131] : memref<50048x32xf32, #tpu.memory_space<vmem_shared>> -> memref<50048x32xf32, #tpu.memory_space<vmem_shared>>
        tpu.enqueue_indirect_dma source(%dma_start3A_126 : memref<128x32xf32, #tpu.memory_space<vmem>>) target(%dma_start3A_132 : memref<50048x32xf32, #tpu.memory_space<vmem_shared>>) offsets(%dma_start3A_129 : memref<128xi32, #tpu.memory_space<vmem>>) semaphore(%arg13 : memref<!tpu.dma_semaphore, #tpu.memory_space<semaphore_mem>>) {add = true}
        %dma_start3A_133 = arith.constant 1 : i32
        %dma_start3A_134 = arith.constant 128 : i32
        %dma_start3A_135 = arith.constant 0 : i32
        %dma_start3A_136 = tpu.memref_slice %arg10[%dma_start3A_134, %dma_start3A_135] : memref<512x32xf32, #tpu.memory_space<vmem>> -> memref<128x32xf32, #tpu.memory_space<vmem>>
        %dma_start3A_137 = arith.constant 0 : i32
        %dma_start3A_138 = tpu.memref_slice %arg9[%dma_start3A_133, %dma_start3A_137] : memref<4x128xi32, #tpu.memory_space<vmem>> -> memref<1x128xi32, #tpu.memory_space<vmem>>
        %dma_start3A_139 = tpu.memref_squeeze %dma_start3A_138 : memref<1x128xi32, #tpu.memory_space<vmem>> -> memref<128xi32, #tpu.memory_space<vmem>>
        %dma_start3A_140 = arith.constant 0 : i32
        %dma_start3A_141 = arith.constant 0 : i32
        %dma_start3A_142 = tpu.memref_slice %arg11[%dma_start3A_140, %dma_start3A_141] : memref<50048x32xf32, #tpu.memory_space<vmem_shared>> -> memref<50048x32xf32, #tpu.memory_space<vmem_shared>>
        tpu.enqueue_indirect_dma source(%dma_start3A_136 : memref<128x32xf32, #tpu.memory_space<vmem>>) target(%dma_start3A_142 : memref<50048x32xf32, #tpu.memory_space<vmem_shared>>) offsets(%dma_start3A_139 : memref<128xi32, #tpu.memory_space<vmem>>) semaphore(%arg13 : memref<!tpu.dma_semaphore, #tpu.memory_space<semaphore_mem>>) {add = true}
        %dma_start3A_143 = arith.constant 2 : i32
        %dma_start3A_144 = arith.constant 256 : i32
        %dma_start3A_145 = arith.constant 0 : i32
        %dma_start3A_146 = tpu.memref_slice %arg10[%dma_start3A_144, %dma_start3A_145] : memref<512x32xf32, #tpu.memory_space<vmem>> -> memref<128x32xf32, #tpu.memory_space<vmem>>
        %dma_start3A_147 = arith.constant 0 : i32
        %dma_start3A_148 = tpu.memref_slice %arg9[%dma_start3A_143, %dma_start3A_147] : memref<4x128xi32, #tpu.memory_space<vmem>> -> memref<1x128xi32, #tpu.memory_space<vmem>>
        %dma_start3A_149 = tpu.memref_squeeze %dma_start3A_148 : memref<1x128xi32, #tpu.memory_space<vmem>> -> memref<128xi32, #tpu.memory_space<vmem>>
        %dma_start3A_150 = arith.constant 0 : i32
        %dma_start3A_151 = arith.constant 0 : i32
        %dma_start3A_152 = tpu.memref_slice %arg11[%dma_start3A_150, %dma_start3A_151] : memref<50048x32xf32, #tpu.memory_space<vmem_shared>> -> memref<50048x32xf32, #tpu.memory_space<vmem_shared>>
        tpu.enqueue_indirect_dma source(%dma_start3A_146 : memref<128x32xf32, #tpu.memory_space<vmem>>) target(%dma_start3A_152 : memref<50048x32xf32, #tpu.memory_space<vmem_shared>>) offsets(%dma_start3A_149 : memref<128xi32, #tpu.memory_space<vmem>>) semaphore(%arg13 : memref<!tpu.dma_semaphore, #tpu.memory_space<semaphore_mem>>) {add = true}
        %dma_start3A_153 = arith.constant 3 : i32
        %dma_start3A_154 = arith.constant 384 : i32
        %dma_start3A_155 = arith.constant 0 : i32
        %dma_start3A_156 = tpu.memref_slice %arg10[%dma_start3A_154, %dma_start3A_155] : memref<512x32xf32, #tpu.memory_space<vmem>> -> memref<128x32xf32, #tpu.memory_space<vmem>>
        %dma_start3A_157 = arith.constant 0 : i32
        %dma_start3A_158 = tpu.memref_slice %arg9[%dma_start3A_153, %dma_start3A_157] : memref<4x128xi32, #tpu.memory_space<vmem>> -> memref<1x128xi32, #tpu.memory_space<vmem>>
        %dma_start3A_159 = tpu.memref_squeeze %dma_start3A_158 : memref<1x128xi32, #tpu.memory_space<vmem>> -> memref<128xi32, #tpu.memory_space<vmem>>
        %dma_start3A_160 = arith.constant 0 : i32
        %dma_start3A_161 = arith.constant 0 : i32
        %dma_start3A_162 = tpu.memref_slice %arg11[%dma_start3A_160, %dma_start3A_161] : memref<50048x32xf32, #tpu.memory_space<vmem_shared>> -> memref<50048x32xf32, #tpu.memory_space<vmem_shared>>
        tpu.enqueue_indirect_dma source(%dma_start3A_156 : memref<128x32xf32, #tpu.memory_space<vmem>>) target(%dma_start3A_162 : memref<50048x32xf32, #tpu.memory_space<vmem_shared>>) offsets(%dma_start3A_159 : memref<128xi32, #tpu.memory_space<vmem>>) semaphore(%arg13 : memref<!tpu.dma_semaphore, #tpu.memory_space<semaphore_mem>>) {add = true}
        %dma_wait3A_163 = arith.constant 0 : i32
        %dma_wait3A_164 = arith.constant 0 : i32
        %dma_wait3A_165 = arith.constant 0 : i32
        %dma_wait3A_166 = tpu.memref_slice %arg10[%dma_wait3A_164, %dma_wait3A_165] : memref<512x32xf32, #tpu.memory_space<vmem>> -> memref<128x32xf32, #tpu.memory_space<vmem>>
        %dma_wait3A_167 = arith.constant 0 : i32
        %dma_wait3A_168 = tpu.memref_slice %arg9[%dma_wait3A_163, %dma_wait3A_167] : memref<4x128xi32, #tpu.memory_space<vmem>> -> memref<1x128xi32, #tpu.memory_space<vmem>>
        %dma_wait3A_169 = tpu.memref_squeeze %dma_wait3A_168 : memref<1x128xi32, #tpu.memory_space<vmem>> -> memref<128xi32, #tpu.memory_space<vmem>>
        %dma_wait3A_170 = arith.constant 0 : i32
        %dma_wait3A_171 = arith.constant 0 : i32
        %dma_wait3A_172 = tpu.memref_slice %arg11[%dma_wait3A_170, %dma_wait3A_171] : memref<50048x32xf32, #tpu.memory_space<vmem_shared>> -> memref<50048x32xf32, #tpu.memory_space<vmem_shared>>
        tpu.wait_indirect_dma semaphore(%arg13 : memref<!tpu.dma_semaphore, #tpu.memory_space<semaphore_mem>>) src(%dma_wait3A_166 : memref<128x32xf32, #tpu.memory_space<vmem>>) dst(%dma_wait3A_172 : memref<50048x32xf32, #tpu.memory_space<vmem_shared>>)
        %dma_wait3A_173 = arith.constant 1 : i32
        %dma_wait3A_174 = arith.constant 128 : i32
        %dma_wait3A_175 = arith.constant 0 : i32
        %dma_wait3A_176 = tpu.memref_slice %arg10[%dma_wait3A_174, %dma_wait3A_175] : memref<512x32xf32, #tpu.memory_space<vmem>> -> memref<128x32xf32, #tpu.memory_space<vmem>>
        %dma_wait3A_177 = arith.constant 0 : i32
        %dma_wait3A_178 = tpu.memref_slice %arg9[%dma_wait3A_173, %dma_wait3A_177] : memref<4x128xi32, #tpu.memory_space<vmem>> -> memref<1x128xi32, #tpu.memory_space<vmem>>
        %dma_wait3A_179 = tpu.memref_squeeze %dma_wait3A_178 : memref<1x128xi32, #tpu.memory_space<vmem>> -> memref<128xi32, #tpu.memory_space<vmem>>
        %dma_wait3A_180 = arith.constant 0 : i32
        %dma_wait3A_181 = arith.constant 0 : i32
        %dma_wait3A_182 = tpu.memref_slice %arg11[%dma_wait3A_180, %dma_wait3A_181] : memref<50048x32xf32, #tpu.memory_space<vmem_shared>> -> memref<50048x32xf32, #tpu.memory_space<vmem_shared>>
        tpu.wait_indirect_dma semaphore(%arg13 : memref<!tpu.dma_semaphore, #tpu.memory_space<semaphore_mem>>) src(%dma_wait3A_176 : memref<128x32xf32, #tpu.memory_space<vmem>>) dst(%dma_wait3A_182 : memref<50048x32xf32, #tpu.memory_space<vmem_shared>>)
        %dma_wait3A_183 = arith.constant 2 : i32
        %dma_wait3A_184 = arith.constant 256 : i32
        %dma_wait3A_185 = arith.constant 0 : i32
        %dma_wait3A_186 = tpu.memref_slice %arg10[%dma_wait3A_184, %dma_wait3A_185] : memref<512x32xf32, #tpu.memory_space<vmem>> -> memref<128x32xf32, #tpu.memory_space<vmem>>
        %dma_wait3A_187 = arith.constant 0 : i32
        %dma_wait3A_188 = tpu.memref_slice %arg9[%dma_wait3A_183, %dma_wait3A_187] : memref<4x128xi32, #tpu.memory_space<vmem>> -> memref<1x128xi32, #tpu.memory_space<vmem>>
        %dma_wait3A_189 = tpu.memref_squeeze %dma_wait3A_188 : memref<1x128xi32, #tpu.memory_space<vmem>> -> memref<128xi32, #tpu.memory_space<vmem>>
        %dma_wait3A_190 = arith.constant 0 : i32
        %dma_wait3A_191 = arith.constant 0 : i32
        %dma_wait3A_192 = tpu.memref_slice %arg11[%dma_wait3A_190, %dma_wait3A_191] : memref<50048x32xf32, #tpu.memory_space<vmem_shared>> -> memref<50048x32xf32, #tpu.memory_space<vmem_shared>>
        tpu.wait_indirect_dma semaphore(%arg13 : memref<!tpu.dma_semaphore, #tpu.memory_space<semaphore_mem>>) src(%dma_wait3A_186 : memref<128x32xf32, #tpu.memory_space<vmem>>) dst(%dma_wait3A_192 : memref<50048x32xf32, #tpu.memory_space<vmem_shared>>)
        %dma_wait3A_193 = arith.constant 3 : i32
        %dma_wait3A_194 = arith.constant 384 : i32
        %dma_wait3A_195 = arith.constant 0 : i32
        %dma_wait3A_196 = tpu.memref_slice %arg10[%dma_wait3A_194, %dma_wait3A_195] : memref<512x32xf32, #tpu.memory_space<vmem>> -> memref<128x32xf32, #tpu.memory_space<vmem>>
        %dma_wait3A_197 = arith.constant 0 : i32
        %dma_wait3A_198 = tpu.memref_slice %arg9[%dma_wait3A_193, %dma_wait3A_197] : memref<4x128xi32, #tpu.memory_space<vmem>> -> memref<1x128xi32, #tpu.memory_space<vmem>>
        %dma_wait3A_199 = tpu.memref_squeeze %dma_wait3A_198 : memref<1x128xi32, #tpu.memory_space<vmem>> -> memref<128xi32, #tpu.memory_space<vmem>>
        %dma_wait3A_200 = arith.constant 0 : i32
        %dma_wait3A_201 = arith.constant 0 : i32
        %dma_wait3A_202 = tpu.memref_slice %arg11[%dma_wait3A_200, %dma_wait3A_201] : memref<50048x32xf32, #tpu.memory_space<vmem_shared>> -> memref<50048x32xf32, #tpu.memory_space<vmem_shared>>
        tpu.wait_indirect_dma semaphore(%arg13 : memref<!tpu.dma_semaphore, #tpu.memory_space<semaphore_mem>>) src(%dma_wait3A_196 : memref<128x32xf32, #tpu.memory_space<vmem>>) dst(%dma_wait3A_202 : memref<50048x32xf32, #tpu.memory_space<vmem_shared>>)
      }
      %scan3A_26 = arith.constant 104 : i32
      %barrier3A_27 = arith.constant 0 : index
      tpu.barrier barrier_id(%barrier3A_27)
      %mul3A_28 = arith.constant 3128 : i32
      %mul3A_29 = arith.muli %arg1, %mul3A_28 : i32
      %lt3A = arith.constant 15 : i32
      %lt3A_30 = arith.cmpi slt, %arg1, %lt3A : i32
      %convert_element_type3A_31 = arith.extui %lt3A_30 : i1 to i32
      %cond3A_32 = arith.constant 0 : i32
      %cond3A_33 = arith.cmpi ne, %convert_element_type3A_31, %cond3A_32 : i32
      scf.if %cond3A_33 {
        "tpu.region"() ({
          %run_scoped3A = tpu.sem_alloc : memref<!tpu.dma_semaphore, #tpu.memory_space<semaphore_mem>>
          %dma_start3A = arith.constant 0 : i32
          %dma_start3A_39 = tpu.memref_slice %arg7[%mul3A_29, %dma_start3A] : memref<50000x32xf32, #tpu.memory_space<hbm>> -> memref<3128x32xf32, #tpu.memory_space<hbm>>
          %dma_start3A_40 = arith.constant 0 : i32
          %dma_start3A_41 = tpu.memref_slice %arg11[%mul3A_29, %dma_start3A_40] : memref<50048x32xf32, #tpu.memory_space<vmem_shared>> -> memref<3128x32xf32, #tpu.memory_space<vmem_shared>>
          tpu.enqueue_dma source(%dma_start3A_41 : memref<3128x32xf32, #tpu.memory_space<vmem_shared>>) target(%dma_start3A_39 : memref<3128x32xf32, #tpu.memory_space<hbm>>) target_semaphore(%run_scoped3A : memref<!tpu.dma_semaphore, #tpu.memory_space<semaphore_mem>>)
          %dma_wait3A = arith.constant 0 : i32
          %dma_wait3A_42 = tpu.memref_slice %arg7[%mul3A_29, %dma_wait3A] : memref<50000x32xf32, #tpu.memory_space<hbm>> -> memref<3128x32xf32, #tpu.memory_space<hbm>>
          %dma_wait3A_43 = arith.constant 0 : i32
          %dma_wait3A_44 = tpu.memref_slice %arg11[%mul3A_29, %dma_wait3A_43] : memref<50048x32xf32, #tpu.memory_space<vmem_shared>> -> memref<3128x32xf32, #tpu.memory_space<vmem_shared>>
          tpu.wait_dma2 semaphore(%run_scoped3A : memref<!tpu.dma_semaphore, #tpu.memory_space<semaphore_mem>>) src(%dma_wait3A_44 : memref<3128x32xf32, #tpu.memory_space<vmem_shared>>) dst(%dma_wait3A_42 : memref<3128x32xf32, #tpu.memory_space<hbm>>)
          tpu.yield
        }) : () -> ()
      } else {
      }
      %eq3A_34 = arith.constant 15 : i32
      %eq3A_35 = arith.cmpi eq, %arg1, %eq3A_34 : i32
      %convert_element_type3A_36 = arith.extui %eq3A_35 : i1 to i32
      %cond3A_37 = arith.constant 0 : i32
      %cond3A_38 = arith.cmpi ne, %convert_element_type3A_36, %cond3A_37 : i32
      scf.if %cond3A_38 {
        "tpu.region"() ({
          %run_scoped3A = tpu.sem_alloc : memref<!tpu.dma_semaphore, #tpu.memory_space<semaphore_mem>>
          %dma_start3A = arith.constant 46920 : i32
          %dma_start3A_39 = arith.constant 0 : i32
          %dma_start3A_40 = tpu.memref_slice %arg7[%dma_start3A, %dma_start3A_39] : memref<50000x32xf32, #tpu.memory_space<hbm>> -> memref<3080x32xf32, #tpu.memory_space<hbm>>
          %dma_start3A_41 = arith.constant 46920 : i32
          %dma_start3A_42 = arith.constant 0 : i32
          %dma_start3A_43 = tpu.memref_slice %arg11[%dma_start3A_41, %dma_start3A_42] : memref<50048x32xf32, #tpu.memory_space<vmem_shared>> -> memref<3080x32xf32, #tpu.memory_space<vmem_shared>>
          tpu.enqueue_dma source(%dma_start3A_43 : memref<3080x32xf32, #tpu.memory_space<vmem_shared>>) target(%dma_start3A_40 : memref<3080x32xf32, #tpu.memory_space<hbm>>) target_semaphore(%run_scoped3A : memref<!tpu.dma_semaphore, #tpu.memory_space<semaphore_mem>>)
          %dma_wait3A = arith.constant 46920 : i32
          %dma_wait3A_44 = arith.constant 0 : i32
          %dma_wait3A_45 = tpu.memref_slice %arg7[%dma_wait3A, %dma_wait3A_44] : memref<50000x32xf32, #tpu.memory_space<hbm>> -> memref<3080x32xf32, #tpu.memory_space<hbm>>
          %dma_wait3A_46 = arith.constant 46920 : i32
          %dma_wait3A_47 = arith.constant 0 : i32
          %dma_wait3A_48 = tpu.memref_slice %arg11[%dma_wait3A_46, %dma_wait3A_47] : memref<50048x32xf32, #tpu.memory_space<vmem_shared>> -> memref<3080x32xf32, #tpu.memory_space<vmem_shared>>
          tpu.wait_dma2 semaphore(%run_scoped3A : memref<!tpu.dma_semaphore, #tpu.memory_space<semaphore_mem>>) src(%dma_wait3A_48 : memref<3080x32xf32, #tpu.memory_space<vmem_shared>>) dst(%dma_wait3A_45 : memref<3080x32xf32, #tpu.memory_space<hbm>>)
          tpu.yield
        }) : () -> ()
      } else {
      }
    } else {
    }
    return
  }
}

#map = affine_map<(d0, d1) -> (0, 0)>
module attributes {stable_mosaic.version = 14 : i64} {
  func.func @sc_pass(%arg0: i32, %arg1: i32, %arg2: memref<6656x128xi32, #tpu.memory_space<hbm>>, %arg3: memref<6656x128xi32, #tpu.memory_space<hbm>>, %arg4: memref<200000x32xf32, #tpu.memory_space<hbm>>, %arg5: memref<200000x32xf32, #tpu.memory_space<hbm>>, %arg6: memref<50000x32xf32, #tpu.memory_space<hbm>>, %arg7: memref<50000x32xf32, #tpu.memory_space<hbm>>, %arg8: memref<4x128xi32, #tpu.memory_space<vmem>>, %arg9: memref<4x128xi32, #tpu.memory_space<vmem>>, %arg10: memref<512x32xf32, #tpu.memory_space<vmem>>, %arg11: memref<50048x32xf32, #tpu.memory_space<vmem_shared>>, %arg12: memref<!tpu.dma_semaphore, #tpu.memory_space<semaphore_mem>>, %arg13: memref<!tpu.dma_semaphore, #tpu.memory_space<semaphore_mem>>) attributes {dimension_semantics = [#tpu.dimension_semantics<core_parallel>, #tpu.dimension_semantics<subcore_parallel>], iteration_bounds = array<i64: 2, 16>, scalar_prefetch = 0 : i64, scratch_operands = 6 : i64, tpu.core_type = #tpu.core_type<sc_vector_subcore>, window_params = [{transform_indices = #map}, {transform_indices = #map}, {transform_indices = #map}, {transform_indices = #map}, {transform_indices = #map}, {transform_indices = #map}]} {
    %broadcast_in_dim3A = arith.constant 0.000000e+00 : f32
    %broadcast_in_dim3A_0 = vector.broadcast %broadcast_in_dim3A : f32 to vector<16xf32>
    %scan3A = arith.constant 0 : i32
    %scan3A_1 = arith.constant 0 : i32
    %scan3A_2 = arith.constant 512 : i32
    %scan3A_3 = arith.addi %scan3A_1, %scan3A_2 : i32
    %scan3A_4 = arith.constant 1 : i32
    scf.for %scan3A_21 = %scan3A_1 to %scan3A_3 step %scan3A_4  : i32 {
      %swap3A = arith.index_cast %scan3A_21 : i32 to index
      %swap3A_22 = arith.constant 0 : index
      %swap3A_23 = tpu.vector_load %arg10[%swap3A, %swap3A_22] {strides = array<i32>} : memref<512x32xf32, #tpu.memory_space<vmem>>, vector<1x16xf32>,
      %swap3A_24 = vector.shape_cast %swap3A_23 : vector<1x16xf32> to vector<16xf32>
      %swap3A_25 = vector.shape_cast %broadcast_in_dim3A_0 : vector<16xf32> to vector<1x16xf32>
      tpu.vector_store %arg10[%swap3A, %swap3A_22], %swap3A_25 {strides = array<i32>} : memref<512x32xf32, #tpu.memory_space<vmem>>, vector<1x16xf32>,
      %swap3A_26 = arith.index_cast %scan3A_21 : i32 to index
      %swap3A_27 = arith.constant 16 : index
      %swap3A_28 = tpu.vector_load %arg10[%swap3A_26, %swap3A_27] {strides = array<i32>} : memref<512x32xf32, #tpu.memory_space<vmem>>, vector<1x16xf32>,
      %swap3A_29 = vector.shape_cast %swap3A_28 : vector<1x16xf32> to vector<16xf32>
      %swap3A_30 = vector.shape_cast %broadcast_in_dim3A_0 : vector<16xf32> to vector<1x16xf32>
      tpu.vector_store %arg10[%swap3A_26, %swap3A_27], %swap3A_30 {strides = array<i32>} : memref<512x32xf32, #tpu.memory_space<vmem>>, vector<1x16xf32>,
    }
    %scan3A_5 = arith.constant 512 : i32
    %mul3A = arith.constant 3128 : i32
    %mul3A_6 = arith.muli %arg1, %mul3A : i32
    %scan3A_7 = arith.constant 0 : i32
    %scan3A_8 = arith.constant 0 : i32
    %scan3A_9 = arith.constant 6 : i32
    %scan3A_10 = arith.addi %scan3A_8, %scan3A_9 : i32
    %scan3A_11 = arith.constant 1 : i32
    scf.for %scan3A_21 = %scan3A_8 to %scan3A_10 step %scan3A_11  : i32 {
      %mul3A_22 = arith.constant 512 : i32
      %mul3A_23 = arith.muli %scan3A_21, %mul3A_22 : i32
      %add3A_24 = arith.addi %mul3A_6, %mul3A_23 : i32
      "tpu.region"() ({
        %run_scoped3A = tpu.sem_alloc : memref<!tpu.dma_semaphore, #tpu.memory_space<semaphore_mem>>
        %dma_start3A = arith.constant 0 : i32
        %dma_start3A_25 = tpu.memref_slice %arg11[%add3A_24, %dma_start3A] : memref<50048x32xf32, #tpu.memory_space<vmem_shared>> -> memref<512x32xf32, #tpu.memory_space<vmem_shared>>
        %dma_start3A_26 = arith.constant 0 : i32
        %dma_start3A_27 = tpu.memref_slice %arg11[%add3A_24, %dma_start3A_26] : memref<50048x32xf32, #tpu.memory_space<vmem_shared>> -> memref<512x32xf32, #tpu.memory_space<vmem_shared>>
        tpu.enqueue_dma source(%arg10 : memref<512x32xf32, #tpu.memory_space<vmem>>) target(%dma_start3A_27 : memref<512x32xf32, #tpu.memory_space<vmem_shared>>) target_semaphore(%run_scoped3A : memref<!tpu.dma_semaphore, #tpu.memory_space<semaphore_mem>>)
        %dma_wait3A = arith.constant 0 : i32
        %dma_wait3A_28 = tpu.memref_slice %arg11[%add3A_24, %dma_wait3A] : memref<50048x32xf32, #tpu.memory_space<vmem_shared>> -> memref<512x32xf32, #tpu.memory_space<vmem_shared>>
        %dma_wait3A_29 = arith.constant 0 : i32
        %dma_wait3A_30 = tpu.memref_slice %arg11[%add3A_24, %dma_wait3A_29] : memref<50048x32xf32, #tpu.memory_space<vmem_shared>> -> memref<512x32xf32, #tpu.memory_space<vmem_shared>>
        tpu.wait_dma2 semaphore(%run_scoped3A : memref<!tpu.dma_semaphore, #tpu.memory_space<semaphore_mem>>) src(%arg10 : memref<512x32xf32, #tpu.memory_space<vmem>>) dst(%dma_wait3A_30 : memref<512x32xf32, #tpu.memory_space<vmem_shared>>)
        tpu.yield
      }) : () -> ()
    }
    %scan3A_12 = arith.constant 6 : i32
    %add3A = arith.constant 3072 : i32
    %add3A_13 = arith.addi %mul3A_6, %add3A : i32
    "tpu.region"() ({
      %run_scoped3A = tpu.sem_alloc : memref<!tpu.dma_semaphore, #tpu.memory_space<semaphore_mem>>
      %dma_start3A = arith.constant 0 : i32
      %dma_start3A_21 = arith.constant 0 : i32
      %dma_start3A_22 = tpu.memref_slice %arg10[%dma_start3A, %dma_start3A_21] : memref<512x32xf32, #tpu.memory_space<vmem>> -> memref<56x32xf32, #tpu.memory_space<vmem>>
      %dma_start3A_23 = arith.constant 0 : i32
      %dma_start3A_24 = tpu.memref_slice %arg11[%add3A_13, %dma_start3A_23] : memref<50048x32xf32, #tpu.memory_space<vmem_shared>> -> memref<56x32xf32, #tpu.memory_space<vmem_shared>>
      %dma_start3A_25 = arith.constant 0 : i32
      %dma_start3A_26 = tpu.memref_slice %arg11[%add3A_13, %dma_start3A_25] : memref<50048x32xf32, #tpu.memory_space<vmem_shared>> -> memref<56x32xf32, #tpu.memory_space<vmem_shared>>
      %dma_start3A_27 = arith.constant 0 : i32
      %dma_start3A_28 = arith.constant 0 : i32
      %dma_start3A_29 = tpu.memref_slice %arg10[%dma_start3A_27, %dma_start3A_28] : memref<512x32xf32, #tpu.memory_space<vmem>> -> memref<56x32xf32, #tpu.memory_space<vmem>>
      tpu.enqueue_dma source(%dma_start3A_29 : memref<56x32xf32, #tpu.memory_space<vmem>>) target(%dma_start3A_26 : memref<56x32xf32, #tpu.memory_space<vmem_shared>>) target_semaphore(%run_scoped3A : memref<!tpu.dma_semaphore, #tpu.memory_space<semaphore_mem>>)
      %dma_wait3A = arith.constant 0 : i32
      %dma_wait3A_30 = arith.constant 0 : i32
      %dma_wait3A_31 = tpu.memref_slice %arg10[%dma_wait3A, %dma_wait3A_30] : memref<512x32xf32, #tpu.memory_space<vmem>> -> memref<56x32xf32, #tpu.memory_space<vmem>>
      %dma_wait3A_32 = arith.constant 0 : i32
      %dma_wait3A_33 = tpu.memref_slice %arg11[%add3A_13, %dma_wait3A_32] : memref<50048x32xf32, #tpu.memory_space<vmem_shared>> -> memref<56x32xf32, #tpu.memory_space<vmem_shared>>
      %dma_wait3A_34 = arith.constant 0 : i32
      %dma_wait3A_35 = tpu.memref_slice %arg11[%add3A_13, %dma_wait3A_34] : memref<50048x32xf32, #tpu.memory_space<vmem_shared>> -> memref<56x32xf32, #tpu.memory_space<vmem_shared>>
      %dma_wait3A_36 = arith.constant 0 : i32
      %dma_wait3A_37 = arith.constant 0 : i32
      %dma_wait3A_38 = tpu.memref_slice %arg10[%dma_wait3A_36, %dma_wait3A_37] : memref<512x32xf32, #tpu.memory_space<vmem>> -> memref<56x32xf32, #tpu.memory_space<vmem>>
      tpu.wait_dma2 semaphore(%run_scoped3A : memref<!tpu.dma_semaphore, #tpu.memory_space<semaphore_mem>>) src(%dma_wait3A_38 : memref<56x32xf32, #tpu.memory_space<vmem>>) dst(%dma_wait3A_35 : memref<56x32xf32, #tpu.memory_space<vmem_shared>>)
      tpu.yield
    }) : () -> ()
    %barrier3A = arith.constant 0 : index
    tpu.barrier barrier_id(%barrier3A)
    %eq3A = arith.constant 0 : i32
    %eq3A_14 = arith.cmpi eq, %arg0, %eq3A : i32
    %convert_element_type3A = arith.extui %eq3A_14 : i1 to i32
    %cond3A = arith.constant 0 : i32
    %cond3A_15 = arith.cmpi ne, %convert_element_type3A, %cond3A : i32
    scf.if %cond3A_15 {
      %scan3A_21 = arith.constant 0 : i32
      %scan3A_22 = arith.constant 0 : i32
      %scan3A_23 = arith.constant 104 : i32
      %scan3A_24 = arith.addi %scan3A_22, %scan3A_23 : i32
      %scan3A_25 = arith.constant 1 : i32
      scf.for %scan3A_39 = %scan3A_22 to %scan3A_24 step %scan3A_25  : i32 {
        %mul3A_40 = arith.constant 416 : i32
        %mul3A_41 = arith.muli %arg1, %mul3A_40 : i32
        %mul3A_42 = arith.constant 4 : i32
        %mul3A_43 = arith.muli %scan3A_39, %mul3A_42 : i32
        %add3A_44 = arith.addi %mul3A_41, %mul3A_43 : i32
        "tpu.region"() ({
          %run_scoped3A = tpu.sem_alloc : memref<!tpu.dma_semaphore, #tpu.memory_space<semaphore_mem>>
          %dma_start3A_203 = arith.constant 0 : i32
          %dma_start3A_204 = tpu.memref_slice %arg2[%add3A_44, %dma_start3A_203] : memref<6656x128xi32, #tpu.memory_space<hbm>> -> memref<4x128xi32, #tpu.memory_space<hbm>>
          %dma_start3A_205 = arith.constant 0 : i32
          %dma_start3A_206 = tpu.memref_slice %arg2[%add3A_44, %dma_start3A_205] : memref<6656x128xi32, #tpu.memory_space<hbm>> -> memref<4x128xi32, #tpu.memory_space<hbm>>
          tpu.enqueue_dma source(%dma_start3A_206 : memref<4x128xi32, #tpu.memory_space<hbm>>) target(%arg8 : memref<4x128xi32, #tpu.memory_space<vmem>>) target_semaphore(%run_scoped3A : memref<!tpu.dma_semaphore, #tpu.memory_space<semaphore_mem>>)
          %dma_wait3A_207 = arith.constant 0 : i32
          %dma_wait3A_208 = tpu.memref_slice %arg2[%add3A_44, %dma_wait3A_207] : memref<6656x128xi32, #tpu.memory_space<hbm>> -> memref<4x128xi32, #tpu.memory_space<hbm>>
          %dma_wait3A_209 = arith.constant 0 : i32
          %dma_wait3A_210 = tpu.memref_slice %arg2[%add3A_44, %dma_wait3A_209] : memref<6656x128xi32, #tpu.memory_space<hbm>> -> memref<4x128xi32, #tpu.memory_space<hbm>>
          tpu.wait_dma2 semaphore(%run_scoped3A : memref<!tpu.dma_semaphore, #tpu.memory_space<semaphore_mem>>) src(%dma_wait3A_210 : memref<4x128xi32, #tpu.memory_space<hbm>>) dst(%arg8 : memref<4x128xi32, #tpu.memory_space<vmem>>)
          tpu.yield
        }) : () -> ()
        "tpu.region"() ({
          %run_scoped3A = tpu.sem_alloc : memref<!tpu.dma_semaphore, #tpu.memory_space<semaphore_mem>>
          %dma_start3A_203 = arith.constant 0 : i32
          %dma_start3A_204 = tpu.memref_slice %arg3[%add3A_44, %dma_start3A_203] : memref<6656x128xi32, #tpu.memory_space<hbm>> -> memref<4x128xi32, #tpu.memory_space<hbm>>
          %dma_start3A_205 = arith.constant 0 : i32
          %dma_start3A_206 = tpu.memref_slice %arg3[%add3A_44, %dma_start3A_205] : memref<6656x128xi32, #tpu.memory_space<hbm>> -> memref<4x128xi32, #tpu.memory_space<hbm>>
          tpu.enqueue_dma source(%dma_start3A_206 : memref<4x128xi32, #tpu.memory_space<hbm>>) target(%arg9 : memref<4x128xi32, #tpu.memory_space<vmem>>) target_semaphore(%run_scoped3A : memref<!tpu.dma_semaphore, #tpu.memory_space<semaphore_mem>>)
          %dma_wait3A_207 = arith.constant 0 : i32
          %dma_wait3A_208 = tpu.memref_slice %arg3[%add3A_44, %dma_wait3A_207] : memref<6656x128xi32, #tpu.memory_space<hbm>> -> memref<4x128xi32, #tpu.memory_space<hbm>>
          %dma_wait3A_209 = arith.constant 0 : i32
          %dma_wait3A_210 = tpu.memref_slice %arg3[%add3A_44, %dma_wait3A_209] : memref<6656x128xi32, #tpu.memory_space<hbm>> -> memref<4x128xi32, #tpu.memory_space<hbm>>
          tpu.wait_dma2 semaphore(%run_scoped3A : memref<!tpu.dma_semaphore, #tpu.memory_space<semaphore_mem>>) src(%dma_wait3A_210 : memref<4x128xi32, #tpu.memory_space<hbm>>) dst(%arg9 : memref<4x128xi32, #tpu.memory_space<vmem>>)
          tpu.yield
        }) : () -> ()
        %dma_start3A = arith.constant 0 : i32
        %dma_start3A_45 = arith.constant 0 : i32
        %dma_start3A_46 = arith.constant 0 : i32
        %dma_start3A_47 = tpu.memref_slice %arg10[%dma_start3A_45, %dma_start3A_46] : memref<512x32xf32, #tpu.memory_space<vmem>> -> memref<128x32xf32, #tpu.memory_space<vmem>>
        %dma_start3A_48 = arith.constant 0 : i32
        %dma_start3A_49 = tpu.memref_slice %arg8[%dma_start3A, %dma_start3A_48] : memref<4x128xi32, #tpu.memory_space<vmem>> -> memref<1x128xi32, #tpu.memory_space<vmem>>
        %dma_start3A_50 = tpu.memref_squeeze %dma_start3A_49 : memref<1x128xi32, #tpu.memory_space<vmem>> -> memref<128xi32, #tpu.memory_space<vmem>>
        %dma_start3A_51 = arith.constant 0 : i32
        %dma_start3A_52 = arith.constant 0 : i32
        %dma_start3A_53 = tpu.memref_slice %arg4[%dma_start3A_51, %dma_start3A_52] : memref<200000x32xf32, #tpu.memory_space<hbm>> -> memref<200000x32xf32, #tpu.memory_space<hbm>>
        tpu.enqueue_indirect_dma source(%dma_start3A_53 : memref<200000x32xf32, #tpu.memory_space<hbm>>) target(%dma_start3A_47 : memref<128x32xf32, #tpu.memory_space<vmem>>) offsets(%dma_start3A_50 : memref<128xi32, #tpu.memory_space<vmem>>) semaphore(%arg12 : memref<!tpu.dma_semaphore, #tpu.memory_space<semaphore_mem>>)
        %dma_start3A_54 = arith.constant 1 : i32
        %dma_start3A_55 = arith.constant 128 : i32
        %dma_start3A_56 = arith.constant 0 : i32
        %dma_start3A_57 = tpu.memref_slice %arg10[%dma_start3A_55, %dma_start3A_56] : memref<512x32xf32, #tpu.memory_space<vmem>> -> memref<128x32xf32, #tpu.memory_space<vmem>>
        %dma_start3A_58 = arith.constant 0 : i32
        %dma_start3A_59 = tpu.memref_slice %arg8[%dma_start3A_54, %dma_start3A_58] : memref<4x128xi32, #tpu.memory_space<vmem>> -> memref<1x128xi32, #tpu.memory_space<vmem>>
        %dma_start3A_60 = tpu.memref_squeeze %dma_start3A_59 : memref<1x128xi32, #tpu.memory_space<vmem>> -> memref<128xi32, #tpu.memory_space<vmem>>
        %dma_start3A_61 = arith.constant 0 : i32
        %dma_start3A_62 = arith.constant 0 : i32
        %dma_start3A_63 = tpu.memref_slice %arg4[%dma_start3A_61, %dma_start3A_62] : memref<200000x32xf32, #tpu.memory_space<hbm>> -> memref<200000x32xf32, #tpu.memory_space<hbm>>
        tpu.enqueue_indirect_dma source(%dma_start3A_63 : memref<200000x32xf32, #tpu.memory_space<hbm>>) target(%dma_start3A_57 : memref<128x32xf32, #tpu.memory_space<vmem>>) offsets(%dma_start3A_60 : memref<128xi32, #tpu.memory_space<vmem>>) semaphore(%arg12 : memref<!tpu.dma_semaphore, #tpu.memory_space<semaphore_mem>>)
        %dma_start3A_64 = arith.constant 2 : i32
        %dma_start3A_65 = arith.constant 256 : i32
        %dma_start3A_66 = arith.constant 0 : i32
        %dma_start3A_67 = tpu.memref_slice %arg10[%dma_start3A_65, %dma_start3A_66] : memref<512x32xf32, #tpu.memory_space<vmem>> -> memref<128x32xf32, #tpu.memory_space<vmem>>
        %dma_start3A_68 = arith.constant 0 : i32
        %dma_start3A_69 = tpu.memref_slice %arg8[%dma_start3A_64, %dma_start3A_68] : memref<4x128xi32, #tpu.memory_space<vmem>> -> memref<1x128xi32, #tpu.memory_space<vmem>>
        %dma_start3A_70 = tpu.memref_squeeze %dma_start3A_69 : memref<1x128xi32, #tpu.memory_space<vmem>> -> memref<128xi32, #tpu.memory_space<vmem>>
        %dma_start3A_71 = arith.constant 0 : i32
        %dma_start3A_72 = arith.constant 0 : i32
        %dma_start3A_73 = tpu.memref_slice %arg4[%dma_start3A_71, %dma_start3A_72] : memref<200000x32xf32, #tpu.memory_space<hbm>> -> memref<200000x32xf32, #tpu.memory_space<hbm>>
        tpu.enqueue_indirect_dma source(%dma_start3A_73 : memref<200000x32xf32, #tpu.memory_space<hbm>>) target(%dma_start3A_67 : memref<128x32xf32, #tpu.memory_space<vmem>>) offsets(%dma_start3A_70 : memref<128xi32, #tpu.memory_space<vmem>>) semaphore(%arg12 : memref<!tpu.dma_semaphore, #tpu.memory_space<semaphore_mem>>)
        %dma_start3A_74 = arith.constant 3 : i32
        %dma_start3A_75 = arith.constant 384 : i32
        %dma_start3A_76 = arith.constant 0 : i32
        %dma_start3A_77 = tpu.memref_slice %arg10[%dma_start3A_75, %dma_start3A_76] : memref<512x32xf32, #tpu.memory_space<vmem>> -> memref<128x32xf32, #tpu.memory_space<vmem>>
        %dma_start3A_78 = arith.constant 0 : i32
        %dma_start3A_79 = tpu.memref_slice %arg8[%dma_start3A_74, %dma_start3A_78] : memref<4x128xi32, #tpu.memory_space<vmem>> -> memref<1x128xi32, #tpu.memory_space<vmem>>
        %dma_start3A_80 = tpu.memref_squeeze %dma_start3A_79 : memref<1x128xi32, #tpu.memory_space<vmem>> -> memref<128xi32, #tpu.memory_space<vmem>>
        %dma_start3A_81 = arith.constant 0 : i32
        %dma_start3A_82 = arith.constant 0 : i32
        %dma_start3A_83 = tpu.memref_slice %arg4[%dma_start3A_81, %dma_start3A_82] : memref<200000x32xf32, #tpu.memory_space<hbm>> -> memref<200000x32xf32, #tpu.memory_space<hbm>>
        tpu.enqueue_indirect_dma source(%dma_start3A_83 : memref<200000x32xf32, #tpu.memory_space<hbm>>) target(%dma_start3A_77 : memref<128x32xf32, #tpu.memory_space<vmem>>) offsets(%dma_start3A_80 : memref<128xi32, #tpu.memory_space<vmem>>) semaphore(%arg12 : memref<!tpu.dma_semaphore, #tpu.memory_space<semaphore_mem>>)
        %dma_wait3A = arith.constant 0 : i32
        %dma_wait3A_84 = arith.constant 0 : i32
        %dma_wait3A_85 = arith.constant 0 : i32
        %dma_wait3A_86 = tpu.memref_slice %arg10[%dma_wait3A_84, %dma_wait3A_85] : memref<512x32xf32, #tpu.memory_space<vmem>> -> memref<128x32xf32, #tpu.memory_space<vmem>>
        %dma_wait3A_87 = arith.constant 0 : i32
        %dma_wait3A_88 = tpu.memref_slice %arg8[%dma_wait3A, %dma_wait3A_87] : memref<4x128xi32, #tpu.memory_space<vmem>> -> memref<1x128xi32, #tpu.memory_space<vmem>>
        %dma_wait3A_89 = tpu.memref_squeeze %dma_wait3A_88 : memref<1x128xi32, #tpu.memory_space<vmem>> -> memref<128xi32, #tpu.memory_space<vmem>>
        %dma_wait3A_90 = arith.constant 0 : i32
        %dma_wait3A_91 = arith.constant 0 : i32
        %dma_wait3A_92 = tpu.memref_slice %arg4[%dma_wait3A_90, %dma_wait3A_91] : memref<200000x32xf32, #tpu.memory_space<hbm>> -> memref<200000x32xf32, #tpu.memory_space<hbm>>
        tpu.wait_indirect_dma semaphore(%arg12 : memref<!tpu.dma_semaphore, #tpu.memory_space<semaphore_mem>>) src(%dma_wait3A_92 : memref<200000x32xf32, #tpu.memory_space<hbm>>) dst(%dma_wait3A_86 : memref<128x32xf32, #tpu.memory_space<vmem>>)
        %dma_wait3A_93 = arith.constant 1 : i32
        %dma_wait3A_94 = arith.constant 128 : i32
        %dma_wait3A_95 = arith.constant 0 : i32
        %dma_wait3A_96 = tpu.memref_slice %arg10[%dma_wait3A_94, %dma_wait3A_95] : memref<512x32xf32, #tpu.memory_space<vmem>> -> memref<128x32xf32, #tpu.memory_space<vmem>>
        %dma_wait3A_97 = arith.constant 0 : i32
        %dma_wait3A_98 = tpu.memref_slice %arg8[%dma_wait3A_93, %dma_wait3A_97] : memref<4x128xi32, #tpu.memory_space<vmem>> -> memref<1x128xi32, #tpu.memory_space<vmem>>
        %dma_wait3A_99 = tpu.memref_squeeze %dma_wait3A_98 : memref<1x128xi32, #tpu.memory_space<vmem>> -> memref<128xi32, #tpu.memory_space<vmem>>
        %dma_wait3A_100 = arith.constant 0 : i32
        %dma_wait3A_101 = arith.constant 0 : i32
        %dma_wait3A_102 = tpu.memref_slice %arg4[%dma_wait3A_100, %dma_wait3A_101] : memref<200000x32xf32, #tpu.memory_space<hbm>> -> memref<200000x32xf32, #tpu.memory_space<hbm>>
        tpu.wait_indirect_dma semaphore(%arg12 : memref<!tpu.dma_semaphore, #tpu.memory_space<semaphore_mem>>) src(%dma_wait3A_102 : memref<200000x32xf32, #tpu.memory_space<hbm>>) dst(%dma_wait3A_96 : memref<128x32xf32, #tpu.memory_space<vmem>>)
        %dma_wait3A_103 = arith.constant 2 : i32
        %dma_wait3A_104 = arith.constant 256 : i32
        %dma_wait3A_105 = arith.constant 0 : i32
        %dma_wait3A_106 = tpu.memref_slice %arg10[%dma_wait3A_104, %dma_wait3A_105] : memref<512x32xf32, #tpu.memory_space<vmem>> -> memref<128x32xf32, #tpu.memory_space<vmem>>
        %dma_wait3A_107 = arith.constant 0 : i32
        %dma_wait3A_108 = tpu.memref_slice %arg8[%dma_wait3A_103, %dma_wait3A_107] : memref<4x128xi32, #tpu.memory_space<vmem>> -> memref<1x128xi32, #tpu.memory_space<vmem>>
        %dma_wait3A_109 = tpu.memref_squeeze %dma_wait3A_108 : memref<1x128xi32, #tpu.memory_space<vmem>> -> memref<128xi32, #tpu.memory_space<vmem>>
        %dma_wait3A_110 = arith.constant 0 : i32
        %dma_wait3A_111 = arith.constant 0 : i32
        %dma_wait3A_112 = tpu.memref_slice %arg4[%dma_wait3A_110, %dma_wait3A_111] : memref<200000x32xf32, #tpu.memory_space<hbm>> -> memref<200000x32xf32, #tpu.memory_space<hbm>>
        tpu.wait_indirect_dma semaphore(%arg12 : memref<!tpu.dma_semaphore, #tpu.memory_space<semaphore_mem>>) src(%dma_wait3A_112 : memref<200000x32xf32, #tpu.memory_space<hbm>>) dst(%dma_wait3A_106 : memref<128x32xf32, #tpu.memory_space<vmem>>)
        %dma_wait3A_113 = arith.constant 3 : i32
        %dma_wait3A_114 = arith.constant 384 : i32
        %dma_wait3A_115 = arith.constant 0 : i32
        %dma_wait3A_116 = tpu.memref_slice %arg10[%dma_wait3A_114, %dma_wait3A_115] : memref<512x32xf32, #tpu.memory_space<vmem>> -> memref<128x32xf32, #tpu.memory_space<vmem>>
        %dma_wait3A_117 = arith.constant 0 : i32
        %dma_wait3A_118 = tpu.memref_slice %arg8[%dma_wait3A_113, %dma_wait3A_117] : memref<4x128xi32, #tpu.memory_space<vmem>> -> memref<1x128xi32, #tpu.memory_space<vmem>>
        %dma_wait3A_119 = tpu.memref_squeeze %dma_wait3A_118 : memref<1x128xi32, #tpu.memory_space<vmem>> -> memref<128xi32, #tpu.memory_space<vmem>>
        %dma_wait3A_120 = arith.constant 0 : i32
        %dma_wait3A_121 = arith.constant 0 : i32
        %dma_wait3A_122 = tpu.memref_slice %arg4[%dma_wait3A_120, %dma_wait3A_121] : memref<200000x32xf32, #tpu.memory_space<hbm>> -> memref<200000x32xf32, #tpu.memory_space<hbm>>
        tpu.wait_indirect_dma semaphore(%arg12 : memref<!tpu.dma_semaphore, #tpu.memory_space<semaphore_mem>>) src(%dma_wait3A_122 : memref<200000x32xf32, #tpu.memory_space<hbm>>) dst(%dma_wait3A_116 : memref<128x32xf32, #tpu.memory_space<vmem>>)
        %dma_start3A_123 = arith.constant 0 : i32
        %dma_start3A_124 = arith.constant 0 : i32
        %dma_start3A_125 = arith.constant 0 : i32
        %dma_start3A_126 = tpu.memref_slice %arg10[%dma_start3A_124, %dma_start3A_125] : memref<512x32xf32, #tpu.memory_space<vmem>> -> memref<128x32xf32, #tpu.memory_space<vmem>>
        %dma_start3A_127 = arith.constant 0 : i32
        %dma_start3A_128 = tpu.memref_slice %arg9[%dma_start3A_123, %dma_start3A_127] : memref<4x128xi32, #tpu.memory_space<vmem>> -> memref<1x128xi32, #tpu.memory_space<vmem>>
        %dma_start3A_129 = tpu.memref_squeeze %dma_start3A_128 : memref<1x128xi32, #tpu.memory_space<vmem>> -> memref<128xi32, #tpu.memory_space<vmem>>
        %dma_start3A_130 = arith.constant 0 : i32
        %dma_start3A_131 = arith.constant 0 : i32
        %dma_start3A_132 = tpu.memref_slice %arg11[%dma_start3A_130, %dma_start3A_131] : memref<50048x32xf32, #tpu.memory_space<vmem_shared>> -> memref<50048x32xf32, #tpu.memory_space<vmem_shared>>
        tpu.enqueue_indirect_dma source(%dma_start3A_126 : memref<128x32xf32, #tpu.memory_space<vmem>>) target(%dma_start3A_132 : memref<50048x32xf32, #tpu.memory_space<vmem_shared>>) offsets(%dma_start3A_129 : memref<128xi32, #tpu.memory_space<vmem>>) semaphore(%arg13 : memref<!tpu.dma_semaphore, #tpu.memory_space<semaphore_mem>>) {add = true}
        %dma_start3A_133 = arith.constant 1 : i32
        %dma_start3A_134 = arith.constant 128 : i32
        %dma_start3A_135 = arith.constant 0 : i32
        %dma_start3A_136 = tpu.memref_slice %arg10[%dma_start3A_134, %dma_start3A_135] : memref<512x32xf32, #tpu.memory_space<vmem>> -> memref<128x32xf32, #tpu.memory_space<vmem>>
        %dma_start3A_137 = arith.constant 0 : i32
        %dma_start3A_138 = tpu.memref_slice %arg9[%dma_start3A_133, %dma_start3A_137] : memref<4x128xi32, #tpu.memory_space<vmem>> -> memref<1x128xi32, #tpu.memory_space<vmem>>
        %dma_start3A_139 = tpu.memref_squeeze %dma_start3A_138 : memref<1x128xi32, #tpu.memory_space<vmem>> -> memref<128xi32, #tpu.memory_space<vmem>>
        %dma_start3A_140 = arith.constant 0 : i32
        %dma_start3A_141 = arith.constant 0 : i32
        %dma_start3A_142 = tpu.memref_slice %arg11[%dma_start3A_140, %dma_start3A_141] : memref<50048x32xf32, #tpu.memory_space<vmem_shared>> -> memref<50048x32xf32, #tpu.memory_space<vmem_shared>>
        tpu.enqueue_indirect_dma source(%dma_start3A_136 : memref<128x32xf32, #tpu.memory_space<vmem>>) target(%dma_start3A_142 : memref<50048x32xf32, #tpu.memory_space<vmem_shared>>) offsets(%dma_start3A_139 : memref<128xi32, #tpu.memory_space<vmem>>) semaphore(%arg13 : memref<!tpu.dma_semaphore, #tpu.memory_space<semaphore_mem>>) {add = true}
        %dma_start3A_143 = arith.constant 2 : i32
        %dma_start3A_144 = arith.constant 256 : i32
        %dma_start3A_145 = arith.constant 0 : i32
        %dma_start3A_146 = tpu.memref_slice %arg10[%dma_start3A_144, %dma_start3A_145] : memref<512x32xf32, #tpu.memory_space<vmem>> -> memref<128x32xf32, #tpu.memory_space<vmem>>
        %dma_start3A_147 = arith.constant 0 : i32
        %dma_start3A_148 = tpu.memref_slice %arg9[%dma_start3A_143, %dma_start3A_147] : memref<4x128xi32, #tpu.memory_space<vmem>> -> memref<1x128xi32, #tpu.memory_space<vmem>>
        %dma_start3A_149 = tpu.memref_squeeze %dma_start3A_148 : memref<1x128xi32, #tpu.memory_space<vmem>> -> memref<128xi32, #tpu.memory_space<vmem>>
        %dma_start3A_150 = arith.constant 0 : i32
        %dma_start3A_151 = arith.constant 0 : i32
        %dma_start3A_152 = tpu.memref_slice %arg11[%dma_start3A_150, %dma_start3A_151] : memref<50048x32xf32, #tpu.memory_space<vmem_shared>> -> memref<50048x32xf32, #tpu.memory_space<vmem_shared>>
        tpu.enqueue_indirect_dma source(%dma_start3A_146 : memref<128x32xf32, #tpu.memory_space<vmem>>) target(%dma_start3A_152 : memref<50048x32xf32, #tpu.memory_space<vmem_shared>>) offsets(%dma_start3A_149 : memref<128xi32, #tpu.memory_space<vmem>>) semaphore(%arg13 : memref<!tpu.dma_semaphore, #tpu.memory_space<semaphore_mem>>) {add = true}
        %dma_start3A_153 = arith.constant 3 : i32
        %dma_start3A_154 = arith.constant 384 : i32
        %dma_start3A_155 = arith.constant 0 : i32
        %dma_start3A_156 = tpu.memref_slice %arg10[%dma_start3A_154, %dma_start3A_155] : memref<512x32xf32, #tpu.memory_space<vmem>> -> memref<128x32xf32, #tpu.memory_space<vmem>>
        %dma_start3A_157 = arith.constant 0 : i32
        %dma_start3A_158 = tpu.memref_slice %arg9[%dma_start3A_153, %dma_start3A_157] : memref<4x128xi32, #tpu.memory_space<vmem>> -> memref<1x128xi32, #tpu.memory_space<vmem>>
        %dma_start3A_159 = tpu.memref_squeeze %dma_start3A_158 : memref<1x128xi32, #tpu.memory_space<vmem>> -> memref<128xi32, #tpu.memory_space<vmem>>
        %dma_start3A_160 = arith.constant 0 : i32
        %dma_start3A_161 = arith.constant 0 : i32
        %dma_start3A_162 = tpu.memref_slice %arg11[%dma_start3A_160, %dma_start3A_161] : memref<50048x32xf32, #tpu.memory_space<vmem_shared>> -> memref<50048x32xf32, #tpu.memory_space<vmem_shared>>
        tpu.enqueue_indirect_dma source(%dma_start3A_156 : memref<128x32xf32, #tpu.memory_space<vmem>>) target(%dma_start3A_162 : memref<50048x32xf32, #tpu.memory_space<vmem_shared>>) offsets(%dma_start3A_159 : memref<128xi32, #tpu.memory_space<vmem>>) semaphore(%arg13 : memref<!tpu.dma_semaphore, #tpu.memory_space<semaphore_mem>>) {add = true}
        %dma_wait3A_163 = arith.constant 0 : i32
        %dma_wait3A_164 = arith.constant 0 : i32
        %dma_wait3A_165 = arith.constant 0 : i32
        %dma_wait3A_166 = tpu.memref_slice %arg10[%dma_wait3A_164, %dma_wait3A_165] : memref<512x32xf32, #tpu.memory_space<vmem>> -> memref<128x32xf32, #tpu.memory_space<vmem>>
        %dma_wait3A_167 = arith.constant 0 : i32
        %dma_wait3A_168 = tpu.memref_slice %arg9[%dma_wait3A_163, %dma_wait3A_167] : memref<4x128xi32, #tpu.memory_space<vmem>> -> memref<1x128xi32, #tpu.memory_space<vmem>>
        %dma_wait3A_169 = tpu.memref_squeeze %dma_wait3A_168 : memref<1x128xi32, #tpu.memory_space<vmem>> -> memref<128xi32, #tpu.memory_space<vmem>>
        %dma_wait3A_170 = arith.constant 0 : i32
        %dma_wait3A_171 = arith.constant 0 : i32
        %dma_wait3A_172 = tpu.memref_slice %arg11[%dma_wait3A_170, %dma_wait3A_171] : memref<50048x32xf32, #tpu.memory_space<vmem_shared>> -> memref<50048x32xf32, #tpu.memory_space<vmem_shared>>
        tpu.wait_indirect_dma semaphore(%arg13 : memref<!tpu.dma_semaphore, #tpu.memory_space<semaphore_mem>>) src(%dma_wait3A_166 : memref<128x32xf32, #tpu.memory_space<vmem>>) dst(%dma_wait3A_172 : memref<50048x32xf32, #tpu.memory_space<vmem_shared>>)
        %dma_wait3A_173 = arith.constant 1 : i32
        %dma_wait3A_174 = arith.constant 128 : i32
        %dma_wait3A_175 = arith.constant 0 : i32
        %dma_wait3A_176 = tpu.memref_slice %arg10[%dma_wait3A_174, %dma_wait3A_175] : memref<512x32xf32, #tpu.memory_space<vmem>> -> memref<128x32xf32, #tpu.memory_space<vmem>>
        %dma_wait3A_177 = arith.constant 0 : i32
        %dma_wait3A_178 = tpu.memref_slice %arg9[%dma_wait3A_173, %dma_wait3A_177] : memref<4x128xi32, #tpu.memory_space<vmem>> -> memref<1x128xi32, #tpu.memory_space<vmem>>
        %dma_wait3A_179 = tpu.memref_squeeze %dma_wait3A_178 : memref<1x128xi32, #tpu.memory_space<vmem>> -> memref<128xi32, #tpu.memory_space<vmem>>
        %dma_wait3A_180 = arith.constant 0 : i32
        %dma_wait3A_181 = arith.constant 0 : i32
        %dma_wait3A_182 = tpu.memref_slice %arg11[%dma_wait3A_180, %dma_wait3A_181] : memref<50048x32xf32, #tpu.memory_space<vmem_shared>> -> memref<50048x32xf32, #tpu.memory_space<vmem_shared>>
        tpu.wait_indirect_dma semaphore(%arg13 : memref<!tpu.dma_semaphore, #tpu.memory_space<semaphore_mem>>) src(%dma_wait3A_176 : memref<128x32xf32, #tpu.memory_space<vmem>>) dst(%dma_wait3A_182 : memref<50048x32xf32, #tpu.memory_space<vmem_shared>>)
        %dma_wait3A_183 = arith.constant 2 : i32
        %dma_wait3A_184 = arith.constant 256 : i32
        %dma_wait3A_185 = arith.constant 0 : i32
        %dma_wait3A_186 = tpu.memref_slice %arg10[%dma_wait3A_184, %dma_wait3A_185] : memref<512x32xf32, #tpu.memory_space<vmem>> -> memref<128x32xf32, #tpu.memory_space<vmem>>
        %dma_wait3A_187 = arith.constant 0 : i32
        %dma_wait3A_188 = tpu.memref_slice %arg9[%dma_wait3A_183, %dma_wait3A_187] : memref<4x128xi32, #tpu.memory_space<vmem>> -> memref<1x128xi32, #tpu.memory_space<vmem>>
        %dma_wait3A_189 = tpu.memref_squeeze %dma_wait3A_188 : memref<1x128xi32, #tpu.memory_space<vmem>> -> memref<128xi32, #tpu.memory_space<vmem>>
        %dma_wait3A_190 = arith.constant 0 : i32
        %dma_wait3A_191 = arith.constant 0 : i32
        %dma_wait3A_192 = tpu.memref_slice %arg11[%dma_wait3A_190, %dma_wait3A_191] : memref<50048x32xf32, #tpu.memory_space<vmem_shared>> -> memref<50048x32xf32, #tpu.memory_space<vmem_shared>>
        tpu.wait_indirect_dma semaphore(%arg13 : memref<!tpu.dma_semaphore, #tpu.memory_space<semaphore_mem>>) src(%dma_wait3A_186 : memref<128x32xf32, #tpu.memory_space<vmem>>) dst(%dma_wait3A_192 : memref<50048x32xf32, #tpu.memory_space<vmem_shared>>)
        %dma_wait3A_193 = arith.constant 3 : i32
        %dma_wait3A_194 = arith.constant 384 : i32
        %dma_wait3A_195 = arith.constant 0 : i32
        %dma_wait3A_196 = tpu.memref_slice %arg10[%dma_wait3A_194, %dma_wait3A_195] : memref<512x32xf32, #tpu.memory_space<vmem>> -> memref<128x32xf32, #tpu.memory_space<vmem>>
        %dma_wait3A_197 = arith.constant 0 : i32
        %dma_wait3A_198 = tpu.memref_slice %arg9[%dma_wait3A_193, %dma_wait3A_197] : memref<4x128xi32, #tpu.memory_space<vmem>> -> memref<1x128xi32, #tpu.memory_space<vmem>>
        %dma_wait3A_199 = tpu.memref_squeeze %dma_wait3A_198 : memref<1x128xi32, #tpu.memory_space<vmem>> -> memref<128xi32, #tpu.memory_space<vmem>>
        %dma_wait3A_200 = arith.constant 0 : i32
        %dma_wait3A_201 = arith.constant 0 : i32
        %dma_wait3A_202 = tpu.memref_slice %arg11[%dma_wait3A_200, %dma_wait3A_201] : memref<50048x32xf32, #tpu.memory_space<vmem_shared>> -> memref<50048x32xf32, #tpu.memory_space<vmem_shared>>
        tpu.wait_indirect_dma semaphore(%arg13 : memref<!tpu.dma_semaphore, #tpu.memory_space<semaphore_mem>>) src(%dma_wait3A_196 : memref<128x32xf32, #tpu.memory_space<vmem>>) dst(%dma_wait3A_202 : memref<50048x32xf32, #tpu.memory_space<vmem_shared>>)
      }
      %scan3A_26 = arith.constant 104 : i32
      %barrier3A_27 = arith.constant 0 : index
      tpu.barrier barrier_id(%barrier3A_27)
      %mul3A_28 = arith.constant 3128 : i32
      %mul3A_29 = arith.muli %arg1, %mul3A_28 : i32
      %lt3A = arith.constant 15 : i32
      %lt3A_30 = arith.cmpi slt, %arg1, %lt3A : i32
      %convert_element_type3A_31 = arith.extui %lt3A_30 : i1 to i32
      %cond3A_32 = arith.constant 0 : i32
      %cond3A_33 = arith.cmpi ne, %convert_element_type3A_31, %cond3A_32 : i32
      scf.if %cond3A_33 {
        "tpu.region"() ({
          %run_scoped3A = tpu.sem_alloc : memref<!tpu.dma_semaphore, #tpu.memory_space<semaphore_mem>>
          %dma_start3A = arith.constant 0 : i32
          %dma_start3A_39 = tpu.memref_slice %arg6[%mul3A_29, %dma_start3A] : memref<50000x32xf32, #tpu.memory_space<hbm>> -> memref<3128x32xf32, #tpu.memory_space<hbm>>
          %dma_start3A_40 = arith.constant 0 : i32
          %dma_start3A_41 = tpu.memref_slice %arg11[%mul3A_29, %dma_start3A_40] : memref<50048x32xf32, #tpu.memory_space<vmem_shared>> -> memref<3128x32xf32, #tpu.memory_space<vmem_shared>>
          tpu.enqueue_dma source(%dma_start3A_41 : memref<3128x32xf32, #tpu.memory_space<vmem_shared>>) target(%dma_start3A_39 : memref<3128x32xf32, #tpu.memory_space<hbm>>) target_semaphore(%run_scoped3A : memref<!tpu.dma_semaphore, #tpu.memory_space<semaphore_mem>>)
          %dma_wait3A = arith.constant 0 : i32
          %dma_wait3A_42 = tpu.memref_slice %arg6[%mul3A_29, %dma_wait3A] : memref<50000x32xf32, #tpu.memory_space<hbm>> -> memref<3128x32xf32, #tpu.memory_space<hbm>>
          %dma_wait3A_43 = arith.constant 0 : i32
          %dma_wait3A_44 = tpu.memref_slice %arg11[%mul3A_29, %dma_wait3A_43] : memref<50048x32xf32, #tpu.memory_space<vmem_shared>> -> memref<3128x32xf32, #tpu.memory_space<vmem_shared>>
          tpu.wait_dma2 semaphore(%run_scoped3A : memref<!tpu.dma_semaphore, #tpu.memory_space<semaphore_mem>>) src(%dma_wait3A_44 : memref<3128x32xf32, #tpu.memory_space<vmem_shared>>) dst(%dma_wait3A_42 : memref<3128x32xf32, #tpu.memory_space<hbm>>)
          tpu.yield
        }) : () -> ()
      } else {
      }
      %eq3A_34 = arith.constant 15 : i32
      %eq3A_35 = arith.cmpi eq, %arg1, %eq3A_34 : i32
      %convert_element_type3A_36 = arith.extui %eq3A_35 : i1 to i32
      %cond3A_37 = arith.constant 0 : i32
      %cond3A_38 = arith.cmpi ne, %convert_element_type3A_36, %cond3A_37 : i32
      scf.if %cond3A_38 {
        "tpu.region"() ({
          %run_scoped3A = tpu.sem_alloc : memref<!tpu.dma_semaphore, #tpu.memory_space<semaphore_mem>>
          %dma_start3A = arith.constant 46920 : i32
          %dma_start3A_39 = arith.constant 0 : i32
          %dma_start3A_40 = tpu.memref_slice %arg6[%dma_start3A, %dma_start3A_39] : memref<50000x32xf32, #tpu.memory_space<hbm>> -> memref<3080x32xf32, #tpu.memory_space<hbm>>
          %dma_start3A_41 = arith.constant 46920 : i32
          %dma_start3A_42 = arith.constant 0 : i32
          %dma_start3A_43 = tpu.memref_slice %arg11[%dma_start3A_41, %dma_start3A_42] : memref<50048x32xf32, #tpu.memory_space<vmem_shared>> -> memref<3080x32xf32, #tpu.memory_space<vmem_shared>>
          tpu.enqueue_dma source(%dma_start3A_43 : memref<3080x32xf32, #tpu.memory_space<vmem_shared>>) target(%dma_start3A_40 : memref<3080x32xf32, #tpu.memory_space<hbm>>) target_semaphore(%run_scoped3A : memref<!tpu.dma_semaphore, #tpu.memory_space<semaphore_mem>>)
          %dma_wait3A = arith.constant 46920 : i32
          %dma_wait3A_44 = arith.constant 0 : i32
          %dma_wait3A_45 = tpu.memref_slice %arg6[%dma_wait3A, %dma_wait3A_44] : memref<50000x32xf32, #tpu.memory_space<hbm>> -> memref<3080x32xf32, #tpu.memory_space<hbm>>
          %dma_wait3A_46 = arith.constant 46920 : i32
          %dma_wait3A_47 = arith.constant 0 : i32
          %dma_wait3A_48 = tpu.memref_slice %arg11[%dma_wait3A_46, %dma_wait3A_47] : memref<50048x32xf32, #tpu.memory_space<vmem_shared>> -> memref<3080x32xf32, #tpu.memory_space<vmem_shared>>
          tpu.wait_dma2 semaphore(%run_scoped3A : memref<!tpu.dma_semaphore, #tpu.memory_space<semaphore_mem>>) src(%dma_wait3A_48 : memref<3080x32xf32, #tpu.memory_space<vmem_shared>>) dst(%dma_wait3A_45 : memref<3080x32xf32, #tpu.memory_space<hbm>>)
          tpu.yield
        }) : () -> ()
      } else {
      }
    } else {
    }
    %eq3A_16 = arith.constant 1 : i32
    %eq3A_17 = arith.cmpi eq, %arg0, %eq3A_16 : i32
    %convert_element_type3A_18 = arith.extui %eq3A_17 : i1 to i32
    %cond3A_19 = arith.constant 0 : i32
    %cond3A_20 = arith.cmpi ne, %convert_element_type3A_18, %cond3A_19 : i32
    scf.if %cond3A_20 {
      %scan3A_21 = arith.constant 0 : i32
      %scan3A_22 = arith.constant 0 : i32
      %scan3A_23 = arith.constant 104 : i32
      %scan3A_24 = arith.addi %scan3A_22, %scan3A_23 : i32
      %scan3A_25 = arith.constant 1 : i32
      scf.for %scan3A_39 = %scan3A_22 to %scan3A_24 step %scan3A_25  : i32 {
        %mul3A_40 = arith.constant 416 : i32
        %mul3A_41 = arith.muli %arg1, %mul3A_40 : i32
        %mul3A_42 = arith.constant 4 : i32
        %mul3A_43 = arith.muli %scan3A_39, %mul3A_42 : i32
        %add3A_44 = arith.addi %mul3A_41, %mul3A_43 : i32
        "tpu.region"() ({
          %run_scoped3A = tpu.sem_alloc : memref<!tpu.dma_semaphore, #tpu.memory_space<semaphore_mem>>
          %dma_start3A_203 = arith.constant 0 : i32
          %dma_start3A_204 = tpu.memref_slice %arg2[%add3A_44, %dma_start3A_203] : memref<6656x128xi32, #tpu.memory_space<hbm>> -> memref<4x128xi32, #tpu.memory_space<hbm>>
          %dma_start3A_205 = arith.constant 0 : i32
          %dma_start3A_206 = tpu.memref_slice %arg2[%add3A_44, %dma_start3A_205] : memref<6656x128xi32, #tpu.memory_space<hbm>> -> memref<4x128xi32, #tpu.memory_space<hbm>>
          tpu.enqueue_dma source(%dma_start3A_206 : memref<4x128xi32, #tpu.memory_space<hbm>>) target(%arg8 : memref<4x128xi32, #tpu.memory_space<vmem>>) target_semaphore(%run_scoped3A : memref<!tpu.dma_semaphore, #tpu.memory_space<semaphore_mem>>)
          %dma_wait3A_207 = arith.constant 0 : i32
          %dma_wait3A_208 = tpu.memref_slice %arg2[%add3A_44, %dma_wait3A_207] : memref<6656x128xi32, #tpu.memory_space<hbm>> -> memref<4x128xi32, #tpu.memory_space<hbm>>
          %dma_wait3A_209 = arith.constant 0 : i32
          %dma_wait3A_210 = tpu.memref_slice %arg2[%add3A_44, %dma_wait3A_209] : memref<6656x128xi32, #tpu.memory_space<hbm>> -> memref<4x128xi32, #tpu.memory_space<hbm>>
          tpu.wait_dma2 semaphore(%run_scoped3A : memref<!tpu.dma_semaphore, #tpu.memory_space<semaphore_mem>>) src(%dma_wait3A_210 : memref<4x128xi32, #tpu.memory_space<hbm>>) dst(%arg8 : memref<4x128xi32, #tpu.memory_space<vmem>>)
          tpu.yield
        }) : () -> ()
        "tpu.region"() ({
          %run_scoped3A = tpu.sem_alloc : memref<!tpu.dma_semaphore, #tpu.memory_space<semaphore_mem>>
          %dma_start3A_203 = arith.constant 0 : i32
          %dma_start3A_204 = tpu.memref_slice %arg3[%add3A_44, %dma_start3A_203] : memref<6656x128xi32, #tpu.memory_space<hbm>> -> memref<4x128xi32, #tpu.memory_space<hbm>>
          %dma_start3A_205 = arith.constant 0 : i32
          %dma_start3A_206 = tpu.memref_slice %arg3[%add3A_44, %dma_start3A_205] : memref<6656x128xi32, #tpu.memory_space<hbm>> -> memref<4x128xi32, #tpu.memory_space<hbm>>
          tpu.enqueue_dma source(%dma_start3A_206 : memref<4x128xi32, #tpu.memory_space<hbm>>) target(%arg9 : memref<4x128xi32, #tpu.memory_space<vmem>>) target_semaphore(%run_scoped3A : memref<!tpu.dma_semaphore, #tpu.memory_space<semaphore_mem>>)
          %dma_wait3A_207 = arith.constant 0 : i32
          %dma_wait3A_208 = tpu.memref_slice %arg3[%add3A_44, %dma_wait3A_207] : memref<6656x128xi32, #tpu.memory_space<hbm>> -> memref<4x128xi32, #tpu.memory_space<hbm>>
          %dma_wait3A_209 = arith.constant 0 : i32
          %dma_wait3A_210 = tpu.memref_slice %arg3[%add3A_44, %dma_wait3A_209] : memref<6656x128xi32, #tpu.memory_space<hbm>> -> memref<4x128xi32, #tpu.memory_space<hbm>>
          tpu.wait_dma2 semaphore(%run_scoped3A : memref<!tpu.dma_semaphore, #tpu.memory_space<semaphore_mem>>) src(%dma_wait3A_210 : memref<4x128xi32, #tpu.memory_space<hbm>>) dst(%arg9 : memref<4x128xi32, #tpu.memory_space<vmem>>)
          tpu.yield
        }) : () -> ()
        %dma_start3A = arith.constant 0 : i32
        %dma_start3A_45 = arith.constant 0 : i32
        %dma_start3A_46 = arith.constant 0 : i32
        %dma_start3A_47 = tpu.memref_slice %arg10[%dma_start3A_45, %dma_start3A_46] : memref<512x32xf32, #tpu.memory_space<vmem>> -> memref<128x32xf32, #tpu.memory_space<vmem>>
        %dma_start3A_48 = arith.constant 0 : i32
        %dma_start3A_49 = tpu.memref_slice %arg8[%dma_start3A, %dma_start3A_48] : memref<4x128xi32, #tpu.memory_space<vmem>> -> memref<1x128xi32, #tpu.memory_space<vmem>>
        %dma_start3A_50 = tpu.memref_squeeze %dma_start3A_49 : memref<1x128xi32, #tpu.memory_space<vmem>> -> memref<128xi32, #tpu.memory_space<vmem>>
        %dma_start3A_51 = arith.constant 0 : i32
        %dma_start3A_52 = arith.constant 0 : i32
        %dma_start3A_53 = tpu.memref_slice %arg5[%dma_start3A_51, %dma_start3A_52] : memref<200000x32xf32, #tpu.memory_space<hbm>> -> memref<200000x32xf32, #tpu.memory_space<hbm>>
        tpu.enqueue_indirect_dma source(%dma_start3A_53 : memref<200000x32xf32, #tpu.memory_space<hbm>>) target(%dma_start3A_47 : memref<128x32xf32, #tpu.memory_space<vmem>>) offsets(%dma_start3A_50 : memref<128xi32, #tpu.memory_space<vmem>>) semaphore(%arg12 : memref<!tpu.dma_semaphore, #tpu.memory_space<semaphore_mem>>)
        %dma_start3A_54 = arith.constant 1 : i32
        %dma_start3A_55 = arith.constant 128 : i32
        %dma_start3A_56 = arith.constant 0 : i32
        %dma_start3A_57 = tpu.memref_slice %arg10[%dma_start3A_55, %dma_start3A_56] : memref<512x32xf32, #tpu.memory_space<vmem>> -> memref<128x32xf32, #tpu.memory_space<vmem>>
        %dma_start3A_58 = arith.constant 0 : i32
        %dma_start3A_59 = tpu.memref_slice %arg8[%dma_start3A_54, %dma_start3A_58] : memref<4x128xi32, #tpu.memory_space<vmem>> -> memref<1x128xi32, #tpu.memory_space<vmem>>
        %dma_start3A_60 = tpu.memref_squeeze %dma_start3A_59 : memref<1x128xi32, #tpu.memory_space<vmem>> -> memref<128xi32, #tpu.memory_space<vmem>>
        %dma_start3A_61 = arith.constant 0 : i32
        %dma_start3A_62 = arith.constant 0 : i32
        %dma_start3A_63 = tpu.memref_slice %arg5[%dma_start3A_61, %dma_start3A_62] : memref<200000x32xf32, #tpu.memory_space<hbm>> -> memref<200000x32xf32, #tpu.memory_space<hbm>>
        tpu.enqueue_indirect_dma source(%dma_start3A_63 : memref<200000x32xf32, #tpu.memory_space<hbm>>) target(%dma_start3A_57 : memref<128x32xf32, #tpu.memory_space<vmem>>) offsets(%dma_start3A_60 : memref<128xi32, #tpu.memory_space<vmem>>) semaphore(%arg12 : memref<!tpu.dma_semaphore, #tpu.memory_space<semaphore_mem>>)
        %dma_start3A_64 = arith.constant 2 : i32
        %dma_start3A_65 = arith.constant 256 : i32
        %dma_start3A_66 = arith.constant 0 : i32
        %dma_start3A_67 = tpu.memref_slice %arg10[%dma_start3A_65, %dma_start3A_66] : memref<512x32xf32, #tpu.memory_space<vmem>> -> memref<128x32xf32, #tpu.memory_space<vmem>>
        %dma_start3A_68 = arith.constant 0 : i32
        %dma_start3A_69 = tpu.memref_slice %arg8[%dma_start3A_64, %dma_start3A_68] : memref<4x128xi32, #tpu.memory_space<vmem>> -> memref<1x128xi32, #tpu.memory_space<vmem>>
        %dma_start3A_70 = tpu.memref_squeeze %dma_start3A_69 : memref<1x128xi32, #tpu.memory_space<vmem>> -> memref<128xi32, #tpu.memory_space<vmem>>
        %dma_start3A_71 = arith.constant 0 : i32
        %dma_start3A_72 = arith.constant 0 : i32
        %dma_start3A_73 = tpu.memref_slice %arg5[%dma_start3A_71, %dma_start3A_72] : memref<200000x32xf32, #tpu.memory_space<hbm>> -> memref<200000x32xf32, #tpu.memory_space<hbm>>
        tpu.enqueue_indirect_dma source(%dma_start3A_73 : memref<200000x32xf32, #tpu.memory_space<hbm>>) target(%dma_start3A_67 : memref<128x32xf32, #tpu.memory_space<vmem>>) offsets(%dma_start3A_70 : memref<128xi32, #tpu.memory_space<vmem>>) semaphore(%arg12 : memref<!tpu.dma_semaphore, #tpu.memory_space<semaphore_mem>>)
        %dma_start3A_74 = arith.constant 3 : i32
        %dma_start3A_75 = arith.constant 384 : i32
        %dma_start3A_76 = arith.constant 0 : i32
        %dma_start3A_77 = tpu.memref_slice %arg10[%dma_start3A_75, %dma_start3A_76] : memref<512x32xf32, #tpu.memory_space<vmem>> -> memref<128x32xf32, #tpu.memory_space<vmem>>
        %dma_start3A_78 = arith.constant 0 : i32
        %dma_start3A_79 = tpu.memref_slice %arg8[%dma_start3A_74, %dma_start3A_78] : memref<4x128xi32, #tpu.memory_space<vmem>> -> memref<1x128xi32, #tpu.memory_space<vmem>>
        %dma_start3A_80 = tpu.memref_squeeze %dma_start3A_79 : memref<1x128xi32, #tpu.memory_space<vmem>> -> memref<128xi32, #tpu.memory_space<vmem>>
        %dma_start3A_81 = arith.constant 0 : i32
        %dma_start3A_82 = arith.constant 0 : i32
        %dma_start3A_83 = tpu.memref_slice %arg5[%dma_start3A_81, %dma_start3A_82] : memref<200000x32xf32, #tpu.memory_space<hbm>> -> memref<200000x32xf32, #tpu.memory_space<hbm>>
        tpu.enqueue_indirect_dma source(%dma_start3A_83 : memref<200000x32xf32, #tpu.memory_space<hbm>>) target(%dma_start3A_77 : memref<128x32xf32, #tpu.memory_space<vmem>>) offsets(%dma_start3A_80 : memref<128xi32, #tpu.memory_space<vmem>>) semaphore(%arg12 : memref<!tpu.dma_semaphore, #tpu.memory_space<semaphore_mem>>)
        %dma_wait3A = arith.constant 0 : i32
        %dma_wait3A_84 = arith.constant 0 : i32
        %dma_wait3A_85 = arith.constant 0 : i32
        %dma_wait3A_86 = tpu.memref_slice %arg10[%dma_wait3A_84, %dma_wait3A_85] : memref<512x32xf32, #tpu.memory_space<vmem>> -> memref<128x32xf32, #tpu.memory_space<vmem>>
        %dma_wait3A_87 = arith.constant 0 : i32
        %dma_wait3A_88 = tpu.memref_slice %arg8[%dma_wait3A, %dma_wait3A_87] : memref<4x128xi32, #tpu.memory_space<vmem>> -> memref<1x128xi32, #tpu.memory_space<vmem>>
        %dma_wait3A_89 = tpu.memref_squeeze %dma_wait3A_88 : memref<1x128xi32, #tpu.memory_space<vmem>> -> memref<128xi32, #tpu.memory_space<vmem>>
        %dma_wait3A_90 = arith.constant 0 : i32
        %dma_wait3A_91 = arith.constant 0 : i32
        %dma_wait3A_92 = tpu.memref_slice %arg5[%dma_wait3A_90, %dma_wait3A_91] : memref<200000x32xf32, #tpu.memory_space<hbm>> -> memref<200000x32xf32, #tpu.memory_space<hbm>>
        tpu.wait_indirect_dma semaphore(%arg12 : memref<!tpu.dma_semaphore, #tpu.memory_space<semaphore_mem>>) src(%dma_wait3A_92 : memref<200000x32xf32, #tpu.memory_space<hbm>>) dst(%dma_wait3A_86 : memref<128x32xf32, #tpu.memory_space<vmem>>)
        %dma_wait3A_93 = arith.constant 1 : i32
        %dma_wait3A_94 = arith.constant 128 : i32
        %dma_wait3A_95 = arith.constant 0 : i32
        %dma_wait3A_96 = tpu.memref_slice %arg10[%dma_wait3A_94, %dma_wait3A_95] : memref<512x32xf32, #tpu.memory_space<vmem>> -> memref<128x32xf32, #tpu.memory_space<vmem>>
        %dma_wait3A_97 = arith.constant 0 : i32
        %dma_wait3A_98 = tpu.memref_slice %arg8[%dma_wait3A_93, %dma_wait3A_97] : memref<4x128xi32, #tpu.memory_space<vmem>> -> memref<1x128xi32, #tpu.memory_space<vmem>>
        %dma_wait3A_99 = tpu.memref_squeeze %dma_wait3A_98 : memref<1x128xi32, #tpu.memory_space<vmem>> -> memref<128xi32, #tpu.memory_space<vmem>>
        %dma_wait3A_100 = arith.constant 0 : i32
        %dma_wait3A_101 = arith.constant 0 : i32
        %dma_wait3A_102 = tpu.memref_slice %arg5[%dma_wait3A_100, %dma_wait3A_101] : memref<200000x32xf32, #tpu.memory_space<hbm>> -> memref<200000x32xf32, #tpu.memory_space<hbm>>
        tpu.wait_indirect_dma semaphore(%arg12 : memref<!tpu.dma_semaphore, #tpu.memory_space<semaphore_mem>>) src(%dma_wait3A_102 : memref<200000x32xf32, #tpu.memory_space<hbm>>) dst(%dma_wait3A_96 : memref<128x32xf32, #tpu.memory_space<vmem>>)
        %dma_wait3A_103 = arith.constant 2 : i32
        %dma_wait3A_104 = arith.constant 256 : i32
        %dma_wait3A_105 = arith.constant 0 : i32
        %dma_wait3A_106 = tpu.memref_slice %arg10[%dma_wait3A_104, %dma_wait3A_105] : memref<512x32xf32, #tpu.memory_space<vmem>> -> memref<128x32xf32, #tpu.memory_space<vmem>>
        %dma_wait3A_107 = arith.constant 0 : i32
        %dma_wait3A_108 = tpu.memref_slice %arg8[%dma_wait3A_103, %dma_wait3A_107] : memref<4x128xi32, #tpu.memory_space<vmem>> -> memref<1x128xi32, #tpu.memory_space<vmem>>
        %dma_wait3A_109 = tpu.memref_squeeze %dma_wait3A_108 : memref<1x128xi32, #tpu.memory_space<vmem>> -> memref<128xi32, #tpu.memory_space<vmem>>
        %dma_wait3A_110 = arith.constant 0 : i32
        %dma_wait3A_111 = arith.constant 0 : i32
        %dma_wait3A_112 = tpu.memref_slice %arg5[%dma_wait3A_110, %dma_wait3A_111] : memref<200000x32xf32, #tpu.memory_space<hbm>> -> memref<200000x32xf32, #tpu.memory_space<hbm>>
        tpu.wait_indirect_dma semaphore(%arg12 : memref<!tpu.dma_semaphore, #tpu.memory_space<semaphore_mem>>) src(%dma_wait3A_112 : memref<200000x32xf32, #tpu.memory_space<hbm>>) dst(%dma_wait3A_106 : memref<128x32xf32, #tpu.memory_space<vmem>>)
        %dma_wait3A_113 = arith.constant 3 : i32
        %dma_wait3A_114 = arith.constant 384 : i32
        %dma_wait3A_115 = arith.constant 0 : i32
        %dma_wait3A_116 = tpu.memref_slice %arg10[%dma_wait3A_114, %dma_wait3A_115] : memref<512x32xf32, #tpu.memory_space<vmem>> -> memref<128x32xf32, #tpu.memory_space<vmem>>
        %dma_wait3A_117 = arith.constant 0 : i32
        %dma_wait3A_118 = tpu.memref_slice %arg8[%dma_wait3A_113, %dma_wait3A_117] : memref<4x128xi32, #tpu.memory_space<vmem>> -> memref<1x128xi32, #tpu.memory_space<vmem>>
        %dma_wait3A_119 = tpu.memref_squeeze %dma_wait3A_118 : memref<1x128xi32, #tpu.memory_space<vmem>> -> memref<128xi32, #tpu.memory_space<vmem>>
        %dma_wait3A_120 = arith.constant 0 : i32
        %dma_wait3A_121 = arith.constant 0 : i32
        %dma_wait3A_122 = tpu.memref_slice %arg5[%dma_wait3A_120, %dma_wait3A_121] : memref<200000x32xf32, #tpu.memory_space<hbm>> -> memref<200000x32xf32, #tpu.memory_space<hbm>>
        tpu.wait_indirect_dma semaphore(%arg12 : memref<!tpu.dma_semaphore, #tpu.memory_space<semaphore_mem>>) src(%dma_wait3A_122 : memref<200000x32xf32, #tpu.memory_space<hbm>>) dst(%dma_wait3A_116 : memref<128x32xf32, #tpu.memory_space<vmem>>)
        %dma_start3A_123 = arith.constant 0 : i32
        %dma_start3A_124 = arith.constant 0 : i32
        %dma_start3A_125 = arith.constant 0 : i32
        %dma_start3A_126 = tpu.memref_slice %arg10[%dma_start3A_124, %dma_start3A_125] : memref<512x32xf32, #tpu.memory_space<vmem>> -> memref<128x32xf32, #tpu.memory_space<vmem>>
        %dma_start3A_127 = arith.constant 0 : i32
        %dma_start3A_128 = tpu.memref_slice %arg9[%dma_start3A_123, %dma_start3A_127] : memref<4x128xi32, #tpu.memory_space<vmem>> -> memref<1x128xi32, #tpu.memory_space<vmem>>
        %dma_start3A_129 = tpu.memref_squeeze %dma_start3A_128 : memref<1x128xi32, #tpu.memory_space<vmem>> -> memref<128xi32, #tpu.memory_space<vmem>>
        %dma_start3A_130 = arith.constant 0 : i32
        %dma_start3A_131 = arith.constant 0 : i32
        %dma_start3A_132 = tpu.memref_slice %arg11[%dma_start3A_130, %dma_start3A_131] : memref<50048x32xf32, #tpu.memory_space<vmem_shared>> -> memref<50048x32xf32, #tpu.memory_space<vmem_shared>>
        tpu.enqueue_indirect_dma source(%dma_start3A_126 : memref<128x32xf32, #tpu.memory_space<vmem>>) target(%dma_start3A_132 : memref<50048x32xf32, #tpu.memory_space<vmem_shared>>) offsets(%dma_start3A_129 : memref<128xi32, #tpu.memory_space<vmem>>) semaphore(%arg13 : memref<!tpu.dma_semaphore, #tpu.memory_space<semaphore_mem>>) {add = true}
        %dma_start3A_133 = arith.constant 1 : i32
        %dma_start3A_134 = arith.constant 128 : i32
        %dma_start3A_135 = arith.constant 0 : i32
        %dma_start3A_136 = tpu.memref_slice %arg10[%dma_start3A_134, %dma_start3A_135] : memref<512x32xf32, #tpu.memory_space<vmem>> -> memref<128x32xf32, #tpu.memory_space<vmem>>
        %dma_start3A_137 = arith.constant 0 : i32
        %dma_start3A_138 = tpu.memref_slice %arg9[%dma_start3A_133, %dma_start3A_137] : memref<4x128xi32, #tpu.memory_space<vmem>> -> memref<1x128xi32, #tpu.memory_space<vmem>>
        %dma_start3A_139 = tpu.memref_squeeze %dma_start3A_138 : memref<1x128xi32, #tpu.memory_space<vmem>> -> memref<128xi32, #tpu.memory_space<vmem>>
        %dma_start3A_140 = arith.constant 0 : i32
        %dma_start3A_141 = arith.constant 0 : i32
        %dma_start3A_142 = tpu.memref_slice %arg11[%dma_start3A_140, %dma_start3A_141] : memref<50048x32xf32, #tpu.memory_space<vmem_shared>> -> memref<50048x32xf32, #tpu.memory_space<vmem_shared>>
        tpu.enqueue_indirect_dma source(%dma_start3A_136 : memref<128x32xf32, #tpu.memory_space<vmem>>) target(%dma_start3A_142 : memref<50048x32xf32, #tpu.memory_space<vmem_shared>>) offsets(%dma_start3A_139 : memref<128xi32, #tpu.memory_space<vmem>>) semaphore(%arg13 : memref<!tpu.dma_semaphore, #tpu.memory_space<semaphore_mem>>) {add = true}
        %dma_start3A_143 = arith.constant 2 : i32
        %dma_start3A_144 = arith.constant 256 : i32
        %dma_start3A_145 = arith.constant 0 : i32
        %dma_start3A_146 = tpu.memref_slice %arg10[%dma_start3A_144, %dma_start3A_145] : memref<512x32xf32, #tpu.memory_space<vmem>> -> memref<128x32xf32, #tpu.memory_space<vmem>>
        %dma_start3A_147 = arith.constant 0 : i32
        %dma_start3A_148 = tpu.memref_slice %arg9[%dma_start3A_143, %dma_start3A_147] : memref<4x128xi32, #tpu.memory_space<vmem>> -> memref<1x128xi32, #tpu.memory_space<vmem>>
        %dma_start3A_149 = tpu.memref_squeeze %dma_start3A_148 : memref<1x128xi32, #tpu.memory_space<vmem>> -> memref<128xi32, #tpu.memory_space<vmem>>
        %dma_start3A_150 = arith.constant 0 : i32
        %dma_start3A_151 = arith.constant 0 : i32
        %dma_start3A_152 = tpu.memref_slice %arg11[%dma_start3A_150, %dma_start3A_151] : memref<50048x32xf32, #tpu.memory_space<vmem_shared>> -> memref<50048x32xf32, #tpu.memory_space<vmem_shared>>
        tpu.enqueue_indirect_dma source(%dma_start3A_146 : memref<128x32xf32, #tpu.memory_space<vmem>>) target(%dma_start3A_152 : memref<50048x32xf32, #tpu.memory_space<vmem_shared>>) offsets(%dma_start3A_149 : memref<128xi32, #tpu.memory_space<vmem>>) semaphore(%arg13 : memref<!tpu.dma_semaphore, #tpu.memory_space<semaphore_mem>>) {add = true}
        %dma_start3A_153 = arith.constant 3 : i32
        %dma_start3A_154 = arith.constant 384 : i32
        %dma_start3A_155 = arith.constant 0 : i32
        %dma_start3A_156 = tpu.memref_slice %arg10[%dma_start3A_154, %dma_start3A_155] : memref<512x32xf32, #tpu.memory_space<vmem>> -> memref<128x32xf32, #tpu.memory_space<vmem>>
        %dma_start3A_157 = arith.constant 0 : i32
        %dma_start3A_158 = tpu.memref_slice %arg9[%dma_start3A_153, %dma_start3A_157] : memref<4x128xi32, #tpu.memory_space<vmem>> -> memref<1x128xi32, #tpu.memory_space<vmem>>
        %dma_start3A_159 = tpu.memref_squeeze %dma_start3A_158 : memref<1x128xi32, #tpu.memory_space<vmem>> -> memref<128xi32, #tpu.memory_space<vmem>>
        %dma_start3A_160 = arith.constant 0 : i32
        %dma_start3A_161 = arith.constant 0 : i32
        %dma_start3A_162 = tpu.memref_slice %arg11[%dma_start3A_160, %dma_start3A_161] : memref<50048x32xf32, #tpu.memory_space<vmem_shared>> -> memref<50048x32xf32, #tpu.memory_space<vmem_shared>>
        tpu.enqueue_indirect_dma source(%dma_start3A_156 : memref<128x32xf32, #tpu.memory_space<vmem>>) target(%dma_start3A_162 : memref<50048x32xf32, #tpu.memory_space<vmem_shared>>) offsets(%dma_start3A_159 : memref<128xi32, #tpu.memory_space<vmem>>) semaphore(%arg13 : memref<!tpu.dma_semaphore, #tpu.memory_space<semaphore_mem>>) {add = true}
        %dma_wait3A_163 = arith.constant 0 : i32
        %dma_wait3A_164 = arith.constant 0 : i32
        %dma_wait3A_165 = arith.constant 0 : i32
        %dma_wait3A_166 = tpu.memref_slice %arg10[%dma_wait3A_164, %dma_wait3A_165] : memref<512x32xf32, #tpu.memory_space<vmem>> -> memref<128x32xf32, #tpu.memory_space<vmem>>
        %dma_wait3A_167 = arith.constant 0 : i32
        %dma_wait3A_168 = tpu.memref_slice %arg9[%dma_wait3A_163, %dma_wait3A_167] : memref<4x128xi32, #tpu.memory_space<vmem>> -> memref<1x128xi32, #tpu.memory_space<vmem>>
        %dma_wait3A_169 = tpu.memref_squeeze %dma_wait3A_168 : memref<1x128xi32, #tpu.memory_space<vmem>> -> memref<128xi32, #tpu.memory_space<vmem>>
        %dma_wait3A_170 = arith.constant 0 : i32
        %dma_wait3A_171 = arith.constant 0 : i32
        %dma_wait3A_172 = tpu.memref_slice %arg11[%dma_wait3A_170, %dma_wait3A_171] : memref<50048x32xf32, #tpu.memory_space<vmem_shared>> -> memref<50048x32xf32, #tpu.memory_space<vmem_shared>>
        tpu.wait_indirect_dma semaphore(%arg13 : memref<!tpu.dma_semaphore, #tpu.memory_space<semaphore_mem>>) src(%dma_wait3A_166 : memref<128x32xf32, #tpu.memory_space<vmem>>) dst(%dma_wait3A_172 : memref<50048x32xf32, #tpu.memory_space<vmem_shared>>)
        %dma_wait3A_173 = arith.constant 1 : i32
        %dma_wait3A_174 = arith.constant 128 : i32
        %dma_wait3A_175 = arith.constant 0 : i32
        %dma_wait3A_176 = tpu.memref_slice %arg10[%dma_wait3A_174, %dma_wait3A_175] : memref<512x32xf32, #tpu.memory_space<vmem>> -> memref<128x32xf32, #tpu.memory_space<vmem>>
        %dma_wait3A_177 = arith.constant 0 : i32
        %dma_wait3A_178 = tpu.memref_slice %arg9[%dma_wait3A_173, %dma_wait3A_177] : memref<4x128xi32, #tpu.memory_space<vmem>> -> memref<1x128xi32, #tpu.memory_space<vmem>>
        %dma_wait3A_179 = tpu.memref_squeeze %dma_wait3A_178 : memref<1x128xi32, #tpu.memory_space<vmem>> -> memref<128xi32, #tpu.memory_space<vmem>>
        %dma_wait3A_180 = arith.constant 0 : i32
        %dma_wait3A_181 = arith.constant 0 : i32
        %dma_wait3A_182 = tpu.memref_slice %arg11[%dma_wait3A_180, %dma_wait3A_181] : memref<50048x32xf32, #tpu.memory_space<vmem_shared>> -> memref<50048x32xf32, #tpu.memory_space<vmem_shared>>
        tpu.wait_indirect_dma semaphore(%arg13 : memref<!tpu.dma_semaphore, #tpu.memory_space<semaphore_mem>>) src(%dma_wait3A_176 : memref<128x32xf32, #tpu.memory_space<vmem>>) dst(%dma_wait3A_182 : memref<50048x32xf32, #tpu.memory_space<vmem_shared>>)
        %dma_wait3A_183 = arith.constant 2 : i32
        %dma_wait3A_184 = arith.constant 256 : i32
        %dma_wait3A_185 = arith.constant 0 : i32
        %dma_wait3A_186 = tpu.memref_slice %arg10[%dma_wait3A_184, %dma_wait3A_185] : memref<512x32xf32, #tpu.memory_space<vmem>> -> memref<128x32xf32, #tpu.memory_space<vmem>>
        %dma_wait3A_187 = arith.constant 0 : i32
        %dma_wait3A_188 = tpu.memref_slice %arg9[%dma_wait3A_183, %dma_wait3A_187] : memref<4x128xi32, #tpu.memory_space<vmem>> -> memref<1x128xi32, #tpu.memory_space<vmem>>
        %dma_wait3A_189 = tpu.memref_squeeze %dma_wait3A_188 : memref<1x128xi32, #tpu.memory_space<vmem>> -> memref<128xi32, #tpu.memory_space<vmem>>
        %dma_wait3A_190 = arith.constant 0 : i32
        %dma_wait3A_191 = arith.constant 0 : i32
        %dma_wait3A_192 = tpu.memref_slice %arg11[%dma_wait3A_190, %dma_wait3A_191] : memref<50048x32xf32, #tpu.memory_space<vmem_shared>> -> memref<50048x32xf32, #tpu.memory_space<vmem_shared>>
        tpu.wait_indirect_dma semaphore(%arg13 : memref<!tpu.dma_semaphore, #tpu.memory_space<semaphore_mem>>) src(%dma_wait3A_186 : memref<128x32xf32, #tpu.memory_space<vmem>>) dst(%dma_wait3A_192 : memref<50048x32xf32, #tpu.memory_space<vmem_shared>>)
        %dma_wait3A_193 = arith.constant 3 : i32
        %dma_wait3A_194 = arith.constant 384 : i32
        %dma_wait3A_195 = arith.constant 0 : i32
        %dma_wait3A_196 = tpu.memref_slice %arg10[%dma_wait3A_194, %dma_wait3A_195] : memref<512x32xf32, #tpu.memory_space<vmem>> -> memref<128x32xf32, #tpu.memory_space<vmem>>
        %dma_wait3A_197 = arith.constant 0 : i32
        %dma_wait3A_198 = tpu.memref_slice %arg9[%dma_wait3A_193, %dma_wait3A_197] : memref<4x128xi32, #tpu.memory_space<vmem>> -> memref<1x128xi32, #tpu.memory_space<vmem>>
        %dma_wait3A_199 = tpu.memref_squeeze %dma_wait3A_198 : memref<1x128xi32, #tpu.memory_space<vmem>> -> memref<128xi32, #tpu.memory_space<vmem>>
        %dma_wait3A_200 = arith.constant 0 : i32
        %dma_wait3A_201 = arith.constant 0 : i32
        %dma_wait3A_202 = tpu.memref_slice %arg11[%dma_wait3A_200, %dma_wait3A_201] : memref<50048x32xf32, #tpu.memory_space<vmem_shared>> -> memref<50048x32xf32, #tpu.memory_space<vmem_shared>>
        tpu.wait_indirect_dma semaphore(%arg13 : memref<!tpu.dma_semaphore, #tpu.memory_space<semaphore_mem>>) src(%dma_wait3A_196 : memref<128x32xf32, #tpu.memory_space<vmem>>) dst(%dma_wait3A_202 : memref<50048x32xf32, #tpu.memory_space<vmem_shared>>)
      }
      %scan3A_26 = arith.constant 104 : i32
      %barrier3A_27 = arith.constant 0 : index
      tpu.barrier barrier_id(%barrier3A_27)
      %mul3A_28 = arith.constant 3128 : i32
      %mul3A_29 = arith.muli %arg1, %mul3A_28 : i32
      %lt3A = arith.constant 15 : i32
      %lt3A_30 = arith.cmpi slt, %arg1, %lt3A : i32
      %convert_element_type3A_31 = arith.extui %lt3A_30 : i1 to i32
      %cond3A_32 = arith.constant 0 : i32
      %cond3A_33 = arith.cmpi ne, %convert_element_type3A_31, %cond3A_32 : i32
      scf.if %cond3A_33 {
        "tpu.region"() ({
          %run_scoped3A = tpu.sem_alloc : memref<!tpu.dma_semaphore, #tpu.memory_space<semaphore_mem>>
          %dma_start3A = arith.constant 0 : i32
          %dma_start3A_39 = tpu.memref_slice %arg7[%mul3A_29, %dma_start3A] : memref<50000x32xf32, #tpu.memory_space<hbm>> -> memref<3128x32xf32, #tpu.memory_space<hbm>>
          %dma_start3A_40 = arith.constant 0 : i32
          %dma_start3A_41 = tpu.memref_slice %arg11[%mul3A_29, %dma_start3A_40] : memref<50048x32xf32, #tpu.memory_space<vmem_shared>> -> memref<3128x32xf32, #tpu.memory_space<vmem_shared>>
          tpu.enqueue_dma source(%dma_start3A_41 : memref<3128x32xf32, #tpu.memory_space<vmem_shared>>) target(%dma_start3A_39 : memref<3128x32xf32, #tpu.memory_space<hbm>>) target_semaphore(%run_scoped3A : memref<!tpu.dma_semaphore, #tpu.memory_space<semaphore_mem>>)
          %dma_wait3A = arith.constant 0 : i32
          %dma_wait3A_42 = tpu.memref_slice %arg7[%mul3A_29, %dma_wait3A] : memref<50000x32xf32, #tpu.memory_space<hbm>> -> memref<3128x32xf32, #tpu.memory_space<hbm>>
          %dma_wait3A_43 = arith.constant 0 : i32
          %dma_wait3A_44 = tpu.memref_slice %arg11[%mul3A_29, %dma_wait3A_43] : memref<50048x32xf32, #tpu.memory_space<vmem_shared>> -> memref<3128x32xf32, #tpu.memory_space<vmem_shared>>
          tpu.wait_dma2 semaphore(%run_scoped3A : memref<!tpu.dma_semaphore, #tpu.memory_space<semaphore_mem>>) src(%dma_wait3A_44 : memref<3128x32xf32, #tpu.memory_space<vmem_shared>>) dst(%dma_wait3A_42 : memref<3128x32xf32, #tpu.memory_space<hbm>>)
          tpu.yield
        }) : () -> ()
      } else {
      }
      %eq3A_34 = arith.constant 15 : i32
      %eq3A_35 = arith.cmpi eq, %arg1, %eq3A_34 : i32
      %convert_element_type3A_36 = arith.extui %eq3A_35 : i1 to i32
      %cond3A_37 = arith.constant 0 : i32
      %cond3A_38 = arith.cmpi ne, %convert_element_type3A_36, %cond3A_37 : i32
      scf.if %cond3A_38 {
        "tpu.region"() ({
          %run_scoped3A = tpu.sem_alloc : memref<!tpu.dma_semaphore, #tpu.memory_space<semaphore_mem>>
          %dma_start3A = arith.constant 46920 : i32
          %dma_start3A_39 = arith.constant 0 : i32
          %dma_start3A_40 = tpu.memref_slice %arg7[%dma_start3A, %dma_start3A_39] : memref<50000x32xf32, #tpu.memory_space<hbm>> -> memref<3080x32xf32, #tpu.memory_space<hbm>>
          %dma_start3A_41 = arith.constant 46920 : i32
          %dma_start3A_42 = arith.constant 0 : i32
          %dma_start3A_43 = tpu.memref_slice %arg11[%dma_start3A_41, %dma_start3A_42] : memref<50048x32xf32, #tpu.memory_space<vmem_shared>> -> memref<3080x32xf32, #tpu.memory_space<vmem_shared>>
          tpu.enqueue_dma source(%dma_start3A_43 : memref<3080x32xf32, #tpu.memory_space<vmem_shared>>) target(%dma_start3A_40 : memref<3080x32xf32, #tpu.memory_space<hbm>>) target_semaphore(%run_scoped3A : memref<!tpu.dma_semaphore, #tpu.memory_space<semaphore_mem>>)
          %dma_wait3A = arith.constant 46920 : i32
          %dma_wait3A_44 = arith.constant 0 : i32
          %dma_wait3A_45 = tpu.memref_slice %arg7[%dma_wait3A, %dma_wait3A_44] : memref<50000x32xf32, #tpu.memory_space<hbm>> -> memref<3080x32xf32, #tpu.memory_space<hbm>>
          %dma_wait3A_46 = arith.constant 46920 : i32
          %dma_wait3A_47 = arith.constant 0 : i32
          %dma_wait3A_48 = tpu.memref_slice %arg11[%dma_wait3A_46, %dma_wait3A_47] : memref<50048x32xf32, #tpu.memory_space<vmem_shared>> -> memref<3080x32xf32, #tpu.memory_space<vmem_shared>>
          tpu.wait_dma2 semaphore(%run_scoped3A : memref<!tpu.dma_semaphore, #tpu.memory_space<semaphore_mem>>) src(%dma_wait3A_48 : memref<3080x32xf32, #tpu.memory_space<vmem_shared>>) dst(%dma_wait3A_45 : memref<3080x32xf32, #tpu.memory_space<hbm>>)
          tpu.yield
        }) : () -> ()
      } else {
      }
    } else {
    }
    return
  }
}

#map = affine_map<(d0, d1) -> (0, 0)>
module attributes {stable_mosaic.version = 14 : i64} {
  func.func @sc_pass(%arg0: i32, %arg1: i32, %arg2: memref<6656x128xi32, #tpu.memory_space<hbm>>, %arg3: memref<6656x128xi32, #tpu.memory_space<hbm>>, %arg4: memref<200000x32xf32, #tpu.memory_space<hbm>>, %arg5: memref<200000x32xf32, #tpu.memory_space<hbm>>, %arg6: memref<50000x32xf32, #tpu.memory_space<hbm>>, %arg7: memref<50000x32xf32, #tpu.memory_space<hbm>>, %arg8: memref<4x128xi32, #tpu.memory_space<vmem>>, %arg9: memref<4x128xi32, #tpu.memory_space<vmem>>, %arg10: memref<512x32xf32, #tpu.memory_space<vmem>>, %arg11: memref<50048x32xf32, #tpu.memory_space<vmem_shared>>, %arg12: memref<!tpu.dma_semaphore, #tpu.memory_space<semaphore_mem>>, %arg13: memref<!tpu.dma_semaphore, #tpu.memory_space<semaphore_mem>>) attributes {dimension_semantics = [#tpu.dimension_semantics<core_parallel>, #tpu.dimension_semantics<subcore_parallel>], iteration_bounds = array<i64: 2, 16>, scalar_prefetch = 0 : i64, scratch_operands = 6 : i64, tpu.core_type = #tpu.core_type<sc_vector_subcore>, window_params = [{transform_indices = #map}, {transform_indices = #map}, {transform_indices = #map}, {transform_indices = #map}, {transform_indices = #map}, {transform_indices = #map}]} {
    %broadcast_in_dim3A = arith.constant 0.000000e+00 : f32
    %broadcast_in_dim3A_0 = vector.broadcast %broadcast_in_dim3A : f32 to vector<16xf32>
    %scan3A = arith.constant 0 : i32
    %scan3A_1 = arith.constant 0 : i32
    %scan3A_2 = arith.constant 512 : i32
    %scan3A_3 = arith.addi %scan3A_1, %scan3A_2 : i32
    %scan3A_4 = arith.constant 1 : i32
    scf.for %scan3A_21 = %scan3A_1 to %scan3A_3 step %scan3A_4  : i32 {
      %swap3A = arith.index_cast %scan3A_21 : i32 to index
      %swap3A_22 = arith.constant 0 : index
      %swap3A_23 = tpu.vector_load %arg10[%swap3A, %swap3A_22] {strides = array<i32>} : memref<512x32xf32, #tpu.memory_space<vmem>>, vector<1x16xf32>,
      %swap3A_24 = vector.shape_cast %swap3A_23 : vector<1x16xf32> to vector<16xf32>
      %swap3A_25 = vector.shape_cast %broadcast_in_dim3A_0 : vector<16xf32> to vector<1x16xf32>
      tpu.vector_store %arg10[%swap3A, %swap3A_22], %swap3A_25 {strides = array<i32>} : memref<512x32xf32, #tpu.memory_space<vmem>>, vector<1x16xf32>,
      %swap3A_26 = arith.index_cast %scan3A_21 : i32 to index
      %swap3A_27 = arith.constant 16 : index
      %swap3A_28 = tpu.vector_load %arg10[%swap3A_26, %swap3A_27] {strides = array<i32>} : memref<512x32xf32, #tpu.memory_space<vmem>>, vector<1x16xf32>,
      %swap3A_29 = vector.shape_cast %swap3A_28 : vector<1x16xf32> to vector<16xf32>
      %swap3A_30 = vector.shape_cast %broadcast_in_dim3A_0 : vector<16xf32> to vector<1x16xf32>
      tpu.vector_store %arg10[%swap3A_26, %swap3A_27], %swap3A_30 {strides = array<i32>} : memref<512x32xf32, #tpu.memory_space<vmem>>, vector<1x16xf32>,
    }
    %scan3A_5 = arith.constant 512 : i32
    %mul3A = arith.constant 3128 : i32
    %mul3A_6 = arith.muli %arg1, %mul3A : i32
    %scan3A_7 = arith.constant 0 : i32
    %scan3A_8 = arith.constant 0 : i32
    %scan3A_9 = arith.constant 6 : i32
    %scan3A_10 = arith.addi %scan3A_8, %scan3A_9 : i32
    %scan3A_11 = arith.constant 1 : i32
    scf.for %scan3A_21 = %scan3A_8 to %scan3A_10 step %scan3A_11  : i32 {
      %mul3A_22 = arith.constant 512 : i32
      %mul3A_23 = arith.muli %scan3A_21, %mul3A_22 : i32
      %add3A_24 = arith.addi %mul3A_6, %mul3A_23 : i32
      "tpu.region"() ({
        %run_scoped3A = tpu.sem_alloc : memref<!tpu.dma_semaphore, #tpu.memory_space<semaphore_mem>>
        %dma_start3A = arith.constant 0 : i32
        %dma_start3A_25 = tpu.memref_slice %arg11[%add3A_24, %dma_start3A] : memref<50048x32xf32, #tpu.memory_space<vmem_shared>> -> memref<512x32xf32, #tpu.memory_space<vmem_shared>>
        %dma_start3A_26 = arith.constant 0 : i32
        %dma_start3A_27 = tpu.memref_slice %arg11[%add3A_24, %dma_start3A_26] : memref<50048x32xf32, #tpu.memory_space<vmem_shared>> -> memref<512x32xf32, #tpu.memory_space<vmem_shared>>
        tpu.enqueue_dma source(%arg10 : memref<512x32xf32, #tpu.memory_space<vmem>>) target(%dma_start3A_27 : memref<512x32xf32, #tpu.memory_space<vmem_shared>>) target_semaphore(%run_scoped3A : memref<!tpu.dma_semaphore, #tpu.memory_space<semaphore_mem>>)
        %dma_wait3A = arith.constant 0 : i32
        %dma_wait3A_28 = tpu.memref_slice %arg11[%add3A_24, %dma_wait3A] : memref<50048x32xf32, #tpu.memory_space<vmem_shared>> -> memref<512x32xf32, #tpu.memory_space<vmem_shared>>
        %dma_wait3A_29 = arith.constant 0 : i32
        %dma_wait3A_30 = tpu.memref_slice %arg11[%add3A_24, %dma_wait3A_29] : memref<50048x32xf32, #tpu.memory_space<vmem_shared>> -> memref<512x32xf32, #tpu.memory_space<vmem_shared>>
        tpu.wait_dma2 semaphore(%run_scoped3A : memref<!tpu.dma_semaphore, #tpu.memory_space<semaphore_mem>>) src(%arg10 : memref<512x32xf32, #tpu.memory_space<vmem>>) dst(%dma_wait3A_30 : memref<512x32xf32, #tpu.memory_space<vmem_shared>>)
        tpu.yield
      }) : () -> ()
    }
    %scan3A_12 = arith.constant 6 : i32
    %add3A = arith.constant 3072 : i32
    %add3A_13 = arith.addi %mul3A_6, %add3A : i32
    "tpu.region"() ({
      %run_scoped3A = tpu.sem_alloc : memref<!tpu.dma_semaphore, #tpu.memory_space<semaphore_mem>>
      %dma_start3A = arith.constant 0 : i32
      %dma_start3A_21 = arith.constant 0 : i32
      %dma_start3A_22 = tpu.memref_slice %arg10[%dma_start3A, %dma_start3A_21] : memref<512x32xf32, #tpu.memory_space<vmem>> -> memref<56x32xf32, #tpu.memory_space<vmem>>
      %dma_start3A_23 = arith.constant 0 : i32
      %dma_start3A_24 = tpu.memref_slice %arg11[%add3A_13, %dma_start3A_23] : memref<50048x32xf32, #tpu.memory_space<vmem_shared>> -> memref<56x32xf32, #tpu.memory_space<vmem_shared>>
      %dma_start3A_25 = arith.constant 0 : i32
      %dma_start3A_26 = tpu.memref_slice %arg11[%add3A_13, %dma_start3A_25] : memref<50048x32xf32, #tpu.memory_space<vmem_shared>> -> memref<56x32xf32, #tpu.memory_space<vmem_shared>>
      %dma_start3A_27 = arith.constant 0 : i32
      %dma_start3A_28 = arith.constant 0 : i32
      %dma_start3A_29 = tpu.memref_slice %arg10[%dma_start3A_27, %dma_start3A_28] : memref<512x32xf32, #tpu.memory_space<vmem>> -> memref<56x32xf32, #tpu.memory_space<vmem>>
      tpu.enqueue_dma source(%dma_start3A_29 : memref<56x32xf32, #tpu.memory_space<vmem>>) target(%dma_start3A_26 : memref<56x32xf32, #tpu.memory_space<vmem_shared>>) target_semaphore(%run_scoped3A : memref<!tpu.dma_semaphore, #tpu.memory_space<semaphore_mem>>)
      %dma_wait3A = arith.constant 0 : i32
      %dma_wait3A_30 = arith.constant 0 : i32
      %dma_wait3A_31 = tpu.memref_slice %arg10[%dma_wait3A, %dma_wait3A_30] : memref<512x32xf32, #tpu.memory_space<vmem>> -> memref<56x32xf32, #tpu.memory_space<vmem>>
      %dma_wait3A_32 = arith.constant 0 : i32
      %dma_wait3A_33 = tpu.memref_slice %arg11[%add3A_13, %dma_wait3A_32] : memref<50048x32xf32, #tpu.memory_space<vmem_shared>> -> memref<56x32xf32, #tpu.memory_space<vmem_shared>>
      %dma_wait3A_34 = arith.constant 0 : i32
      %dma_wait3A_35 = tpu.memref_slice %arg11[%add3A_13, %dma_wait3A_34] : memref<50048x32xf32, #tpu.memory_space<vmem_shared>> -> memref<56x32xf32, #tpu.memory_space<vmem_shared>>
      %dma_wait3A_36 = arith.constant 0 : i32
      %dma_wait3A_37 = arith.constant 0 : i32
      %dma_wait3A_38 = tpu.memref_slice %arg10[%dma_wait3A_36, %dma_wait3A_37] : memref<512x32xf32, #tpu.memory_space<vmem>> -> memref<56x32xf32, #tpu.memory_space<vmem>>
      tpu.wait_dma2 semaphore(%run_scoped3A : memref<!tpu.dma_semaphore, #tpu.memory_space<semaphore_mem>>) src(%dma_wait3A_38 : memref<56x32xf32, #tpu.memory_space<vmem>>) dst(%dma_wait3A_35 : memref<56x32xf32, #tpu.memory_space<vmem_shared>>)
      tpu.yield
    }) : () -> ()
    %barrier3A = arith.constant 0 : index
    tpu.barrier barrier_id(%barrier3A)
    %eq3A = arith.constant 0 : i32
    %eq3A_14 = arith.cmpi eq, %arg0, %eq3A : i32
    %convert_element_type3A = arith.extui %eq3A_14 : i1 to i32
    %cond3A = arith.constant 0 : i32
    %cond3A_15 = arith.cmpi ne, %convert_element_type3A, %cond3A : i32
    scf.if %cond3A_15 {
      %scan3A_21 = arith.constant 0 : i32
      %scan3A_22 = arith.constant 0 : i32
      %scan3A_23 = arith.constant 104 : i32
      %scan3A_24 = arith.addi %scan3A_22, %scan3A_23 : i32
      %scan3A_25 = arith.constant 1 : i32
      scf.for %scan3A_39 = %scan3A_22 to %scan3A_24 step %scan3A_25  : i32 {
        %mul3A_40 = arith.constant 416 : i32
        %mul3A_41 = arith.muli %arg1, %mul3A_40 : i32
        %mul3A_42 = arith.constant 4 : i32
        %mul3A_43 = arith.muli %scan3A_39, %mul3A_42 : i32
        %add3A_44 = arith.addi %mul3A_41, %mul3A_43 : i32
        "tpu.region"() ({
          %run_scoped3A = tpu.sem_alloc : memref<!tpu.dma_semaphore, #tpu.memory_space<semaphore_mem>>
          %dma_start3A_203 = arith.constant 0 : i32
          %dma_start3A_204 = tpu.memref_slice %arg2[%add3A_44, %dma_start3A_203] : memref<6656x128xi32, #tpu.memory_space<hbm>> -> memref<4x128xi32, #tpu.memory_space<hbm>>
          %dma_start3A_205 = arith.constant 0 : i32
          %dma_start3A_206 = tpu.memref_slice %arg2[%add3A_44, %dma_start3A_205] : memref<6656x128xi32, #tpu.memory_space<hbm>> -> memref<4x128xi32, #tpu.memory_space<hbm>>
          tpu.enqueue_dma source(%dma_start3A_206 : memref<4x128xi32, #tpu.memory_space<hbm>>) target(%arg8 : memref<4x128xi32, #tpu.memory_space<vmem>>) target_semaphore(%run_scoped3A : memref<!tpu.dma_semaphore, #tpu.memory_space<semaphore_mem>>)
          %dma_wait3A_207 = arith.constant 0 : i32
          %dma_wait3A_208 = tpu.memref_slice %arg2[%add3A_44, %dma_wait3A_207] : memref<6656x128xi32, #tpu.memory_space<hbm>> -> memref<4x128xi32, #tpu.memory_space<hbm>>
          %dma_wait3A_209 = arith.constant 0 : i32
          %dma_wait3A_210 = tpu.memref_slice %arg2[%add3A_44, %dma_wait3A_209] : memref<6656x128xi32, #tpu.memory_space<hbm>> -> memref<4x128xi32, #tpu.memory_space<hbm>>
          tpu.wait_dma2 semaphore(%run_scoped3A : memref<!tpu.dma_semaphore, #tpu.memory_space<semaphore_mem>>) src(%dma_wait3A_210 : memref<4x128xi32, #tpu.memory_space<hbm>>) dst(%arg8 : memref<4x128xi32, #tpu.memory_space<vmem>>)
          tpu.yield
        }) : () -> ()
        "tpu.region"() ({
          %run_scoped3A = tpu.sem_alloc : memref<!tpu.dma_semaphore, #tpu.memory_space<semaphore_mem>>
          %dma_start3A_203 = arith.constant 0 : i32
          %dma_start3A_204 = tpu.memref_slice %arg3[%add3A_44, %dma_start3A_203] : memref<6656x128xi32, #tpu.memory_space<hbm>> -> memref<4x128xi32, #tpu.memory_space<hbm>>
          %dma_start3A_205 = arith.constant 0 : i32
          %dma_start3A_206 = tpu.memref_slice %arg3[%add3A_44, %dma_start3A_205] : memref<6656x128xi32, #tpu.memory_space<hbm>> -> memref<4x128xi32, #tpu.memory_space<hbm>>
          tpu.enqueue_dma source(%dma_start3A_206 : memref<4x128xi32, #tpu.memory_space<hbm>>) target(%arg9 : memref<4x128xi32, #tpu.memory_space<vmem>>) target_semaphore(%run_scoped3A : memref<!tpu.dma_semaphore, #tpu.memory_space<semaphore_mem>>)
          %dma_wait3A_207 = arith.constant 0 : i32
          %dma_wait3A_208 = tpu.memref_slice %arg3[%add3A_44, %dma_wait3A_207] : memref<6656x128xi32, #tpu.memory_space<hbm>> -> memref<4x128xi32, #tpu.memory_space<hbm>>
          %dma_wait3A_209 = arith.constant 0 : i32
          %dma_wait3A_210 = tpu.memref_slice %arg3[%add3A_44, %dma_wait3A_209] : memref<6656x128xi32, #tpu.memory_space<hbm>> -> memref<4x128xi32, #tpu.memory_space<hbm>>
          tpu.wait_dma2 semaphore(%run_scoped3A : memref<!tpu.dma_semaphore, #tpu.memory_space<semaphore_mem>>) src(%dma_wait3A_210 : memref<4x128xi32, #tpu.memory_space<hbm>>) dst(%arg9 : memref<4x128xi32, #tpu.memory_space<vmem>>)
          tpu.yield
        }) : () -> ()
        %dma_start3A = arith.constant 0 : i32
        %dma_start3A_45 = arith.constant 0 : i32
        %dma_start3A_46 = arith.constant 0 : i32
        %dma_start3A_47 = tpu.memref_slice %arg10[%dma_start3A_45, %dma_start3A_46] : memref<512x32xf32, #tpu.memory_space<vmem>> -> memref<128x32xf32, #tpu.memory_space<vmem>>
        %dma_start3A_48 = arith.constant 0 : i32
        %dma_start3A_49 = tpu.memref_slice %arg8[%dma_start3A, %dma_start3A_48] : memref<4x128xi32, #tpu.memory_space<vmem>> -> memref<1x128xi32, #tpu.memory_space<vmem>>
        %dma_start3A_50 = tpu.memref_squeeze %dma_start3A_49 : memref<1x128xi32, #tpu.memory_space<vmem>> -> memref<128xi32, #tpu.memory_space<vmem>>
        %dma_start3A_51 = arith.constant 0 : i32
        %dma_start3A_52 = arith.constant 0 : i32
        %dma_start3A_53 = tpu.memref_slice %arg4[%dma_start3A_51, %dma_start3A_52] : memref<200000x32xf32, #tpu.memory_space<hbm>> -> memref<200000x32xf32, #tpu.memory_space<hbm>>
        tpu.enqueue_indirect_dma source(%dma_start3A_53 : memref<200000x32xf32, #tpu.memory_space<hbm>>) target(%dma_start3A_47 : memref<128x32xf32, #tpu.memory_space<vmem>>) offsets(%dma_start3A_50 : memref<128xi32, #tpu.memory_space<vmem>>) semaphore(%arg12 : memref<!tpu.dma_semaphore, #tpu.memory_space<semaphore_mem>>)
        %dma_start3A_54 = arith.constant 1 : i32
        %dma_start3A_55 = arith.constant 128 : i32
        %dma_start3A_56 = arith.constant 0 : i32
        %dma_start3A_57 = tpu.memref_slice %arg10[%dma_start3A_55, %dma_start3A_56] : memref<512x32xf32, #tpu.memory_space<vmem>> -> memref<128x32xf32, #tpu.memory_space<vmem>>
        %dma_start3A_58 = arith.constant 0 : i32
        %dma_start3A_59 = tpu.memref_slice %arg8[%dma_start3A_54, %dma_start3A_58] : memref<4x128xi32, #tpu.memory_space<vmem>> -> memref<1x128xi32, #tpu.memory_space<vmem>>
        %dma_start3A_60 = tpu.memref_squeeze %dma_start3A_59 : memref<1x128xi32, #tpu.memory_space<vmem>> -> memref<128xi32, #tpu.memory_space<vmem>>
        %dma_start3A_61 = arith.constant 0 : i32
        %dma_start3A_62 = arith.constant 0 : i32
        %dma_start3A_63 = tpu.memref_slice %arg4[%dma_start3A_61, %dma_start3A_62] : memref<200000x32xf32, #tpu.memory_space<hbm>> -> memref<200000x32xf32, #tpu.memory_space<hbm>>
        tpu.enqueue_indirect_dma source(%dma_start3A_63 : memref<200000x32xf32, #tpu.memory_space<hbm>>) target(%dma_start3A_57 : memref<128x32xf32, #tpu.memory_space<vmem>>) offsets(%dma_start3A_60 : memref<128xi32, #tpu.memory_space<vmem>>) semaphore(%arg12 : memref<!tpu.dma_semaphore, #tpu.memory_space<semaphore_mem>>)
        %dma_start3A_64 = arith.constant 2 : i32
        %dma_start3A_65 = arith.constant 256 : i32
        %dma_start3A_66 = arith.constant 0 : i32
        %dma_start3A_67 = tpu.memref_slice %arg10[%dma_start3A_65, %dma_start3A_66] : memref<512x32xf32, #tpu.memory_space<vmem>> -> memref<128x32xf32, #tpu.memory_space<vmem>>
        %dma_start3A_68 = arith.constant 0 : i32
        %dma_start3A_69 = tpu.memref_slice %arg8[%dma_start3A_64, %dma_start3A_68] : memref<4x128xi32, #tpu.memory_space<vmem>> -> memref<1x128xi32, #tpu.memory_space<vmem>>
        %dma_start3A_70 = tpu.memref_squeeze %dma_start3A_69 : memref<1x128xi32, #tpu.memory_space<vmem>> -> memref<128xi32, #tpu.memory_space<vmem>>
        %dma_start3A_71 = arith.constant 0 : i32
        %dma_start3A_72 = arith.constant 0 : i32
        %dma_start3A_73 = tpu.memref_slice %arg4[%dma_start3A_71, %dma_start3A_72] : memref<200000x32xf32, #tpu.memory_space<hbm>> -> memref<200000x32xf32, #tpu.memory_space<hbm>>
        tpu.enqueue_indirect_dma source(%dma_start3A_73 : memref<200000x32xf32, #tpu.memory_space<hbm>>) target(%dma_start3A_67 : memref<128x32xf32, #tpu.memory_space<vmem>>) offsets(%dma_start3A_70 : memref<128xi32, #tpu.memory_space<vmem>>) semaphore(%arg12 : memref<!tpu.dma_semaphore, #tpu.memory_space<semaphore_mem>>)
        %dma_start3A_74 = arith.constant 3 : i32
        %dma_start3A_75 = arith.constant 384 : i32
        %dma_start3A_76 = arith.constant 0 : i32
        %dma_start3A_77 = tpu.memref_slice %arg10[%dma_start3A_75, %dma_start3A_76] : memref<512x32xf32, #tpu.memory_space<vmem>> -> memref<128x32xf32, #tpu.memory_space<vmem>>
        %dma_start3A_78 = arith.constant 0 : i32
        %dma_start3A_79 = tpu.memref_slice %arg8[%dma_start3A_74, %dma_start3A_78] : memref<4x128xi32, #tpu.memory_space<vmem>> -> memref<1x128xi32, #tpu.memory_space<vmem>>
        %dma_start3A_80 = tpu.memref_squeeze %dma_start3A_79 : memref<1x128xi32, #tpu.memory_space<vmem>> -> memref<128xi32, #tpu.memory_space<vmem>>
        %dma_start3A_81 = arith.constant 0 : i32
        %dma_start3A_82 = arith.constant 0 : i32
        %dma_start3A_83 = tpu.memref_slice %arg4[%dma_start3A_81, %dma_start3A_82] : memref<200000x32xf32, #tpu.memory_space<hbm>> -> memref<200000x32xf32, #tpu.memory_space<hbm>>
        tpu.enqueue_indirect_dma source(%dma_start3A_83 : memref<200000x32xf32, #tpu.memory_space<hbm>>) target(%dma_start3A_77 : memref<128x32xf32, #tpu.memory_space<vmem>>) offsets(%dma_start3A_80 : memref<128xi32, #tpu.memory_space<vmem>>) semaphore(%arg12 : memref<!tpu.dma_semaphore, #tpu.memory_space<semaphore_mem>>)
        %dma_wait3A = arith.constant 0 : i32
        %dma_wait3A_84 = arith.constant 0 : i32
        %dma_wait3A_85 = arith.constant 0 : i32
        %dma_wait3A_86 = tpu.memref_slice %arg10[%dma_wait3A_84, %dma_wait3A_85] : memref<512x32xf32, #tpu.memory_space<vmem>> -> memref<128x32xf32, #tpu.memory_space<vmem>>
        %dma_wait3A_87 = arith.constant 0 : i32
        %dma_wait3A_88 = tpu.memref_slice %arg8[%dma_wait3A, %dma_wait3A_87] : memref<4x128xi32, #tpu.memory_space<vmem>> -> memref<1x128xi32, #tpu.memory_space<vmem>>
        %dma_wait3A_89 = tpu.memref_squeeze %dma_wait3A_88 : memref<1x128xi32, #tpu.memory_space<vmem>> -> memref<128xi32, #tpu.memory_space<vmem>>
        %dma_wait3A_90 = arith.constant 0 : i32
        %dma_wait3A_91 = arith.constant 0 : i32
        %dma_wait3A_92 = tpu.memref_slice %arg4[%dma_wait3A_90, %dma_wait3A_91] : memref<200000x32xf32, #tpu.memory_space<hbm>> -> memref<200000x32xf32, #tpu.memory_space<hbm>>
        tpu.wait_indirect_dma semaphore(%arg12 : memref<!tpu.dma_semaphore, #tpu.memory_space<semaphore_mem>>) src(%dma_wait3A_92 : memref<200000x32xf32, #tpu.memory_space<hbm>>) dst(%dma_wait3A_86 : memref<128x32xf32, #tpu.memory_space<vmem>>)
        %dma_wait3A_93 = arith.constant 1 : i32
        %dma_wait3A_94 = arith.constant 128 : i32
        %dma_wait3A_95 = arith.constant 0 : i32
        %dma_wait3A_96 = tpu.memref_slice %arg10[%dma_wait3A_94, %dma_wait3A_95] : memref<512x32xf32, #tpu.memory_space<vmem>> -> memref<128x32xf32, #tpu.memory_space<vmem>>
        %dma_wait3A_97 = arith.constant 0 : i32
        %dma_wait3A_98 = tpu.memref_slice %arg8[%dma_wait3A_93, %dma_wait3A_97] : memref<4x128xi32, #tpu.memory_space<vmem>> -> memref<1x128xi32, #tpu.memory_space<vmem>>
        %dma_wait3A_99 = tpu.memref_squeeze %dma_wait3A_98 : memref<1x128xi32, #tpu.memory_space<vmem>> -> memref<128xi32, #tpu.memory_space<vmem>>
        %dma_wait3A_100 = arith.constant 0 : i32
        %dma_wait3A_101 = arith.constant 0 : i32
        %dma_wait3A_102 = tpu.memref_slice %arg4[%dma_wait3A_100, %dma_wait3A_101] : memref<200000x32xf32, #tpu.memory_space<hbm>> -> memref<200000x32xf32, #tpu.memory_space<hbm>>
        tpu.wait_indirect_dma semaphore(%arg12 : memref<!tpu.dma_semaphore, #tpu.memory_space<semaphore_mem>>) src(%dma_wait3A_102 : memref<200000x32xf32, #tpu.memory_space<hbm>>) dst(%dma_wait3A_96 : memref<128x32xf32, #tpu.memory_space<vmem>>)
        %dma_wait3A_103 = arith.constant 2 : i32
        %dma_wait3A_104 = arith.constant 256 : i32
        %dma_wait3A_105 = arith.constant 0 : i32
        %dma_wait3A_106 = tpu.memref_slice %arg10[%dma_wait3A_104, %dma_wait3A_105] : memref<512x32xf32, #tpu.memory_space<vmem>> -> memref<128x32xf32, #tpu.memory_space<vmem>>
        %dma_wait3A_107 = arith.constant 0 : i32
        %dma_wait3A_108 = tpu.memref_slice %arg8[%dma_wait3A_103, %dma_wait3A_107] : memref<4x128xi32, #tpu.memory_space<vmem>> -> memref<1x128xi32, #tpu.memory_space<vmem>>
        %dma_wait3A_109 = tpu.memref_squeeze %dma_wait3A_108 : memref<1x128xi32, #tpu.memory_space<vmem>> -> memref<128xi32, #tpu.memory_space<vmem>>
        %dma_wait3A_110 = arith.constant 0 : i32
        %dma_wait3A_111 = arith.constant 0 : i32
        %dma_wait3A_112 = tpu.memref_slice %arg4[%dma_wait3A_110, %dma_wait3A_111] : memref<200000x32xf32, #tpu.memory_space<hbm>> -> memref<200000x32xf32, #tpu.memory_space<hbm>>
        tpu.wait_indirect_dma semaphore(%arg12 : memref<!tpu.dma_semaphore, #tpu.memory_space<semaphore_mem>>) src(%dma_wait3A_112 : memref<200000x32xf32, #tpu.memory_space<hbm>>) dst(%dma_wait3A_106 : memref<128x32xf32, #tpu.memory_space<vmem>>)
        %dma_wait3A_113 = arith.constant 3 : i32
        %dma_wait3A_114 = arith.constant 384 : i32
        %dma_wait3A_115 = arith.constant 0 : i32
        %dma_wait3A_116 = tpu.memref_slice %arg10[%dma_wait3A_114, %dma_wait3A_115] : memref<512x32xf32, #tpu.memory_space<vmem>> -> memref<128x32xf32, #tpu.memory_space<vmem>>
        %dma_wait3A_117 = arith.constant 0 : i32
        %dma_wait3A_118 = tpu.memref_slice %arg8[%dma_wait3A_113, %dma_wait3A_117] : memref<4x128xi32, #tpu.memory_space<vmem>> -> memref<1x128xi32, #tpu.memory_space<vmem>>
        %dma_wait3A_119 = tpu.memref_squeeze %dma_wait3A_118 : memref<1x128xi32, #tpu.memory_space<vmem>> -> memref<128xi32, #tpu.memory_space<vmem>>
        %dma_wait3A_120 = arith.constant 0 : i32
        %dma_wait3A_121 = arith.constant 0 : i32
        %dma_wait3A_122 = tpu.memref_slice %arg4[%dma_wait3A_120, %dma_wait3A_121] : memref<200000x32xf32, #tpu.memory_space<hbm>> -> memref<200000x32xf32, #tpu.memory_space<hbm>>
        tpu.wait_indirect_dma semaphore(%arg12 : memref<!tpu.dma_semaphore, #tpu.memory_space<semaphore_mem>>) src(%dma_wait3A_122 : memref<200000x32xf32, #tpu.memory_space<hbm>>) dst(%dma_wait3A_116 : memref<128x32xf32, #tpu.memory_space<vmem>>)
        %dma_start3A_123 = arith.constant 0 : i32
        %dma_start3A_124 = arith.constant 0 : i32
        %dma_start3A_125 = arith.constant 0 : i32
        %dma_start3A_126 = tpu.memref_slice %arg10[%dma_start3A_124, %dma_start3A_125] : memref<512x32xf32, #tpu.memory_space<vmem>> -> memref<128x32xf32, #tpu.memory_space<vmem>>
        %dma_start3A_127 = arith.constant 0 : i32
        %dma_start3A_128 = tpu.memref_slice %arg9[%dma_start3A_123, %dma_start3A_127] : memref<4x128xi32, #tpu.memory_space<vmem>> -> memref<1x128xi32, #tpu.memory_space<vmem>>
        %dma_start3A_129 = tpu.memref_squeeze %dma_start3A_128 : memref<1x128xi32, #tpu.memory_space<vmem>> -> memref<128xi32, #tpu.memory_space<vmem>>
        %dma_start3A_130 = arith.constant 0 : i32
        %dma_start3A_131 = arith.constant 0 : i32
        %dma_start3A_132 = tpu.memref_slice %arg11[%dma_start3A_130, %dma_start3A_131] : memref<50048x32xf32, #tpu.memory_space<vmem_shared>> -> memref<50048x32xf32, #tpu.memory_space<vmem_shared>>
        tpu.enqueue_indirect_dma source(%dma_start3A_126 : memref<128x32xf32, #tpu.memory_space<vmem>>) target(%dma_start3A_132 : memref<50048x32xf32, #tpu.memory_space<vmem_shared>>) offsets(%dma_start3A_129 : memref<128xi32, #tpu.memory_space<vmem>>) semaphore(%arg13 : memref<!tpu.dma_semaphore, #tpu.memory_space<semaphore_mem>>) {add = true}
        %dma_start3A_133 = arith.constant 1 : i32
        %dma_start3A_134 = arith.constant 128 : i32
        %dma_start3A_135 = arith.constant 0 : i32
        %dma_start3A_136 = tpu.memref_slice %arg10[%dma_start3A_134, %dma_start3A_135] : memref<512x32xf32, #tpu.memory_space<vmem>> -> memref<128x32xf32, #tpu.memory_space<vmem>>
        %dma_start3A_137 = arith.constant 0 : i32
        %dma_start3A_138 = tpu.memref_slice %arg9[%dma_start3A_133, %dma_start3A_137] : memref<4x128xi32, #tpu.memory_space<vmem>> -> memref<1x128xi32, #tpu.memory_space<vmem>>
        %dma_start3A_139 = tpu.memref_squeeze %dma_start3A_138 : memref<1x128xi32, #tpu.memory_space<vmem>> -> memref<128xi32, #tpu.memory_space<vmem>>
        %dma_start3A_140 = arith.constant 0 : i32
        %dma_start3A_141 = arith.constant 0 : i32
        %dma_start3A_142 = tpu.memref_slice %arg11[%dma_start3A_140, %dma_start3A_141] : memref<50048x32xf32, #tpu.memory_space<vmem_shared>> -> memref<50048x32xf32, #tpu.memory_space<vmem_shared>>
        tpu.enqueue_indirect_dma source(%dma_start3A_136 : memref<128x32xf32, #tpu.memory_space<vmem>>) target(%dma_start3A_142 : memref<50048x32xf32, #tpu.memory_space<vmem_shared>>) offsets(%dma_start3A_139 : memref<128xi32, #tpu.memory_space<vmem>>) semaphore(%arg13 : memref<!tpu.dma_semaphore, #tpu.memory_space<semaphore_mem>>) {add = true}
        %dma_start3A_143 = arith.constant 2 : i32
        %dma_start3A_144 = arith.constant 256 : i32
        %dma_start3A_145 = arith.constant 0 : i32
        %dma_start3A_146 = tpu.memref_slice %arg10[%dma_start3A_144, %dma_start3A_145] : memref<512x32xf32, #tpu.memory_space<vmem>> -> memref<128x32xf32, #tpu.memory_space<vmem>>
        %dma_start3A_147 = arith.constant 0 : i32
        %dma_start3A_148 = tpu.memref_slice %arg9[%dma_start3A_143, %dma_start3A_147] : memref<4x128xi32, #tpu.memory_space<vmem>> -> memref<1x128xi32, #tpu.memory_space<vmem>>
        %dma_start3A_149 = tpu.memref_squeeze %dma_start3A_148 : memref<1x128xi32, #tpu.memory_space<vmem>> -> memref<128xi32, #tpu.memory_space<vmem>>
        %dma_start3A_150 = arith.constant 0 : i32
        %dma_start3A_151 = arith.constant 0 : i32
        %dma_start3A_152 = tpu.memref_slice %arg11[%dma_start3A_150, %dma_start3A_151] : memref<50048x32xf32, #tpu.memory_space<vmem_shared>> -> memref<50048x32xf32, #tpu.memory_space<vmem_shared>>
        tpu.enqueue_indirect_dma source(%dma_start3A_146 : memref<128x32xf32, #tpu.memory_space<vmem>>) target(%dma_start3A_152 : memref<50048x32xf32, #tpu.memory_space<vmem_shared>>) offsets(%dma_start3A_149 : memref<128xi32, #tpu.memory_space<vmem>>) semaphore(%arg13 : memref<!tpu.dma_semaphore, #tpu.memory_space<semaphore_mem>>) {add = true}
        %dma_start3A_153 = arith.constant 3 : i32
        %dma_start3A_154 = arith.constant 384 : i32
        %dma_start3A_155 = arith.constant 0 : i32
        %dma_start3A_156 = tpu.memref_slice %arg10[%dma_start3A_154, %dma_start3A_155] : memref<512x32xf32, #tpu.memory_space<vmem>> -> memref<128x32xf32, #tpu.memory_space<vmem>>
        %dma_start3A_157 = arith.constant 0 : i32
        %dma_start3A_158 = tpu.memref_slice %arg9[%dma_start3A_153, %dma_start3A_157] : memref<4x128xi32, #tpu.memory_space<vmem>> -> memref<1x128xi32, #tpu.memory_space<vmem>>
        %dma_start3A_159 = tpu.memref_squeeze %dma_start3A_158 : memref<1x128xi32, #tpu.memory_space<vmem>> -> memref<128xi32, #tpu.memory_space<vmem>>
        %dma_start3A_160 = arith.constant 0 : i32
        %dma_start3A_161 = arith.constant 0 : i32
        %dma_start3A_162 = tpu.memref_slice %arg11[%dma_start3A_160, %dma_start3A_161] : memref<50048x32xf32, #tpu.memory_space<vmem_shared>> -> memref<50048x32xf32, #tpu.memory_space<vmem_shared>>
        tpu.enqueue_indirect_dma source(%dma_start3A_156 : memref<128x32xf32, #tpu.memory_space<vmem>>) target(%dma_start3A_162 : memref<50048x32xf32, #tpu.memory_space<vmem_shared>>) offsets(%dma_start3A_159 : memref<128xi32, #tpu.memory_space<vmem>>) semaphore(%arg13 : memref<!tpu.dma_semaphore, #tpu.memory_space<semaphore_mem>>) {add = true}
        %dma_wait3A_163 = arith.constant 0 : i32
        %dma_wait3A_164 = arith.constant 0 : i32
        %dma_wait3A_165 = arith.constant 0 : i32
        %dma_wait3A_166 = tpu.memref_slice %arg10[%dma_wait3A_164, %dma_wait3A_165] : memref<512x32xf32, #tpu.memory_space<vmem>> -> memref<128x32xf32, #tpu.memory_space<vmem>>
        %dma_wait3A_167 = arith.constant 0 : i32
        %dma_wait3A_168 = tpu.memref_slice %arg9[%dma_wait3A_163, %dma_wait3A_167] : memref<4x128xi32, #tpu.memory_space<vmem>> -> memref<1x128xi32, #tpu.memory_space<vmem>>
        %dma_wait3A_169 = tpu.memref_squeeze %dma_wait3A_168 : memref<1x128xi32, #tpu.memory_space<vmem>> -> memref<128xi32, #tpu.memory_space<vmem>>
        %dma_wait3A_170 = arith.constant 0 : i32
        %dma_wait3A_171 = arith.constant 0 : i32
        %dma_wait3A_172 = tpu.memref_slice %arg11[%dma_wait3A_170, %dma_wait3A_171] : memref<50048x32xf32, #tpu.memory_space<vmem_shared>> -> memref<50048x32xf32, #tpu.memory_space<vmem_shared>>
        tpu.wait_indirect_dma semaphore(%arg13 : memref<!tpu.dma_semaphore, #tpu.memory_space<semaphore_mem>>) src(%dma_wait3A_166 : memref<128x32xf32, #tpu.memory_space<vmem>>) dst(%dma_wait3A_172 : memref<50048x32xf32, #tpu.memory_space<vmem_shared>>)
        %dma_wait3A_173 = arith.constant 1 : i32
        %dma_wait3A_174 = arith.constant 128 : i32
        %dma_wait3A_175 = arith.constant 0 : i32
        %dma_wait3A_176 = tpu.memref_slice %arg10[%dma_wait3A_174, %dma_wait3A_175] : memref<512x32xf32, #tpu.memory_space<vmem>> -> memref<128x32xf32, #tpu.memory_space<vmem>>
        %dma_wait3A_177 = arith.constant 0 : i32
        %dma_wait3A_178 = tpu.memref_slice %arg9[%dma_wait3A_173, %dma_wait3A_177] : memref<4x128xi32, #tpu.memory_space<vmem>> -> memref<1x128xi32, #tpu.memory_space<vmem>>
        %dma_wait3A_179 = tpu.memref_squeeze %dma_wait3A_178 : memref<1x128xi32, #tpu.memory_space<vmem>> -> memref<128xi32, #tpu.memory_space<vmem>>
        %dma_wait3A_180 = arith.constant 0 : i32
        %dma_wait3A_181 = arith.constant 0 : i32
        %dma_wait3A_182 = tpu.memref_slice %arg11[%dma_wait3A_180, %dma_wait3A_181] : memref<50048x32xf32, #tpu.memory_space<vmem_shared>> -> memref<50048x32xf32, #tpu.memory_space<vmem_shared>>
        tpu.wait_indirect_dma semaphore(%arg13 : memref<!tpu.dma_semaphore, #tpu.memory_space<semaphore_mem>>) src(%dma_wait3A_176 : memref<128x32xf32, #tpu.memory_space<vmem>>) dst(%dma_wait3A_182 : memref<50048x32xf32, #tpu.memory_space<vmem_shared>>)
        %dma_wait3A_183 = arith.constant 2 : i32
        %dma_wait3A_184 = arith.constant 256 : i32
        %dma_wait3A_185 = arith.constant 0 : i32
        %dma_wait3A_186 = tpu.memref_slice %arg10[%dma_wait3A_184, %dma_wait3A_185] : memref<512x32xf32, #tpu.memory_space<vmem>> -> memref<128x32xf32, #tpu.memory_space<vmem>>
        %dma_wait3A_187 = arith.constant 0 : i32
        %dma_wait3A_188 = tpu.memref_slice %arg9[%dma_wait3A_183, %dma_wait3A_187] : memref<4x128xi32, #tpu.memory_space<vmem>> -> memref<1x128xi32, #tpu.memory_space<vmem>>
        %dma_wait3A_189 = tpu.memref_squeeze %dma_wait3A_188 : memref<1x128xi32, #tpu.memory_space<vmem>> -> memref<128xi32, #tpu.memory_space<vmem>>
        %dma_wait3A_190 = arith.constant 0 : i32
        %dma_wait3A_191 = arith.constant 0 : i32
        %dma_wait3A_192 = tpu.memref_slice %arg11[%dma_wait3A_190, %dma_wait3A_191] : memref<50048x32xf32, #tpu.memory_space<vmem_shared>> -> memref<50048x32xf32, #tpu.memory_space<vmem_shared>>
        tpu.wait_indirect_dma semaphore(%arg13 : memref<!tpu.dma_semaphore, #tpu.memory_space<semaphore_mem>>) src(%dma_wait3A_186 : memref<128x32xf32, #tpu.memory_space<vmem>>) dst(%dma_wait3A_192 : memref<50048x32xf32, #tpu.memory_space<vmem_shared>>)
        %dma_wait3A_193 = arith.constant 3 : i32
        %dma_wait3A_194 = arith.constant 384 : i32
        %dma_wait3A_195 = arith.constant 0 : i32
        %dma_wait3A_196 = tpu.memref_slice %arg10[%dma_wait3A_194, %dma_wait3A_195] : memref<512x32xf32, #tpu.memory_space<vmem>> -> memref<128x32xf32, #tpu.memory_space<vmem>>
        %dma_wait3A_197 = arith.constant 0 : i32
        %dma_wait3A_198 = tpu.memref_slice %arg9[%dma_wait3A_193, %dma_wait3A_197] : memref<4x128xi32, #tpu.memory_space<vmem>> -> memref<1x128xi32, #tpu.memory_space<vmem>>
        %dma_wait3A_199 = tpu.memref_squeeze %dma_wait3A_198 : memref<1x128xi32, #tpu.memory_space<vmem>> -> memref<128xi32, #tpu.memory_space<vmem>>
        %dma_wait3A_200 = arith.constant 0 : i32
        %dma_wait3A_201 = arith.constant 0 : i32
        %dma_wait3A_202 = tpu.memref_slice %arg11[%dma_wait3A_200, %dma_wait3A_201] : memref<50048x32xf32, #tpu.memory_space<vmem_shared>> -> memref<50048x32xf32, #tpu.memory_space<vmem_shared>>
        tpu.wait_indirect_dma semaphore(%arg13 : memref<!tpu.dma_semaphore, #tpu.memory_space<semaphore_mem>>) src(%dma_wait3A_196 : memref<128x32xf32, #tpu.memory_space<vmem>>) dst(%dma_wait3A_202 : memref<50048x32xf32, #tpu.memory_space<vmem_shared>>)
      }
      %scan3A_26 = arith.constant 104 : i32
      %barrier3A_27 = arith.constant 0 : index
      tpu.barrier barrier_id(%barrier3A_27)
      %mul3A_28 = arith.constant 3128 : i32
      %mul3A_29 = arith.muli %arg1, %mul3A_28 : i32
      %lt3A = arith.constant 15 : i32
      %lt3A_30 = arith.cmpi slt, %arg1, %lt3A : i32
      %convert_element_type3A_31 = arith.extui %lt3A_30 : i1 to i32
      %cond3A_32 = arith.constant 0 : i32
      %cond3A_33 = arith.cmpi ne, %convert_element_type3A_31, %cond3A_32 : i32
      scf.if %cond3A_33 {
        "tpu.region"() ({
          %run_scoped3A = tpu.sem_alloc : memref<!tpu.dma_semaphore, #tpu.memory_space<semaphore_mem>>
          %dma_start3A = arith.constant 0 : i32
          %dma_start3A_39 = tpu.memref_slice %arg6[%mul3A_29, %dma_start3A] : memref<50000x32xf32, #tpu.memory_space<hbm>> -> memref<3128x32xf32, #tpu.memory_space<hbm>>
          %dma_start3A_40 = arith.constant 0 : i32
          %dma_start3A_41 = tpu.memref_slice %arg11[%mul3A_29, %dma_start3A_40] : memref<50048x32xf32, #tpu.memory_space<vmem_shared>> -> memref<3128x32xf32, #tpu.memory_space<vmem_shared>>
          tpu.enqueue_dma source(%dma_start3A_41 : memref<3128x32xf32, #tpu.memory_space<vmem_shared>>) target(%dma_start3A_39 : memref<3128x32xf32, #tpu.memory_space<hbm>>) target_semaphore(%run_scoped3A : memref<!tpu.dma_semaphore, #tpu.memory_space<semaphore_mem>>)
          %dma_wait3A = arith.constant 0 : i32
          %dma_wait3A_42 = tpu.memref_slice %arg6[%mul3A_29, %dma_wait3A] : memref<50000x32xf32, #tpu.memory_space<hbm>> -> memref<3128x32xf32, #tpu.memory_space<hbm>>
          %dma_wait3A_43 = arith.constant 0 : i32
          %dma_wait3A_44 = tpu.memref_slice %arg11[%mul3A_29, %dma_wait3A_43] : memref<50048x32xf32, #tpu.memory_space<vmem_shared>> -> memref<3128x32xf32, #tpu.memory_space<vmem_shared>>
          tpu.wait_dma2 semaphore(%run_scoped3A : memref<!tpu.dma_semaphore, #tpu.memory_space<semaphore_mem>>) src(%dma_wait3A_44 : memref<3128x32xf32, #tpu.memory_space<vmem_shared>>) dst(%dma_wait3A_42 : memref<3128x32xf32, #tpu.memory_space<hbm>>)
          tpu.yield
        }) : () -> ()
      } else {
      }
      %eq3A_34 = arith.constant 15 : i32
      %eq3A_35 = arith.cmpi eq, %arg1, %eq3A_34 : i32
      %convert_element_type3A_36 = arith.extui %eq3A_35 : i1 to i32
      %cond3A_37 = arith.constant 0 : i32
      %cond3A_38 = arith.cmpi ne, %convert_element_type3A_36, %cond3A_37 : i32
      scf.if %cond3A_38 {
        "tpu.region"() ({
          %run_scoped3A = tpu.sem_alloc : memref<!tpu.dma_semaphore, #tpu.memory_space<semaphore_mem>>
          %dma_start3A = arith.constant 46920 : i32
          %dma_start3A_39 = arith.constant 0 : i32
          %dma_start3A_40 = tpu.memref_slice %arg6[%dma_start3A, %dma_start3A_39] : memref<50000x32xf32, #tpu.memory_space<hbm>> -> memref<3080x32xf32, #tpu.memory_space<hbm>>
          %dma_start3A_41 = arith.constant 46920 : i32
          %dma_start3A_42 = arith.constant 0 : i32
          %dma_start3A_43 = tpu.memref_slice %arg11[%dma_start3A_41, %dma_start3A_42] : memref<50048x32xf32, #tpu.memory_space<vmem_shared>> -> memref<3080x32xf32, #tpu.memory_space<vmem_shared>>
          tpu.enqueue_dma source(%dma_start3A_43 : memref<3080x32xf32, #tpu.memory_space<vmem_shared>>) target(%dma_start3A_40 : memref<3080x32xf32, #tpu.memory_space<hbm>>) target_semaphore(%run_scoped3A : memref<!tpu.dma_semaphore, #tpu.memory_space<semaphore_mem>>)
          %dma_wait3A = arith.constant 46920 : i32
          %dma_wait3A_44 = arith.constant 0 : i32
          %dma_wait3A_45 = tpu.memref_slice %arg6[%dma_wait3A, %dma_wait3A_44] : memref<50000x32xf32, #tpu.memory_space<hbm>> -> memref<3080x32xf32, #tpu.memory_space<hbm>>
          %dma_wait3A_46 = arith.constant 46920 : i32
          %dma_wait3A_47 = arith.constant 0 : i32
          %dma_wait3A_48 = tpu.memref_slice %arg11[%dma_wait3A_46, %dma_wait3A_47] : memref<50048x32xf32, #tpu.memory_space<vmem_shared>> -> memref<3080x32xf32, #tpu.memory_space<vmem_shared>>
          tpu.wait_dma2 semaphore(%run_scoped3A : memref<!tpu.dma_semaphore, #tpu.memory_space<semaphore_mem>>) src(%dma_wait3A_48 : memref<3080x32xf32, #tpu.memory_space<vmem_shared>>) dst(%dma_wait3A_45 : memref<3080x32xf32, #tpu.memory_space<hbm>>)
          tpu.yield
        }) : () -> ()
      } else {
      }
    } else {
    }
    %eq3A_16 = arith.constant 1 : i32
    %eq3A_17 = arith.cmpi eq, %arg0, %eq3A_16 : i32
    %convert_element_type3A_18 = arith.extui %eq3A_17 : i1 to i32
    %cond3A_19 = arith.constant 0 : i32
    %cond3A_20 = arith.cmpi ne, %convert_element_type3A_18, %cond3A_19 : i32
    scf.if %cond3A_20 {
      %scan3A_21 = arith.constant 0 : i32
      %scan3A_22 = arith.constant 0 : i32
      %scan3A_23 = arith.constant 104 : i32
      %scan3A_24 = arith.addi %scan3A_22, %scan3A_23 : i32
      %scan3A_25 = arith.constant 1 : i32
      scf.for %scan3A_39 = %scan3A_22 to %scan3A_24 step %scan3A_25  : i32 {
        %mul3A_40 = arith.constant 416 : i32
        %mul3A_41 = arith.muli %arg1, %mul3A_40 : i32
        %mul3A_42 = arith.constant 4 : i32
        %mul3A_43 = arith.muli %scan3A_39, %mul3A_42 : i32
        %add3A_44 = arith.addi %mul3A_41, %mul3A_43 : i32
        "tpu.region"() ({
          %run_scoped3A = tpu.sem_alloc : memref<!tpu.dma_semaphore, #tpu.memory_space<semaphore_mem>>
          %dma_start3A_203 = arith.constant 0 : i32
          %dma_start3A_204 = tpu.memref_slice %arg2[%add3A_44, %dma_start3A_203] : memref<6656x128xi32, #tpu.memory_space<hbm>> -> memref<4x128xi32, #tpu.memory_space<hbm>>
          %dma_start3A_205 = arith.constant 0 : i32
          %dma_start3A_206 = tpu.memref_slice %arg2[%add3A_44, %dma_start3A_205] : memref<6656x128xi32, #tpu.memory_space<hbm>> -> memref<4x128xi32, #tpu.memory_space<hbm>>
          tpu.enqueue_dma source(%dma_start3A_206 : memref<4x128xi32, #tpu.memory_space<hbm>>) target(%arg8 : memref<4x128xi32, #tpu.memory_space<vmem>>) target_semaphore(%run_scoped3A : memref<!tpu.dma_semaphore, #tpu.memory_space<semaphore_mem>>)
          %dma_wait3A_207 = arith.constant 0 : i32
          %dma_wait3A_208 = tpu.memref_slice %arg2[%add3A_44, %dma_wait3A_207] : memref<6656x128xi32, #tpu.memory_space<hbm>> -> memref<4x128xi32, #tpu.memory_space<hbm>>
          %dma_wait3A_209 = arith.constant 0 : i32
          %dma_wait3A_210 = tpu.memref_slice %arg2[%add3A_44, %dma_wait3A_209] : memref<6656x128xi32, #tpu.memory_space<hbm>> -> memref<4x128xi32, #tpu.memory_space<hbm>>
          tpu.wait_dma2 semaphore(%run_scoped3A : memref<!tpu.dma_semaphore, #tpu.memory_space<semaphore_mem>>) src(%dma_wait3A_210 : memref<4x128xi32, #tpu.memory_space<hbm>>) dst(%arg8 : memref<4x128xi32, #tpu.memory_space<vmem>>)
          tpu.yield
        }) : () -> ()
        "tpu.region"() ({
          %run_scoped3A = tpu.sem_alloc : memref<!tpu.dma_semaphore, #tpu.memory_space<semaphore_mem>>
          %dma_start3A_203 = arith.constant 0 : i32
          %dma_start3A_204 = tpu.memref_slice %arg3[%add3A_44, %dma_start3A_203] : memref<6656x128xi32, #tpu.memory_space<hbm>> -> memref<4x128xi32, #tpu.memory_space<hbm>>
          %dma_start3A_205 = arith.constant 0 : i32
          %dma_start3A_206 = tpu.memref_slice %arg3[%add3A_44, %dma_start3A_205] : memref<6656x128xi32, #tpu.memory_space<hbm>> -> memref<4x128xi32, #tpu.memory_space<hbm>>
          tpu.enqueue_dma source(%dma_start3A_206 : memref<4x128xi32, #tpu.memory_space<hbm>>) target(%arg9 : memref<4x128xi32, #tpu.memory_space<vmem>>) target_semaphore(%run_scoped3A : memref<!tpu.dma_semaphore, #tpu.memory_space<semaphore_mem>>)
          %dma_wait3A_207 = arith.constant 0 : i32
          %dma_wait3A_208 = tpu.memref_slice %arg3[%add3A_44, %dma_wait3A_207] : memref<6656x128xi32, #tpu.memory_space<hbm>> -> memref<4x128xi32, #tpu.memory_space<hbm>>
          %dma_wait3A_209 = arith.constant 0 : i32
          %dma_wait3A_210 = tpu.memref_slice %arg3[%add3A_44, %dma_wait3A_209] : memref<6656x128xi32, #tpu.memory_space<hbm>> -> memref<4x128xi32, #tpu.memory_space<hbm>>
          tpu.wait_dma2 semaphore(%run_scoped3A : memref<!tpu.dma_semaphore, #tpu.memory_space<semaphore_mem>>) src(%dma_wait3A_210 : memref<4x128xi32, #tpu.memory_space<hbm>>) dst(%arg9 : memref<4x128xi32, #tpu.memory_space<vmem>>)
          tpu.yield
        }) : () -> ()
        %dma_start3A = arith.constant 0 : i32
        %dma_start3A_45 = arith.constant 0 : i32
        %dma_start3A_46 = arith.constant 0 : i32
        %dma_start3A_47 = tpu.memref_slice %arg10[%dma_start3A_45, %dma_start3A_46] : memref<512x32xf32, #tpu.memory_space<vmem>> -> memref<128x32xf32, #tpu.memory_space<vmem>>
        %dma_start3A_48 = arith.constant 0 : i32
        %dma_start3A_49 = tpu.memref_slice %arg8[%dma_start3A, %dma_start3A_48] : memref<4x128xi32, #tpu.memory_space<vmem>> -> memref<1x128xi32, #tpu.memory_space<vmem>>
        %dma_start3A_50 = tpu.memref_squeeze %dma_start3A_49 : memref<1x128xi32, #tpu.memory_space<vmem>> -> memref<128xi32, #tpu.memory_space<vmem>>
        %dma_start3A_51 = arith.constant 0 : i32
        %dma_start3A_52 = arith.constant 0 : i32
        %dma_start3A_53 = tpu.memref_slice %arg5[%dma_start3A_51, %dma_start3A_52] : memref<200000x32xf32, #tpu.memory_space<hbm>> -> memref<200000x32xf32, #tpu.memory_space<hbm>>
        tpu.enqueue_indirect_dma source(%dma_start3A_53 : memref<200000x32xf32, #tpu.memory_space<hbm>>) target(%dma_start3A_47 : memref<128x32xf32, #tpu.memory_space<vmem>>) offsets(%dma_start3A_50 : memref<128xi32, #tpu.memory_space<vmem>>) semaphore(%arg12 : memref<!tpu.dma_semaphore, #tpu.memory_space<semaphore_mem>>)
        %dma_start3A_54 = arith.constant 1 : i32
        %dma_start3A_55 = arith.constant 128 : i32
        %dma_start3A_56 = arith.constant 0 : i32
        %dma_start3A_57 = tpu.memref_slice %arg10[%dma_start3A_55, %dma_start3A_56] : memref<512x32xf32, #tpu.memory_space<vmem>> -> memref<128x32xf32, #tpu.memory_space<vmem>>
        %dma_start3A_58 = arith.constant 0 : i32
        %dma_start3A_59 = tpu.memref_slice %arg8[%dma_start3A_54, %dma_start3A_58] : memref<4x128xi32, #tpu.memory_space<vmem>> -> memref<1x128xi32, #tpu.memory_space<vmem>>
        %dma_start3A_60 = tpu.memref_squeeze %dma_start3A_59 : memref<1x128xi32, #tpu.memory_space<vmem>> -> memref<128xi32, #tpu.memory_space<vmem>>
        %dma_start3A_61 = arith.constant 0 : i32
        %dma_start3A_62 = arith.constant 0 : i32
        %dma_start3A_63 = tpu.memref_slice %arg5[%dma_start3A_61, %dma_start3A_62] : memref<200000x32xf32, #tpu.memory_space<hbm>> -> memref<200000x32xf32, #tpu.memory_space<hbm>>
        tpu.enqueue_indirect_dma source(%dma_start3A_63 : memref<200000x32xf32, #tpu.memory_space<hbm>>) target(%dma_start3A_57 : memref<128x32xf32, #tpu.memory_space<vmem>>) offsets(%dma_start3A_60 : memref<128xi32, #tpu.memory_space<vmem>>) semaphore(%arg12 : memref<!tpu.dma_semaphore, #tpu.memory_space<semaphore_mem>>)
        %dma_start3A_64 = arith.constant 2 : i32
        %dma_start3A_65 = arith.constant 256 : i32
        %dma_start3A_66 = arith.constant 0 : i32
        %dma_start3A_67 = tpu.memref_slice %arg10[%dma_start3A_65, %dma_start3A_66] : memref<512x32xf32, #tpu.memory_space<vmem>> -> memref<128x32xf32, #tpu.memory_space<vmem>>
        %dma_start3A_68 = arith.constant 0 : i32
        %dma_start3A_69 = tpu.memref_slice %arg8[%dma_start3A_64, %dma_start3A_68] : memref<4x128xi32, #tpu.memory_space<vmem>> -> memref<1x128xi32, #tpu.memory_space<vmem>>
        %dma_start3A_70 = tpu.memref_squeeze %dma_start3A_69 : memref<1x128xi32, #tpu.memory_space<vmem>> -> memref<128xi32, #tpu.memory_space<vmem>>
        %dma_start3A_71 = arith.constant 0 : i32
        %dma_start3A_72 = arith.constant 0 : i32
        %dma_start3A_73 = tpu.memref_slice %arg5[%dma_start3A_71, %dma_start3A_72] : memref<200000x32xf32, #tpu.memory_space<hbm>> -> memref<200000x32xf32, #tpu.memory_space<hbm>>
        tpu.enqueue_indirect_dma source(%dma_start3A_73 : memref<200000x32xf32, #tpu.memory_space<hbm>>) target(%dma_start3A_67 : memref<128x32xf32, #tpu.memory_space<vmem>>) offsets(%dma_start3A_70 : memref<128xi32, #tpu.memory_space<vmem>>) semaphore(%arg12 : memref<!tpu.dma_semaphore, #tpu.memory_space<semaphore_mem>>)
        %dma_start3A_74 = arith.constant 3 : i32
        %dma_start3A_75 = arith.constant 384 : i32
        %dma_start3A_76 = arith.constant 0 : i32
        %dma_start3A_77 = tpu.memref_slice %arg10[%dma_start3A_75, %dma_start3A_76] : memref<512x32xf32, #tpu.memory_space<vmem>> -> memref<128x32xf32, #tpu.memory_space<vmem>>
        %dma_start3A_78 = arith.constant 0 : i32
        %dma_start3A_79 = tpu.memref_slice %arg8[%dma_start3A_74, %dma_start3A_78] : memref<4x128xi32, #tpu.memory_space<vmem>> -> memref<1x128xi32, #tpu.memory_space<vmem>>
        %dma_start3A_80 = tpu.memref_squeeze %dma_start3A_79 : memref<1x128xi32, #tpu.memory_space<vmem>> -> memref<128xi32, #tpu.memory_space<vmem>>
        %dma_start3A_81 = arith.constant 0 : i32
        %dma_start3A_82 = arith.constant 0 : i32
        %dma_start3A_83 = tpu.memref_slice %arg5[%dma_start3A_81, %dma_start3A_82] : memref<200000x32xf32, #tpu.memory_space<hbm>> -> memref<200000x32xf32, #tpu.memory_space<hbm>>
        tpu.enqueue_indirect_dma source(%dma_start3A_83 : memref<200000x32xf32, #tpu.memory_space<hbm>>) target(%dma_start3A_77 : memref<128x32xf32, #tpu.memory_space<vmem>>) offsets(%dma_start3A_80 : memref<128xi32, #tpu.memory_space<vmem>>) semaphore(%arg12 : memref<!tpu.dma_semaphore, #tpu.memory_space<semaphore_mem>>)
        %dma_wait3A = arith.constant 0 : i32
        %dma_wait3A_84 = arith.constant 0 : i32
        %dma_wait3A_85 = arith.constant 0 : i32
        %dma_wait3A_86 = tpu.memref_slice %arg10[%dma_wait3A_84, %dma_wait3A_85] : memref<512x32xf32, #tpu.memory_space<vmem>> -> memref<128x32xf32, #tpu.memory_space<vmem>>
        %dma_wait3A_87 = arith.constant 0 : i32
        %dma_wait3A_88 = tpu.memref_slice %arg8[%dma_wait3A, %dma_wait3A_87] : memref<4x128xi32, #tpu.memory_space<vmem>> -> memref<1x128xi32, #tpu.memory_space<vmem>>
        %dma_wait3A_89 = tpu.memref_squeeze %dma_wait3A_88 : memref<1x128xi32, #tpu.memory_space<vmem>> -> memref<128xi32, #tpu.memory_space<vmem>>
        %dma_wait3A_90 = arith.constant 0 : i32
        %dma_wait3A_91 = arith.constant 0 : i32
        %dma_wait3A_92 = tpu.memref_slice %arg5[%dma_wait3A_90, %dma_wait3A_91] : memref<200000x32xf32, #tpu.memory_space<hbm>> -> memref<200000x32xf32, #tpu.memory_space<hbm>>
        tpu.wait_indirect_dma semaphore(%arg12 : memref<!tpu.dma_semaphore, #tpu.memory_space<semaphore_mem>>) src(%dma_wait3A_92 : memref<200000x32xf32, #tpu.memory_space<hbm>>) dst(%dma_wait3A_86 : memref<128x32xf32, #tpu.memory_space<vmem>>)
        %dma_wait3A_93 = arith.constant 1 : i32
        %dma_wait3A_94 = arith.constant 128 : i32
        %dma_wait3A_95 = arith.constant 0 : i32
        %dma_wait3A_96 = tpu.memref_slice %arg10[%dma_wait3A_94, %dma_wait3A_95] : memref<512x32xf32, #tpu.memory_space<vmem>> -> memref<128x32xf32, #tpu.memory_space<vmem>>
        %dma_wait3A_97 = arith.constant 0 : i32
        %dma_wait3A_98 = tpu.memref_slice %arg8[%dma_wait3A_93, %dma_wait3A_97] : memref<4x128xi32, #tpu.memory_space<vmem>> -> memref<1x128xi32, #tpu.memory_space<vmem>>
        %dma_wait3A_99 = tpu.memref_squeeze %dma_wait3A_98 : memref<1x128xi32, #tpu.memory_space<vmem>> -> memref<128xi32, #tpu.memory_space<vmem>>
        %dma_wait3A_100 = arith.constant 0 : i32
        %dma_wait3A_101 = arith.constant 0 : i32
        %dma_wait3A_102 = tpu.memref_slice %arg5[%dma_wait3A_100, %dma_wait3A_101] : memref<200000x32xf32, #tpu.memory_space<hbm>> -> memref<200000x32xf32, #tpu.memory_space<hbm>>
        tpu.wait_indirect_dma semaphore(%arg12 : memref<!tpu.dma_semaphore, #tpu.memory_space<semaphore_mem>>) src(%dma_wait3A_102 : memref<200000x32xf32, #tpu.memory_space<hbm>>) dst(%dma_wait3A_96 : memref<128x32xf32, #tpu.memory_space<vmem>>)
        %dma_wait3A_103 = arith.constant 2 : i32
        %dma_wait3A_104 = arith.constant 256 : i32
        %dma_wait3A_105 = arith.constant 0 : i32
        %dma_wait3A_106 = tpu.memref_slice %arg10[%dma_wait3A_104, %dma_wait3A_105] : memref<512x32xf32, #tpu.memory_space<vmem>> -> memref<128x32xf32, #tpu.memory_space<vmem>>
        %dma_wait3A_107 = arith.constant 0 : i32
        %dma_wait3A_108 = tpu.memref_slice %arg8[%dma_wait3A_103, %dma_wait3A_107] : memref<4x128xi32, #tpu.memory_space<vmem>> -> memref<1x128xi32, #tpu.memory_space<vmem>>
        %dma_wait3A_109 = tpu.memref_squeeze %dma_wait3A_108 : memref<1x128xi32, #tpu.memory_space<vmem>> -> memref<128xi32, #tpu.memory_space<vmem>>
        %dma_wait3A_110 = arith.constant 0 : i32
        %dma_wait3A_111 = arith.constant 0 : i32
        %dma_wait3A_112 = tpu.memref_slice %arg5[%dma_wait3A_110, %dma_wait3A_111] : memref<200000x32xf32, #tpu.memory_space<hbm>> -> memref<200000x32xf32, #tpu.memory_space<hbm>>
        tpu.wait_indirect_dma semaphore(%arg12 : memref<!tpu.dma_semaphore, #tpu.memory_space<semaphore_mem>>) src(%dma_wait3A_112 : memref<200000x32xf32, #tpu.memory_space<hbm>>) dst(%dma_wait3A_106 : memref<128x32xf32, #tpu.memory_space<vmem>>)
        %dma_wait3A_113 = arith.constant 3 : i32
        %dma_wait3A_114 = arith.constant 384 : i32
        %dma_wait3A_115 = arith.constant 0 : i32
        %dma_wait3A_116 = tpu.memref_slice %arg10[%dma_wait3A_114, %dma_wait3A_115] : memref<512x32xf32, #tpu.memory_space<vmem>> -> memref<128x32xf32, #tpu.memory_space<vmem>>
        %dma_wait3A_117 = arith.constant 0 : i32
        %dma_wait3A_118 = tpu.memref_slice %arg8[%dma_wait3A_113, %dma_wait3A_117] : memref<4x128xi32, #tpu.memory_space<vmem>> -> memref<1x128xi32, #tpu.memory_space<vmem>>
        %dma_wait3A_119 = tpu.memref_squeeze %dma_wait3A_118 : memref<1x128xi32, #tpu.memory_space<vmem>> -> memref<128xi32, #tpu.memory_space<vmem>>
        %dma_wait3A_120 = arith.constant 0 : i32
        %dma_wait3A_121 = arith.constant 0 : i32
        %dma_wait3A_122 = tpu.memref_slice %arg5[%dma_wait3A_120, %dma_wait3A_121] : memref<200000x32xf32, #tpu.memory_space<hbm>> -> memref<200000x32xf32, #tpu.memory_space<hbm>>
        tpu.wait_indirect_dma semaphore(%arg12 : memref<!tpu.dma_semaphore, #tpu.memory_space<semaphore_mem>>) src(%dma_wait3A_122 : memref<200000x32xf32, #tpu.memory_space<hbm>>) dst(%dma_wait3A_116 : memref<128x32xf32, #tpu.memory_space<vmem>>)
        %dma_start3A_123 = arith.constant 0 : i32
        %dma_start3A_124 = arith.constant 0 : i32
        %dma_start3A_125 = arith.constant 0 : i32
        %dma_start3A_126 = tpu.memref_slice %arg10[%dma_start3A_124, %dma_start3A_125] : memref<512x32xf32, #tpu.memory_space<vmem>> -> memref<128x32xf32, #tpu.memory_space<vmem>>
        %dma_start3A_127 = arith.constant 0 : i32
        %dma_start3A_128 = tpu.memref_slice %arg9[%dma_start3A_123, %dma_start3A_127] : memref<4x128xi32, #tpu.memory_space<vmem>> -> memref<1x128xi32, #tpu.memory_space<vmem>>
        %dma_start3A_129 = tpu.memref_squeeze %dma_start3A_128 : memref<1x128xi32, #tpu.memory_space<vmem>> -> memref<128xi32, #tpu.memory_space<vmem>>
        %dma_start3A_130 = arith.constant 0 : i32
        %dma_start3A_131 = arith.constant 0 : i32
        %dma_start3A_132 = tpu.memref_slice %arg11[%dma_start3A_130, %dma_start3A_131] : memref<50048x32xf32, #tpu.memory_space<vmem_shared>> -> memref<50048x32xf32, #tpu.memory_space<vmem_shared>>
        tpu.enqueue_indirect_dma source(%dma_start3A_126 : memref<128x32xf32, #tpu.memory_space<vmem>>) target(%dma_start3A_132 : memref<50048x32xf32, #tpu.memory_space<vmem_shared>>) offsets(%dma_start3A_129 : memref<128xi32, #tpu.memory_space<vmem>>) semaphore(%arg13 : memref<!tpu.dma_semaphore, #tpu.memory_space<semaphore_mem>>) {add = true}
        %dma_start3A_133 = arith.constant 1 : i32
        %dma_start3A_134 = arith.constant 128 : i32
        %dma_start3A_135 = arith.constant 0 : i32
        %dma_start3A_136 = tpu.memref_slice %arg10[%dma_start3A_134, %dma_start3A_135] : memref<512x32xf32, #tpu.memory_space<vmem>> -> memref<128x32xf32, #tpu.memory_space<vmem>>
        %dma_start3A_137 = arith.constant 0 : i32
        %dma_start3A_138 = tpu.memref_slice %arg9[%dma_start3A_133, %dma_start3A_137] : memref<4x128xi32, #tpu.memory_space<vmem>> -> memref<1x128xi32, #tpu.memory_space<vmem>>
        %dma_start3A_139 = tpu.memref_squeeze %dma_start3A_138 : memref<1x128xi32, #tpu.memory_space<vmem>> -> memref<128xi32, #tpu.memory_space<vmem>>
        %dma_start3A_140 = arith.constant 0 : i32
        %dma_start3A_141 = arith.constant 0 : i32
        %dma_start3A_142 = tpu.memref_slice %arg11[%dma_start3A_140, %dma_start3A_141] : memref<50048x32xf32, #tpu.memory_space<vmem_shared>> -> memref<50048x32xf32, #tpu.memory_space<vmem_shared>>
        tpu.enqueue_indirect_dma source(%dma_start3A_136 : memref<128x32xf32, #tpu.memory_space<vmem>>) target(%dma_start3A_142 : memref<50048x32xf32, #tpu.memory_space<vmem_shared>>) offsets(%dma_start3A_139 : memref<128xi32, #tpu.memory_space<vmem>>) semaphore(%arg13 : memref<!tpu.dma_semaphore, #tpu.memory_space<semaphore_mem>>) {add = true}
        %dma_start3A_143 = arith.constant 2 : i32
        %dma_start3A_144 = arith.constant 256 : i32
        %dma_start3A_145 = arith.constant 0 : i32
        %dma_start3A_146 = tpu.memref_slice %arg10[%dma_start3A_144, %dma_start3A_145] : memref<512x32xf32, #tpu.memory_space<vmem>> -> memref<128x32xf32, #tpu.memory_space<vmem>>
        %dma_start3A_147 = arith.constant 0 : i32
        %dma_start3A_148 = tpu.memref_slice %arg9[%dma_start3A_143, %dma_start3A_147] : memref<4x128xi32, #tpu.memory_space<vmem>> -> memref<1x128xi32, #tpu.memory_space<vmem>>
        %dma_start3A_149 = tpu.memref_squeeze %dma_start3A_148 : memref<1x128xi32, #tpu.memory_space<vmem>> -> memref<128xi32, #tpu.memory_space<vmem>>
        %dma_start3A_150 = arith.constant 0 : i32
        %dma_start3A_151 = arith.constant 0 : i32
        %dma_start3A_152 = tpu.memref_slice %arg11[%dma_start3A_150, %dma_start3A_151] : memref<50048x32xf32, #tpu.memory_space<vmem_shared>> -> memref<50048x32xf32, #tpu.memory_space<vmem_shared>>
        tpu.enqueue_indirect_dma source(%dma_start3A_146 : memref<128x32xf32, #tpu.memory_space<vmem>>) target(%dma_start3A_152 : memref<50048x32xf32, #tpu.memory_space<vmem_shared>>) offsets(%dma_start3A_149 : memref<128xi32, #tpu.memory_space<vmem>>) semaphore(%arg13 : memref<!tpu.dma_semaphore, #tpu.memory_space<semaphore_mem>>) {add = true}
        %dma_start3A_153 = arith.constant 3 : i32
        %dma_start3A_154 = arith.constant 384 : i32
        %dma_start3A_155 = arith.constant 0 : i32
        %dma_start3A_156 = tpu.memref_slice %arg10[%dma_start3A_154, %dma_start3A_155] : memref<512x32xf32, #tpu.memory_space<vmem>> -> memref<128x32xf32, #tpu.memory_space<vmem>>
        %dma_start3A_157 = arith.constant 0 : i32
        %dma_start3A_158 = tpu.memref_slice %arg9[%dma_start3A_153, %dma_start3A_157] : memref<4x128xi32, #tpu.memory_space<vmem>> -> memref<1x128xi32, #tpu.memory_space<vmem>>
        %dma_start3A_159 = tpu.memref_squeeze %dma_start3A_158 : memref<1x128xi32, #tpu.memory_space<vmem>> -> memref<128xi32, #tpu.memory_space<vmem>>
        %dma_start3A_160 = arith.constant 0 : i32
        %dma_start3A_161 = arith.constant 0 : i32
        %dma_start3A_162 = tpu.memref_slice %arg11[%dma_start3A_160, %dma_start3A_161] : memref<50048x32xf32, #tpu.memory_space<vmem_shared>> -> memref<50048x32xf32, #tpu.memory_space<vmem_shared>>
        tpu.enqueue_indirect_dma source(%dma_start3A_156 : memref<128x32xf32, #tpu.memory_space<vmem>>) target(%dma_start3A_162 : memref<50048x32xf32, #tpu.memory_space<vmem_shared>>) offsets(%dma_start3A_159 : memref<128xi32, #tpu.memory_space<vmem>>) semaphore(%arg13 : memref<!tpu.dma_semaphore, #tpu.memory_space<semaphore_mem>>) {add = true}
        %dma_wait3A_163 = arith.constant 0 : i32
        %dma_wait3A_164 = arith.constant 0 : i32
        %dma_wait3A_165 = arith.constant 0 : i32
        %dma_wait3A_166 = tpu.memref_slice %arg10[%dma_wait3A_164, %dma_wait3A_165] : memref<512x32xf32, #tpu.memory_space<vmem>> -> memref<128x32xf32, #tpu.memory_space<vmem>>
        %dma_wait3A_167 = arith.constant 0 : i32
        %dma_wait3A_168 = tpu.memref_slice %arg9[%dma_wait3A_163, %dma_wait3A_167] : memref<4x128xi32, #tpu.memory_space<vmem>> -> memref<1x128xi32, #tpu.memory_space<vmem>>
        %dma_wait3A_169 = tpu.memref_squeeze %dma_wait3A_168 : memref<1x128xi32, #tpu.memory_space<vmem>> -> memref<128xi32, #tpu.memory_space<vmem>>
        %dma_wait3A_170 = arith.constant 0 : i32
        %dma_wait3A_171 = arith.constant 0 : i32
        %dma_wait3A_172 = tpu.memref_slice %arg11[%dma_wait3A_170, %dma_wait3A_171] : memref<50048x32xf32, #tpu.memory_space<vmem_shared>> -> memref<50048x32xf32, #tpu.memory_space<vmem_shared>>
        tpu.wait_indirect_dma semaphore(%arg13 : memref<!tpu.dma_semaphore, #tpu.memory_space<semaphore_mem>>) src(%dma_wait3A_166 : memref<128x32xf32, #tpu.memory_space<vmem>>) dst(%dma_wait3A_172 : memref<50048x32xf32, #tpu.memory_space<vmem_shared>>)
        %dma_wait3A_173 = arith.constant 1 : i32
        %dma_wait3A_174 = arith.constant 128 : i32
        %dma_wait3A_175 = arith.constant 0 : i32
        %dma_wait3A_176 = tpu.memref_slice %arg10[%dma_wait3A_174, %dma_wait3A_175] : memref<512x32xf32, #tpu.memory_space<vmem>> -> memref<128x32xf32, #tpu.memory_space<vmem>>
        %dma_wait3A_177 = arith.constant 0 : i32
        %dma_wait3A_178 = tpu.memref_slice %arg9[%dma_wait3A_173, %dma_wait3A_177] : memref<4x128xi32, #tpu.memory_space<vmem>> -> memref<1x128xi32, #tpu.memory_space<vmem>>
        %dma_wait3A_179 = tpu.memref_squeeze %dma_wait3A_178 : memref<1x128xi32, #tpu.memory_space<vmem>> -> memref<128xi32, #tpu.memory_space<vmem>>
        %dma_wait3A_180 = arith.constant 0 : i32
        %dma_wait3A_181 = arith.constant 0 : i32
        %dma_wait3A_182 = tpu.memref_slice %arg11[%dma_wait3A_180, %dma_wait3A_181] : memref<50048x32xf32, #tpu.memory_space<vmem_shared>> -> memref<50048x32xf32, #tpu.memory_space<vmem_shared>>
        tpu.wait_indirect_dma semaphore(%arg13 : memref<!tpu.dma_semaphore, #tpu.memory_space<semaphore_mem>>) src(%dma_wait3A_176 : memref<128x32xf32, #tpu.memory_space<vmem>>) dst(%dma_wait3A_182 : memref<50048x32xf32, #tpu.memory_space<vmem_shared>>)
        %dma_wait3A_183 = arith.constant 2 : i32
        %dma_wait3A_184 = arith.constant 256 : i32
        %dma_wait3A_185 = arith.constant 0 : i32
        %dma_wait3A_186 = tpu.memref_slice %arg10[%dma_wait3A_184, %dma_wait3A_185] : memref<512x32xf32, #tpu.memory_space<vmem>> -> memref<128x32xf32, #tpu.memory_space<vmem>>
        %dma_wait3A_187 = arith.constant 0 : i32
        %dma_wait3A_188 = tpu.memref_slice %arg9[%dma_wait3A_183, %dma_wait3A_187] : memref<4x128xi32, #tpu.memory_space<vmem>> -> memref<1x128xi32, #tpu.memory_space<vmem>>
        %dma_wait3A_189 = tpu.memref_squeeze %dma_wait3A_188 : memref<1x128xi32, #tpu.memory_space<vmem>> -> memref<128xi32, #tpu.memory_space<vmem>>
        %dma_wait3A_190 = arith.constant 0 : i32
        %dma_wait3A_191 = arith.constant 0 : i32
        %dma_wait3A_192 = tpu.memref_slice %arg11[%dma_wait3A_190, %dma_wait3A_191] : memref<50048x32xf32, #tpu.memory_space<vmem_shared>> -> memref<50048x32xf32, #tpu.memory_space<vmem_shared>>
        tpu.wait_indirect_dma semaphore(%arg13 : memref<!tpu.dma_semaphore, #tpu.memory_space<semaphore_mem>>) src(%dma_wait3A_186 : memref<128x32xf32, #tpu.memory_space<vmem>>) dst(%dma_wait3A_192 : memref<50048x32xf32, #tpu.memory_space<vmem_shared>>)
        %dma_wait3A_193 = arith.constant 3 : i32
        %dma_wait3A_194 = arith.constant 384 : i32
        %dma_wait3A_195 = arith.constant 0 : i32
        %dma_wait3A_196 = tpu.memref_slice %arg10[%dma_wait3A_194, %dma_wait3A_195] : memref<512x32xf32, #tpu.memory_space<vmem>> -> memref<128x32xf32, #tpu.memory_space<vmem>>
        %dma_wait3A_197 = arith.constant 0 : i32
        %dma_wait3A_198 = tpu.memref_slice %arg9[%dma_wait3A_193, %dma_wait3A_197] : memref<4x128xi32, #tpu.memory_space<vmem>> -> memref<1x128xi32, #tpu.memory_space<vmem>>
        %dma_wait3A_199 = tpu.memref_squeeze %dma_wait3A_198 : memref<1x128xi32, #tpu.memory_space<vmem>> -> memref<128xi32, #tpu.memory_space<vmem>>
        %dma_wait3A_200 = arith.constant 0 : i32
        %dma_wait3A_201 = arith.constant 0 : i32
        %dma_wait3A_202 = tpu.memref_slice %arg11[%dma_wait3A_200, %dma_wait3A_201] : memref<50048x32xf32, #tpu.memory_space<vmem_shared>> -> memref<50048x32xf32, #tpu.memory_space<vmem_shared>>
        tpu.wait_indirect_dma semaphore(%arg13 : memref<!tpu.dma_semaphore, #tpu.memory_space<semaphore_mem>>) src(%dma_wait3A_196 : memref<128x32xf32, #tpu.memory_space<vmem>>) dst(%dma_wait3A_202 : memref<50048x32xf32, #tpu.memory_space<vmem_shared>>)
      }
      %scan3A_26 = arith.constant 104 : i32
      %barrier3A_27 = arith.constant 0 : index
      tpu.barrier barrier_id(%barrier3A_27)
      %mul3A_28 = arith.constant 3128 : i32
      %mul3A_29 = arith.muli %arg1, %mul3A_28 : i32
      %lt3A = arith.constant 15 : i32
      %lt3A_30 = arith.cmpi slt, %arg1, %lt3A : i32
      %convert_element_type3A_31 = arith.extui %lt3A_30 : i1 to i32
      %cond3A_32 = arith.constant 0 : i32
      %cond3A_33 = arith.cmpi ne, %convert_element_type3A_31, %cond3A_32 : i32
      scf.if %cond3A_33 {
        "tpu.region"() ({
          %run_scoped3A = tpu.sem_alloc : memref<!tpu.dma_semaphore, #tpu.memory_space<semaphore_mem>>
          %dma_start3A = arith.constant 0 : i32
          %dma_start3A_39 = tpu.memref_slice %arg7[%mul3A_29, %dma_start3A] : memref<50000x32xf32, #tpu.memory_space<hbm>> -> memref<3128x32xf32, #tpu.memory_space<hbm>>
          %dma_start3A_40 = arith.constant 0 : i32
          %dma_start3A_41 = tpu.memref_slice %arg11[%mul3A_29, %dma_start3A_40] : memref<50048x32xf32, #tpu.memory_space<vmem_shared>> -> memref<3128x32xf32, #tpu.memory_space<vmem_shared>>
          tpu.enqueue_dma source(%dma_start3A_41 : memref<3128x32xf32, #tpu.memory_space<vmem_shared>>) target(%dma_start3A_39 : memref<3128x32xf32, #tpu.memory_space<hbm>>) target_semaphore(%run_scoped3A : memref<!tpu.dma_semaphore, #tpu.memory_space<semaphore_mem>>)
          %dma_wait3A = arith.constant 0 : i32
          %dma_wait3A_42 = tpu.memref_slice %arg7[%mul3A_29, %dma_wait3A] : memref<50000x32xf32, #tpu.memory_space<hbm>> -> memref<3128x32xf32, #tpu.memory_space<hbm>>
          %dma_wait3A_43 = arith.constant 0 : i32
          %dma_wait3A_44 = tpu.memref_slice %arg11[%mul3A_29, %dma_wait3A_43] : memref<50048x32xf32, #tpu.memory_space<vmem_shared>> -> memref<3128x32xf32, #tpu.memory_space<vmem_shared>>
          tpu.wait_dma2 semaphore(%run_scoped3A : memref<!tpu.dma_semaphore, #tpu.memory_space<semaphore_mem>>) src(%dma_wait3A_44 : memref<3128x32xf32, #tpu.memory_space<vmem_shared>>) dst(%dma_wait3A_42 : memref<3128x32xf32, #tpu.memory_space<hbm>>)
          tpu.yield
        }) : () -> ()
      } else {
      }
      %eq3A_34 = arith.constant 15 : i32
      %eq3A_35 = arith.cmpi eq, %arg1, %eq3A_34 : i32
      %convert_element_type3A_36 = arith.extui %eq3A_35 : i1 to i32
      %cond3A_37 = arith.constant 0 : i32
      %cond3A_38 = arith.cmpi ne, %convert_element_type3A_36, %cond3A_37 : i32
      scf.if %cond3A_38 {
        "tpu.region"() ({
          %run_scoped3A = tpu.sem_alloc : memref<!tpu.dma_semaphore, #tpu.memory_space<semaphore_mem>>
          %dma_start3A = arith.constant 46920 : i32
          %dma_start3A_39 = arith.constant 0 : i32
          %dma_start3A_40 = tpu.memref_slice %arg7[%dma_start3A, %dma_start3A_39] : memref<50000x32xf32, #tpu.memory_space<hbm>> -> memref<3080x32xf32, #tpu.memory_space<hbm>>
          %dma_start3A_41 = arith.constant 46920 : i32
          %dma_start3A_42 = arith.constant 0 : i32
          %dma_start3A_43 = tpu.memref_slice %arg11[%dma_start3A_41, %dma_start3A_42] : memref<50048x32xf32, #tpu.memory_space<vmem_shared>> -> memref<3080x32xf32, #tpu.memory_space<vmem_shared>>
          tpu.enqueue_dma source(%dma_start3A_43 : memref<3080x32xf32, #tpu.memory_space<vmem_shared>>) target(%dma_start3A_40 : memref<3080x32xf32, #tpu.memory_space<hbm>>) target_semaphore(%run_scoped3A : memref<!tpu.dma_semaphore, #tpu.memory_space<semaphore_mem>>)
          %dma_wait3A = arith.constant 46920 : i32
          %dma_wait3A_44 = arith.constant 0 : i32
          %dma_wait3A_45 = tpu.memref_slice %arg7[%dma_wait3A, %dma_wait3A_44] : memref<50000x32xf32, #tpu.memory_space<hbm>> -> memref<3080x32xf32, #tpu.memory_space<hbm>>
          %dma_wait3A_46 = arith.constant 46920 : i32
          %dma_wait3A_47 = arith.constant 0 : i32
          %dma_wait3A_48 = tpu.memref_slice %arg11[%dma_wait3A_46, %dma_wait3A_47] : memref<50048x32xf32, #tpu.memory_space<vmem_shared>> -> memref<3080x32xf32, #tpu.memory_space<vmem_shared>>
          tpu.wait_dma2 semaphore(%run_scoped3A : memref<!tpu.dma_semaphore, #tpu.memory_space<semaphore_mem>>) src(%dma_wait3A_48 : memref<3080x32xf32, #tpu.memory_space<vmem_shared>>) dst(%dma_wait3A_45 : memref<3080x32xf32, #tpu.memory_space<hbm>>)
          tpu.yield
        }) : () -> ()
      } else {
      }
    } else {
    }
    return
  }
}

module attributes {stable_mosaic.version = 14 : i64} {
  func.func @_mm_first_body(%arg0: i32, %arg1: memref<2000x64xf32, #tpu.memory_space<vmem>>, %arg2: memref<64x128xf32, #tpu.memory_space<vmem>>, %arg3: memref<64x128xf32, #tpu.memory_space<vmem>>, %arg4: memref<2000x128xf32, #tpu.memory_space<vmem>>, %arg5: memref<2000x128xf32, #tpu.memory_space<vmem>>) attributes {dimension_semantics = [#tpu.dimension_semantics<arbitrary>], iteration_bounds = array<i64: 25>, scalar_prefetch = 0 : i64, scratch_operands = 0 : i64, tpu.core_type = #tpu.core_type<tc>, window_params = [{transform_indices = @transform_0, window_bounds = array<i64: 2000, 64>}, {pipeline_mode = #tpu.pipeline_mode<synchronous>, transform_indices = @transform_1, window_bounds = array<i64: 64, 128>}, {pipeline_mode = #tpu.pipeline_mode<synchronous>, transform_indices = @transform_2, window_bounds = array<i64: 64, 128>}, {transform_indices = @transform_3, window_bounds = array<i64: 2000, 128>}, {transform_indices = @transform_4, window_bounds = array<i64: 2000, 128>}]} {
    %get3A = arith.constant 0 : index
    %get3A_0 = arith.constant 0 : index
    %get3A_1 = vector.load %arg1[%get3A, %get3A_0] : memref<2000x64xf32, #tpu.memory_space<vmem>>, vector<2000x64xf32>
    %get3A_2 = arith.constant 0 : index
    %get3A_3 = arith.constant 0 : index
    %get3A_4 = vector.load %arg2[%get3A_2, %get3A_3] : memref<64x128xf32, #tpu.memory_space<vmem>>, vector<64x128xf32>
    %dot_general3A = arith.constant dense<0.000000e+00> : vector<2000x128xf32>
    %dot_general3A_5 = tpu.matmul %get3A_1, %get3A_4, %dot_general3A {dimension_numbers = #tpu.dot_dimension_numbers<[1], [0], [0], [1], [0, 0, 1, 1], [], []>, transpose_lhs_hint = false} : vector<2000x64xf32>, vector<64x128xf32>, vector<2000x128xf32> -> vector<2000x128xf32>
    %swap3A = arith.constant 0 : index
    %swap3A_6 = arith.constant 0 : index
    %swap3A_7 = vector.load %arg4[%swap3A, %swap3A_6] : memref<2000x128xf32, #tpu.memory_space<vmem>>, vector<2000x128xf32>
    tpu.vector_store %arg4[%swap3A, %swap3A_6], %dot_general3A_5 {strides = array<i32>} : memref<2000x128xf32, #tpu.memory_space<vmem>>, vector<2000x128xf32>,
    %get3A_8 = arith.constant 0 : index
    %get3A_9 = arith.constant 0 : index
    %get3A_10 = vector.load %arg3[%get3A_8, %get3A_9] : memref<64x128xf32, #tpu.memory_space<vmem>>, vector<64x128xf32>
    %dot_general3A_11 = arith.constant dense<0.000000e+00> : vector<2000x128xf32>
    %dot_general3A_12 = tpu.matmul %get3A_1, %get3A_10, %dot_general3A_11 {dimension_numbers = #tpu.dot_dimension_numbers<[1], [0], [0], [1], [0, 0, 1, 1], [], []>, transpose_lhs_hint = false} : vector<2000x64xf32>, vector<64x128xf32>, vector<2000x128xf32> -> vector<2000x128xf32>
    %swap3A_13 = arith.constant 0 : index
    %swap3A_14 = arith.constant 0 : index
    %swap3A_15 = vector.load %arg5[%swap3A_13, %swap3A_14] : memref<2000x128xf32, #tpu.memory_space<vmem>>, vector<2000x128xf32>
    tpu.vector_store %arg5[%swap3A_13, %swap3A_14], %dot_general3A_12 {strides = array<i32>} : memref<2000x128xf32, #tpu.memory_space<vmem>>, vector<2000x128xf32>,
    return
  }
  func.func @transform_0(%arg0: i32) -> (i32, i32) {
    %c0_i32 = arith.constant 0 : i32
    %c0_i32_0 = arith.constant 0 : i32
    return %arg0, %c0_i32 : i32, i32
  }
  func.func @transform_1(%arg0: i32) -> (i32, i32) {
    %c0_i32 = arith.constant 0 : i32
    %c0_i32_0 = arith.constant 0 : i32
    %c0_i32_1 = arith.constant 0 : i32
    return %c0_i32, %c0_i32_0 : i32, i32
  }
  func.func @transform_2(%arg0: i32) -> (i32, i32) {
    %c0_i32 = arith.constant 0 : i32
    %c0_i32_0 = arith.constant 0 : i32
    %c0_i32_1 = arith.constant 0 : i32
    return %c0_i32, %c0_i32_0 : i32, i32
  }
  func.func @transform_3(%arg0: i32) -> (i32, i32) {
    %c0_i32 = arith.constant 0 : i32
    %c0_i32_0 = arith.constant 0 : i32
    return %arg0, %c0_i32 : i32, i32
  }
  func.func @transform_4(%arg0: i32) -> (i32, i32) {
    %c0_i32 = arith.constant 0 : i32
    %c0_i32_0 = arith.constant 0 : i32
    return %arg0, %c0_i32 : i32, i32
  }
}

module attributes {stable_mosaic.version = 14 : i64} {
  func.func @_mm_adv_body(%arg0: i32, %arg1: memref<2000x32xf32, #tpu.memory_space<vmem>>, %arg2: memref<2000x32xf32, #tpu.memory_space<vmem>>, %arg3: memref<1x64xf32, #tpu.memory_space<vmem>>, %arg4: memref<64x128xf32, #tpu.memory_space<vmem>>, %arg5: memref<64x128xf32, #tpu.memory_space<vmem>>, %arg6: memref<64x128xf32, #tpu.memory_space<vmem>>, %arg7: memref<1x128xf32, #tpu.memory_space<vmem>>, %arg8: memref<128x64xf32, #tpu.memory_space<vmem>>, %arg9: memref<1x64xf32, #tpu.memory_space<vmem>>, %arg10: memref<2000x128xf32, #tpu.memory_space<vmem>>, %arg11: memref<2000x128xf32, #tpu.memory_space<vmem>>, %arg12: memref<2000x64xf32, #tpu.memory_space<vmem>>) attributes {dimension_semantics = [#tpu.dimension_semantics<arbitrary>], iteration_bounds = array<i64: 25>, scalar_prefetch = 0 : i64, scratch_operands = 0 : i64, tpu.core_type = #tpu.core_type<tc>, window_params = [{transform_indices = @transform_0, window_bounds = array<i64: 2000, 32>}, {transform_indices = @transform_1, window_bounds = array<i64: 2000, 32>}, {pipeline_mode = #tpu.pipeline_mode<synchronous>, transform_indices = @transform_2, window_bounds = array<i64: 1, 64>}, {pipeline_mode = #tpu.pipeline_mode<synchronous>, transform_indices = @transform_3, window_bounds = array<i64: 64, 128>}, {pipeline_mode = #tpu.pipeline_mode<synchronous>, transform_indices = @transform_4, window_bounds = array<i64: 64, 128>}, {pipeline_mode = #tpu.pipeline_mode<synchronous>, transform_indices = @transform_5, window_bounds = array<i64: 64, 128>}, {pipeline_mode = #tpu.pipeline_mode<synchronous>, transform_indices = @transform_6, window_bounds = array<i64: 1, 128>}, {pipeline_mode = #tpu.pipeline_mode<synchronous>, transform_indices = @transform_7, window_bounds = array<i64: 128, 64>}, {pipeline_mode = #tpu.pipeline_mode<synchronous>, transform_indices = @transform_8, window_bounds = array<i64: 1, 64>}, {transform_indices = @transform_9, window_bounds = array<i64: 2000, 128>}, {transform_indices = @transform_10, window_bounds = array<i64: 2000, 128>}, {transform_indices = @transform_11, window_bounds = array<i64: 2000, 64>}]} {
    %get3A = arith.constant 0 : index
    %get3A_0 = arith.constant 0 : index
    %get3A_1 = vector.load %arg1[%get3A, %get3A_0] : memref<2000x32xf32, #tpu.memory_space<vmem>>, vector<2000x32xf32>
    %get3A_2 = arith.constant 0 : index
    %get3A_3 = arith.constant 0 : index
    %get3A_4 = vector.load %arg2[%get3A_2, %get3A_3] : memref<2000x32xf32, #tpu.memory_space<vmem>>, vector<2000x32xf32>
    %concatenate3A = tpu.concatenate %get3A_1, %get3A_4 in 1 : vector<2000x32xf32>, vector<2000x32xf32> -> vector<2000x64xf32>
    %get3A_5 = arith.constant 0 : index
    %get3A_6 = arith.constant 0 : index
    %get3A_7 = vector.load %arg3[%get3A_5, %get3A_6] : memref<1x64xf32, #tpu.memory_space<vmem>>, vector<1x64xf32>
    %add3A = vector.broadcast %get3A_7 : vector<1x64xf32> to vector<2000x64xf32>
    %add3A_8 = arith.addf %concatenate3A, %add3A : vector<2000x64xf32>
    %max3A = arith.constant 0.000000e+00 : f32
    %max3A_9 = vector.broadcast %max3A : f32 to vector<2000x64xf32>
    %max3A_10 = arith.maximumf %add3A_8, %max3A_9 : vector<2000x64xf32>
    %get3A_11 = arith.constant 0 : index
    %get3A_12 = arith.constant 0 : index
    %get3A_13 = vector.load %arg4[%get3A_11, %get3A_12] : memref<64x128xf32, #tpu.memory_space<vmem>>, vector<64x128xf32>
    %dot_general3A = arith.constant dense<0.000000e+00> : vector<2000x128xf32>
    %dot_general3A_14 = tpu.matmul %max3A_10, %get3A_13, %dot_general3A {dimension_numbers = #tpu.dot_dimension_numbers<[1], [0], [0], [1], [0, 0, 1, 1], [], []>, transpose_lhs_hint = false} : vector<2000x64xf32>, vector<64x128xf32>, vector<2000x128xf32> -> vector<2000x128xf32>
    %swap3A = arith.constant 0 : index
    %swap3A_15 = arith.constant 0 : index
    %swap3A_16 = vector.load %arg10[%swap3A, %swap3A_15] : memref<2000x128xf32, #tpu.memory_space<vmem>>, vector<2000x128xf32>
    tpu.vector_store %arg10[%swap3A, %swap3A_15], %dot_general3A_14 {strides = array<i32>} : memref<2000x128xf32, #tpu.memory_space<vmem>>, vector<2000x128xf32>,
    %get3A_17 = arith.constant 0 : index
    %get3A_18 = arith.constant 0 : index
    %get3A_19 = vector.load %arg5[%get3A_17, %get3A_18] : memref<64x128xf32, #tpu.memory_space<vmem>>, vector<64x128xf32>
    %dot_general3A_20 = arith.constant dense<0.000000e+00> : vector<2000x128xf32>
    %dot_general3A_21 = tpu.matmul %max3A_10, %get3A_19, %dot_general3A_20 {dimension_numbers = #tpu.dot_dimension_numbers<[1], [0], [0], [1], [0, 0, 1, 1], [], []>, transpose_lhs_hint = false} : vector<2000x64xf32>, vector<64x128xf32>, vector<2000x128xf32> -> vector<2000x128xf32>
    %swap3A_22 = arith.constant 0 : index
    %swap3A_23 = arith.constant 0 : index
    %swap3A_24 = vector.load %arg11[%swap3A_22, %swap3A_23] : memref<2000x128xf32, #tpu.memory_space<vmem>>, vector<2000x128xf32>
    tpu.vector_store %arg11[%swap3A_22, %swap3A_23], %dot_general3A_21 {strides = array<i32>} : memref<2000x128xf32, #tpu.memory_space<vmem>>, vector<2000x128xf32>,
    %get3A_25 = arith.constant 0 : index
    %get3A_26 = arith.constant 0 : index
    %get3A_27 = vector.load %arg6[%get3A_25, %get3A_26] : memref<64x128xf32, #tpu.memory_space<vmem>>, vector<64x128xf32>
    %dot_general3A_28 = arith.constant dense<0.000000e+00> : vector<2000x128xf32>
    %dot_general3A_29 = tpu.matmul %max3A_10, %get3A_27, %dot_general3A_28 {dimension_numbers = #tpu.dot_dimension_numbers<[1], [0], [0], [1], [0, 0, 1, 1], [], []>, transpose_lhs_hint = false} : vector<2000x64xf32>, vector<64x128xf32>, vector<2000x128xf32> -> vector<2000x128xf32>
    %get3A_30 = arith.constant 0 : index
    %get3A_31 = arith.constant 0 : index
    %get3A_32 = vector.load %arg7[%get3A_30, %get3A_31] : memref<1x128xf32, #tpu.memory_space<vmem>>, vector<1x128xf32>
    %add3A_33 = vector.broadcast %get3A_32 : vector<1x128xf32> to vector<2000x128xf32>
    %add3A_34 = arith.addf %dot_general3A_29, %add3A_33 : vector<2000x128xf32>
    %max3A_35 = arith.constant 0.000000e+00 : f32
    %max3A_36 = vector.broadcast %max3A_35 : f32 to vector<2000x128xf32>
    %max3A_37 = arith.maximumf %add3A_34, %max3A_36 : vector<2000x128xf32>
    %get3A_38 = arith.constant 0 : index
    %get3A_39 = arith.constant 0 : index
    %get3A_40 = vector.load %arg8[%get3A_38, %get3A_39] : memref<128x64xf32, #tpu.memory_space<vmem>>, vector<128x64xf32>
    %dot_general3A_41 = arith.constant dense<0.000000e+00> : vector<2000x64xf32>
    %dot_general3A_42 = tpu.matmul %max3A_37, %get3A_40, %dot_general3A_41 {dimension_numbers = #tpu.dot_dimension_numbers<[1], [0], [0], [1], [0, 0, 1, 1], [], []>, transpose_lhs_hint = false} : vector<2000x128xf32>, vector<128x64xf32>, vector<2000x64xf32> -> vector<2000x64xf32>
    %get3A_43 = arith.constant 0 : index
    %get3A_44 = arith.constant 0 : index
    %get3A_45 = vector.load %arg9[%get3A_43, %get3A_44] : memref<1x64xf32, #tpu.memory_space<vmem>>, vector<1x64xf32>
    %add3A_46 = vector.broadcast %get3A_45 : vector<1x64xf32> to vector<2000x64xf32>
    %add3A_47 = arith.addf %dot_general3A_42, %add3A_46 : vector<2000x64xf32>
    %swap3A_48 = arith.constant 0 : index
    %swap3A_49 = arith.constant 0 : index
    %swap3A_50 = vector.load %arg12[%swap3A_48, %swap3A_49] : memref<2000x64xf32, #tpu.memory_space<vmem>>, vector<2000x64xf32>
    tpu.vector_store %arg12[%swap3A_48, %swap3A_49], %add3A_47 {strides = array<i32>} : memref<2000x64xf32, #tpu.memory_space<vmem>>, vector<2000x64xf32>,
    return
  }
  func.func @transform_0(%arg0: i32) -> (i32, i32) {
    %c0_i32 = arith.constant 0 : i32
    %c0_i32_0 = arith.constant 0 : i32
    return %arg0, %c0_i32 : i32, i32
  }
  func.func @transform_1(%arg0: i32) -> (i32, i32) {
    %c0_i32 = arith.constant 0 : i32
    %c0_i32_0 = arith.constant 0 : i32
    return %arg0, %c0_i32 : i32, i32
  }
  func.func @transform_2(%arg0: i32) -> (i32, i32) {
    %c0_i32 = arith.constant 0 : i32
    %c0_i32_0 = arith.constant 0 : i32
    %c0_i32_1 = arith.constant 0 : i32
    return %c0_i32, %c0_i32_0 : i32, i32
  }
  func.func @transform_3(%arg0: i32) -> (i32, i32) {
    %c0_i32 = arith.constant 0 : i32
    %c0_i32_0 = arith.constant 0 : i32
    %c0_i32_1 = arith.constant 0 : i32
    return %c0_i32, %c0_i32_0 : i32, i32
  }
  func.func @transform_4(%arg0: i32) -> (i32, i32) {
    %c0_i32 = arith.constant 0 : i32
    %c0_i32_0 = arith.constant 0 : i32
    %c0_i32_1 = arith.constant 0 : i32
    return %c0_i32, %c0_i32_0 : i32, i32
  }
  func.func @transform_5(%arg0: i32) -> (i32, i32) {
    %c0_i32 = arith.constant 0 : i32
    %c0_i32_0 = arith.constant 0 : i32
    %c0_i32_1 = arith.constant 0 : i32
    return %c0_i32, %c0_i32_0 : i32, i32
  }
  func.func @transform_6(%arg0: i32) -> (i32, i32) {
    %c0_i32 = arith.constant 0 : i32
    %c0_i32_0 = arith.constant 0 : i32
    %c0_i32_1 = arith.constant 0 : i32
    return %c0_i32, %c0_i32_0 : i32, i32
  }
  func.func @transform_7(%arg0: i32) -> (i32, i32) {
    %c0_i32 = arith.constant 0 : i32
    %c0_i32_0 = arith.constant 0 : i32
    %c0_i32_1 = arith.constant 0 : i32
    return %c0_i32, %c0_i32_0 : i32, i32
  }
  func.func @transform_8(%arg0: i32) -> (i32, i32) {
    %c0_i32 = arith.constant 0 : i32
    %c0_i32_0 = arith.constant 0 : i32
    %c0_i32_1 = arith.constant 0 : i32
    return %c0_i32, %c0_i32_0 : i32, i32
  }
  func.func @transform_9(%arg0: i32) -> (i32, i32) {
    %c0_i32 = arith.constant 0 : i32
    %c0_i32_0 = arith.constant 0 : i32
    return %arg0, %c0_i32 : i32, i32
  }
  func.func @transform_10(%arg0: i32) -> (i32, i32) {
    %c0_i32 = arith.constant 0 : i32
    %c0_i32_0 = arith.constant 0 : i32
    return %arg0, %c0_i32 : i32, i32
  }
  func.func @transform_11(%arg0: i32) -> (i32, i32) {
    %c0_i32 = arith.constant 0 : i32
    %c0_i32_0 = arith.constant 0 : i32
    return %arg0, %c0_i32 : i32, i32
  }
}

module attributes {stable_mosaic.version = 14 : i64} {
  func.func @_mm_mid_body(%arg0: i32, %arg1: memref<2000x32xf32, #tpu.memory_space<vmem>>, %arg2: memref<2000x32xf32, #tpu.memory_space<vmem>>, %arg3: memref<1x64xf32, #tpu.memory_space<vmem>>, %arg4: memref<64x128xf32, #tpu.memory_space<vmem>>, %arg5: memref<64x128xf32, #tpu.memory_space<vmem>>, %arg6: memref<2000x128xf32, #tpu.memory_space<vmem>>, %arg7: memref<2000x128xf32, #tpu.memory_space<vmem>>) attributes {dimension_semantics = [#tpu.dimension_semantics<arbitrary>], iteration_bounds = array<i64: 25>, scalar_prefetch = 0 : i64, scratch_operands = 0 : i64, tpu.core_type = #tpu.core_type<tc>, window_params = [{transform_indices = @transform_0, window_bounds = array<i64: 2000, 32>}, {transform_indices = @transform_1, window_bounds = array<i64: 2000, 32>}, {pipeline_mode = #tpu.pipeline_mode<synchronous>, transform_indices = @transform_2, window_bounds = array<i64: 1, 64>}, {pipeline_mode = #tpu.pipeline_mode<synchronous>, transform_indices = @transform_3, window_bounds = array<i64: 64, 128>}, {pipeline_mode = #tpu.pipeline_mode<synchronous>, transform_indices = @transform_4, window_bounds = array<i64: 64, 128>}, {transform_indices = @transform_5, window_bounds = array<i64: 2000, 128>}, {transform_indices = @transform_6, window_bounds = array<i64: 2000, 128>}]} {
    %get3A = arith.constant 0 : index
    %get3A_0 = arith.constant 0 : index
    %get3A_1 = vector.load %arg1[%get3A, %get3A_0] : memref<2000x32xf32, #tpu.memory_space<vmem>>, vector<2000x32xf32>
    %get3A_2 = arith.constant 0 : index
    %get3A_3 = arith.constant 0 : index
    %get3A_4 = vector.load %arg2[%get3A_2, %get3A_3] : memref<2000x32xf32, #tpu.memory_space<vmem>>, vector<2000x32xf32>
    %concatenate3A = tpu.concatenate %get3A_1, %get3A_4 in 1 : vector<2000x32xf32>, vector<2000x32xf32> -> vector<2000x64xf32>
    %get3A_5 = arith.constant 0 : index
    %get3A_6 = arith.constant 0 : index
    %get3A_7 = vector.load %arg3[%get3A_5, %get3A_6] : memref<1x64xf32, #tpu.memory_space<vmem>>, vector<1x64xf32>
    %add3A = vector.broadcast %get3A_7 : vector<1x64xf32> to vector<2000x64xf32>
    %add3A_8 = arith.addf %concatenate3A, %add3A : vector<2000x64xf32>
    %max3A = arith.constant 0.000000e+00 : f32
    %max3A_9 = vector.broadcast %max3A : f32 to vector<2000x64xf32>
    %max3A_10 = arith.maximumf %add3A_8, %max3A_9 : vector<2000x64xf32>
    %get3A_11 = arith.constant 0 : index
    %get3A_12 = arith.constant 0 : index
    %get3A_13 = vector.load %arg4[%get3A_11, %get3A_12] : memref<64x128xf32, #tpu.memory_space<vmem>>, vector<64x128xf32>
    %dot_general3A = arith.constant dense<0.000000e+00> : vector<2000x128xf32>
    %dot_general3A_14 = tpu.matmul %max3A_10, %get3A_13, %dot_general3A {dimension_numbers = #tpu.dot_dimension_numbers<[1], [0], [0], [1], [0, 0, 1, 1], [], []>, transpose_lhs_hint = false} : vector<2000x64xf32>, vector<64x128xf32>, vector<2000x128xf32> -> vector<2000x128xf32>
    %swap3A = arith.constant 0 : index
    %swap3A_15 = arith.constant 0 : index
    %swap3A_16 = vector.load %arg6[%swap3A, %swap3A_15] : memref<2000x128xf32, #tpu.memory_space<vmem>>, vector<2000x128xf32>
    tpu.vector_store %arg6[%swap3A, %swap3A_15], %dot_general3A_14 {strides = array<i32>} : memref<2000x128xf32, #tpu.memory_space<vmem>>, vector<2000x128xf32>,
    %get3A_17 = arith.constant 0 : index
    %get3A_18 = arith.constant 0 : index
    %get3A_19 = vector.load %arg5[%get3A_17, %get3A_18] : memref<64x128xf32, #tpu.memory_space<vmem>>, vector<64x128xf32>
    %dot_general3A_20 = arith.constant dense<0.000000e+00> : vector<2000x128xf32>
    %dot_general3A_21 = tpu.matmul %max3A_10, %get3A_19, %dot_general3A_20 {dimension_numbers = #tpu.dot_dimension_numbers<[1], [0], [0], [1], [0, 0, 1, 1], [], []>, transpose_lhs_hint = false} : vector<2000x64xf32>, vector<64x128xf32>, vector<2000x128xf32> -> vector<2000x128xf32>
    %swap3A_22 = arith.constant 0 : index
    %swap3A_23 = arith.constant 0 : index
    %swap3A_24 = vector.load %arg7[%swap3A_22, %swap3A_23] : memref<2000x128xf32, #tpu.memory_space<vmem>>, vector<2000x128xf32>
    tpu.vector_store %arg7[%swap3A_22, %swap3A_23], %dot_general3A_21 {strides = array<i32>} : memref<2000x128xf32, #tpu.memory_space<vmem>>, vector<2000x128xf32>,
    return
  }
  func.func @transform_0(%arg0: i32) -> (i32, i32) {
    %c0_i32 = arith.constant 0 : i32
    %c0_i32_0 = arith.constant 0 : i32
    return %arg0, %c0_i32 : i32, i32
  }
  func.func @transform_1(%arg0: i32) -> (i32, i32) {
    %c0_i32 = arith.constant 0 : i32
    %c0_i32_0 = arith.constant 0 : i32
    return %arg0, %c0_i32 : i32, i32
  }
  func.func @transform_2(%arg0: i32) -> (i32, i32) {
    %c0_i32 = arith.constant 0 : i32
    %c0_i32_0 = arith.constant 0 : i32
    %c0_i32_1 = arith.constant 0 : i32
    return %c0_i32, %c0_i32_0 : i32, i32
  }
  func.func @transform_3(%arg0: i32) -> (i32, i32) {
    %c0_i32 = arith.constant 0 : i32
    %c0_i32_0 = arith.constant 0 : i32
    %c0_i32_1 = arith.constant 0 : i32
    return %c0_i32, %c0_i32_0 : i32, i32
  }
  func.func @transform_4(%arg0: i32) -> (i32, i32) {
    %c0_i32 = arith.constant 0 : i32
    %c0_i32_0 = arith.constant 0 : i32
    %c0_i32_1 = arith.constant 0 : i32
    return %c0_i32, %c0_i32_0 : i32, i32
  }
  func.func @transform_5(%arg0: i32) -> (i32, i32) {
    %c0_i32 = arith.constant 0 : i32
    %c0_i32_0 = arith.constant 0 : i32
    return %arg0, %c0_i32 : i32, i32
  }
  func.func @transform_6(%arg0: i32) -> (i32, i32) {
    %c0_i32 = arith.constant 0 : i32
    %c0_i32_0 = arith.constant 0 : i32
    return %arg0, %c0_i32 : i32, i32
  }
}

module attributes {stable_mosaic.version = 14 : i64} {
  func.func @_final_body(%arg0: i32, %arg1: memref<2000x32xf32, #tpu.memory_space<vmem>>, %arg2: memref<2000x32xf32, #tpu.memory_space<vmem>>, %arg3: memref<1x64xf32, #tpu.memory_space<vmem>>, %arg4: memref<2000x64xf32, #tpu.memory_space<vmem>>, %arg5: memref<2000x64xf32, #tpu.memory_space<vmem>>) attributes {dimension_semantics = [#tpu.dimension_semantics<arbitrary>], iteration_bounds = array<i64: 25>, scalar_prefetch = 0 : i64, scratch_operands = 0 : i64, tpu.core_type = #tpu.core_type<tc>, window_params = [{transform_indices = @transform_0, window_bounds = array<i64: 2000, 32>}, {transform_indices = @transform_1, window_bounds = array<i64: 2000, 32>}, {pipeline_mode = #tpu.pipeline_mode<synchronous>, transform_indices = @transform_2, window_bounds = array<i64: 1, 64>}, {transform_indices = @transform_3, window_bounds = array<i64: 2000, 64>}, {transform_indices = @transform_4, window_bounds = array<i64: 2000, 64>}]} {
    %get3A = arith.constant 0 : index
    %get3A_0 = arith.constant 0 : index
    %get3A_1 = vector.load %arg1[%get3A, %get3A_0] : memref<2000x32xf32, #tpu.memory_space<vmem>>, vector<2000x32xf32>
    %get3A_2 = arith.constant 0 : index
    %get3A_3 = arith.constant 0 : index
    %get3A_4 = vector.load %arg2[%get3A_2, %get3A_3] : memref<2000x32xf32, #tpu.memory_space<vmem>>, vector<2000x32xf32>
    %concatenate3A = tpu.concatenate %get3A_1, %get3A_4 in 1 : vector<2000x32xf32>, vector<2000x32xf32> -> vector<2000x64xf32>
    %get3A_5 = arith.constant 0 : index
    %get3A_6 = arith.constant 0 : index
    %get3A_7 = vector.load %arg3[%get3A_5, %get3A_6] : memref<1x64xf32, #tpu.memory_space<vmem>>, vector<1x64xf32>
    %add3A = vector.broadcast %get3A_7 : vector<1x64xf32> to vector<2000x64xf32>
    %add3A_8 = arith.addf %concatenate3A, %add3A : vector<2000x64xf32>
    %max3A = arith.constant 0.000000e+00 : f32
    %max3A_9 = vector.broadcast %max3A : f32 to vector<2000x64xf32>
    %max3A_10 = arith.maximumf %add3A_8, %max3A_9 : vector<2000x64xf32>
    %get3A_11 = arith.constant 0 : index
    %get3A_12 = arith.constant 0 : index
    %get3A_13 = vector.load %arg4[%get3A_11, %get3A_12] : memref<2000x64xf32, #tpu.memory_space<vmem>>, vector<2000x64xf32>
    %add3A_14 = arith.addf %max3A_10, %get3A_13 : vector<2000x64xf32>
    %swap3A = arith.constant 0 : index
    %swap3A_15 = arith.constant 0 : index
    %swap3A_16 = vector.load %arg5[%swap3A, %swap3A_15] : memref<2000x64xf32, #tpu.memory_space<vmem>>, vector<2000x64xf32>
    tpu.vector_store %arg5[%swap3A, %swap3A_15], %add3A_14 {strides = array<i32>} : memref<2000x64xf32, #tpu.memory_space<vmem>>, vector<2000x64xf32>,
    return
  }
  func.func @transform_0(%arg0: i32) -> (i32, i32) {
    %c0_i32 = arith.constant 0 : i32
    %c0_i32_0 = arith.constant 0 : i32
    return %arg0, %c0_i32 : i32, i32
  }
  func.func @transform_1(%arg0: i32) -> (i32, i32) {
    %c0_i32 = arith.constant 0 : i32
    %c0_i32_0 = arith.constant 0 : i32
    return %arg0, %c0_i32 : i32, i32
  }
  func.func @transform_2(%arg0: i32) -> (i32, i32) {
    %c0_i32 = arith.constant 0 : i32
    %c0_i32_0 = arith.constant 0 : i32
    %c0_i32_1 = arith.constant 0 : i32
    return %c0_i32, %c0_i32_0 : i32, i32
  }
  func.func @transform_3(%arg0: i32) -> (i32, i32) {
    %c0_i32 = arith.constant 0 : i32
    %c0_i32_0 = arith.constant 0 : i32
    return %arg0, %c0_i32 : i32, i32
  }
  func.func @transform_4(%arg0: i32) -> (i32, i32) {
    %c0_i32 = arith.constant 0 : i32
    %c0_i32_0 = arith.constant 0 : i32
    return %arg0, %c0_i32 : i32, i32
  }
}

</mosaic_0001>

<sc_bundles>
// kernel: kernel.12.cloned.1.call-start
scs
__scs_entry_jumppad:
0x0: {  	(pc) =	sbr.rel $0x88, $3  }
0x1: {  	(tag) =	ssettag $0x0;
	lr =	simm.s32 $0x1  }
0x2: {  	[smem:$0x3F96] =	sst lr;
	_ =	strace $0xD0000000  }
0x3: {  	_ = 	snop  }
0x4: {  	_ = 	snop  }
0x5: {  	_ = 	snop  }
0x6: {  	_ = 	snop  }
0x7: {  	_ = 	snop  }
__scs_overlays_trampoline_lowered:
0x8: {  	[smem:$0x3FA5] =	sst s0  }
0x9: {  	[smem:$0x3FA6] =	sst s1  }
0xa: {  	[smem:$0x3FA7] =	sst s2  }
0xb: {  	[smem:$0x3FA8] =	sst s3  }
0xc: {  	[smem:$0x3FA9] =	sst s4  }
0xd: {  	[smem:$0x3FAA] =	sst s5  }
0xe: {  	[smem:$0x3FAB] =	sst s6  }
0xf: {  	[smem:$0x3FAC] =	sst s7  }
0x10: {  	[smem:$0x3FAD] =	sst s8  }
0x11: {  	[smem:$0x3FAE] =	sst s9;
	s0 =	simm.s32 @!p0 $0x0  }
0x12: {  	s1 =	sld [smem:$0x3F94];
	s0 =	simm.s32 @p0 $0x1  }
0x13: {  	[smem:$0x3FAF] =	sst s0;
	s0 =	simm.s32 @!p1 $0x0  }
0x14: {  	s2 =	sld [smem:$0x3F93];
	s0 =	simm.s32 @p1 $0x1  }
0x15: {  	[smem:$0x3FB0] =	sst s0;
	s0 =	simm.s32 @!p2 $0x0  }
0x16: {  	s3 =	sld [smem:$0x3FDB];
	s0 =	simm.s32 @p2 $0x1  }
0x17: {  	s4 =	simm.s32 $0x1BF5;
	[smem:$0x3FB2] =	sst s0  }
0x18: {  	s0 =	sld [smem:$0x3F95];
	_ =	swait.ge [sflag:s4], $0x0  }
0x19: {  	s7 =	sld [smem:$0x3F96]  }
0x1a: {  	s8 =	sadd.s32 $0xFFFFE003, lr  }
0x1b: {  	s9 =	sadd.s32 $0xFFFFFEF7, lr;
	s5 =	simm.s32 $0xFFFFFFFF;
	p2 =	slt.u32 s8, $0xFFFFF086  }
0x1c: {  	p1 =	slt.u32 s9, $0xF7A;
	s5 =	simm.s32 @!p2 $0x0  }
0x1d: {  	s5 =	simm.s32 @p1 $0x1;
	p0 =	seq.s32 s7, s2  }
0x1e: {  	s7 =	smul.u32 @!p0 $0xF7A, s2;
	p2 =	seq.s32 @!p0 s5, $0x0  }
0x1f: {  	s9 =	smul.u32 $0xF7A, s1;
	s8 =	simm.s32 @!p0 $0x1BF5;
	p2 =	por !p2, p0  }
0x20: {  	[sflag:s8] =	ssyncset.s32 @!p0 $0xFFFFF086;
	s6 =	sadd.s32 @!p0 s3, s7;
	s7 =	simm.s32 @!p0 $0x108  }
0x21: {  	s3 =	sadd.s32 s3, s9;
	s6 =	sadd.s32 @!p0 $0x88, s6;
	s7 =	simm.s32 @p2 $0x1082  }
0x22: {  	[simem:s7], [sflag:s8] =	dma.local @!p0 [hbm:s6], $0xF7A  }
0x23: {  	s9 =	sor.u32 $0xD0000000, s2;
	s6 =	simm.s32 $0x108;
	_ =	swait.ge @!p0 [sflag:s8], $0x0  }
0x24: {  	s3 =	sadd.s32 $0x88, s3;
	s6 =	simm.s32 @!p1 $0x1082;
	[sflag:s4] =	ssyncset.s32 $0xFFFFF086  }
0x25: {  	[simem:s6], [sflag:s4] =	dma.local [hbm:s3], $0xF7A  }
0x26: {  	[smem:$0x3F96] =	sst s1;
	(tag) =	ssettag s2;
	_ =	strace s9  }
0x27: {  	s1 =	sld [smem:$0x3FA6]  }
0x28: {  	s2 =	sld [smem:$0x3FA7]  }
0x29: {  	s4 =	sld [smem:$0x3FA9]  }
0x2a: {  	p0 =	seq.s32 s5, $0x0;
	s5 =	sld [smem:$0x3FAA]  }
0x2b: {  	s6 =	sld [smem:$0x3FAB]  }
0x2c: {  	s7 =	sld [smem:$0x3FAC]  }
0x2d: {  	s3 =	simm.s32 $0x108;
	s8 =	sld [smem:$0x3FAD]  }
0x2e: {  	s3 =	simm.s32 @!p0 $0x1082;
	s9 =	sld [smem:$0x3FAE]  }
0x2f: {  	lr =	sadd.s32 s0, s3;
	s0 =	sld [smem:$0x3FA5]  }
0x30: {  	s3 =	sld [smem:$0x3FA8]  }
0x31: {  	[smem:$0x3FB1] =	sst s10  }
0x32: {  	s10 =	sld [smem:$0x3FAF];
	_ =	sdelay $0x3  }
0x33: {  	p0 =	seq.s32 s10, $0x1;
	s10 =	sld [smem:$0x3FB1];
	_ =	sdelay $0x3  }
0x34: {  	[smem:$0x3FB1] =	sst s10  }
0x35: {  	s10 =	sld [smem:$0x3FB0];
	_ =	sdelay $0x3  }
0x36: {  	p1 =	seq.s32 s10, $0x1;
	s10 =	sld [smem:$0x3FB1];
	_ =	sdelay $0x3  }
0x37: {  	[smem:$0x3FB1] =	sst s10  }
0x38: {  	s10 =	sld [smem:$0x3FB2]  }
0x39: {  	_ = 	snop;
	(pc) =	sbr.ind lr, $3  }
0x3a: {  	_ = 	snop  }
0x3b: {  	_ = 	snop  }
0x3c: {  	p2 =	seq.s32 s10, $0x1;
	s10 =	sld [smem:$0x3FB1]  }
0x3d: {  	_ =	shalt  }
0x3e: {  	_ =	shalt  }
0x3f: {  	_ =	shalt  }
0x40: {  	_ =	shalt  }
0x41: {  	_ =	shalt  }
0x42: {  	_ =	shalt  }
0x43: {  	_ =	shalt  }
0x44: {  	_ =	shalt  }
0x45: {  	_ =	shalt  }
0x46: {  	_ =	shalt  }
0x47: {  	_ =	shalt  }
0x48: {  	_ =	shalt  }
0x49: {  	_ =	shalt  }
0x4a: {  	_ =	shalt  }
0x4b: {  	_ =	shalt  }
0x4c: {  	_ =	shalt  }
0x4d: {  	_ =	shalt  }
0x4e: {  	_ =	shalt  }
0x4f: {  	_ =	shalt  }
0x50: {  	_ =	shalt  }
0x51: {  	_ =	shalt  }
0x52: {  	_ =	shalt  }
0x53: {  	_ =	shalt  }
0x54: {  	_ =	shalt  }
0x55: {  	_ =	shalt  }
0x56: {  	_ =	shalt  }
0x57: {  	_ =	shalt  }
0x58: {  	_ =	shalt  }
0x59: {  	_ =	shalt  }
0x5a: {  	_ =	shalt  }
0x5b: {  	_ =	shalt  }
0x5c: {  	_ =	shalt  }
0x5d: {  	_ =	shalt  }
0x5e: {  	_ =	shalt  }
0x5f: {  	_ =	shalt  }
0x60: {  	_ =	shalt  }
0x61: {  	_ =	shalt  }
0x62: {  	_ =	shalt  }
0x63: {  	_ =	shalt  }
0x64: {  	_ =	shalt  }
0x65: {  	_ =	shalt  }
0x66: {  	_ =	shalt  }
0x67: {  	_ =	shalt  }
0x68: {  	_ =	shalt  }
0x69: {  	_ =	shalt  }
0x6a: {  	_ =	shalt  }
0x6b: {  	_ =	shalt  }
0x6c: {  	_ =	shalt  }
0x6d: {  	_ =	shalt  }
0x6e: {  	_ =	shalt  }
0x6f: {  	_ =	shalt  }
0x70: {  	_ =	shalt  }
0x71: {  	_ =	shalt  }
0x72: {  	_ =	shalt  }
0x73: {  	_ =	shalt  }
0x74: {  	_ =	shalt  }
0x75: {  	_ =	shalt  }
0x76: {  	_ =	shalt  }
0x77: {  	_ =	shalt  }
0x78: {  	_ =	shalt  }
0x79: {  	_ =	shalt  }
0x7a: {  	_ =	shalt  }
0x7b: {  	_ =	shalt  }
0x7c: {  	_ =	shalt  }
0x7d: {  	_ =	shalt  }
0x7e: {  	_ =	shalt  }
0x7f: {  	_ =	shalt  }
0x80: {  	_ =	shalt  }
0x81: {  	_ =	shalt  }
0x82: {  	_ =	shalt  }
0x83: {  	_ =	shalt  }
0x84: {  	_ =	shalt  }
0x85: {  	_ =	shalt  }
0x86: {  	_ =	shalt  }
0x87: {  	_ =	shalt  }
.Lfunc_end0:
.L_simem_size_0:
called_computation.1_lowered:
.L_overlay_start_0:
0x88: {  	s2 =	sld [smem:$0x3FD9]  }
0x89: {  	s3 =	sld [smem:$0x3FFE];
	_ =	sdelay $0x1  }
0x8a: {  	s1 =	srdreg.scid  }
0x8b: {  	s0 =	sand.u32 $0x1, s1  }
0x8c: {  	s17 =	sshll.u32 s0, $0xA;
	s2 =	sadd.s32 s3, s2  }
0x8d: {  	s2 =	sadd.s32 s2, s17  }
0x8e: {  	[smem:$0x3FBD] =	sst s2  }
0x8f: {  	_ = 	snop  }
0x90: {  	s2 =	sld [smem:$0x3FD0];
	(tm) =	ssettm $0x1  }
0x91: {  	s18 =	sld [smem:$0x3FFB];
	_ =	sdelay $0x3  }
0x92: {  	_ =	strace s18  }
0x93: {  	s3 =	sld [smem:$0x3FFC];
	_ =	sdelay $0x3  }
0x94: {  	_ =	strace s3  }
0x95: {  	s3 =	sld [smem:$0x3FFD];
	_ =	sdelay $0x3  }
0x96: {  	_ =	strace s3  }
0x97: {  	_ =	strace $0x8FFFFFFF  }
0x98: {  	s19 =	sld [smem:$0x3FDB];
	_ =	sdelay $0x1  }
0x99: {  	s4 =	simm.s32 $_scs_section_size  }
0x9a: {  	s5 =	simm.s32 $_size__tile_overlayer_lowered;
	s6 =	simm.s32 $_tile_overlayer_lowered  }
0x9b: {  	s22 =	simm.s32 $0x1BFF;
	s21 =	sshll.u32 s6, $0x1;
	s3 =	sadd.s32 s4, s19  }
0x9c: {  	s7 =	simm.s32 $0x0;
	s20 =	sshll.u32 s5, $0x1;
	s5 =	sadd.s32 s21, s3  }
0x9d: {  	[timem:s7], [sflag:s22] =	dma.local [hbm:s5], s20  }
0x9e: {  	_ =	swait.ge [sflag:s22], s20  }
0x9f: {  	s4 =	ssub.s32 $0x0, s20;
	[sflag:s22] =	ssyncset.done $0x0  }
0xa0: {  	[sflag:s22] =	ssyncadd.s32 s4;
	_ =	sdelay $0x1  }
0xa1: {  	s23 =	simm.s32 $0x1B8B  }
0xa2: {  	_ =	swait.ge [sflag:s23], $0x1  }
0xa3: {  	[sflag:s23] =	ssyncset.done $0x0  }
0xa4: {  	s25 =	simm.s32 $0x1B8E;
	s24 =	sld [smem:$0x3FFE];
	[sflag:s23] =	ssyncadd.s32 $0xFFFFFFFF  }
0xa5: {  	s26 =	simm.s32 $execute0_lowered;
	[smem:$0x3FD2] =	sst s25  }
0xa6: {  	s5 =	sshll.u32 s26, $0x1;
	_ =	strace $0x80000049;
	[dreg:$0x1] =	wrdreg $0xFFFFFFFF  }
0xa7: {  	s28 =	simm.s32 $_size_execute0_lowered;
	s3 =	sadd.s32 s3, s5;
	[dreg:$0x0] =	wrdreg $0x0  }
0xa8: {  	s5 =	sshll.u32 s28, $0x1;
	[dreg:$0x2] =	wrdreg s3  }
0xa9: {  	[dreg:$0x3] =	wrdreg s5  }
0xaa: {  	[dreg:$0x4] =	wrdreg $0xC0  }
0xab: {  	_ =	task [dreg:s7], $0x5FFFF  }
0xac: {  	[dreg:$0x1] =	wrdreg $0xFFFFFFFF  }
0xad: {  	[dreg:$0x0] =	wrdreg $0x60  }
0xae: {  	[dreg:$0x2] =	wrdreg s24  }
0xaf: {  	[dreg:$0x3] =	wrdreg s2  }
0xb0: {  	[dreg:$0x4] =	wrdreg $0x44000  }
0xb1: {  	[dreg:$0x5] =	wrdreg $0x9  }
0xb2: {  	_ =	task.clear_ibuf [dreg:s7], $0x6FFFF;
	_ =	strace $0x90000049  }
0xb3: {  	s29 =	simm.s32 $0x9;
	_ =	strace $0x8000004B  }
0xb4: {  	_ =	swait.ge [sflag:s29], $0x1  }
0xb5: {  	[sflag:s29] =	ssyncadd.s32 $0xFFFFFFFF  }
0xb6: {  	_ =	strace $0x9000004B  }
0xb7: {  	_ =	sfence  }
0xb8: {  	s30 =	sld [smem:$0x0];
	_ =	sdelay $0x2  }
0xb9: {  	s31 =	sshll.u32 s1, $0xD;
	s1 =	sshrl.u32 s1, $0x2  }
0xba: {  	s3 =	sand.u32 $0x4000, s31;
	s1 =	sadd.s32 s1, s30  }
0xbb: {  	s0 =	sor.u32 s3, s0;
	s1 =	sshll.u32 s1, $0x11  }
0xbc: {  	s0 =	sor.u32 s1, s0  }
0xbd: {  	s0 =	sadd.s32 $0x8F2B, s0  }
0xbe: {  	[sflag:s0] =	ssyncadd.remote.s32 $0x1  }
0xbf: {  	_ =	sfence.sel $0xFFFF  }
0xc0: {  	[dreg:$0x0] =	wrdreg $0xFFFFFFFF;
	(pc) =	sbr.abs _section_cstart, $3  }
0xc1: {  	[dreg:$0x1] =	wrdreg $0xFFFFFFFF  }
0xc2: {  	_ =	task.clear_ibuf [dreg:s7], $0x2FFFF;
	_ =	strace $0x9FFFFFFF  }
0xc3: {  	(tm) =	ssettm $0x7FFFFFFF  }
tec
execute0_lowered:
.L_overlay_start_1:
0x0: {  	(tag) =	ssettag $0x1  }
0x1: {  	s0 =	rddreg [dreg:$0x0]  }
0x2: {  	s1 =	rddreg [dreg:$0x1]  }
0x3: {  	s2 =	rddreg [dreg:$0x2];
	s14 =	stileid.u32  }
0x4: {  	s3 =	simm.s32 $0x0;
	s6 =	srdreg.scid;
	s4 =	smul.u32 $0x1A00, s14  }
0x5: {  	s29 =	simm.s32 $0x2400;
	s30 =	simm.s32 $0x180;
	s7 =	smul.u32 $0x18700, s14  }
0x6: {  	s31 =	simm.s32 $0x3400;
	[smem:$0x7FF] =	sst s3;
	s9 =	smul.u32 $0x61C00, s14  }
0x7: {  	s28 =	simm.s32 $0x100;
	s5 =	sadd.s32 $0x281400, s0;
	s20 =	sadd.s32 $0x16E900, s2  }
0x8: {  	s10 =	sand.u32 $0x1, s6;
	p1 =	seq.s32 s14, $0xF;
	_ =	strace $0x8000004A  }
0x9: {  	s12 =	ssub.s32 $0x2, s10;
	p0 =	seq.s32 s10, $0x1;
	[dreg:$0x8] =	wrdreg s20  }
0xa: {  	s10 =	simm.s32 $0x300;
	s8 =	sadd.s32 s4, s0;
	s4 =	sadd.s32 $0x1BDE00, s0  }
0xb: {  	s11 =	sshrl.u32 s7, $0x3;
	s16 =	sshrl.u32 s9, $0x2;
	s7 =	sadd.s32 s7, s2  }
0xc: {  	s13 =	sshrl.u32 s12, $0x1;
	s19 =	sadd.s32 s1, s11;
	[dreg:$0x6] =	wrdreg s7  }
0xd: {  	s17 =	sadd.s32 s11, s0;
	s1 =	sadd.s32 $0x2DD20, s1;
	[dreg:$0x5] =	wrdreg s19  }
0xe: {  	s6 =	sadd.s32 s16, s2;
	s0 =	sadd.s32 $0x30F20, s0;
	[dreg:$0x7] =	wrdreg s1  }
0xf: {  	s12 =	ssub.s32 s12, s13;
	s18 =	sadd.s32 $0x18000, s6;
	[dreg:$0xa] =	wrdreg s0  }
0x10: {  	s20 =	sadd.s32 $0xC6800, s8;
	s21 =	sadd.s32 $0x3200, s17;
	[dreg:$0x4] =	wrdreg s18  }
0x11: {  	s13 =	simm.s32 $0x2;
	s22 =	smax.u32 s12, $0x1;
	[dreg:$0x9] =	wrdreg s21  }
0x12: {  	s23 =	sadd.s32 $0x4000, s6;
	s24 =	sadd.s32 $0x8000, s6;
	[dreg:$0xb] =	wrdreg s22  }
0x13: {  	s25 =	sadd.s32 $0xC000, s6;
	s26 =	sadd.s32 $0x10000, s6;
	[dreg:$0xc] =	wrdreg s23  }
.Ltmp0:
0x14: {  	s19 =	sadd.s32 $0x14000, s6;
	[dreg:$0xd] =	wrdreg s24;
	(pc) =	sbr.rel .LBB2_1-.Ltmp0, $4  }
0x15: {  	s0 =	simm.s32 $0x1;
	s12 =	simm.s32 $0x380;
	[dreg:$0xe] =	wrdreg s25  }
0x16: {  	s1 =	simm.s32 $0x0;
	[dreg:$0xf] =	wrdreg s26;
	s21 =	sadd.s32 $0xE0800, s8  }
0x17: {  	s22 =	simm.s32 $0x400;
	s23 =	simm.s32 $0x3;
	s24 =	simm.s32 $0x200  }
0x18: {  	v0 =	vimm.f32 $0.0e+00;
	s25 =	simm.s32 $0x80;
	s26 =	simm.s32 $0x1400;
	s8 =	simm.s32 $0x280  }
.LBB2_6:
0x19: {  	s15 =	sadd.s32 s14, s21;
	[sflag:s13] =	ssyncadd.s32 $0xFFFFF000  }
0x1a: {  	[tilespmem:s3], [sflag:$0x3] =	stream.linear.gather [hbm4b:s15+s3], $0x200, $0x38;
	[tilespmem:$0x1CB00] =	vst v63  }
0x1b: {  	_ =	swait.ge [sflag:s23], $0x200  }
0x1c: {  	[sflag:s23] =	ssyncset.done $0x0  }
0x1d: {  	s18 =	sadd.s32 s14, s20;
	[sflag:s23] =	ssyncadd.s32 $0xFFFFFE00  }
0x1e: {  	[tilespmem:s24], [sflag:$0x3] =	stream.linear.gather [hbm4b:s18+s3], $0x200, $0x38;
	[tilespmem:$0x1CB00] =	vst v63  }
0x1f: {  	_ =	swait.ge [sflag:s23], $0x200  }
0x20: {  	[sflag:s23] =	ssyncset.done $0x0  }
0x21: {  	[sflag:s23] =	ssyncadd.s32 $0xFFFFFE00  }
0x22: {  	[tilespmem:s22], [sflag:$0x1] =	stream.indirect.gather [hbm4b:s4+s25], $0x20, s3, s25, $0xb8;
	[tilespmem:$0x1CB00] =	vst v63  }
0x23: {  	_ = 	snop  }
0x24: {  	[tilespmem:s26], [sflag:$0x1] =	stream.indirect.gather [hbm4b:s4+s25], $0x20, s25, s25, $0xb8;
	[tilespmem:$0x1CB00] =	vst v63  }
0x25: {  	_ = 	snop  }
0x26: {  	[tilespmem:s29], [sflag:$0x1] =	stream.indirect.gather [hbm4b:s4+s25], $0x20, s28, s25, $0xb8;
	[tilespmem:$0x1CB00] =	vst v63  }
0x27: {  	_ = 	snop  }
0x28: {  	[tilespmem:s31], [sflag:$0x1] =	stream.indirect.gather [hbm4b:s4+s25], $0x20, s30, s25, $0xb8;
	[tilespmem:$0x1CB00] =	vst v63  }
0x29: {  	_ =	swait.ge [sflag:s0], $0x1000  }
0x2a: {  	[sflag:s0] =	ssyncset.done $0x0  }
0x2b: {  	[sflag:s0] =	ssyncadd.s32 $0xFFFFF000  }
0x2c: {  	_ =	swait.ge [sflag:s0], $0x1000  }
0x2d: {  	[sflag:s0] =	ssyncset.done $0x0  }
0x2e: {  	[sflag:s0] =	ssyncadd.s32 $0xFFFFF000  }
0x2f: {  	_ =	swait.ge [sflag:s0], $0x1000  }
0x30: {  	[sflag:s0] =	ssyncset.done $0x0  }
0x31: {  	[sflag:s0] =	ssyncadd.s32 $0xFFFFF000  }
0x32: {  	_ =	swait.ge [sflag:s0], $0x1000  }
0x33: {  	[sflag:s0] =	ssyncset.done $0x0  }
0x34: {  	[sflag:s0] =	ssyncadd.s32 $0xFFFFF000  }
0x35: {  	[spmem:s2] =	stream.indirect.scatter.add.f32 [tilespmem:s22], [sflag:$0x2], $0x20, s24, s25, $0xb8;
	[tilespmem:$0x1CB00] =	vst v63  }
0x36: {  	_ = 	snop  }
0x37: {  	[spmem:s2] =	stream.indirect.scatter.add.f32 [tilespmem:s26], [sflag:$0x2], $0x20, s8, s25, $0xb8;
	[tilespmem:$0x1CB00] =	vst v63  }
0x38: {  	_ = 	snop  }
0x39: {  	[spmem:s2] =	stream.indirect.scatter.add.f32 [tilespmem:s29], [sflag:$0x2], $0x20, s10, s25, $0xb8;
	[tilespmem:$0x1CB00] =	vst v63  }
0x3a: {  	_ = 	snop  }
0x3b: {  	[spmem:s2] =	stream.indirect.scatter.add.f32 [tilespmem:s31], [sflag:$0x2], $0x20, s12, s25, $0xb8;
	[tilespmem:$0x1CB00] =	vst v63  }
0x3c: {  	_ =	swait.ge [sflag:s13], $0x1000  }
0x3d: {  	[sflag:s13] =	ssyncset.done $0x0  }
0x3e: {  	[sflag:s13] =	ssyncadd.s32 $0xFFFFF000  }
0x3f: {  	_ =	swait.ge [sflag:s13], $0x1000  }
0x40: {  	[sflag:s13] =	ssyncset.done $0x0  }
0x41: {  	[sflag:s13] =	ssyncadd.s32 $0xFFFFF000  }
0x42: {  	_ =	swait.ge [sflag:s13], $0x1000  }
0x43: {  	[sflag:s13] =	ssyncset.done $0x0  }
0x44: {  	[sflag:s13] =	ssyncadd.s32 $0xFFFFF000  }
0x45: {  	_ =	swait.ge [sflag:s13], $0x1000  }
0x46: {  	[sflag:s13] =	ssyncset.done $0x0  }
0x47: {  	[sflag:s13] =	ssyncadd.s32 $0xFFFFF000  }
0x48: {  	[bflag:$0x0] =	sbarrier.arrive $0xFFFF  }
0x49: {  	s14 =	simm.s32 @p1 $0x1FC3;
	s15 =	rddreg [dreg:$0x7]  }
0x4a: {  	[hbm:s15], [sflag:s14] =	dma.local @p1 [spmem:s11], $0x3020  }
0x4b: {  	s11 =	simm.s32 @p1 $0x3  }
0x4c: {  	_ =	swait.ge @p1 [sflag:s11], $0x3020  }
0x4d: {  	[sflag:s11] =	ssyncset.done @p1 $0x0  }
0x4e: {  	[sflag:s11] =	ssyncadd.s32 @p1 $0xFFFFCFE0;
	s11 =	rddreg [dreg:$0x5]  }
0x4f: {  	[hbm:s11], [sflag:s9] =	dma.local @!p1 [spmem:s7], $0x30E0  }
0x50: {  	s7 =	simm.s32 @!p1 $0x3  }
0x51: {  	_ =	swait.ge @!p1 [sflag:s7], $0x30E0  }
0x52: {  	[sflag:s7] =	ssyncset.done @!p1 $0x0  }
0x53: {  	[sflag:s7] =	ssyncadd.s32 @!p1 $0xFFFFCF20  }
.LBB2_10:
0x54: {  	s1 =	sadd.s32 $0x1, s1;
	s7 =	rddreg [dreg:$0xb]  }
0x55: {  	p2 =	sne.s32 s1, s7  }
.Ltmp1:
0x56: {  	_ = 	snop;
	(pc) =	sbr.rel @!p2 .LBB2_11-.Ltmp1, $1  }
0x57: {  	_ =	sdelay $0x3  }
.LBB2_1:
0x58: {  	s7 =	simm.s32 $0x80;
	s9 =	simm.s32 $0x0  }
.LBB2_2:
0x59: {  	p2 =	sne.s32 s7, $0xFF80;
	[tilespmem:s9+$0x400] =	vst v0;
	s11 =	smov.u32 s7;
	s7 =	sadd.s32 $0x80, s7  }
.Ltmp2:
0x5a: {  	[tilespmem:s9+$0x410] =	vst v0;
	(pc) =	sbr.rel @p2 .LBB2_2-.Ltmp2, $2  }
0x5b: {  	_ =	sdelay $0x2  }
0x5c: {  	s9 =	sshra.s32 s11, $0x2  }
0x5d: {  	[tilespmem:s9+$0x400] =	vst v0  }
0x5e: {  	[tilespmem:s9+$0x410] =	vst v0  }
0x5f: {  	[spmem:s6] =	stream.linear.scatter [tilespmem:s22], [sflag:$0x3], $0x4000, $0x38;
	[tilespmem:$0x1CB00] =	vst v63  }
0x60: {  	_ =	swait.ge [sflag:s23], $0x4000  }
0x61: {  	[sflag:s23] =	ssyncset.done $0x0  }
0x62: {  	s7 =	rddreg [dreg:$0xc];
	[sflag:s23] =	ssyncadd.s32 $0xFFFFC000  }
0x63: {  	[spmem:s7] =	stream.linear.scatter [tilespmem:s22], [sflag:$0x3], $0x4000, $0x38;
	[tilespmem:$0x1CB00] =	vst v63  }
0x64: {  	_ =	swait.ge [sflag:s23], $0x4000  }
0x65: {  	[sflag:s23] =	ssyncset.done $0x0  }
0x66: {  	s15 =	rddreg [dreg:$0xd];
	[sflag:s23] =	ssyncadd.s32 $0xFFFFC000  }
0x67: {  	[spmem:s15] =	stream.linear.scatter [tilespmem:s22], [sflag:$0x3], $0x4000, $0x38;
	[tilespmem:$0x1CB00] =	vst v63  }
0x68: {  	_ =	swait.ge [sflag:s23], $0x4000  }
0x69: {  	[sflag:s23] =	ssyncset.done $0x0  }
0x6a: {  	s16 =	rddreg [dreg:$0xe];
	[sflag:s23] =	ssyncadd.s32 $0xFFFFC000  }
0x6b: {  	[spmem:s16] =	stream.linear.scatter [tilespmem:s22], [sflag:$0x3], $0x4000, $0x38;
	[tilespmem:$0x1CB00] =	vst v63  }
0x6c: {  	_ =	swait.ge [sflag:s23], $0x4000  }
0x6d: {  	[sflag:s23] =	ssyncset.done $0x0  }
0x6e: {  	s17 =	rddreg [dreg:$0xf];
	[sflag:s23] =	ssyncadd.s32 $0xFFFFC000  }
0x6f: {  	[spmem:s17] =	stream.linear.scatter [tilespmem:s22], [sflag:$0x3], $0x4000, $0x38;
	[tilespmem:$0x1CB00] =	vst v63  }
0x70: {  	_ =	swait.ge [sflag:s23], $0x4000  }
0x71: {  	[sflag:s23] =	ssyncset.done $0x0  }
0x72: {  	[sflag:s23] =	ssyncadd.s32 $0xFFFFC000  }
0x73: {  	[spmem:s19] =	stream.linear.scatter [tilespmem:s22], [sflag:$0x3], $0x4000, $0x38;
	[tilespmem:$0x1CB00] =	vst v63  }
0x74: {  	_ =	swait.ge [sflag:s23], $0x4000  }
0x75: {  	[sflag:s23] =	ssyncset.done $0x0  }
0x76: {  	s18 =	rddreg [dreg:$0x4];
	[sflag:s23] =	ssyncadd.s32 $0xFFFFC000  }
0x77: {  	[spmem:s18] =	stream.linear.scatter [tilespmem:s22], [sflag:$0x3], $0x700, $0x38;
	[tilespmem:$0x1CB00] =	vst v63  }
0x78: {  	_ =	swait.ge [sflag:s23], $0x700  }
0x79: {  	[sflag:s23] =	ssyncset.done $0x0  }
.Ltmp3:
0x7a: {  	[sflag:s23] =	ssyncadd.s32 $0xFFFFF900;
	(pc) =	sbr.rel @!p0 .LBB2_4-.Ltmp3, $4  }
0x7b: {  	s7 =	stileid.u32;
	[bflag:$0x0] =	sbarrier.arrive $0xFFFF  }
0x7c: {  	s9 =	sshll.u32 @!p1 s7, $0x6;
	s7 =	rddreg [dreg:$0x8]  }
0x7d: {  	s11 =	sshrl.u32 @p1 s7, $0x3;
	s7 =	rddreg [dreg:$0x6]  }
0x7e: {  	s14 =	sadd.s32 $0x0, s21;
	s9 =	sor.u32 @!p1 $0x1C03, s9;
	s7 =	sshrl.u32 @!p1 s7, $0x3  }
0x7f: {  	[tilespmem:s3], [sflag:$0x3] =	stream.linear.gather [hbm4b:s14+s3], $0x200, $0x38;
	[tilespmem:$0x1CB00] =	vst v63  }
0x80: {  	_ =	swait.ge [sflag:s23], $0x200  }
0x81: {  	[sflag:s23] =	ssyncset.done $0x0  }
0x82: {  	s18 =	sadd.s32 $0x0, s20;
	[sflag:s23] =	ssyncadd.s32 $0xFFFFFE00  }
0x83: {  	[tilespmem:s24], [sflag:$0x3] =	stream.linear.gather [hbm4b:s18+s3], $0x200, $0x38;
	[tilespmem:$0x1CB00] =	vst v63  }
0x84: {  	_ =	swait.ge [sflag:s23], $0x200  }
0x85: {  	[sflag:s23] =	ssyncset.done $0x0  }
0x86: {  	[sflag:s23] =	ssyncadd.s32 $0xFFFFFE00  }
0x87: {  	[tilespmem:s22], [sflag:$0x1] =	stream.indirect.gather [hbm4b:s5+s25], $0x20, s3, s25, $0xb8;
	[tilespmem:$0x1CB00] =	vst v63  }
0x88: {  	_ = 	snop  }
0x89: {  	[tilespmem:s26], [sflag:$0x1] =	stream.indirect.gather [hbm4b:s5+s25], $0x20, s25, s25, $0xb8;
	[tilespmem:$0x1CB00] =	vst v63  }
0x8a: {  	_ = 	snop  }
0x8b: {  	[tilespmem:s29], [sflag:$0x1] =	stream.indirect.gather [hbm4b:s5+s25], $0x20, s28, s25, $0xb8;
	[tilespmem:$0x1CB00] =	vst v63  }
0x8c: {  	_ = 	snop  }
0x8d: {  	[tilespmem:s31], [sflag:$0x1] =	stream.indirect.gather [hbm4b:s5+s25], $0x20, s30, s25, $0xb8;
	[tilespmem:$0x1CB00] =	vst v63  }
0x8e: {  	_ =	swait.ge [sflag:s0], $0x1000  }
0x8f: {  	[sflag:s0] =	ssyncset.done $0x0  }
0x90: {  	[sflag:s0] =	ssyncadd.s32 $0xFFFFF000  }
0x91: {  	_ =	swait.ge [sflag:s0], $0x1000  }
0x92: {  	[sflag:s0] =	ssyncset.done $0x0  }
0x93: {  	[sflag:s0] =	ssyncadd.s32 $0xFFFFF000  }
0x94: {  	_ =	swait.ge [sflag:s0], $0x1000  }
0x95: {  	[sflag:s0] =	ssyncset.done $0x0  }
0x96: {  	[sflag:s0] =	ssyncadd.s32 $0xFFFFF000  }
0x97: {  	_ =	swait.ge [sflag:s0], $0x1000  }
0x98: {  	[sflag:s0] =	ssyncset.done $0x0  }
0x99: {  	[sflag:s0] =	ssyncadd.s32 $0xFFFFF000  }
0x9a: {  	[spmem:s2] =	stream.indirect.scatter.add.f32 [tilespmem:s22], [sflag:$0x2], $0x20, s24, s25, $0xb8;
	[tilespmem:$0x1CB00] =	vst v63  }
0x9b: {  	_ = 	snop  }
0x9c: {  	[spmem:s2] =	stream.indirect.scatter.add.f32 [tilespmem:s26], [sflag:$0x2], $0x20, s8, s25, $0xb8;
	[tilespmem:$0x1CB00] =	vst v63  }
0x9d: {  	_ = 	snop  }
0x9e: {  	[spmem:s2] =	stream.indirect.scatter.add.f32 [tilespmem:s29], [sflag:$0x2], $0x20, s10, s25, $0xb8;
	[tilespmem:$0x1CB00] =	vst v63  }
0x9f: {  	_ = 	snop  }
0xa0: {  	[spmem:s2] =	stream.indirect.scatter.add.f32 [tilespmem:s31], [sflag:$0x2], $0x20, s12, s25, $0xb8;
	[tilespmem:$0x1CB00] =	vst v63  }
0xa1: {  	_ =	swait.ge [sflag:s13], $0x1000  }
0xa2: {  	[sflag:s13] =	ssyncset.done $0x0  }
0xa3: {  	[sflag:s13] =	ssyncadd.s32 $0xFFFFF000  }
0xa4: {  	_ =	swait.ge [sflag:s13], $0x1000  }
0xa5: {  	[sflag:s13] =	ssyncset.done $0x0  }
0xa6: {  	[sflag:s13] =	ssyncadd.s32 $0xFFFFF000  }
0xa7: {  	_ =	swait.ge [sflag:s13], $0x1000  }
0xa8: {  	[sflag:s13] =	ssyncset.done $0x0  }
0xa9: {  	[sflag:s13] =	ssyncadd.s32 $0xFFFFF000  }
0xaa: {  	_ =	swait.ge [sflag:s13], $0x1000  }
0xab: {  	s14 =	simm.s32 $0x40;
	s16 =	simm.s32 $0x80;
	[sflag:s13] =	ssyncset.done $0x0  }
.LBB2_8:
0xac: {  	s17 =	sadd.s32 s14, s21  }
0xad: {  	[sflag:s13] =	ssyncadd.s32 $0xFFFFF000;
	s18 =	smov.u32 s16;
	s15 =	sadd.s32 $0x40, s16  }
0xae: {  	[tilespmem:s3], [sflag:$0x3] =	stream.linear.gather [hbm4b:s17+s3], $0x200, $0x38;
	[tilespmem:$0x1CB00] =	vst v63  }
0xaf: {  	p2 =	sne.s32 s16, $0x19C0;
	_ =	swait.ge [sflag:s23], $0x200  }
0xb0: {  	[sflag:s23] =	ssyncset.done $0x0  }
0xb1: {  	s16 =	sadd.s32 s14, s20;
	s14 =	smov.u32 s18;
	[sflag:s23] =	ssyncadd.s32 $0xFFFFFE00  }
0xb2: {  	[tilespmem:s24], [sflag:$0x3] =	stream.linear.gather [hbm4b:s16+s3], $0x200, $0x38;
	[tilespmem:$0x1CB00] =	vst v63  }
0xb3: {  	_ =	swait.ge [sflag:s23], $0x200  }
0xb4: {  	[sflag:s23] =	ssyncset.done $0x0  }
0xb5: {  	[sflag:s23] =	ssyncadd.s32 $0xFFFFFE00  }
0xb6: {  	[tilespmem:s22], [sflag:$0x1] =	stream.indirect.gather [hbm4b:s5+s25], $0x20, s3, s25, $0xb8;
	[tilespmem:$0x1CB00] =	vst v63  }
0xb7: {  	_ = 	snop  }
0xb8: {  	[tilespmem:s26], [sflag:$0x1] =	stream.indirect.gather [hbm4b:s5+s25], $0x20, s25, s25, $0xb8;
	[tilespmem:$0x1CB00] =	vst v63  }
0xb9: {  	_ = 	snop  }
0xba: {  	[tilespmem:s29], [sflag:$0x1] =	stream.indirect.gather [hbm4b:s5+s25], $0x20, s28, s25, $0xb8;
	[tilespmem:$0x1CB00] =	vst v63  }
0xbb: {  	_ = 	snop  }
0xbc: {  	[tilespmem:s31], [sflag:$0x1] =	stream.indirect.gather [hbm4b:s5+s25], $0x20, s30, s25, $0xb8;
	[tilespmem:$0x1CB00] =	vst v63  }
0xbd: {  	_ =	swait.ge [sflag:s0], $0x1000  }
0xbe: {  	[sflag:s0] =	ssyncset.done $0x0  }
0xbf: {  	[sflag:s0] =	ssyncadd.s32 $0xFFFFF000  }
0xc0: {  	_ =	swait.ge [sflag:s0], $0x1000  }
0xc1: {  	[sflag:s0] =	ssyncset.done $0x0  }
0xc2: {  	[sflag:s0] =	ssyncadd.s32 $0xFFFFF000  }
0xc3: {  	_ =	swait.ge [sflag:s0], $0x1000  }
0xc4: {  	[sflag:s0] =	ssyncset.done $0x0  }
0xc5: {  	[sflag:s0] =	ssyncadd.s32 $0xFFFFF000  }
0xc6: {  	_ =	swait.ge [sflag:s0], $0x1000  }
0xc7: {  	[sflag:s0] =	ssyncset.done $0x0  }
0xc8: {  	[sflag:s0] =	ssyncadd.s32 $0xFFFFF000  }
0xc9: {  	[spmem:s2] =	stream.indirect.scatter.add.f32 [tilespmem:s22], [sflag:$0x2], $0x20, s24, s25, $0xb8;
	[tilespmem:$0x1CB00] =	vst v63  }
0xca: {  	_ = 	snop  }
0xcb: {  	[spmem:s2] =	stream.indirect.scatter.add.f32 [tilespmem:s26], [sflag:$0x2], $0x20, s8, s25, $0xb8;
	[tilespmem:$0x1CB00] =	vst v63  }
0xcc: {  	_ = 	snop  }
0xcd: {  	[spmem:s2] =	stream.indirect.scatter.add.f32 [tilespmem:s29], [sflag:$0x2], $0x20, s10, s25, $0xb8;
	[tilespmem:$0x1CB00] =	vst v63  }
0xce: {  	_ = 	snop  }
0xcf: {  	[spmem:s2] =	stream.indirect.scatter.add.f32 [tilespmem:s31], [sflag:$0x2], $0x20, s12, s25, $0xb8;
	[tilespmem:$0x1CB00] =	vst v63  }
0xd0: {  	_ =	swait.ge [sflag:s13], $0x1000  }
0xd1: {  	[sflag:s13] =	ssyncset.done $0x0  }
0xd2: {  	[sflag:s13] =	ssyncadd.s32 $0xFFFFF000  }
0xd3: {  	_ =	swait.ge [sflag:s13], $0x1000  }
0xd4: {  	[sflag:s13] =	ssyncset.done $0x0  }
0xd5: {  	[sflag:s13] =	ssyncadd.s32 $0xFFFFF000  }
.Ltmp4:
0xd6: {  	_ =	swait.ge [sflag:s13], $0x1000;
	(pc) =	sbr.rel @p2 .LBB2_8-.Ltmp4, $4  }
0xd7: {  	[sflag:s13] =	ssyncset.done $0x0  }
0xd8: {  	[sflag:s13] =	ssyncadd.s32 $0xFFFFF000  }
0xd9: {  	_ =	swait.ge [sflag:s13], $0x1000  }
0xda: {  	s16 =	smov.u32 s15;
	[sflag:s13] =	ssyncset.done $0x0  }
0xdb: {  	s15 =	sadd.s32 s14, s21;
	[sflag:s13] =	ssyncadd.s32 $0xFFFFF000  }
0xdc: {  	[tilespmem:s3], [sflag:$0x3] =	stream.linear.gather [hbm4b:s15+s3], $0x200, $0x38;
	[tilespmem:$0x1CB00] =	vst v63  }
0xdd: {  	_ =	swait.ge [sflag:s23], $0x200  }
0xde: {  	[sflag:s23] =	ssyncset.done $0x0  }
0xdf: {  	s18 =	sadd.s32 s14, s20;
	[sflag:s23] =	ssyncadd.s32 $0xFFFFFE00  }
0xe0: {  	[tilespmem:s24], [sflag:$0x3] =	stream.linear.gather [hbm4b:s18+s3], $0x200, $0x38;
	[tilespmem:$0x1CB00] =	vst v63  }
0xe1: {  	_ =	swait.ge [sflag:s23], $0x200  }
0xe2: {  	[sflag:s23] =	ssyncset.done $0x0  }
0xe3: {  	[sflag:s23] =	ssyncadd.s32 $0xFFFFFE00  }
0xe4: {  	[tilespmem:s22], [sflag:$0x1] =	stream.indirect.gather [hbm4b:s5+s25], $0x20, s3, s25, $0xb8;
	[tilespmem:$0x1CB00] =	vst v63  }
0xe5: {  	_ = 	snop  }
0xe6: {  	[tilespmem:s26], [sflag:$0x1] =	stream.indirect.gather [hbm4b:s5+s25], $0x20, s25, s25, $0xb8;
	[tilespmem:$0x1CB00] =	vst v63  }
0xe7: {  	_ = 	snop  }
0xe8: {  	[tilespmem:s29], [sflag:$0x1] =	stream.indirect.gather [hbm4b:s5+s25], $0x20, s28, s25, $0xb8;
	[tilespmem:$0x1CB00] =	vst v63  }
0xe9: {  	_ = 	snop  }
0xea: {  	[tilespmem:s31], [sflag:$0x1] =	stream.indirect.gather [hbm4b:s5+s25], $0x20, s30, s25, $0xb8;
	[tilespmem:$0x1CB00] =	vst v63  }
0xeb: {  	_ =	swait.ge [sflag:s0], $0x1000  }
0xec: {  	[sflag:s0] =	ssyncset.done $0x0  }
0xed: {  	[sflag:s0] =	ssyncadd.s32 $0xFFFFF000  }
0xee: {  	_ =	swait.ge [sflag:s0], $0x1000  }
0xef: {  	[sflag:s0] =	ssyncset.done $0x0  }
0xf0: {  	[sflag:s0] =	ssyncadd.s32 $0xFFFFF000  }
0xf1: {  	_ =	swait.ge [sflag:s0], $0x1000  }
0xf2: {  	[sflag:s0] =	ssyncset.done $0x0  }
0xf3: {  	[sflag:s0] =	ssyncadd.s32 $0xFFFFF000  }
0xf4: {  	_ =	swait.ge [sflag:s0], $0x1000  }
0xf5: {  	[sflag:s0] =	ssyncset.done $0x0  }
0xf6: {  	[sflag:s0] =	ssyncadd.s32 $0xFFFFF000  }
0xf7: {  	[spmem:s2] =	stream.indirect.scatter.add.f32 [tilespmem:s22], [sflag:$0x2], $0x20, s24, s25, $0xb8;
	[tilespmem:$0x1CB00] =	vst v63  }
0xf8: {  	_ = 	snop  }
0xf9: {  	[spmem:s2] =	stream.indirect.scatter.add.f32 [tilespmem:s26], [sflag:$0x2], $0x20, s8, s25, $0xb8;
	[tilespmem:$0x1CB00] =	vst v63  }
0xfa: {  	_ = 	snop  }
0xfb: {  	[spmem:s2] =	stream.indirect.scatter.add.f32 [tilespmem:s29], [sflag:$0x2], $0x20, s10, s25, $0xb8;
	[tilespmem:$0x1CB00] =	vst v63  }
0xfc: {  	_ = 	snop  }
0xfd: {  	[spmem:s2] =	stream.indirect.scatter.add.f32 [tilespmem:s31], [sflag:$0x2], $0x20, s12, s25, $0xb8;
	[tilespmem:$0x1CB00] =	vst v63  }
0xfe: {  	_ =	swait.ge [sflag:s13], $0x1000  }
0xff: {  	[sflag:s13] =	ssyncset.done $0x0  }
0x100: {  	[sflag:s13] =	ssyncadd.s32 $0xFFFFF000  }
0x101: {  	_ =	swait.ge [sflag:s13], $0x1000  }
0x102: {  	[sflag:s13] =	ssyncset.done $0x0  }
0x103: {  	[sflag:s13] =	ssyncadd.s32 $0xFFFFF000  }
0x104: {  	_ =	swait.ge [sflag:s13], $0x1000  }
0x105: {  	[sflag:s13] =	ssyncset.done $0x0  }
0x106: {  	[sflag:s13] =	ssyncadd.s32 $0xFFFFF000  }
0x107: {  	_ =	swait.ge [sflag:s13], $0x1000  }
0x108: {  	[sflag:s13] =	ssyncset.done $0x0  }
0x109: {  	[sflag:s13] =	ssyncadd.s32 $0xFFFFF000  }
0x10a: {  	[bflag:$0x0] =	sbarrier.arrive $0xFFFF  }
0x10b: {  	s14 =	simm.s32 @p1 $0x1FC3;
	s15 =	rddreg [dreg:$0xa]  }
0x10c: {  	[hbm:s15], [sflag:s14] =	dma.local @p1 [spmem:s11], $0x3020  }
0x10d: {  	s11 =	simm.s32 @p1 $0x3  }
0x10e: {  	_ =	swait.ge @p1 [sflag:s11], $0x3020  }
0x10f: {  	[sflag:s11] =	ssyncset.done @p1 $0x0  }
0x110: {  	[sflag:s11] =	ssyncadd.s32 @p1 $0xFFFFCFE0;
	s11 =	rddreg [dreg:$0x9]  }
0x111: {  	[hbm:s11], [sflag:s9] =	dma.local @!p1 [spmem:s7], $0x30E0  }
.Ltmp5:
0x112: {  	_ = 	snop;
	(pc) =	sbr.rel .LBB2_10-.Ltmp5, $4  }
0x113: {  	s7 =	simm.s32 @!p1 $0x3  }
0x114: {  	_ =	swait.ge @!p1 [sflag:s7], $0x30E0  }
0x115: {  	[sflag:s7] =	ssyncset.done @!p1 $0x0  }
0x116: {  	[sflag:s7] =	ssyncadd.s32 @!p1 $0xFFFFCF20  }
.LBB2_4:
0x117: {  	[tilespmem:s3], [sflag:$0x3] =	stream.linear.gather [hbm4b:s14+s3], $0x200, $0x38;
	[tilespmem:$0x1CB00] =	vst v63  }
0x118: {  	_ =	swait.ge [sflag:s23], $0x200  }
0x119: {  	[sflag:s23] =	ssyncset.done $0x0  }
0x11a: {  	s18 =	sadd.s32 $0x0, s20;
	[sflag:s23] =	ssyncadd.s32 $0xFFFFFE00  }
0x11b: {  	[tilespmem:s24], [sflag:$0x3] =	stream.linear.gather [hbm4b:s18+s3], $0x200, $0x38;
	[tilespmem:$0x1CB00] =	vst v63  }
0x11c: {  	_ =	swait.ge [sflag:s23], $0x200  }
0x11d: {  	[sflag:s23] =	ssyncset.done $0x0  }
0x11e: {  	[sflag:s23] =	ssyncadd.s32 $0xFFFFFE00  }
0x11f: {  	[tilespmem:s22], [sflag:$0x1] =	stream.indirect.gather [hbm4b:s4+s25], $0x20, s3, s25, $0xb8;
	[tilespmem:$0x1CB00] =	vst v63  }
0x120: {  	_ = 	snop  }
0x121: {  	[tilespmem:s26], [sflag:$0x1] =	stream.indirect.gather [hbm4b:s4+s25], $0x20, s25, s25, $0xb8;
	[tilespmem:$0x1CB00] =	vst v63  }
0x122: {  	_ = 	snop  }
0x123: {  	[tilespmem:s29], [sflag:$0x1] =	stream.indirect.gather [hbm4b:s4+s25], $0x20, s28, s25, $0xb8;
	[tilespmem:$0x1CB00] =	vst v63  }
0x124: {  	_ = 	snop  }
0x125: {  	[tilespmem:s31], [sflag:$0x1] =	stream.indirect.gather [hbm4b:s4+s25], $0x20, s30, s25, $0xb8;
	[tilespmem:$0x1CB00] =	vst v63  }
0x126: {  	_ =	swait.ge [sflag:s0], $0x1000  }
0x127: {  	[sflag:s0] =	ssyncset.done $0x0  }
0x128: {  	[sflag:s0] =	ssyncadd.s32 $0xFFFFF000  }
0x129: {  	_ =	swait.ge [sflag:s0], $0x1000  }
0x12a: {  	[sflag:s0] =	ssyncset.done $0x0  }
0x12b: {  	[sflag:s0] =	ssyncadd.s32 $0xFFFFF000  }
0x12c: {  	_ =	swait.ge [sflag:s0], $0x1000  }
0x12d: {  	[sflag:s0] =	ssyncset.done $0x0  }
0x12e: {  	[sflag:s0] =	ssyncadd.s32 $0xFFFFF000  }
0x12f: {  	_ =	swait.ge [sflag:s0], $0x1000  }
0x130: {  	[sflag:s0] =	ssyncset.done $0x0  }
0x131: {  	[sflag:s0] =	ssyncadd.s32 $0xFFFFF000  }
0x132: {  	[spmem:s2] =	stream.indirect.scatter.add.f32 [tilespmem:s22], [sflag:$0x2], $0x20, s24, s25, $0xb8;
	[tilespmem:$0x1CB00] =	vst v63  }
0x133: {  	_ = 	snop  }
0x134: {  	[spmem:s2] =	stream.indirect.scatter.add.f32 [tilespmem:s26], [sflag:$0x2], $0x20, s8, s25, $0xb8;
	[tilespmem:$0x1CB00] =	vst v63  }
0x135: {  	_ = 	snop  }
0x136: {  	[spmem:s2] =	stream.indirect.scatter.add.f32 [tilespmem:s29], [sflag:$0x2], $0x20, s10, s25, $0xb8;
	[tilespmem:$0x1CB00] =	vst v63  }
0x137: {  	_ = 	snop  }
0x138: {  	[spmem:s2] =	stream.indirect.scatter.add.f32 [tilespmem:s31], [sflag:$0x2], $0x20, s12, s25, $0xb8;
	[tilespmem:$0x1CB00] =	vst v63  }
0x139: {  	_ =	swait.ge [sflag:s13], $0x1000  }
0x13a: {  	[sflag:s13] =	ssyncset.done $0x0  }
0x13b: {  	[sflag:s13] =	ssyncadd.s32 $0xFFFFF000  }
0x13c: {  	_ =	swait.ge [sflag:s13], $0x1000  }
0x13d: {  	[sflag:s13] =	ssyncset.done $0x0  }
0x13e: {  	[sflag:s13] =	ssyncadd.s32 $0xFFFFF000  }
0x13f: {  	_ =	swait.ge [sflag:s13], $0x1000  }
0x140: {  	[sflag:s13] =	ssyncset.done $0x0  }
0x141: {  	[sflag:s13] =	ssyncadd.s32 $0xFFFFF000  }
0x142: {  	_ =	swait.ge [sflag:s13], $0x1000  }
0x143: {  	s14 =	simm.s32 $0x40;
	s15 =	simm.s32 $0x80;
	[sflag:s13] =	ssyncset.done $0x0  }
.LBB2_5:
0x144: {  	s17 =	sadd.s32 s14, s21  }
0x145: {  	[sflag:s13] =	ssyncadd.s32 $0xFFFFF000;
	s18 =	smov.u32 s15;
	s16 =	sadd.s32 $0x40, s15  }
0x146: {  	[tilespmem:s3], [sflag:$0x3] =	stream.linear.gather [hbm4b:s17+s3], $0x200, $0x38;
	[tilespmem:$0x1CB00] =	vst v63  }
0x147: {  	p2 =	sne.s32 s15, $0x19C0;
	_ =	swait.ge [sflag:s23], $0x200  }
0x148: {  	[sflag:s23] =	ssyncset.done $0x0  }
0x149: {  	s15 =	sadd.s32 s14, s20;
	s14 =	smov.u32 s18;
	[sflag:s23] =	ssyncadd.s32 $0xFFFFFE00  }
0x14a: {  	[tilespmem:s24], [sflag:$0x3] =	stream.linear.gather [hbm4b:s15+s3], $0x200, $0x38;
	[tilespmem:$0x1CB00] =	vst v63  }
0x14b: {  	_ =	swait.ge [sflag:s23], $0x200  }
0x14c: {  	[sflag:s23] =	ssyncset.done $0x0  }
0x14d: {  	[sflag:s23] =	ssyncadd.s32 $0xFFFFFE00  }
0x14e: {  	[tilespmem:s22], [sflag:$0x1] =	stream.indirect.gather [hbm4b:s4+s25], $0x20, s3, s25, $0xb8;
	[tilespmem:$0x1CB00] =	vst v63  }
0x14f: {  	_ = 	snop  }
0x150: {  	[tilespmem:s26], [sflag:$0x1] =	stream.indirect.gather [hbm4b:s4+s25], $0x20, s25, s25, $0xb8;
	[tilespmem:$0x1CB00] =	vst v63  }
0x151: {  	_ = 	snop  }
0x152: {  	[tilespmem:s29], [sflag:$0x1] =	stream.indirect.gather [hbm4b:s4+s25], $0x20, s28, s25, $0xb8;
	[tilespmem:$0x1CB00] =	vst v63  }
0x153: {  	_ = 	snop  }
0x154: {  	[tilespmem:s31], [sflag:$0x1] =	stream.indirect.gather [hbm4b:s4+s25], $0x20, s30, s25, $0xb8;
	[tilespmem:$0x1CB00] =	vst v63  }
0x155: {  	_ =	swait.ge [sflag:s0], $0x1000  }
0x156: {  	[sflag:s0] =	ssyncset.done $0x0  }
0x157: {  	[sflag:s0] =	ssyncadd.s32 $0xFFFFF000  }
0x158: {  	_ =	swait.ge [sflag:s0], $0x1000  }
0x159: {  	[sflag:s0] =	ssyncset.done $0x0  }
0x15a: {  	[sflag:s0] =	ssyncadd.s32 $0xFFFFF000  }
0x15b: {  	_ =	swait.ge [sflag:s0], $0x1000  }
0x15c: {  	[sflag:s0] =	ssyncset.done $0x0  }
0x15d: {  	[sflag:s0] =	ssyncadd.s32 $0xFFFFF000  }
0x15e: {  	_ =	swait.ge [sflag:s0], $0x1000  }
0x15f: {  	[sflag:s0] =	ssyncset.done $0x0  }
0x160: {  	[sflag:s0] =	ssyncadd.s32 $0xFFFFF000  }
0x161: {  	[spmem:s2] =	stream.indirect.scatter.add.f32 [tilespmem:s22], [sflag:$0x2], $0x20, s24, s25, $0xb8;
	[tilespmem:$0x1CB00] =	vst v63  }
0x162: {  	_ = 	snop  }
0x163: {  	[spmem:s2] =	stream.indirect.scatter.add.f32 [tilespmem:s26], [sflag:$0x2], $0x20, s8, s25, $0xb8;
	[tilespmem:$0x1CB00] =	vst v63  }
0x164: {  	_ = 	snop  }
0x165: {  	[spmem:s2] =	stream.indirect.scatter.add.f32 [tilespmem:s29], [sflag:$0x2], $0x20, s10, s25, $0xb8;
	[tilespmem:$0x1CB00] =	vst v63  }
0x166: {  	_ = 	snop  }
0x167: {  	[spmem:s2] =	stream.indirect.scatter.add.f32 [tilespmem:s31], [sflag:$0x2], $0x20, s12, s25, $0xb8;
	[tilespmem:$0x1CB00] =	vst v63  }
0x168: {  	_ =	swait.ge [sflag:s13], $0x1000  }
0x169: {  	[sflag:s13] =	ssyncset.done $0x0  }
0x16a: {  	[sflag:s13] =	ssyncadd.s32 $0xFFFFF000  }
0x16b: {  	_ =	swait.ge [sflag:s13], $0x1000  }
0x16c: {  	[sflag:s13] =	ssyncset.done $0x0  }
0x16d: {  	[sflag:s13] =	ssyncadd.s32 $0xFFFFF000  }
.Ltmp6:
0x16e: {  	_ =	swait.ge [sflag:s13], $0x1000;
	(pc) =	sbr.rel @p2 .LBB2_5-.Ltmp6, $4  }
0x16f: {  	[sflag:s13] =	ssyncset.done $0x0  }
0x170: {  	[sflag:s13] =	ssyncadd.s32 $0xFFFFF000  }
0x171: {  	_ =	swait.ge [sflag:s13], $0x1000  }
0x172: {  	s15 =	smov.u32 s16;
	[sflag:s13] =	ssyncset.done $0x0  }
.Ltmp7:
0x173: {  	_ = 	snop;
	(pc) =	sbr.rel .LBB2_6-.Ltmp7, $1  }
0x174: {  	_ =	sdelay $0x3  }
.LBB2_11:
0x175: {  	_ =	sfence.sel $0x180000  }
0x176: {  	[bflag:$0x0] =	sbarrier.arrive $0xFFFF  }
0x177: {  	_ =	strace $0x9000004A  }
0x178: {  	s0 =	stileid.u32;
	[bflag:$0x2] =	sbarrier.arrive $0xFFFF  }
0x179: {  	p0 =	sne.s32 s0, $0x0;
	s0 =	rddreg [dreg:$0x3]  }
0x17a: {  	s0 =	sadd.s32 @!p0 $0x100000, s0  }
0x17b: {  	[sflag:s0] =	ssyncadd.tile.s32 @!p0 $0x1;
	_ =	shalt  }
.Lfunc_end2:
_tile_overlayer_lowered:
.L_overlay_start_2:
0x17c: {  	(tag) =	ssettag $0x2  }
0x17d: {  	s0 =	rddreg [dreg:$0x0];
	s2 =	stileid.u32  }
0x17e: {  	s1 =	rddreg [dreg:$0x1];
	p0 =	sne.s32 s2, $0x0  }
0x17f: {  	s3 =	rddreg [dreg:$0x2];
	[bflag:$0x3] =	sbarrier.arrive $0xFFFF;
	s2 =	simm.s32 @!p0 $0x1C03  }
0x180: {  	[timem:s3], [sflag:s2] =	dma.local @!p0 [hbm:s0], s1  }
0x181: {  	s0 =	simm.s32 @!p0 $0x3  }
0x182: {  	_ =	swait.ge @!p0 [sflag:s0], s1  }
0x183: {  	s1 =	ssub.s32 @!p0 $0x0, s1;
	[sflag:s0] =	ssyncset.done @!p0 $0x0  }
0x184: {  	[sflag:s0] =	ssyncadd.s32 @!p0 s1  }
0x185: {  	[bflag:$0x3] =	sbarrier.arrive $0xFFFF  }
0x186: {  	_ =	shalt  }

// kernel: kernel.15.cloned.1.call-start
scs
__scs_entry_jumppad:
0x0: {  	(pc) =	sbr.rel $0x88, $3  }
0x1: {  	(tag) =	ssettag $0x0;
	lr =	simm.s32 $0x1  }
0x2: {  	[smem:$0x3F96] =	sst lr;
	_ =	strace $0xD0000000  }
0x3: {  	_ = 	snop  }
0x4: {  	_ = 	snop  }
0x5: {  	_ = 	snop  }
0x6: {  	_ = 	snop  }
0x7: {  	_ = 	snop  }
__scs_overlays_trampoline_lowered:
0x8: {  	[smem:$0x3FA5] =	sst s0  }
0x9: {  	[smem:$0x3FA6] =	sst s1  }
0xa: {  	[smem:$0x3FA7] =	sst s2  }
0xb: {  	[smem:$0x3FA8] =	sst s3  }
0xc: {  	[smem:$0x3FA9] =	sst s4  }
0xd: {  	[smem:$0x3FAA] =	sst s5  }
0xe: {  	[smem:$0x3FAB] =	sst s6  }
0xf: {  	[smem:$0x3FAC] =	sst s7  }
0x10: {  	[smem:$0x3FAD] =	sst s8  }
0x11: {  	[smem:$0x3FAE] =	sst s9;
	s0 =	simm.s32 @!p0 $0x0  }
0x12: {  	s1 =	sld [smem:$0x3F94];
	s0 =	simm.s32 @p0 $0x1  }
0x13: {  	[smem:$0x3FAF] =	sst s0;
	s0 =	simm.s32 @!p1 $0x0  }
0x14: {  	s2 =	sld [smem:$0x3F93];
	s0 =	simm.s32 @p1 $0x1  }
0x15: {  	[smem:$0x3FB0] =	sst s0;
	s0 =	simm.s32 @!p2 $0x0  }
0x16: {  	s3 =	sld [smem:$0x3FDB];
	s0 =	simm.s32 @p2 $0x1  }
0x17: {  	s4 =	simm.s32 $0x1BF5;
	[smem:$0x3FB2] =	sst s0  }
0x18: {  	s0 =	sld [smem:$0x3F95];
	_ =	swait.ge [sflag:s4], $0x0  }
0x19: {  	s7 =	sld [smem:$0x3F96]  }
0x1a: {  	s8 =	sadd.s32 $0xFFFFE003, lr  }
0x1b: {  	s9 =	sadd.s32 $0xFFFFFEF7, lr;
	s5 =	simm.s32 $0xFFFFFFFF;
	p2 =	slt.u32 s8, $0xFFFFF086  }
0x1c: {  	p1 =	slt.u32 s9, $0xF7A;
	s5 =	simm.s32 @!p2 $0x0  }
0x1d: {  	s5 =	simm.s32 @p1 $0x1;
	p0 =	seq.s32 s7, s2  }
0x1e: {  	s7 =	smul.u32 @!p0 $0xF7A, s2;
	p2 =	seq.s32 @!p0 s5, $0x0  }
0x1f: {  	s9 =	smul.u32 $0xF7A, s1;
	s8 =	simm.s32 @!p0 $0x1BF5;
	p2 =	por !p2, p0  }
0x20: {  	[sflag:s8] =	ssyncset.s32 @!p0 $0xFFFFF086;
	s6 =	sadd.s32 @!p0 s3, s7;
	s7 =	simm.s32 @!p0 $0x108  }
0x21: {  	s3 =	sadd.s32 s3, s9;
	s6 =	sadd.s32 @!p0 $0x88, s6;
	s7 =	simm.s32 @p2 $0x1082  }
0x22: {  	[simem:s7], [sflag:s8] =	dma.local @!p0 [hbm:s6], $0xF7A  }
0x23: {  	s9 =	sor.u32 $0xD0000000, s2;
	s6 =	simm.s32 $0x108;
	_ =	swait.ge @!p0 [sflag:s8], $0x0  }
0x24: {  	s3 =	sadd.s32 $0x88, s3;
	s6 =	simm.s32 @!p1 $0x1082;
	[sflag:s4] =	ssyncset.s32 $0xFFFFF086  }
0x25: {  	[simem:s6], [sflag:s4] =	dma.local [hbm:s3], $0xF7A  }
0x26: {  	[smem:$0x3F96] =	sst s1;
	(tag) =	ssettag s2;
	_ =	strace s9  }
0x27: {  	s1 =	sld [smem:$0x3FA6]  }
0x28: {  	s2 =	sld [smem:$0x3FA7]  }
0x29: {  	s4 =	sld [smem:$0x3FA9]  }
0x2a: {  	p0 =	seq.s32 s5, $0x0;
	s5 =	sld [smem:$0x3FAA]  }
0x2b: {  	s6 =	sld [smem:$0x3FAB]  }
0x2c: {  	s7 =	sld [smem:$0x3FAC]  }
0x2d: {  	s3 =	simm.s32 $0x108;
	s8 =	sld [smem:$0x3FAD]  }
0x2e: {  	s3 =	simm.s32 @!p0 $0x1082;
	s9 =	sld [smem:$0x3FAE]  }
0x2f: {  	lr =	sadd.s32 s0, s3;
	s0 =	sld [smem:$0x3FA5]  }
0x30: {  	s3 =	sld [smem:$0x3FA8]  }
0x31: {  	[smem:$0x3FB1] =	sst s10  }
0x32: {  	s10 =	sld [smem:$0x3FAF];
	_ =	sdelay $0x3  }
0x33: {  	p0 =	seq.s32 s10, $0x1;
	s10 =	sld [smem:$0x3FB1];
	_ =	sdelay $0x3  }
0x34: {  	[smem:$0x3FB1] =	sst s10  }
0x35: {  	s10 =	sld [smem:$0x3FB0];
	_ =	sdelay $0x3  }
0x36: {  	p1 =	seq.s32 s10, $0x1;
	s10 =	sld [smem:$0x3FB1];
	_ =	sdelay $0x3  }
0x37: {  	[smem:$0x3FB1] =	sst s10  }
0x38: {  	s10 =	sld [smem:$0x3FB2]  }
0x39: {  	_ = 	snop;
	(pc) =	sbr.ind lr, $3  }
0x3a: {  	_ = 	snop  }
0x3b: {  	_ = 	snop  }
0x3c: {  	p2 =	seq.s32 s10, $0x1;
	s10 =	sld [smem:$0x3FB1]  }
0x3d: {  	_ =	shalt  }
0x3e: {  	_ =	shalt  }
0x3f: {  	_ =	shalt  }
0x40: {  	_ =	shalt  }
0x41: {  	_ =	shalt  }
0x42: {  	_ =	shalt  }
0x43: {  	_ =	shalt  }
0x44: {  	_ =	shalt  }
0x45: {  	_ =	shalt  }
0x46: {  	_ =	shalt  }
0x47: {  	_ =	shalt  }
0x48: {  	_ =	shalt  }
0x49: {  	_ =	shalt  }
0x4a: {  	_ =	shalt  }
0x4b: {  	_ =	shalt  }
0x4c: {  	_ =	shalt  }
0x4d: {  	_ =	shalt  }
0x4e: {  	_ =	shalt  }
0x4f: {  	_ =	shalt  }
0x50: {  	_ =	shalt  }
0x51: {  	_ =	shalt  }
0x52: {  	_ =	shalt  }
0x53: {  	_ =	shalt  }
0x54: {  	_ =	shalt  }
0x55: {  	_ =	shalt  }
0x56: {  	_ =	shalt  }
0x57: {  	_ =	shalt  }
0x58: {  	_ =	shalt  }
0x59: {  	_ =	shalt  }
0x5a: {  	_ =	shalt  }
0x5b: {  	_ =	shalt  }
0x5c: {  	_ =	shalt  }
0x5d: {  	_ =	shalt  }
0x5e: {  	_ =	shalt  }
0x5f: {  	_ =	shalt  }
0x60: {  	_ =	shalt  }
0x61: {  	_ =	shalt  }
0x62: {  	_ =	shalt  }
0x63: {  	_ =	shalt  }
0x64: {  	_ =	shalt  }
0x65: {  	_ =	shalt  }
0x66: {  	_ =	shalt  }
0x67: {  	_ =	shalt  }
0x68: {  	_ =	shalt  }
0x69: {  	_ =	shalt  }
0x6a: {  	_ =	shalt  }
0x6b: {  	_ =	shalt  }
0x6c: {  	_ =	shalt  }
0x6d: {  	_ =	shalt  }
0x6e: {  	_ =	shalt  }
0x6f: {  	_ =	shalt  }
0x70: {  	_ =	shalt  }
0x71: {  	_ =	shalt  }
0x72: {  	_ =	shalt  }
0x73: {  	_ =	shalt  }
0x74: {  	_ =	shalt  }
0x75: {  	_ =	shalt  }
0x76: {  	_ =	shalt  }
0x77: {  	_ =	shalt  }
0x78: {  	_ =	shalt  }
0x79: {  	_ =	shalt  }
0x7a: {  	_ =	shalt  }
0x7b: {  	_ =	shalt  }
0x7c: {  	_ =	shalt  }
0x7d: {  	_ =	shalt  }
0x7e: {  	_ =	shalt  }
0x7f: {  	_ =	shalt  }
0x80: {  	_ =	shalt  }
0x81: {  	_ =	shalt  }
0x82: {  	_ =	shalt  }
0x83: {  	_ =	shalt  }
0x84: {  	_ =	shalt  }
0x85: {  	_ =	shalt  }
0x86: {  	_ =	shalt  }
0x87: {  	_ =	shalt  }
.Lfunc_end0:
.L_simem_size_0:
called_computation.2_lowered:
.L_overlay_start_0:
0x88: {  	s2 =	sld [smem:$0x3FD9]  }
0x89: {  	s3 =	sld [smem:$0x3FFE];
	_ =	sdelay $0x1  }
0x8a: {  	s1 =	srdreg.scid  }
0x8b: {  	s0 =	sand.u32 $0x1, s1  }
0x8c: {  	s17 =	sshll.u32 s0, $0xA;
	s2 =	sadd.s32 s3, s2  }
0x8d: {  	s2 =	sadd.s32 s2, s17  }
0x8e: {  	[smem:$0x3FBD] =	sst s2  }
0x8f: {  	_ = 	snop  }
0x90: {  	s2 =	sld [smem:$0x3FD0];
	(tm) =	ssettm $0x1  }
0x91: {  	s18 =	sld [smem:$0x3FFB];
	_ =	sdelay $0x3  }
0x92: {  	_ =	strace s18  }
0x93: {  	s3 =	sld [smem:$0x3FFC];
	_ =	sdelay $0x3  }
0x94: {  	_ =	strace s3  }
0x95: {  	s3 =	sld [smem:$0x3FFD];
	_ =	sdelay $0x3  }
0x96: {  	_ =	strace s3  }
0x97: {  	_ =	strace $0x8FFFFFFF  }
0x98: {  	s19 =	sld [smem:$0x3FDB];
	_ =	sdelay $0x1  }
0x99: {  	s4 =	simm.s32 $_scs_section_size  }
0x9a: {  	s5 =	simm.s32 $_size__tile_overlayer_lowered;
	s6 =	simm.s32 $_tile_overlayer_lowered  }
0x9b: {  	s22 =	simm.s32 $0x1BFF;
	s21 =	sshll.u32 s6, $0x1;
	s3 =	sadd.s32 s4, s19  }
0x9c: {  	s7 =	simm.s32 $0x0;
	s20 =	sshll.u32 s5, $0x1;
	s5 =	sadd.s32 s21, s3  }
0x9d: {  	[timem:s7], [sflag:s22] =	dma.local [hbm:s5], s20  }
0x9e: {  	_ =	swait.ge [sflag:s22], s20  }
0x9f: {  	s4 =	ssub.s32 $0x0, s20;
	[sflag:s22] =	ssyncset.done $0x0  }
0xa0: {  	[sflag:s22] =	ssyncadd.s32 s4;
	_ =	sdelay $0x1  }
0xa1: {  	s23 =	simm.s32 $0x1B8B  }
0xa2: {  	_ =	swait.ge [sflag:s23], $0x1  }
0xa3: {  	[sflag:s23] =	ssyncset.done $0x0  }
0xa4: {  	s25 =	simm.s32 $0x1B8E;
	s24 =	sld [smem:$0x3FFE];
	[sflag:s23] =	ssyncadd.s32 $0xFFFFFFFF  }
0xa5: {  	s26 =	simm.s32 $execute0_lowered;
	[smem:$0x3FD2] =	sst s25  }
0xa6: {  	s5 =	sshll.u32 s26, $0x1;
	_ =	strace $0x8000004C;
	[dreg:$0x1] =	wrdreg $0xFFFFFFFF  }
0xa7: {  	s28 =	simm.s32 $_size_execute0_lowered;
	s3 =	sadd.s32 s3, s5;
	[dreg:$0x0] =	wrdreg $0x0  }
0xa8: {  	s5 =	sshll.u32 s28, $0x1;
	[dreg:$0x2] =	wrdreg s3  }
0xa9: {  	[dreg:$0x3] =	wrdreg s5  }
0xaa: {  	[dreg:$0x4] =	wrdreg $0xC0  }
0xab: {  	_ =	task [dreg:s7], $0x5FFFF  }
0xac: {  	[dreg:$0x1] =	wrdreg $0xFFFFFFFF  }
0xad: {  	[dreg:$0x0] =	wrdreg $0x60  }
0xae: {  	[dreg:$0x2] =	wrdreg s24  }
0xaf: {  	[dreg:$0x3] =	wrdreg s2  }
0xb0: {  	[dreg:$0x4] =	wrdreg $0x44000  }
0xb1: {  	[dreg:$0x5] =	wrdreg $0x9  }
0xb2: {  	_ =	task.clear_ibuf [dreg:s7], $0x6FFFF;
	_ =	strace $0x9000004C  }
0xb3: {  	s29 =	simm.s32 $0x9;
	_ =	strace $0x8000004E  }
0xb4: {  	_ =	swait.ge [sflag:s29], $0x1  }
0xb5: {  	[sflag:s29] =	ssyncadd.s32 $0xFFFFFFFF  }
0xb6: {  	_ =	strace $0x9000004E  }
0xb7: {  	_ =	sfence  }
0xb8: {  	s30 =	sld [smem:$0x0];
	_ =	sdelay $0x2  }
0xb9: {  	s31 =	sshll.u32 s1, $0xD;
	s1 =	sshrl.u32 s1, $0x2  }
0xba: {  	s3 =	sand.u32 $0x4000, s31;
	s1 =	sadd.s32 s1, s30  }
0xbb: {  	s0 =	sor.u32 s3, s0;
	s1 =	sshll.u32 s1, $0x11  }
0xbc: {  	s0 =	sor.u32 s1, s0  }
0xbd: {  	s0 =	sadd.s32 $0x8F2B, s0  }
0xbe: {  	[sflag:s0] =	ssyncadd.remote.s32 $0x1  }
0xbf: {  	_ =	sfence.sel $0xFFFF  }
0xc0: {  	[dreg:$0x0] =	wrdreg $0xFFFFFFFF;
	(pc) =	sbr.abs _section_cstart, $3  }
0xc1: {  	[dreg:$0x1] =	wrdreg $0xFFFFFFFF  }
0xc2: {  	_ =	task.clear_ibuf [dreg:s7], $0x2FFFF;
	_ =	strace $0x9FFFFFFF  }
0xc3: {  	(tm) =	ssettm $0x7FFFFFFF  }
tec
execute0_lowered:
.L_overlay_start_1:
0x0: {  	(tag) =	ssettag $0x1  }
0x1: {  	s0 =	rddreg [dreg:$0x0]  }
0x2: {  	s1 =	rddreg [dreg:$0x1]  }
0x3: {  	s2 =	rddreg [dreg:$0x2];
	s14 =	stileid.u32  }
0x4: {  	s3 =	simm.s32 $0x0;
	s6 =	srdreg.scid;
	s4 =	smul.u32 $0x1A00, s14  }
0x5: {  	s29 =	simm.s32 $0x2400;
	s30 =	simm.s32 $0x180;
	s7 =	smul.u32 $0x18700, s14  }
0x6: {  	s31 =	simm.s32 $0x3400;
	[smem:$0x7FF] =	sst s3;
	s9 =	smul.u32 $0x61C00, s14  }
0x7: {  	s28 =	simm.s32 $0x100;
	s5 =	sadd.s32 $0x281400, s0;
	s20 =	sadd.s32 $0x16E900, s2  }
0x8: {  	s10 =	sand.u32 $0x1, s6;
	p1 =	seq.s32 s14, $0xF;
	_ =	strace $0x8000004D  }
0x9: {  	s12 =	ssub.s32 $0x2, s10;
	p0 =	seq.s32 s10, $0x1;
	[dreg:$0x8] =	wrdreg s20  }
0xa: {  	s10 =	simm.s32 $0x300;
	s8 =	sadd.s32 s4, s0;
	s4 =	sadd.s32 $0x1BDE00, s0  }
0xb: {  	s11 =	sshrl.u32 s7, $0x3;
	s16 =	sshrl.u32 s9, $0x2;
	s7 =	sadd.s32 s7, s2  }
0xc: {  	s13 =	sshrl.u32 s12, $0x1;
	s19 =	sadd.s32 s1, s11;
	[dreg:$0x6] =	wrdreg s7  }
0xd: {  	s17 =	sadd.s32 s11, s0;
	s1 =	sadd.s32 $0x2DD20, s1;
	[dreg:$0x5] =	wrdreg s19  }
0xe: {  	s6 =	sadd.s32 s16, s2;
	s0 =	sadd.s32 $0x30F20, s0;
	[dreg:$0x7] =	wrdreg s1  }
0xf: {  	s12 =	ssub.s32 s12, s13;
	s18 =	sadd.s32 $0x18000, s6;
	[dreg:$0xa] =	wrdreg s0  }
0x10: {  	s20 =	sadd.s32 $0xC6800, s8;
	s21 =	sadd.s32 $0x3200, s17;
	[dreg:$0x4] =	wrdreg s18  }
0x11: {  	s13 =	simm.s32 $0x2;
	s22 =	smax.u32 s12, $0x1;
	[dreg:$0x9] =	wrdreg s21  }
0x12: {  	s23 =	sadd.s32 $0x4000, s6;
	s24 =	sadd.s32 $0x8000, s6;
	[dreg:$0xb] =	wrdreg s22  }
0x13: {  	s25 =	sadd.s32 $0xC000, s6;
	s26 =	sadd.s32 $0x10000, s6;
	[dreg:$0xc] =	wrdreg s23  }
.Ltmp0:
0x14: {  	s19 =	sadd.s32 $0x14000, s6;
	[dreg:$0xd] =	wrdreg s24;
	(pc) =	sbr.rel .LBB2_1-.Ltmp0, $4  }
0x15: {  	s0 =	simm.s32 $0x1;
	s12 =	simm.s32 $0x380;
	[dreg:$0xe] =	wrdreg s25  }
0x16: {  	s1 =	simm.s32 $0x0;
	[dreg:$0xf] =	wrdreg s26;
	s21 =	sadd.s32 $0xE0800, s8  }
0x17: {  	s22 =	simm.s32 $0x400;
	s23 =	simm.s32 $0x3;
	s24 =	simm.s32 $0x200  }
0x18: {  	v0 =	vimm.f32 $0.0e+00;
	s25 =	simm.s32 $0x80;
	s26 =	simm.s32 $0x1400;
	s8 =	simm.s32 $0x280  }
.LBB2_6:
0x19: {  	s15 =	sadd.s32 s14, s21;
	[sflag:s13] =	ssyncadd.s32 $0xFFFFF000  }
0x1a: {  	[tilespmem:s3], [sflag:$0x3] =	stream.linear.gather [hbm4b:s15+s3], $0x200, $0x38;
	[tilespmem:$0x1CB00] =	vst v63  }
0x1b: {  	_ =	swait.ge [sflag:s23], $0x200  }
0x1c: {  	[sflag:s23] =	ssyncset.done $0x0  }
0x1d: {  	s18 =	sadd.s32 s14, s20;
	[sflag:s23] =	ssyncadd.s32 $0xFFFFFE00  }
0x1e: {  	[tilespmem:s24], [sflag:$0x3] =	stream.linear.gather [hbm4b:s18+s3], $0x200, $0x38;
	[tilespmem:$0x1CB00] =	vst v63  }
0x1f: {  	_ =	swait.ge [sflag:s23], $0x200  }
0x20: {  	[sflag:s23] =	ssyncset.done $0x0  }
0x21: {  	[sflag:s23] =	ssyncadd.s32 $0xFFFFFE00  }
0x22: {  	[tilespmem:s22], [sflag:$0x1] =	stream.indirect.gather [hbm4b:s4+s25], $0x20, s3, s25, $0xb8;
	[tilespmem:$0x1CB00] =	vst v63  }
0x23: {  	_ = 	snop  }
0x24: {  	[tilespmem:s26], [sflag:$0x1] =	stream.indirect.gather [hbm4b:s4+s25], $0x20, s25, s25, $0xb8;
	[tilespmem:$0x1CB00] =	vst v63  }
0x25: {  	_ = 	snop  }
0x26: {  	[tilespmem:s29], [sflag:$0x1] =	stream.indirect.gather [hbm4b:s4+s25], $0x20, s28, s25, $0xb8;
	[tilespmem:$0x1CB00] =	vst v63  }
0x27: {  	_ = 	snop  }
0x28: {  	[tilespmem:s31], [sflag:$0x1] =	stream.indirect.gather [hbm4b:s4+s25], $0x20, s30, s25, $0xb8;
	[tilespmem:$0x1CB00] =	vst v63  }
0x29: {  	_ =	swait.ge [sflag:s0], $0x1000  }
0x2a: {  	[sflag:s0] =	ssyncset.done $0x0  }
0x2b: {  	[sflag:s0] =	ssyncadd.s32 $0xFFFFF000  }
0x2c: {  	_ =	swait.ge [sflag:s0], $0x1000  }
0x2d: {  	[sflag:s0] =	ssyncset.done $0x0  }
0x2e: {  	[sflag:s0] =	ssyncadd.s32 $0xFFFFF000  }
0x2f: {  	_ =	swait.ge [sflag:s0], $0x1000  }
0x30: {  	[sflag:s0] =	ssyncset.done $0x0  }
0x31: {  	[sflag:s0] =	ssyncadd.s32 $0xFFFFF000  }
0x32: {  	_ =	swait.ge [sflag:s0], $0x1000  }
0x33: {  	[sflag:s0] =	ssyncset.done $0x0  }
0x34: {  	[sflag:s0] =	ssyncadd.s32 $0xFFFFF000  }
0x35: {  	[spmem:s2] =	stream.indirect.scatter.add.f32 [tilespmem:s22], [sflag:$0x2], $0x20, s24, s25, $0xb8;
	[tilespmem:$0x1CB00] =	vst v63  }
0x36: {  	_ = 	snop  }
0x37: {  	[spmem:s2] =	stream.indirect.scatter.add.f32 [tilespmem:s26], [sflag:$0x2], $0x20, s8, s25, $0xb8;
	[tilespmem:$0x1CB00] =	vst v63  }
0x38: {  	_ = 	snop  }
0x39: {  	[spmem:s2] =	stream.indirect.scatter.add.f32 [tilespmem:s29], [sflag:$0x2], $0x20, s10, s25, $0xb8;
	[tilespmem:$0x1CB00] =	vst v63  }
0x3a: {  	_ = 	snop  }
0x3b: {  	[spmem:s2] =	stream.indirect.scatter.add.f32 [tilespmem:s31], [sflag:$0x2], $0x20, s12, s25, $0xb8;
	[tilespmem:$0x1CB00] =	vst v63  }
0x3c: {  	_ =	swait.ge [sflag:s13], $0x1000  }
0x3d: {  	[sflag:s13] =	ssyncset.done $0x0  }
0x3e: {  	[sflag:s13] =	ssyncadd.s32 $0xFFFFF000  }
0x3f: {  	_ =	swait.ge [sflag:s13], $0x1000  }
0x40: {  	[sflag:s13] =	ssyncset.done $0x0  }
0x41: {  	[sflag:s13] =	ssyncadd.s32 $0xFFFFF000  }
0x42: {  	_ =	swait.ge [sflag:s13], $0x1000  }
0x43: {  	[sflag:s13] =	ssyncset.done $0x0  }
0x44: {  	[sflag:s13] =	ssyncadd.s32 $0xFFFFF000  }
0x45: {  	_ =	swait.ge [sflag:s13], $0x1000  }
0x46: {  	[sflag:s13] =	ssyncset.done $0x0  }
0x47: {  	[sflag:s13] =	ssyncadd.s32 $0xFFFFF000  }
0x48: {  	[bflag:$0x0] =	sbarrier.arrive $0xFFFF  }
0x49: {  	s14 =	simm.s32 @p1 $0x1FC3;
	s15 =	rddreg [dreg:$0x7]  }
0x4a: {  	[hbm:s15], [sflag:s14] =	dma.local @p1 [spmem:s11], $0x3020  }
0x4b: {  	s11 =	simm.s32 @p1 $0x3  }
0x4c: {  	_ =	swait.ge @p1 [sflag:s11], $0x3020  }
0x4d: {  	[sflag:s11] =	ssyncset.done @p1 $0x0  }
0x4e: {  	[sflag:s11] =	ssyncadd.s32 @p1 $0xFFFFCFE0;
	s11 =	rddreg [dreg:$0x5]  }
0x4f: {  	[hbm:s11], [sflag:s9] =	dma.local @!p1 [spmem:s7], $0x30E0  }
0x50: {  	s7 =	simm.s32 @!p1 $0x3  }
0x51: {  	_ =	swait.ge @!p1 [sflag:s7], $0x30E0  }
0x52: {  	[sflag:s7] =	ssyncset.done @!p1 $0x0  }
0x53: {  	[sflag:s7] =	ssyncadd.s32 @!p1 $0xFFFFCF20  }
.LBB2_10:
0x54: {  	s1 =	sadd.s32 $0x1, s1;
	s7 =	rddreg [dreg:$0xb]  }
0x55: {  	p2 =	sne.s32 s1, s7  }
.Ltmp1:
0x56: {  	_ = 	snop;
	(pc) =	sbr.rel @!p2 .LBB2_11-.Ltmp1, $1  }
0x57: {  	_ =	sdelay $0x3  }
.LBB2_1:
0x58: {  	s7 =	simm.s32 $0x80;
	s9 =	simm.s32 $0x0  }
.LBB2_2:
0x59: {  	p2 =	sne.s32 s7, $0xFF80;
	[tilespmem:s9+$0x400] =	vst v0;
	s11 =	smov.u32 s7;
	s7 =	sadd.s32 $0x80, s7  }
.Ltmp2:
0x5a: {  	[tilespmem:s9+$0x410] =	vst v0;
	(pc) =	sbr.rel @p2 .LBB2_2-.Ltmp2, $2  }
0x5b: {  	_ =	sdelay $0x2  }
0x5c: {  	s9 =	sshra.s32 s11, $0x2  }
0x5d: {  	[tilespmem:s9+$0x400] =	vst v0  }
0x5e: {  	[tilespmem:s9+$0x410] =	vst v0  }
0x5f: {  	[spmem:s6] =	stream.linear.scatter [tilespmem:s22], [sflag:$0x3], $0x4000, $0x38;
	[tilespmem:$0x1CB00] =	vst v63  }
0x60: {  	_ =	swait.ge [sflag:s23], $0x4000  }
0x61: {  	[sflag:s23] =	ssyncset.done $0x0  }
0x62: {  	s7 =	rddreg [dreg:$0xc];
	[sflag:s23] =	ssyncadd.s32 $0xFFFFC000  }
0x63: {  	[spmem:s7] =	stream.linear.scatter [tilespmem:s22], [sflag:$0x3], $0x4000, $0x38;
	[tilespmem:$0x1CB00] =	vst v63  }
0x64: {  	_ =	swait.ge [sflag:s23], $0x4000  }
0x65: {  	[sflag:s23] =	ssyncset.done $0x0  }
0x66: {  	s15 =	rddreg [dreg:$0xd];
	[sflag:s23] =	ssyncadd.s32 $0xFFFFC000  }
0x67: {  	[spmem:s15] =	stream.linear.scatter [tilespmem:s22], [sflag:$0x3], $0x4000, $0x38;
	[tilespmem:$0x1CB00] =	vst v63  }
0x68: {  	_ =	swait.ge [sflag:s23], $0x4000  }
0x69: {  	[sflag:s23] =	ssyncset.done $0x0  }
0x6a: {  	s16 =	rddreg [dreg:$0xe];
	[sflag:s23] =	ssyncadd.s32 $0xFFFFC000  }
0x6b: {  	[spmem:s16] =	stream.linear.scatter [tilespmem:s22], [sflag:$0x3], $0x4000, $0x38;
	[tilespmem:$0x1CB00] =	vst v63  }
0x6c: {  	_ =	swait.ge [sflag:s23], $0x4000  }
0x6d: {  	[sflag:s23] =	ssyncset.done $0x0  }
0x6e: {  	s17 =	rddreg [dreg:$0xf];
	[sflag:s23] =	ssyncadd.s32 $0xFFFFC000  }
0x6f: {  	[spmem:s17] =	stream.linear.scatter [tilespmem:s22], [sflag:$0x3], $0x4000, $0x38;
	[tilespmem:$0x1CB00] =	vst v63  }
0x70: {  	_ =	swait.ge [sflag:s23], $0x4000  }
0x71: {  	[sflag:s23] =	ssyncset.done $0x0  }
0x72: {  	[sflag:s23] =	ssyncadd.s32 $0xFFFFC000  }
0x73: {  	[spmem:s19] =	stream.linear.scatter [tilespmem:s22], [sflag:$0x3], $0x4000, $0x38;
	[tilespmem:$0x1CB00] =	vst v63  }
0x74: {  	_ =	swait.ge [sflag:s23], $0x4000  }
0x75: {  	[sflag:s23] =	ssyncset.done $0x0  }
0x76: {  	s18 =	rddreg [dreg:$0x4];
	[sflag:s23] =	ssyncadd.s32 $0xFFFFC000  }
0x77: {  	[spmem:s18] =	stream.linear.scatter [tilespmem:s22], [sflag:$0x3], $0x700, $0x38;
	[tilespmem:$0x1CB00] =	vst v63  }
0x78: {  	_ =	swait.ge [sflag:s23], $0x700  }
0x79: {  	[sflag:s23] =	ssyncset.done $0x0  }
.Ltmp3:
0x7a: {  	[sflag:s23] =	ssyncadd.s32 $0xFFFFF900;
	(pc) =	sbr.rel @!p0 .LBB2_4-.Ltmp3, $4  }
0x7b: {  	s7 =	stileid.u32;
	[bflag:$0x0] =	sbarrier.arrive $0xFFFF  }
0x7c: {  	s9 =	sshll.u32 @!p1 s7, $0x6;
	s7 =	rddreg [dreg:$0x8]  }
0x7d: {  	s11 =	sshrl.u32 @p1 s7, $0x3;
	s7 =	rddreg [dreg:$0x6]  }
0x7e: {  	s14 =	sadd.s32 $0x0, s21;
	s9 =	sor.u32 @!p1 $0x1C03, s9;
	s7 =	sshrl.u32 @!p1 s7, $0x3  }
0x7f: {  	[tilespmem:s3], [sflag:$0x3] =	stream.linear.gather [hbm4b:s14+s3], $0x200, $0x38;
	[tilespmem:$0x1CB00] =	vst v63  }
0x80: {  	_ =	swait.ge [sflag:s23], $0x200  }
0x81: {  	[sflag:s23] =	ssyncset.done $0x0  }
0x82: {  	s18 =	sadd.s32 $0x0, s20;
	[sflag:s23] =	ssyncadd.s32 $0xFFFFFE00  }
0x83: {  	[tilespmem:s24], [sflag:$0x3] =	stream.linear.gather [hbm4b:s18+s3], $0x200, $0x38;
	[tilespmem:$0x1CB00] =	vst v63  }
0x84: {  	_ =	swait.ge [sflag:s23], $0x200  }
0x85: {  	[sflag:s23] =	ssyncset.done $0x0  }
0x86: {  	[sflag:s23] =	ssyncadd.s32 $0xFFFFFE00  }
0x87: {  	[tilespmem:s22], [sflag:$0x1] =	stream.indirect.gather [hbm4b:s5+s25], $0x20, s3, s25, $0xb8;
	[tilespmem:$0x1CB00] =	vst v63  }
0x88: {  	_ = 	snop  }
0x89: {  	[tilespmem:s26], [sflag:$0x1] =	stream.indirect.gather [hbm4b:s5+s25], $0x20, s25, s25, $0xb8;
	[tilespmem:$0x1CB00] =	vst v63  }
0x8a: {  	_ = 	snop  }
0x8b: {  	[tilespmem:s29], [sflag:$0x1] =	stream.indirect.gather [hbm4b:s5+s25], $0x20, s28, s25, $0xb8;
	[tilespmem:$0x1CB00] =	vst v63  }
0x8c: {  	_ = 	snop  }
0x8d: {  	[tilespmem:s31], [sflag:$0x1] =	stream.indirect.gather [hbm4b:s5+s25], $0x20, s30, s25, $0xb8;
	[tilespmem:$0x1CB00] =	vst v63  }
0x8e: {  	_ =	swait.ge [sflag:s0], $0x1000  }
0x8f: {  	[sflag:s0] =	ssyncset.done $0x0  }
0x90: {  	[sflag:s0] =	ssyncadd.s32 $0xFFFFF000  }
0x91: {  	_ =	swait.ge [sflag:s0], $0x1000  }
0x92: {  	[sflag:s0] =	ssyncset.done $0x0  }
0x93: {  	[sflag:s0] =	ssyncadd.s32 $0xFFFFF000  }
0x94: {  	_ =	swait.ge [sflag:s0], $0x1000  }
0x95: {  	[sflag:s0] =	ssyncset.done $0x0  }
0x96: {  	[sflag:s0] =	ssyncadd.s32 $0xFFFFF000  }
0x97: {  	_ =	swait.ge [sflag:s0], $0x1000  }
0x98: {  	[sflag:s0] =	ssyncset.done $0x0  }
0x99: {  	[sflag:s0] =	ssyncadd.s32 $0xFFFFF000  }
0x9a: {  	[spmem:s2] =	stream.indirect.scatter.add.f32 [tilespmem:s22], [sflag:$0x2], $0x20, s24, s25, $0xb8;
	[tilespmem:$0x1CB00] =	vst v63  }
0x9b: {  	_ = 	snop  }
0x9c: {  	[spmem:s2] =	stream.indirect.scatter.add.f32 [tilespmem:s26], [sflag:$0x2], $0x20, s8, s25, $0xb8;
	[tilespmem:$0x1CB00] =	vst v63  }
0x9d: {  	_ = 	snop  }
0x9e: {  	[spmem:s2] =	stream.indirect.scatter.add.f32 [tilespmem:s29], [sflag:$0x2], $0x20, s10, s25, $0xb8;
	[tilespmem:$0x1CB00] =	vst v63  }
0x9f: {  	_ = 	snop  }
0xa0: {  	[spmem:s2] =	stream.indirect.scatter.add.f32 [tilespmem:s31], [sflag:$0x2], $0x20, s12, s25, $0xb8;
	[tilespmem:$0x1CB00] =	vst v63  }
0xa1: {  	_ =	swait.ge [sflag:s13], $0x1000  }
0xa2: {  	[sflag:s13] =	ssyncset.done $0x0  }
0xa3: {  	[sflag:s13] =	ssyncadd.s32 $0xFFFFF000  }
0xa4: {  	_ =	swait.ge [sflag:s13], $0x1000  }
0xa5: {  	[sflag:s13] =	ssyncset.done $0x0  }
0xa6: {  	[sflag:s13] =	ssyncadd.s32 $0xFFFFF000  }
0xa7: {  	_ =	swait.ge [sflag:s13], $0x1000  }
0xa8: {  	[sflag:s13] =	ssyncset.done $0x0  }
0xa9: {  	[sflag:s13] =	ssyncadd.s32 $0xFFFFF000  }
0xaa: {  	_ =	swait.ge [sflag:s13], $0x1000  }
0xab: {  	s14 =	simm.s32 $0x40;
	s16 =	simm.s32 $0x80;
	[sflag:s13] =	ssyncset.done $0x0  }
.LBB2_8:
0xac: {  	s17 =	sadd.s32 s14, s21  }
0xad: {  	[sflag:s13] =	ssyncadd.s32 $0xFFFFF000;
	s18 =	smov.u32 s16;
	s15 =	sadd.s32 $0x40, s16  }
0xae: {  	[tilespmem:s3], [sflag:$0x3] =	stream.linear.gather [hbm4b:s17+s3], $0x200, $0x38;
	[tilespmem:$0x1CB00] =	vst v63  }
0xaf: {  	p2 =	sne.s32 s16, $0x19C0;
	_ =	swait.ge [sflag:s23], $0x200  }
0xb0: {  	[sflag:s23] =	ssyncset.done $0x0  }
0xb1: {  	s16 =	sadd.s32 s14, s20;
	s14 =	smov.u32 s18;
	[sflag:s23] =	ssyncadd.s32 $0xFFFFFE00  }
0xb2: {  	[tilespmem:s24], [sflag:$0x3] =	stream.linear.gather [hbm4b:s16+s3], $0x200, $0x38;
	[tilespmem:$0x1CB00] =	vst v63  }
0xb3: {  	_ =	swait.ge [sflag:s23], $0x200  }
0xb4: {  	[sflag:s23] =	ssyncset.done $0x0  }
0xb5: {  	[sflag:s23] =	ssyncadd.s32 $0xFFFFFE00  }
0xb6: {  	[tilespmem:s22], [sflag:$0x1] =	stream.indirect.gather [hbm4b:s5+s25], $0x20, s3, s25, $0xb8;
	[tilespmem:$0x1CB00] =	vst v63  }
0xb7: {  	_ = 	snop  }
0xb8: {  	[tilespmem:s26], [sflag:$0x1] =	stream.indirect.gather [hbm4b:s5+s25], $0x20, s25, s25, $0xb8;
	[tilespmem:$0x1CB00] =	vst v63  }
0xb9: {  	_ = 	snop  }
0xba: {  	[tilespmem:s29], [sflag:$0x1] =	stream.indirect.gather [hbm4b:s5+s25], $0x20, s28, s25, $0xb8;
	[tilespmem:$0x1CB00] =	vst v63  }
0xbb: {  	_ = 	snop  }
0xbc: {  	[tilespmem:s31], [sflag:$0x1] =	stream.indirect.gather [hbm4b:s5+s25], $0x20, s30, s25, $0xb8;
	[tilespmem:$0x1CB00] =	vst v63  }
0xbd: {  	_ =	swait.ge [sflag:s0], $0x1000  }
0xbe: {  	[sflag:s0] =	ssyncset.done $0x0  }
0xbf: {  	[sflag:s0] =	ssyncadd.s32 $0xFFFFF000  }
0xc0: {  	_ =	swait.ge [sflag:s0], $0x1000  }
0xc1: {  	[sflag:s0] =	ssyncset.done $0x0  }
0xc2: {  	[sflag:s0] =	ssyncadd.s32 $0xFFFFF000  }
0xc3: {  	_ =	swait.ge [sflag:s0], $0x1000  }
0xc4: {  	[sflag:s0] =	ssyncset.done $0x0  }
0xc5: {  	[sflag:s0] =	ssyncadd.s32 $0xFFFFF000  }
0xc6: {  	_ =	swait.ge [sflag:s0], $0x1000  }
0xc7: {  	[sflag:s0] =	ssyncset.done $0x0  }
0xc8: {  	[sflag:s0] =	ssyncadd.s32 $0xFFFFF000  }
0xc9: {  	[spmem:s2] =	stream.indirect.scatter.add.f32 [tilespmem:s22], [sflag:$0x2], $0x20, s24, s25, $0xb8;
	[tilespmem:$0x1CB00] =	vst v63  }
0xca: {  	_ = 	snop  }
0xcb: {  	[spmem:s2] =	stream.indirect.scatter.add.f32 [tilespmem:s26], [sflag:$0x2], $0x20, s8, s25, $0xb8;
	[tilespmem:$0x1CB00] =	vst v63  }
0xcc: {  	_ = 	snop  }
0xcd: {  	[spmem:s2] =	stream.indirect.scatter.add.f32 [tilespmem:s29], [sflag:$0x2], $0x20, s10, s25, $0xb8;
	[tilespmem:$0x1CB00] =	vst v63  }
0xce: {  	_ = 	snop  }
0xcf: {  	[spmem:s2] =	stream.indirect.scatter.add.f32 [tilespmem:s31], [sflag:$0x2], $0x20, s12, s25, $0xb8;
	[tilespmem:$0x1CB00] =	vst v63  }
0xd0: {  	_ =	swait.ge [sflag:s13], $0x1000  }
0xd1: {  	[sflag:s13] =	ssyncset.done $0x0  }
0xd2: {  	[sflag:s13] =	ssyncadd.s32 $0xFFFFF000  }
0xd3: {  	_ =	swait.ge [sflag:s13], $0x1000  }
0xd4: {  	[sflag:s13] =	ssyncset.done $0x0  }
0xd5: {  	[sflag:s13] =	ssyncadd.s32 $0xFFFFF000  }
.Ltmp4:
0xd6: {  	_ =	swait.ge [sflag:s13], $0x1000;
	(pc) =	sbr.rel @p2 .LBB2_8-.Ltmp4, $4  }
0xd7: {  	[sflag:s13] =	ssyncset.done $0x0  }
0xd8: {  	[sflag:s13] =	ssyncadd.s32 $0xFFFFF000  }
0xd9: {  	_ =	swait.ge [sflag:s13], $0x1000  }
0xda: {  	s16 =	smov.u32 s15;
	[sflag:s13] =	ssyncset.done $0x0  }
0xdb: {  	s15 =	sadd.s32 s14, s21;
	[sflag:s13] =	ssyncadd.s32 $0xFFFFF000  }
0xdc: {  	[tilespmem:s3], [sflag:$0x3] =	stream.linear.gather [hbm4b:s15+s3], $0x200, $0x38;
	[tilespmem:$0x1CB00] =	vst v63  }
0xdd: {  	_ =	swait.ge [sflag:s23], $0x200  }
0xde: {  	[sflag:s23] =	ssyncset.done $0x0  }
0xdf: {  	s18 =	sadd.s32 s14, s20;
	[sflag:s23] =	ssyncadd.s32 $0xFFFFFE00  }
0xe0: {  	[tilespmem:s24], [sflag:$0x3] =	stream.linear.gather [hbm4b:s18+s3], $0x200, $0x38;
	[tilespmem:$0x1CB00] =	vst v63  }
0xe1: {  	_ =	swait.ge [sflag:s23], $0x200  }
0xe2: {  	[sflag:s23] =	ssyncset.done $0x0  }
0xe3: {  	[sflag:s23] =	ssyncadd.s32 $0xFFFFFE00  }
0xe4: {  	[tilespmem:s22], [sflag:$0x1] =	stream.indirect.gather [hbm4b:s5+s25], $0x20, s3, s25, $0xb8;
	[tilespmem:$0x1CB00] =	vst v63  }
0xe5: {  	_ = 	snop  }
0xe6: {  	[tilespmem:s26], [sflag:$0x1] =	stream.indirect.gather [hbm4b:s5+s25], $0x20, s25, s25, $0xb8;
	[tilespmem:$0x1CB00] =	vst v63  }
0xe7: {  	_ = 	snop  }
0xe8: {  	[tilespmem:s29], [sflag:$0x1] =	stream.indirect.gather [hbm4b:s5+s25], $0x20, s28, s25, $0xb8;
	[tilespmem:$0x1CB00] =	vst v63  }
0xe9: {  	_ = 	snop  }
0xea: {  	[tilespmem:s31], [sflag:$0x1] =	stream.indirect.gather [hbm4b:s5+s25], $0x20, s30, s25, $0xb8;
	[tilespmem:$0x1CB00] =	vst v63  }
0xeb: {  	_ =	swait.ge [sflag:s0], $0x1000  }
0xec: {  	[sflag:s0] =	ssyncset.done $0x0  }
0xed: {  	[sflag:s0] =	ssyncadd.s32 $0xFFFFF000  }
0xee: {  	_ =	swait.ge [sflag:s0], $0x1000  }
0xef: {  	[sflag:s0] =	ssyncset.done $0x0  }
0xf0: {  	[sflag:s0] =	ssyncadd.s32 $0xFFFFF000  }
0xf1: {  	_ =	swait.ge [sflag:s0], $0x1000  }
0xf2: {  	[sflag:s0] =	ssyncset.done $0x0  }
0xf3: {  	[sflag:s0] =	ssyncadd.s32 $0xFFFFF000  }
0xf4: {  	_ =	swait.ge [sflag:s0], $0x1000  }
0xf5: {  	[sflag:s0] =	ssyncset.done $0x0  }
0xf6: {  	[sflag:s0] =	ssyncadd.s32 $0xFFFFF000  }
0xf7: {  	[spmem:s2] =	stream.indirect.scatter.add.f32 [tilespmem:s22], [sflag:$0x2], $0x20, s24, s25, $0xb8;
	[tilespmem:$0x1CB00] =	vst v63  }
0xf8: {  	_ = 	snop  }
0xf9: {  	[spmem:s2] =	stream.indirect.scatter.add.f32 [tilespmem:s26], [sflag:$0x2], $0x20, s8, s25, $0xb8;
	[tilespmem:$0x1CB00] =	vst v63  }
0xfa: {  	_ = 	snop  }
0xfb: {  	[spmem:s2] =	stream.indirect.scatter.add.f32 [tilespmem:s29], [sflag:$0x2], $0x20, s10, s25, $0xb8;
	[tilespmem:$0x1CB00] =	vst v63  }
0xfc: {  	_ = 	snop  }
0xfd: {  	[spmem:s2] =	stream.indirect.scatter.add.f32 [tilespmem:s31], [sflag:$0x2], $0x20, s12, s25, $0xb8;
	[tilespmem:$0x1CB00] =	vst v63  }
0xfe: {  	_ =	swait.ge [sflag:s13], $0x1000  }
0xff: {  	[sflag:s13] =	ssyncset.done $0x0  }
0x100: {  	[sflag:s13] =	ssyncadd.s32 $0xFFFFF000  }
0x101: {  	_ =	swait.ge [sflag:s13], $0x1000  }
0x102: {  	[sflag:s13] =	ssyncset.done $0x0  }
0x103: {  	[sflag:s13] =	ssyncadd.s32 $0xFFFFF000  }
0x104: {  	_ =	swait.ge [sflag:s13], $0x1000  }
0x105: {  	[sflag:s13] =	ssyncset.done $0x0  }
0x106: {  	[sflag:s13] =	ssyncadd.s32 $0xFFFFF000  }
0x107: {  	_ =	swait.ge [sflag:s13], $0x1000  }
0x108: {  	[sflag:s13] =	ssyncset.done $0x0  }
0x109: {  	[sflag:s13] =	ssyncadd.s32 $0xFFFFF000  }
0x10a: {  	[bflag:$0x0] =	sbarrier.arrive $0xFFFF  }
0x10b: {  	s14 =	simm.s32 @p1 $0x1FC3;
	s15 =	rddreg [dreg:$0xa]  }
0x10c: {  	[hbm:s15], [sflag:s14] =	dma.local @p1 [spmem:s11], $0x3020  }
0x10d: {  	s11 =	simm.s32 @p1 $0x3  }
0x10e: {  	_ =	swait.ge @p1 [sflag:s11], $0x3020  }
0x10f: {  	[sflag:s11] =	ssyncset.done @p1 $0x0  }
0x110: {  	[sflag:s11] =	ssyncadd.s32 @p1 $0xFFFFCFE0;
	s11 =	rddreg [dreg:$0x9]  }
0x111: {  	[hbm:s11], [sflag:s9] =	dma.local @!p1 [spmem:s7], $0x30E0  }
.Ltmp5:
0x112: {  	_ = 	snop;
	(pc) =	sbr.rel .LBB2_10-.Ltmp5, $4  }
0x113: {  	s7 =	simm.s32 @!p1 $0x3  }
0x114: {  	_ =	swait.ge @!p1 [sflag:s7], $0x30E0  }
0x115: {  	[sflag:s7] =	ssyncset.done @!p1 $0x0  }
0x116: {  	[sflag:s7] =	ssyncadd.s32 @!p1 $0xFFFFCF20  }
.LBB2_4:
0x117: {  	[tilespmem:s3], [sflag:$0x3] =	stream.linear.gather [hbm4b:s14+s3], $0x200, $0x38;
	[tilespmem:$0x1CB00] =	vst v63  }
0x118: {  	_ =	swait.ge [sflag:s23], $0x200  }
0x119: {  	[sflag:s23] =	ssyncset.done $0x0  }
0x11a: {  	s18 =	sadd.s32 $0x0, s20;
	[sflag:s23] =	ssyncadd.s32 $0xFFFFFE00  }
0x11b: {  	[tilespmem:s24], [sflag:$0x3] =	stream.linear.gather [hbm4b:s18+s3], $0x200, $0x38;
	[tilespmem:$0x1CB00] =	vst v63  }
0x11c: {  	_ =	swait.ge [sflag:s23], $0x200  }
0x11d: {  	[sflag:s23] =	ssyncset.done $0x0  }
0x11e: {  	[sflag:s23] =	ssyncadd.s32 $0xFFFFFE00  }
0x11f: {  	[tilespmem:s22], [sflag:$0x1] =	stream.indirect.gather [hbm4b:s4+s25], $0x20, s3, s25, $0xb8;
	[tilespmem:$0x1CB00] =	vst v63  }
0x120: {  	_ = 	snop  }
0x121: {  	[tilespmem:s26], [sflag:$0x1] =	stream.indirect.gather [hbm4b:s4+s25], $0x20, s25, s25, $0xb8;
	[tilespmem:$0x1CB00] =	vst v63  }
0x122: {  	_ = 	snop  }
0x123: {  	[tilespmem:s29], [sflag:$0x1] =	stream.indirect.gather [hbm4b:s4+s25], $0x20, s28, s25, $0xb8;
	[tilespmem:$0x1CB00] =	vst v63  }
0x124: {  	_ = 	snop  }
0x125: {  	[tilespmem:s31], [sflag:$0x1] =	stream.indirect.gather [hbm4b:s4+s25], $0x20, s30, s25, $0xb8;
	[tilespmem:$0x1CB00] =	vst v63  }
0x126: {  	_ =	swait.ge [sflag:s0], $0x1000  }
0x127: {  	[sflag:s0] =	ssyncset.done $0x0  }
0x128: {  	[sflag:s0] =	ssyncadd.s32 $0xFFFFF000  }
0x129: {  	_ =	swait.ge [sflag:s0], $0x1000  }
0x12a: {  	[sflag:s0] =	ssyncset.done $0x0  }
0x12b: {  	[sflag:s0] =	ssyncadd.s32 $0xFFFFF000  }
0x12c: {  	_ =	swait.ge [sflag:s0], $0x1000  }
0x12d: {  	[sflag:s0] =	ssyncset.done $0x0  }
0x12e: {  	[sflag:s0] =	ssyncadd.s32 $0xFFFFF000  }
0x12f: {  	_ =	swait.ge [sflag:s0], $0x1000  }
0x130: {  	[sflag:s0] =	ssyncset.done $0x0  }
0x131: {  	[sflag:s0] =	ssyncadd.s32 $0xFFFFF000  }
0x132: {  	[spmem:s2] =	stream.indirect.scatter.add.f32 [tilespmem:s22], [sflag:$0x2], $0x20, s24, s25, $0xb8;
	[tilespmem:$0x1CB00] =	vst v63  }
0x133: {  	_ = 	snop  }
0x134: {  	[spmem:s2] =	stream.indirect.scatter.add.f32 [tilespmem:s26], [sflag:$0x2], $0x20, s8, s25, $0xb8;
	[tilespmem:$0x1CB00] =	vst v63  }
0x135: {  	_ = 	snop  }
0x136: {  	[spmem:s2] =	stream.indirect.scatter.add.f32 [tilespmem:s29], [sflag:$0x2], $0x20, s10, s25, $0xb8;
	[tilespmem:$0x1CB00] =	vst v63  }
0x137: {  	_ = 	snop  }
0x138: {  	[spmem:s2] =	stream.indirect.scatter.add.f32 [tilespmem:s31], [sflag:$0x2], $0x20, s12, s25, $0xb8;
	[tilespmem:$0x1CB00] =	vst v63  }
0x139: {  	_ =	swait.ge [sflag:s13], $0x1000  }
0x13a: {  	[sflag:s13] =	ssyncset.done $0x0  }
0x13b: {  	[sflag:s13] =	ssyncadd.s32 $0xFFFFF000  }
0x13c: {  	_ =	swait.ge [sflag:s13], $0x1000  }
0x13d: {  	[sflag:s13] =	ssyncset.done $0x0  }
0x13e: {  	[sflag:s13] =	ssyncadd.s32 $0xFFFFF000  }
0x13f: {  	_ =	swait.ge [sflag:s13], $0x1000  }
0x140: {  	[sflag:s13] =	ssyncset.done $0x0  }
0x141: {  	[sflag:s13] =	ssyncadd.s32 $0xFFFFF000  }
0x142: {  	_ =	swait.ge [sflag:s13], $0x1000  }
0x143: {  	s14 =	simm.s32 $0x40;
	s15 =	simm.s32 $0x80;
	[sflag:s13] =	ssyncset.done $0x0  }
.LBB2_5:
0x144: {  	s17 =	sadd.s32 s14, s21  }
0x145: {  	[sflag:s13] =	ssyncadd.s32 $0xFFFFF000;
	s18 =	smov.u32 s15;
	s16 =	sadd.s32 $0x40, s15  }
0x146: {  	[tilespmem:s3], [sflag:$0x3] =	stream.linear.gather [hbm4b:s17+s3], $0x200, $0x38;
	[tilespmem:$0x1CB00] =	vst v63  }
0x147: {  	p2 =	sne.s32 s15, $0x19C0;
	_ =	swait.ge [sflag:s23], $0x200  }
0x148: {  	[sflag:s23] =	ssyncset.done $0x0  }
0x149: {  	s15 =	sadd.s32 s14, s20;
	s14 =	smov.u32 s18;
	[sflag:s23] =	ssyncadd.s32 $0xFFFFFE00  }
0x14a: {  	[tilespmem:s24], [sflag:$0x3] =	stream.linear.gather [hbm4b:s15+s3], $0x200, $0x38;
	[tilespmem:$0x1CB00] =	vst v63  }
0x14b: {  	_ =	swait.ge [sflag:s23], $0x200  }
0x14c: {  	[sflag:s23] =	ssyncset.done $0x0  }
0x14d: {  	[sflag:s23] =	ssyncadd.s32 $0xFFFFFE00  }
0x14e: {  	[tilespmem:s22], [sflag:$0x1] =	stream.indirect.gather [hbm4b:s4+s25], $0x20, s3, s25, $0xb8;
	[tilespmem:$0x1CB00] =	vst v63  }
0x14f: {  	_ = 	snop  }
0x150: {  	[tilespmem:s26], [sflag:$0x1] =	stream.indirect.gather [hbm4b:s4+s25], $0x20, s25, s25, $0xb8;
	[tilespmem:$0x1CB00] =	vst v63  }
0x151: {  	_ = 	snop  }
0x152: {  	[tilespmem:s29], [sflag:$0x1] =	stream.indirect.gather [hbm4b:s4+s25], $0x20, s28, s25, $0xb8;
	[tilespmem:$0x1CB00] =	vst v63  }
0x153: {  	_ = 	snop  }
0x154: {  	[tilespmem:s31], [sflag:$0x1] =	stream.indirect.gather [hbm4b:s4+s25], $0x20, s30, s25, $0xb8;
	[tilespmem:$0x1CB00] =	vst v63  }
0x155: {  	_ =	swait.ge [sflag:s0], $0x1000  }
0x156: {  	[sflag:s0] =	ssyncset.done $0x0  }
0x157: {  	[sflag:s0] =	ssyncadd.s32 $0xFFFFF000  }
0x158: {  	_ =	swait.ge [sflag:s0], $0x1000  }
0x159: {  	[sflag:s0] =	ssyncset.done $0x0  }
0x15a: {  	[sflag:s0] =	ssyncadd.s32 $0xFFFFF000  }
0x15b: {  	_ =	swait.ge [sflag:s0], $0x1000  }
0x15c: {  	[sflag:s0] =	ssyncset.done $0x0  }
0x15d: {  	[sflag:s0] =	ssyncadd.s32 $0xFFFFF000  }
0x15e: {  	_ =	swait.ge [sflag:s0], $0x1000  }
0x15f: {  	[sflag:s0] =	ssyncset.done $0x0  }
0x160: {  	[sflag:s0] =	ssyncadd.s32 $0xFFFFF000  }
0x161: {  	[spmem:s2] =	stream.indirect.scatter.add.f32 [tilespmem:s22], [sflag:$0x2], $0x20, s24, s25, $0xb8;
	[tilespmem:$0x1CB00] =	vst v63  }
0x162: {  	_ = 	snop  }
0x163: {  	[spmem:s2] =	stream.indirect.scatter.add.f32 [tilespmem:s26], [sflag:$0x2], $0x20, s8, s25, $0xb8;
	[tilespmem:$0x1CB00] =	vst v63  }
0x164: {  	_ = 	snop  }
0x165: {  	[spmem:s2] =	stream.indirect.scatter.add.f32 [tilespmem:s29], [sflag:$0x2], $0x20, s10, s25, $0xb8;
	[tilespmem:$0x1CB00] =	vst v63  }
0x166: {  	_ = 	snop  }
0x167: {  	[spmem:s2] =	stream.indirect.scatter.add.f32 [tilespmem:s31], [sflag:$0x2], $0x20, s12, s25, $0xb8;
	[tilespmem:$0x1CB00] =	vst v63  }
0x168: {  	_ =	swait.ge [sflag:s13], $0x1000  }
0x169: {  	[sflag:s13] =	ssyncset.done $0x0  }
0x16a: {  	[sflag:s13] =	ssyncadd.s32 $0xFFFFF000  }
0x16b: {  	_ =	swait.ge [sflag:s13], $0x1000  }
0x16c: {  	[sflag:s13] =	ssyncset.done $0x0  }
0x16d: {  	[sflag:s13] =	ssyncadd.s32 $0xFFFFF000  }
.Ltmp6:
0x16e: {  	_ =	swait.ge [sflag:s13], $0x1000;
	(pc) =	sbr.rel @p2 .LBB2_5-.Ltmp6, $4  }
0x16f: {  	[sflag:s13] =	ssyncset.done $0x0  }
0x170: {  	[sflag:s13] =	ssyncadd.s32 $0xFFFFF000  }
0x171: {  	_ =	swait.ge [sflag:s13], $0x1000  }
0x172: {  	s15 =	smov.u32 s16;
	[sflag:s13] =	ssyncset.done $0x0  }
.Ltmp7:
0x173: {  	_ = 	snop;
	(pc) =	sbr.rel .LBB2_6-.Ltmp7, $1  }
0x174: {  	_ =	sdelay $0x3  }
.LBB2_11:
0x175: {  	_ =	sfence.sel $0x180000  }
0x176: {  	[bflag:$0x0] =	sbarrier.arrive $0xFFFF  }
0x177: {  	_ =	strace $0x9000004D  }
0x178: {  	s0 =	stileid.u32;
	[bflag:$0x2] =	sbarrier.arrive $0xFFFF  }
0x179: {  	p0 =	sne.s32 s0, $0x0;
	s0 =	rddreg [dreg:$0x3]  }
0x17a: {  	s0 =	sadd.s32 @!p0 $0x100000, s0  }
0x17b: {  	[sflag:s0] =	ssyncadd.tile.s32 @!p0 $0x1;
	_ =	shalt  }
.Lfunc_end2:
_tile_overlayer_lowered:
.L_overlay_start_2:
0x17c: {  	(tag) =	ssettag $0x2  }
0x17d: {  	s0 =	rddreg [dreg:$0x0];
	s2 =	stileid.u32  }
0x17e: {  	s1 =	rddreg [dreg:$0x1];
	p0 =	sne.s32 s2, $0x0  }
0x17f: {  	s3 =	rddreg [dreg:$0x2];
	[bflag:$0x3] =	sbarrier.arrive $0xFFFF;
	s2 =	simm.s32 @!p0 $0x1C03  }
0x180: {  	[timem:s3], [sflag:s2] =	dma.local @!p0 [hbm:s0], s1  }
0x181: {  	s0 =	simm.s32 @!p0 $0x3  }
0x182: {  	_ =	swait.ge @!p0 [sflag:s0], s1  }
0x183: {  	s1 =	ssub.s32 @!p0 $0x0, s1;
	[sflag:s0] =	ssyncset.done @!p0 $0x0  }
0x184: {  	[sflag:s0] =	ssyncadd.s32 @!p0 s1  }
0x185: {  	[bflag:$0x3] =	sbarrier.arrive $0xFFFF  }
0x186: {  	_ =	shalt  }

// kernel: kernel.9.cloned.1.call-start
scs
__scs_entry_jumppad:
0x0: {  	(pc) =	sbr.rel $0x88, $3  }
0x1: {  	(tag) =	ssettag $0x0;
	lr =	simm.s32 $0x1  }
0x2: {  	[smem:$0x3F96] =	sst lr;
	_ =	strace $0xD0000000  }
0x3: {  	_ = 	snop  }
0x4: {  	_ = 	snop  }
0x5: {  	_ = 	snop  }
0x6: {  	_ = 	snop  }
0x7: {  	_ = 	snop  }
__scs_overlays_trampoline_lowered:
0x8: {  	[smem:$0x3FA5] =	sst s0  }
0x9: {  	[smem:$0x3FA6] =	sst s1  }
0xa: {  	[smem:$0x3FA7] =	sst s2  }
0xb: {  	[smem:$0x3FA8] =	sst s3  }
0xc: {  	[smem:$0x3FA9] =	sst s4  }
0xd: {  	[smem:$0x3FAA] =	sst s5  }
0xe: {  	[smem:$0x3FAB] =	sst s6  }
0xf: {  	[smem:$0x3FAC] =	sst s7  }
0x10: {  	[smem:$0x3FAD] =	sst s8  }
0x11: {  	[smem:$0x3FAE] =	sst s9;
	s0 =	simm.s32 @!p0 $0x0  }
0x12: {  	s1 =	sld [smem:$0x3F94];
	s0 =	simm.s32 @p0 $0x1  }
0x13: {  	[smem:$0x3FAF] =	sst s0;
	s0 =	simm.s32 @!p1 $0x0  }
0x14: {  	s2 =	sld [smem:$0x3F93];
	s0 =	simm.s32 @p1 $0x1  }
0x15: {  	[smem:$0x3FB0] =	sst s0;
	s0 =	simm.s32 @!p2 $0x0  }
0x16: {  	s3 =	sld [smem:$0x3FDB];
	s0 =	simm.s32 @p2 $0x1  }
0x17: {  	s4 =	simm.s32 $0x1BF5;
	[smem:$0x3FB2] =	sst s0  }
0x18: {  	s0 =	sld [smem:$0x3F95];
	_ =	swait.ge [sflag:s4], $0x0  }
0x19: {  	s7 =	sld [smem:$0x3F96]  }
0x1a: {  	s8 =	sadd.s32 $0xFFFFE003, lr  }
0x1b: {  	s9 =	sadd.s32 $0xFFFFFEF7, lr;
	s5 =	simm.s32 $0xFFFFFFFF;
	p2 =	slt.u32 s8, $0xFFFFF086  }
0x1c: {  	p1 =	slt.u32 s9, $0xF7A;
	s5 =	simm.s32 @!p2 $0x0  }
0x1d: {  	s5 =	simm.s32 @p1 $0x1;
	p0 =	seq.s32 s7, s2  }
0x1e: {  	s7 =	smul.u32 @!p0 $0xF7A, s2;
	p2 =	seq.s32 @!p0 s5, $0x0  }
0x1f: {  	s9 =	smul.u32 $0xF7A, s1;
	s8 =	simm.s32 @!p0 $0x1BF5;
	p2 =	por !p2, p0  }
0x20: {  	[sflag:s8] =	ssyncset.s32 @!p0 $0xFFFFF086;
	s6 =	sadd.s32 @!p0 s3, s7;
	s7 =	simm.s32 @!p0 $0x108  }
0x21: {  	s3 =	sadd.s32 s3, s9;
	s6 =	sadd.s32 @!p0 $0x88, s6;
	s7 =	simm.s32 @p2 $0x1082  }
0x22: {  	[simem:s7], [sflag:s8] =	dma.local @!p0 [hbm:s6], $0xF7A  }
0x23: {  	s9 =	sor.u32 $0xD0000000, s2;
	s6 =	simm.s32 $0x108;
	_ =	swait.ge @!p0 [sflag:s8], $0x0  }
0x24: {  	s3 =	sadd.s32 $0x88, s3;
	s6 =	simm.s32 @!p1 $0x1082;
	[sflag:s4] =	ssyncset.s32 $0xFFFFF086  }
0x25: {  	[simem:s6], [sflag:s4] =	dma.local [hbm:s3], $0xF7A  }
0x26: {  	[smem:$0x3F96] =	sst s1;
	(tag) =	ssettag s2;
	_ =	strace s9  }
0x27: {  	s1 =	sld [smem:$0x3FA6]  }
0x28: {  	s2 =	sld [smem:$0x3FA7]  }
0x29: {  	s4 =	sld [smem:$0x3FA9]  }
0x2a: {  	p0 =	seq.s32 s5, $0x0;
	s5 =	sld [smem:$0x3FAA]  }
0x2b: {  	s6 =	sld [smem:$0x3FAB]  }
0x2c: {  	s7 =	sld [smem:$0x3FAC]  }
0x2d: {  	s3 =	simm.s32 $0x108;
	s8 =	sld [smem:$0x3FAD]  }
0x2e: {  	s3 =	simm.s32 @!p0 $0x1082;
	s9 =	sld [smem:$0x3FAE]  }
0x2f: {  	lr =	sadd.s32 s0, s3;
	s0 =	sld [smem:$0x3FA5]  }
0x30: {  	s3 =	sld [smem:$0x3FA8]  }
0x31: {  	[smem:$0x3FB1] =	sst s10  }
0x32: {  	s10 =	sld [smem:$0x3FAF];
	_ =	sdelay $0x3  }
0x33: {  	p0 =	seq.s32 s10, $0x1;
	s10 =	sld [smem:$0x3FB1];
	_ =	sdelay $0x3  }
0x34: {  	[smem:$0x3FB1] =	sst s10  }
0x35: {  	s10 =	sld [smem:$0x3FB0];
	_ =	sdelay $0x3  }
0x36: {  	p1 =	seq.s32 s10, $0x1;
	s10 =	sld [smem:$0x3FB1];
	_ =	sdelay $0x3  }
0x37: {  	[smem:$0x3FB1] =	sst s10  }
0x38: {  	s10 =	sld [smem:$0x3FB2]  }
0x39: {  	_ = 	snop;
	(pc) =	sbr.ind lr, $3  }
0x3a: {  	_ = 	snop  }
0x3b: {  	_ = 	snop  }
0x3c: {  	p2 =	seq.s32 s10, $0x1;
	s10 =	sld [smem:$0x3FB1]  }
0x3d: {  	_ =	shalt  }
0x3e: {  	_ =	shalt  }
0x3f: {  	_ =	shalt  }
0x40: {  	_ =	shalt  }
0x41: {  	_ =	shalt  }
0x42: {  	_ =	shalt  }
0x43: {  	_ =	shalt  }
0x44: {  	_ =	shalt  }
0x45: {  	_ =	shalt  }
0x46: {  	_ =	shalt  }
0x47: {  	_ =	shalt  }
0x48: {  	_ =	shalt  }
0x49: {  	_ =	shalt  }
0x4a: {  	_ =	shalt  }
0x4b: {  	_ =	shalt  }
0x4c: {  	_ =	shalt  }
0x4d: {  	_ =	shalt  }
0x4e: {  	_ =	shalt  }
0x4f: {  	_ =	shalt  }
0x50: {  	_ =	shalt  }
0x51: {  	_ =	shalt  }
0x52: {  	_ =	shalt  }
0x53: {  	_ =	shalt  }
0x54: {  	_ =	shalt  }
0x55: {  	_ =	shalt  }
0x56: {  	_ =	shalt  }
0x57: {  	_ =	shalt  }
0x58: {  	_ =	shalt  }
0x59: {  	_ =	shalt  }
0x5a: {  	_ =	shalt  }
0x5b: {  	_ =	shalt  }
0x5c: {  	_ =	shalt  }
0x5d: {  	_ =	shalt  }
0x5e: {  	_ =	shalt  }
0x5f: {  	_ =	shalt  }
0x60: {  	_ =	shalt  }
0x61: {  	_ =	shalt  }
0x62: {  	_ =	shalt  }
0x63: {  	_ =	shalt  }
0x64: {  	_ =	shalt  }
0x65: {  	_ =	shalt  }
0x66: {  	_ =	shalt  }
0x67: {  	_ =	shalt  }
0x68: {  	_ =	shalt  }
0x69: {  	_ =	shalt  }
0x6a: {  	_ =	shalt  }
0x6b: {  	_ =	shalt  }
0x6c: {  	_ =	shalt  }
0x6d: {  	_ =	shalt  }
0x6e: {  	_ =	shalt  }
0x6f: {  	_ =	shalt  }
0x70: {  	_ =	shalt  }
0x71: {  	_ =	shalt  }
0x72: {  	_ =	shalt  }
0x73: {  	_ =	shalt  }
0x74: {  	_ =	shalt  }
0x75: {  	_ =	shalt  }
0x76: {  	_ =	shalt  }
0x77: {  	_ =	shalt  }
0x78: {  	_ =	shalt  }
0x79: {  	_ =	shalt  }
0x7a: {  	_ =	shalt  }
0x7b: {  	_ =	shalt  }
0x7c: {  	_ =	shalt  }
0x7d: {  	_ =	shalt  }
0x7e: {  	_ =	shalt  }
0x7f: {  	_ =	shalt  }
0x80: {  	_ =	shalt  }
0x81: {  	_ =	shalt  }
0x82: {  	_ =	shalt  }
0x83: {  	_ =	shalt  }
0x84: {  	_ =	shalt  }
0x85: {  	_ =	shalt  }
0x86: {  	_ =	shalt  }
0x87: {  	_ =	shalt  }
.Lfunc_end0:
.L_simem_size_0:
called_computation_lowered:
.L_overlay_start_0:
0x88: {  	s2 =	sld [smem:$0x3FD9]  }
0x89: {  	s3 =	sld [smem:$0x3FFE];
	_ =	sdelay $0x1  }
0x8a: {  	s1 =	srdreg.scid  }
0x8b: {  	s0 =	sand.u32 $0x1, s1  }
0x8c: {  	s17 =	sshll.u32 s0, $0xA;
	s2 =	sadd.s32 s3, s2  }
0x8d: {  	s2 =	sadd.s32 s2, s17  }
0x8e: {  	[smem:$0x3FBD] =	sst s2  }
0x8f: {  	_ = 	snop  }
0x90: {  	s2 =	sld [smem:$0x3FD0];
	(tm) =	ssettm $0x1  }
0x91: {  	s18 =	sld [smem:$0x3FFB];
	_ =	sdelay $0x3  }
0x92: {  	_ =	strace s18  }
0x93: {  	s3 =	sld [smem:$0x3FFC];
	_ =	sdelay $0x3  }
0x94: {  	_ =	strace s3  }
0x95: {  	s3 =	sld [smem:$0x3FFD];
	_ =	sdelay $0x3  }
0x96: {  	_ =	strace s3  }
0x97: {  	_ =	strace $0x8FFFFFFF  }
0x98: {  	s19 =	sld [smem:$0x3FDB];
	_ =	sdelay $0x1  }
0x99: {  	s4 =	simm.s32 $_scs_section_size  }
0x9a: {  	s5 =	simm.s32 $_size__tile_overlayer_lowered;
	s6 =	simm.s32 $_tile_overlayer_lowered  }
0x9b: {  	s22 =	simm.s32 $0x1BFF;
	s21 =	sshll.u32 s6, $0x1;
	s3 =	sadd.s32 s4, s19  }
0x9c: {  	s7 =	simm.s32 $0x0;
	s20 =	sshll.u32 s5, $0x1;
	s5 =	sadd.s32 s21, s3  }
0x9d: {  	[timem:s7], [sflag:s22] =	dma.local [hbm:s5], s20  }
0x9e: {  	_ =	swait.ge [sflag:s22], s20  }
0x9f: {  	s4 =	ssub.s32 $0x0, s20;
	[sflag:s22] =	ssyncset.done $0x0  }
0xa0: {  	[sflag:s22] =	ssyncadd.s32 s4;
	_ =	sdelay $0x1  }
0xa1: {  	s23 =	simm.s32 $0x1B8B  }
0xa2: {  	_ =	swait.ge [sflag:s23], $0x1  }
0xa3: {  	[sflag:s23] =	ssyncset.done $0x0  }
0xa4: {  	s25 =	simm.s32 $0x1B8E;
	s24 =	sld [smem:$0x3FFE];
	[sflag:s23] =	ssyncadd.s32 $0xFFFFFFFF  }
0xa5: {  	s26 =	simm.s32 $execute0_lowered;
	[smem:$0x3FD2] =	sst s25  }
0xa6: {  	s5 =	sshll.u32 s26, $0x1;
	_ =	strace $0x80000046;
	[dreg:$0x1] =	wrdreg $0xFFFFFFFF  }
0xa7: {  	s28 =	simm.s32 $_size_execute0_lowered;
	s3 =	sadd.s32 s3, s5;
	[dreg:$0x0] =	wrdreg $0x0  }
0xa8: {  	s5 =	sshll.u32 s28, $0x1;
	[dreg:$0x2] =	wrdreg s3  }
0xa9: {  	[dreg:$0x3] =	wrdreg s5  }
0xaa: {  	[dreg:$0x4] =	wrdreg $0xC0  }
0xab: {  	_ =	task [dreg:s7], $0x5FFFF  }
0xac: {  	[dreg:$0x1] =	wrdreg $0xFFFFFFFF  }
0xad: {  	[dreg:$0x0] =	wrdreg $0x60  }
0xae: {  	[dreg:$0x2] =	wrdreg s24  }
0xaf: {  	[dreg:$0x3] =	wrdreg s2  }
0xb0: {  	[dreg:$0x4] =	wrdreg $0x44000  }
0xb1: {  	[dreg:$0x5] =	wrdreg $0x9  }
0xb2: {  	_ =	task.clear_ibuf [dreg:s7], $0x6FFFF;
	_ =	strace $0x90000046  }
0xb3: {  	s29 =	simm.s32 $0x9;
	_ =	strace $0x80000048  }
0xb4: {  	_ =	swait.ge [sflag:s29], $0x1  }
0xb5: {  	[sflag:s29] =	ssyncadd.s32 $0xFFFFFFFF  }
0xb6: {  	_ =	strace $0x90000048  }
0xb7: {  	_ =	sfence  }
0xb8: {  	s30 =	sld [smem:$0x0];
	_ =	sdelay $0x2  }
0xb9: {  	s31 =	sshll.u32 s1, $0xD;
	s1 =	sshrl.u32 s1, $0x2  }
0xba: {  	s3 =	sand.u32 $0x4000, s31;
	s1 =	sadd.s32 s1, s30  }
0xbb: {  	s0 =	sor.u32 s3, s0;
	s1 =	sshll.u32 s1, $0x11  }
0xbc: {  	s0 =	sor.u32 s1, s0  }
0xbd: {  	s0 =	sadd.s32 $0x8F2B, s0  }
0xbe: {  	[sflag:s0] =	ssyncadd.remote.s32 $0x1  }
0xbf: {  	_ =	sfence.sel $0xFFFF  }
0xc0: {  	[dreg:$0x0] =	wrdreg $0xFFFFFFFF;
	(pc) =	sbr.abs _section_cstart, $3  }
0xc1: {  	[dreg:$0x1] =	wrdreg $0xFFFFFFFF  }
0xc2: {  	_ =	task.clear_ibuf [dreg:s7], $0x2FFFF;
	_ =	strace $0x9FFFFFFF  }
0xc3: {  	(tm) =	ssettm $0x7FFFFFFF  }
tec
execute0_lowered:
.L_overlay_start_1:
0x0: {  	(tag) =	ssettag $0x1  }
0x1: {  	s0 =	rddreg [dreg:$0x0]  }
0x2: {  	s1 =	rddreg [dreg:$0x1]  }
0x3: {  	s2 =	rddreg [dreg:$0x2];
	s14 =	stileid.u32  }
0x4: {  	s3 =	simm.s32 $0x0;
	s6 =	srdreg.scid;
	s4 =	smul.u32 $0x1A00, s14  }
0x5: {  	s29 =	simm.s32 $0x2400;
	s30 =	simm.s32 $0x180;
	s7 =	smul.u32 $0x18700, s14  }
0x6: {  	s31 =	simm.s32 $0x3400;
	[smem:$0x7FF] =	sst s3;
	s9 =	smul.u32 $0x61C00, s14  }
0x7: {  	s28 =	simm.s32 $0x100;
	s5 =	sadd.s32 $0x1BDE00, s0;
	s20 =	sadd.s32 $0x16E900, s2  }
0x8: {  	s10 =	sand.u32 $0x1, s6;
	p1 =	seq.s32 s14, $0xF;
	_ =	strace $0x80000047  }
0x9: {  	s12 =	ssub.s32 $0x2, s10;
	p0 =	seq.s32 s10, $0x1;
	[dreg:$0x8] =	wrdreg s20  }
0xa: {  	s10 =	simm.s32 $0x300;
	s8 =	sadd.s32 s4, s0;
	s4 =	sadd.s32 $0xFA800, s0  }
0xb: {  	s11 =	sshrl.u32 s7, $0x3;
	s16 =	sshrl.u32 s9, $0x2;
	s7 =	sadd.s32 s7, s2  }
0xc: {  	s13 =	sshrl.u32 s12, $0x1;
	s19 =	sadd.s32 s1, s11;
	[dreg:$0x6] =	wrdreg s7  }
0xd: {  	s17 =	sadd.s32 s11, s0;
	s1 =	sadd.s32 $0x2DD20, s1;
	[dreg:$0x5] =	wrdreg s19  }
0xe: {  	s6 =	sadd.s32 s16, s2;
	s0 =	sadd.s32 $0x30F20, s0;
	[dreg:$0x7] =	wrdreg s1  }
0xf: {  	s12 =	ssub.s32 s12, s13;
	s18 =	sadd.s32 $0x18000, s6;
	[dreg:$0xa] =	wrdreg s0  }
0x10: {  	s20 =	sadd.s32 $0xC6800, s8;
	s21 =	sadd.s32 $0x3200, s17;
	[dreg:$0x4] =	wrdreg s18  }
0x11: {  	s13 =	simm.s32 $0x2;
	s22 =	smax.u32 s12, $0x1;
	[dreg:$0x9] =	wrdreg s21  }
0x12: {  	s23 =	sadd.s32 $0x4000, s6;
	s24 =	sadd.s32 $0x8000, s6;
	[dreg:$0xb] =	wrdreg s22  }
0x13: {  	s25 =	sadd.s32 $0xC000, s6;
	s26 =	sadd.s32 $0x10000, s6;
	[dreg:$0xc] =	wrdreg s23  }
.Ltmp0:
0x14: {  	s19 =	sadd.s32 $0x14000, s6;
	[dreg:$0xd] =	wrdreg s24;
	(pc) =	sbr.rel .LBB2_1-.Ltmp0, $4  }
0x15: {  	s0 =	simm.s32 $0x1;
	s12 =	simm.s32 $0x380;
	[dreg:$0xe] =	wrdreg s25  }
0x16: {  	s1 =	simm.s32 $0x0;
	[dreg:$0xf] =	wrdreg s26;
	s21 =	sadd.s32 $0xE0800, s8  }
0x17: {  	s22 =	simm.s32 $0x400;
	s23 =	simm.s32 $0x3;
	s24 =	simm.s32 $0x200  }
0x18: {  	v0 =	vimm.f32 $0.0e+00;
	s25 =	simm.s32 $0x80;
	s26 =	simm.s32 $0x1400;
	s8 =	simm.s32 $0x280  }
.LBB2_6:
0x19: {  	s15 =	sadd.s32 s14, s21;
	[sflag:s13] =	ssyncadd.s32 $0xFFFFF000  }
0x1a: {  	[tilespmem:s3], [sflag:$0x3] =	stream.linear.gather [hbm4b:s15+s3], $0x200, $0x38;
	[tilespmem:$0x1CB00] =	vst v63  }
0x1b: {  	_ =	swait.ge [sflag:s23], $0x200  }
0x1c: {  	[sflag:s23] =	ssyncset.done $0x0  }
0x1d: {  	s18 =	sadd.s32 s14, s20;
	[sflag:s23] =	ssyncadd.s32 $0xFFFFFE00  }
0x1e: {  	[tilespmem:s24], [sflag:$0x3] =	stream.linear.gather [hbm4b:s18+s3], $0x200, $0x38;
	[tilespmem:$0x1CB00] =	vst v63  }
0x1f: {  	_ =	swait.ge [sflag:s23], $0x200  }
0x20: {  	[sflag:s23] =	ssyncset.done $0x0  }
0x21: {  	[sflag:s23] =	ssyncadd.s32 $0xFFFFFE00  }
0x22: {  	[tilespmem:s22], [sflag:$0x1] =	stream.indirect.gather [hbm4b:s4+s25], $0x20, s3, s25, $0xb8;
	[tilespmem:$0x1CB00] =	vst v63  }
0x23: {  	_ = 	snop  }
0x24: {  	[tilespmem:s26], [sflag:$0x1] =	stream.indirect.gather [hbm4b:s4+s25], $0x20, s25, s25, $0xb8;
	[tilespmem:$0x1CB00] =	vst v63  }
0x25: {  	_ = 	snop  }
0x26: {  	[tilespmem:s29], [sflag:$0x1] =	stream.indirect.gather [hbm4b:s4+s25], $0x20, s28, s25, $0xb8;
	[tilespmem:$0x1CB00] =	vst v63  }
0x27: {  	_ = 	snop  }
0x28: {  	[tilespmem:s31], [sflag:$0x1] =	stream.indirect.gather [hbm4b:s4+s25], $0x20, s30, s25, $0xb8;
	[tilespmem:$0x1CB00] =	vst v63  }
0x29: {  	_ =	swait.ge [sflag:s0], $0x1000  }
0x2a: {  	[sflag:s0] =	ssyncset.done $0x0  }
0x2b: {  	[sflag:s0] =	ssyncadd.s32 $0xFFFFF000  }
0x2c: {  	_ =	swait.ge [sflag:s0], $0x1000  }
0x2d: {  	[sflag:s0] =	ssyncset.done $0x0  }
0x2e: {  	[sflag:s0] =	ssyncadd.s32 $0xFFFFF000  }
0x2f: {  	_ =	swait.ge [sflag:s0], $0x1000  }
0x30: {  	[sflag:s0] =	ssyncset.done $0x0  }
0x31: {  	[sflag:s0] =	ssyncadd.s32 $0xFFFFF000  }
0x32: {  	_ =	swait.ge [sflag:s0], $0x1000  }
0x33: {  	[sflag:s0] =	ssyncset.done $0x0  }
0x34: {  	[sflag:s0] =	ssyncadd.s32 $0xFFFFF000  }
0x35: {  	[spmem:s2] =	stream.indirect.scatter.add.f32 [tilespmem:s22], [sflag:$0x2], $0x20, s24, s25, $0xb8;
	[tilespmem:$0x1CB00] =	vst v63  }
0x36: {  	_ = 	snop  }
0x37: {  	[spmem:s2] =	stream.indirect.scatter.add.f32 [tilespmem:s26], [sflag:$0x2], $0x20, s8, s25, $0xb8;
	[tilespmem:$0x1CB00] =	vst v63  }
0x38: {  	_ = 	snop  }
0x39: {  	[spmem:s2] =	stream.indirect.scatter.add.f32 [tilespmem:s29], [sflag:$0x2], $0x20, s10, s25, $0xb8;
	[tilespmem:$0x1CB00] =	vst v63  }
0x3a: {  	_ = 	snop  }
0x3b: {  	[spmem:s2] =	stream.indirect.scatter.add.f32 [tilespmem:s31], [sflag:$0x2], $0x20, s12, s25, $0xb8;
	[tilespmem:$0x1CB00] =	vst v63  }
0x3c: {  	_ =	swait.ge [sflag:s13], $0x1000  }
0x3d: {  	[sflag:s13] =	ssyncset.done $0x0  }
0x3e: {  	[sflag:s13] =	ssyncadd.s32 $0xFFFFF000  }
0x3f: {  	_ =	swait.ge [sflag:s13], $0x1000  }
0x40: {  	[sflag:s13] =	ssyncset.done $0x0  }
0x41: {  	[sflag:s13] =	ssyncadd.s32 $0xFFFFF000  }
0x42: {  	_ =	swait.ge [sflag:s13], $0x1000  }
0x43: {  	[sflag:s13] =	ssyncset.done $0x0  }
0x44: {  	[sflag:s13] =	ssyncadd.s32 $0xFFFFF000  }
0x45: {  	_ =	swait.ge [sflag:s13], $0x1000  }
0x46: {  	[sflag:s13] =	ssyncset.done $0x0  }
0x47: {  	[sflag:s13] =	ssyncadd.s32 $0xFFFFF000  }
0x48: {  	[bflag:$0x0] =	sbarrier.arrive $0xFFFF  }
0x49: {  	s14 =	simm.s32 @p1 $0x1FC3;
	s15 =	rddreg [dreg:$0x7]  }
0x4a: {  	[hbm:s15], [sflag:s14] =	dma.local @p1 [spmem:s11], $0x3020  }
0x4b: {  	s11 =	simm.s32 @p1 $0x3  }
0x4c: {  	_ =	swait.ge @p1 [sflag:s11], $0x3020  }
0x4d: {  	[sflag:s11] =	ssyncset.done @p1 $0x0  }
0x4e: {  	[sflag:s11] =	ssyncadd.s32 @p1 $0xFFFFCFE0;
	s11 =	rddreg [dreg:$0x5]  }
0x4f: {  	[hbm:s11], [sflag:s9] =	dma.local @!p1 [spmem:s7], $0x30E0  }
0x50: {  	s7 =	simm.s32 @!p1 $0x3  }
0x51: {  	_ =	swait.ge @!p1 [sflag:s7], $0x30E0  }
0x52: {  	[sflag:s7] =	ssyncset.done @!p1 $0x0  }
0x53: {  	[sflag:s7] =	ssyncadd.s32 @!p1 $0xFFFFCF20  }
.LBB2_10:
0x54: {  	s1 =	sadd.s32 $0x1, s1;
	s7 =	rddreg [dreg:$0xb]  }
0x55: {  	p2 =	sne.s32 s1, s7  }
.Ltmp1:
0x56: {  	_ = 	snop;
	(pc) =	sbr.rel @!p2 .LBB2_11-.Ltmp1, $1  }
0x57: {  	_ =	sdelay $0x3  }
.LBB2_1:
0x58: {  	s7 =	simm.s32 $0x80;
	s9 =	simm.s32 $0x0  }
.LBB2_2:
0x59: {  	p2 =	sne.s32 s7, $0xFF80;
	[tilespmem:s9+$0x400] =	vst v0;
	s11 =	smov.u32 s7;
	s7 =	sadd.s32 $0x80, s7  }
.Ltmp2:
0x5a: {  	[tilespmem:s9+$0x410] =	vst v0;
	(pc) =	sbr.rel @p2 .LBB2_2-.Ltmp2, $2  }
0x5b: {  	_ =	sdelay $0x2  }
0x5c: {  	s9 =	sshra.s32 s11, $0x2  }
0x5d: {  	[tilespmem:s9+$0x400] =	vst v0  }
0x5e: {  	[tilespmem:s9+$0x410] =	vst v0  }
0x5f: {  	[spmem:s6] =	stream.linear.scatter [tilespmem:s22], [sflag:$0x3], $0x4000, $0x38;
	[tilespmem:$0x1CB00] =	vst v63  }
0x60: {  	_ =	swait.ge [sflag:s23], $0x4000  }
0x61: {  	[sflag:s23] =	ssyncset.done $0x0  }
0x62: {  	s7 =	rddreg [dreg:$0xc];
	[sflag:s23] =	ssyncadd.s32 $0xFFFFC000  }
0x63: {  	[spmem:s7] =	stream.linear.scatter [tilespmem:s22], [sflag:$0x3], $0x4000, $0x38;
	[tilespmem:$0x1CB00] =	vst v63  }
0x64: {  	_ =	swait.ge [sflag:s23], $0x4000  }
0x65: {  	[sflag:s23] =	ssyncset.done $0x0  }
0x66: {  	s15 =	rddreg [dreg:$0xd];
	[sflag:s23] =	ssyncadd.s32 $0xFFFFC000  }
0x67: {  	[spmem:s15] =	stream.linear.scatter [tilespmem:s22], [sflag:$0x3], $0x4000, $0x38;
	[tilespmem:$0x1CB00] =	vst v63  }
0x68: {  	_ =	swait.ge [sflag:s23], $0x4000  }
0x69: {  	[sflag:s23] =	ssyncset.done $0x0  }
0x6a: {  	s16 =	rddreg [dreg:$0xe];
	[sflag:s23] =	ssyncadd.s32 $0xFFFFC000  }
0x6b: {  	[spmem:s16] =	stream.linear.scatter [tilespmem:s22], [sflag:$0x3], $0x4000, $0x38;
	[tilespmem:$0x1CB00] =	vst v63  }
0x6c: {  	_ =	swait.ge [sflag:s23], $0x4000  }
0x6d: {  	[sflag:s23] =	ssyncset.done $0x0  }
0x6e: {  	s17 =	rddreg [dreg:$0xf];
	[sflag:s23] =	ssyncadd.s32 $0xFFFFC000  }
0x6f: {  	[spmem:s17] =	stream.linear.scatter [tilespmem:s22], [sflag:$0x3], $0x4000, $0x38;
	[tilespmem:$0x1CB00] =	vst v63  }
0x70: {  	_ =	swait.ge [sflag:s23], $0x4000  }
0x71: {  	[sflag:s23] =	ssyncset.done $0x0  }
0x72: {  	[sflag:s23] =	ssyncadd.s32 $0xFFFFC000  }
0x73: {  	[spmem:s19] =	stream.linear.scatter [tilespmem:s22], [sflag:$0x3], $0x4000, $0x38;
	[tilespmem:$0x1CB00] =	vst v63  }
0x74: {  	_ =	swait.ge [sflag:s23], $0x4000  }
0x75: {  	[sflag:s23] =	ssyncset.done $0x0  }
0x76: {  	s18 =	rddreg [dreg:$0x4];
	[sflag:s23] =	ssyncadd.s32 $0xFFFFC000  }
0x77: {  	[spmem:s18] =	stream.linear.scatter [tilespmem:s22], [sflag:$0x3], $0x700, $0x38;
	[tilespmem:$0x1CB00] =	vst v63  }
0x78: {  	_ =	swait.ge [sflag:s23], $0x700  }
0x79: {  	[sflag:s23] =	ssyncset.done $0x0  }
.Ltmp3:
0x7a: {  	[sflag:s23] =	ssyncadd.s32 $0xFFFFF900;
	(pc) =	sbr.rel @!p0 .LBB2_4-.Ltmp3, $4  }
0x7b: {  	s7 =	stileid.u32;
	[bflag:$0x0] =	sbarrier.arrive $0xFFFF  }
0x7c: {  	s9 =	sshll.u32 @!p1 s7, $0x6;
	s7 =	rddreg [dreg:$0x8]  }
0x7d: {  	s11 =	sshrl.u32 @p1 s7, $0x3;
	s7 =	rddreg [dreg:$0x6]  }
0x7e: {  	s14 =	sadd.s32 $0x0, s21;
	s9 =	sor.u32 @!p1 $0x1C03, s9;
	s7 =	sshrl.u32 @!p1 s7, $0x3  }
0x7f: {  	[tilespmem:s3], [sflag:$0x3] =	stream.linear.gather [hbm4b:s14+s3], $0x200, $0x38;
	[tilespmem:$0x1CB00] =	vst v63  }
0x80: {  	_ =	swait.ge [sflag:s23], $0x200  }
0x81: {  	[sflag:s23] =	ssyncset.done $0x0  }
0x82: {  	s18 =	sadd.s32 $0x0, s20;
	[sflag:s23] =	ssyncadd.s32 $0xFFFFFE00  }
0x83: {  	[tilespmem:s24], [sflag:$0x3] =	stream.linear.gather [hbm4b:s18+s3], $0x200, $0x38;
	[tilespmem:$0x1CB00] =	vst v63  }
0x84: {  	_ =	swait.ge [sflag:s23], $0x200  }
0x85: {  	[sflag:s23] =	ssyncset.done $0x0  }
0x86: {  	[sflag:s23] =	ssyncadd.s32 $0xFFFFFE00  }
0x87: {  	[tilespmem:s22], [sflag:$0x1] =	stream.indirect.gather [hbm4b:s5+s25], $0x20, s3, s25, $0xb8;
	[tilespmem:$0x1CB00] =	vst v63  }
0x88: {  	_ = 	snop  }
0x89: {  	[tilespmem:s26], [sflag:$0x1] =	stream.indirect.gather [hbm4b:s5+s25], $0x20, s25, s25, $0xb8;
	[tilespmem:$0x1CB00] =	vst v63  }
0x8a: {  	_ = 	snop  }
0x8b: {  	[tilespmem:s29], [sflag:$0x1] =	stream.indirect.gather [hbm4b:s5+s25], $0x20, s28, s25, $0xb8;
	[tilespmem:$0x1CB00] =	vst v63  }
0x8c: {  	_ = 	snop  }
0x8d: {  	[tilespmem:s31], [sflag:$0x1] =	stream.indirect.gather [hbm4b:s5+s25], $0x20, s30, s25, $0xb8;
	[tilespmem:$0x1CB00] =	vst v63  }
0x8e: {  	_ =	swait.ge [sflag:s0], $0x1000  }
0x8f: {  	[sflag:s0] =	ssyncset.done $0x0  }
0x90: {  	[sflag:s0] =	ssyncadd.s32 $0xFFFFF000  }
0x91: {  	_ =	swait.ge [sflag:s0], $0x1000  }
0x92: {  	[sflag:s0] =	ssyncset.done $0x0  }
0x93: {  	[sflag:s0] =	ssyncadd.s32 $0xFFFFF000  }
0x94: {  	_ =	swait.ge [sflag:s0], $0x1000  }
0x95: {  	[sflag:s0] =	ssyncset.done $0x0  }
0x96: {  	[sflag:s0] =	ssyncadd.s32 $0xFFFFF000  }
0x97: {  	_ =	swait.ge [sflag:s0], $0x1000  }
0x98: {  	[sflag:s0] =	ssyncset.done $0x0  }
0x99: {  	[sflag:s0] =	ssyncadd.s32 $0xFFFFF000  }
0x9a: {  	[spmem:s2] =	stream.indirect.scatter.add.f32 [tilespmem:s22], [sflag:$0x2], $0x20, s24, s25, $0xb8;
	[tilespmem:$0x1CB00] =	vst v63  }
0x9b: {  	_ = 	snop  }
0x9c: {  	[spmem:s2] =	stream.indirect.scatter.add.f32 [tilespmem:s26], [sflag:$0x2], $0x20, s8, s25, $0xb8;
	[tilespmem:$0x1CB00] =	vst v63  }
0x9d: {  	_ = 	snop  }
0x9e: {  	[spmem:s2] =	stream.indirect.scatter.add.f32 [tilespmem:s29], [sflag:$0x2], $0x20, s10, s25, $0xb8;
	[tilespmem:$0x1CB00] =	vst v63  }
0x9f: {  	_ = 	snop  }
0xa0: {  	[spmem:s2] =	stream.indirect.scatter.add.f32 [tilespmem:s31], [sflag:$0x2], $0x20, s12, s25, $0xb8;
	[tilespmem:$0x1CB00] =	vst v63  }
0xa1: {  	_ =	swait.ge [sflag:s13], $0x1000  }
0xa2: {  	[sflag:s13] =	ssyncset.done $0x0  }
0xa3: {  	[sflag:s13] =	ssyncadd.s32 $0xFFFFF000  }
0xa4: {  	_ =	swait.ge [sflag:s13], $0x1000  }
0xa5: {  	[sflag:s13] =	ssyncset.done $0x0  }
0xa6: {  	[sflag:s13] =	ssyncadd.s32 $0xFFFFF000  }
0xa7: {  	_ =	swait.ge [sflag:s13], $0x1000  }
0xa8: {  	[sflag:s13] =	ssyncset.done $0x0  }
0xa9: {  	[sflag:s13] =	ssyncadd.s32 $0xFFFFF000  }
0xaa: {  	_ =	swait.ge [sflag:s13], $0x1000  }
0xab: {  	s14 =	simm.s32 $0x40;
	s16 =	simm.s32 $0x80;
	[sflag:s13] =	ssyncset.done $0x0  }
.LBB2_8:
0xac: {  	s17 =	sadd.s32 s14, s21  }
0xad: {  	[sflag:s13] =	ssyncadd.s32 $0xFFFFF000;
	s18 =	smov.u32 s16;
	s15 =	sadd.s32 $0x40, s16  }
0xae: {  	[tilespmem:s3], [sflag:$0x3] =	stream.linear.gather [hbm4b:s17+s3], $0x200, $0x38;
	[tilespmem:$0x1CB00] =	vst v63  }
0xaf: {  	p2 =	sne.s32 s16, $0x19C0;
	_ =	swait.ge [sflag:s23], $0x200  }
0xb0: {  	[sflag:s23] =	ssyncset.done $0x0  }
0xb1: {  	s16 =	sadd.s32 s14, s20;
	s14 =	smov.u32 s18;
	[sflag:s23] =	ssyncadd.s32 $0xFFFFFE00  }
0xb2: {  	[tilespmem:s24], [sflag:$0x3] =	stream.linear.gather [hbm4b:s16+s3], $0x200, $0x38;
	[tilespmem:$0x1CB00] =	vst v63  }
0xb3: {  	_ =	swait.ge [sflag:s23], $0x200  }
0xb4: {  	[sflag:s23] =	ssyncset.done $0x0  }
0xb5: {  	[sflag:s23] =	ssyncadd.s32 $0xFFFFFE00  }
0xb6: {  	[tilespmem:s22], [sflag:$0x1] =	stream.indirect.gather [hbm4b:s5+s25], $0x20, s3, s25, $0xb8;
	[tilespmem:$0x1CB00] =	vst v63  }
0xb7: {  	_ = 	snop  }
0xb8: {  	[tilespmem:s26], [sflag:$0x1] =	stream.indirect.gather [hbm4b:s5+s25], $0x20, s25, s25, $0xb8;
	[tilespmem:$0x1CB00] =	vst v63  }
0xb9: {  	_ = 	snop  }
0xba: {  	[tilespmem:s29], [sflag:$0x1] =	stream.indirect.gather [hbm4b:s5+s25], $0x20, s28, s25, $0xb8;
	[tilespmem:$0x1CB00] =	vst v63  }
0xbb: {  	_ = 	snop  }
0xbc: {  	[tilespmem:s31], [sflag:$0x1] =	stream.indirect.gather [hbm4b:s5+s25], $0x20, s30, s25, $0xb8;
	[tilespmem:$0x1CB00] =	vst v63  }
0xbd: {  	_ =	swait.ge [sflag:s0], $0x1000  }
0xbe: {  	[sflag:s0] =	ssyncset.done $0x0  }
0xbf: {  	[sflag:s0] =	ssyncadd.s32 $0xFFFFF000  }
0xc0: {  	_ =	swait.ge [sflag:s0], $0x1000  }
0xc1: {  	[sflag:s0] =	ssyncset.done $0x0  }
0xc2: {  	[sflag:s0] =	ssyncadd.s32 $0xFFFFF000  }
0xc3: {  	_ =	swait.ge [sflag:s0], $0x1000  }
0xc4: {  	[sflag:s0] =	ssyncset.done $0x0  }
0xc5: {  	[sflag:s0] =	ssyncadd.s32 $0xFFFFF000  }
0xc6: {  	_ =	swait.ge [sflag:s0], $0x1000  }
0xc7: {  	[sflag:s0] =	ssyncset.done $0x0  }
0xc8: {  	[sflag:s0] =	ssyncadd.s32 $0xFFFFF000  }
0xc9: {  	[spmem:s2] =	stream.indirect.scatter.add.f32 [tilespmem:s22], [sflag:$0x2], $0x20, s24, s25, $0xb8;
	[tilespmem:$0x1CB00] =	vst v63  }
0xca: {  	_ = 	snop  }
0xcb: {  	[spmem:s2] =	stream.indirect.scatter.add.f32 [tilespmem:s26], [sflag:$0x2], $0x20, s8, s25, $0xb8;
	[tilespmem:$0x1CB00] =	vst v63  }
0xcc: {  	_ = 	snop  }
0xcd: {  	[spmem:s2] =	stream.indirect.scatter.add.f32 [tilespmem:s29], [sflag:$0x2], $0x20, s10, s25, $0xb8;
	[tilespmem:$0x1CB00] =	vst v63  }
0xce: {  	_ = 	snop  }
0xcf: {  	[spmem:s2] =	stream.indirect.scatter.add.f32 [tilespmem:s31], [sflag:$0x2], $0x20, s12, s25, $0xb8;
	[tilespmem:$0x1CB00] =	vst v63  }
0xd0: {  	_ =	swait.ge [sflag:s13], $0x1000  }
0xd1: {  	[sflag:s13] =	ssyncset.done $0x0  }
0xd2: {  	[sflag:s13] =	ssyncadd.s32 $0xFFFFF000  }
0xd3: {  	_ =	swait.ge [sflag:s13], $0x1000  }
0xd4: {  	[sflag:s13] =	ssyncset.done $0x0  }
0xd5: {  	[sflag:s13] =	ssyncadd.s32 $0xFFFFF000  }
.Ltmp4:
0xd6: {  	_ =	swait.ge [sflag:s13], $0x1000;
	(pc) =	sbr.rel @p2 .LBB2_8-.Ltmp4, $4  }
0xd7: {  	[sflag:s13] =	ssyncset.done $0x0  }
0xd8: {  	[sflag:s13] =	ssyncadd.s32 $0xFFFFF000  }
0xd9: {  	_ =	swait.ge [sflag:s13], $0x1000  }
0xda: {  	s16 =	smov.u32 s15;
	[sflag:s13] =	ssyncset.done $0x0  }
0xdb: {  	s15 =	sadd.s32 s14, s21;
	[sflag:s13] =	ssyncadd.s32 $0xFFFFF000  }
0xdc: {  	[tilespmem:s3], [sflag:$0x3] =	stream.linear.gather [hbm4b:s15+s3], $0x200, $0x38;
	[tilespmem:$0x1CB00] =	vst v63  }
0xdd: {  	_ =	swait.ge [sflag:s23], $0x200  }
0xde: {  	[sflag:s23] =	ssyncset.done $0x0  }
0xdf: {  	s18 =	sadd.s32 s14, s20;
	[sflag:s23] =	ssyncadd.s32 $0xFFFFFE00  }
0xe0: {  	[tilespmem:s24], [sflag:$0x3] =	stream.linear.gather [hbm4b:s18+s3], $0x200, $0x38;
	[tilespmem:$0x1CB00] =	vst v63  }
0xe1: {  	_ =	swait.ge [sflag:s23], $0x200  }
0xe2: {  	[sflag:s23] =	ssyncset.done $0x0  }
0xe3: {  	[sflag:s23] =	ssyncadd.s32 $0xFFFFFE00  }
0xe4: {  	[tilespmem:s22], [sflag:$0x1] =	stream.indirect.gather [hbm4b:s5+s25], $0x20, s3, s25, $0xb8;
	[tilespmem:$0x1CB00] =	vst v63  }
0xe5: {  	_ = 	snop  }
0xe6: {  	[tilespmem:s26], [sflag:$0x1] =	stream.indirect.gather [hbm4b:s5+s25], $0x20, s25, s25, $0xb8;
	[tilespmem:$0x1CB00] =	vst v63  }
0xe7: {  	_ = 	snop  }
0xe8: {  	[tilespmem:s29], [sflag:$0x1] =	stream.indirect.gather [hbm4b:s5+s25], $0x20, s28, s25, $0xb8;
	[tilespmem:$0x1CB00] =	vst v63  }
0xe9: {  	_ = 	snop  }
0xea: {  	[tilespmem:s31], [sflag:$0x1] =	stream.indirect.gather [hbm4b:s5+s25], $0x20, s30, s25, $0xb8;
	[tilespmem:$0x1CB00] =	vst v63  }
0xeb: {  	_ =	swait.ge [sflag:s0], $0x1000  }
0xec: {  	[sflag:s0] =	ssyncset.done $0x0  }
0xed: {  	[sflag:s0] =	ssyncadd.s32 $0xFFFFF000  }
0xee: {  	_ =	swait.ge [sflag:s0], $0x1000  }
0xef: {  	[sflag:s0] =	ssyncset.done $0x0  }
0xf0: {  	[sflag:s0] =	ssyncadd.s32 $0xFFFFF000  }
0xf1: {  	_ =	swait.ge [sflag:s0], $0x1000  }
0xf2: {  	[sflag:s0] =	ssyncset.done $0x0  }
0xf3: {  	[sflag:s0] =	ssyncadd.s32 $0xFFFFF000  }
0xf4: {  	_ =	swait.ge [sflag:s0], $0x1000  }
0xf5: {  	[sflag:s0] =	ssyncset.done $0x0  }
0xf6: {  	[sflag:s0] =	ssyncadd.s32 $0xFFFFF000  }
0xf7: {  	[spmem:s2] =	stream.indirect.scatter.add.f32 [tilespmem:s22], [sflag:$0x2], $0x20, s24, s25, $0xb8;
	[tilespmem:$0x1CB00] =	vst v63  }
0xf8: {  	_ = 	snop  }
0xf9: {  	[spmem:s2] =	stream.indirect.scatter.add.f32 [tilespmem:s26], [sflag:$0x2], $0x20, s8, s25, $0xb8;
	[tilespmem:$0x1CB00] =	vst v63  }
0xfa: {  	_ = 	snop  }
0xfb: {  	[spmem:s2] =	stream.indirect.scatter.add.f32 [tilespmem:s29], [sflag:$0x2], $0x20, s10, s25, $0xb8;
	[tilespmem:$0x1CB00] =	vst v63  }
0xfc: {  	_ = 	snop  }
0xfd: {  	[spmem:s2] =	stream.indirect.scatter.add.f32 [tilespmem:s31], [sflag:$0x2], $0x20, s12, s25, $0xb8;
	[tilespmem:$0x1CB00] =	vst v63  }
0xfe: {  	_ =	swait.ge [sflag:s13], $0x1000  }
0xff: {  	[sflag:s13] =	ssyncset.done $0x0  }
0x100: {  	[sflag:s13] =	ssyncadd.s32 $0xFFFFF000  }
0x101: {  	_ =	swait.ge [sflag:s13], $0x1000  }
0x102: {  	[sflag:s13] =	ssyncset.done $0x0  }
0x103: {  	[sflag:s13] =	ssyncadd.s32 $0xFFFFF000  }
0x104: {  	_ =	swait.ge [sflag:s13], $0x1000  }
0x105: {  	[sflag:s13] =	ssyncset.done $0x0  }
0x106: {  	[sflag:s13] =	ssyncadd.s32 $0xFFFFF000  }
0x107: {  	_ =	swait.ge [sflag:s13], $0x1000  }
0x108: {  	[sflag:s13] =	ssyncset.done $0x0  }
0x109: {  	[sflag:s13] =	ssyncadd.s32 $0xFFFFF000  }
0x10a: {  	[bflag:$0x0] =	sbarrier.arrive $0xFFFF  }
0x10b: {  	s14 =	simm.s32 @p1 $0x1FC3;
	s15 =	rddreg [dreg:$0xa]  }
0x10c: {  	[hbm:s15], [sflag:s14] =	dma.local @p1 [spmem:s11], $0x3020  }
0x10d: {  	s11 =	simm.s32 @p1 $0x3  }
0x10e: {  	_ =	swait.ge @p1 [sflag:s11], $0x3020  }
0x10f: {  	[sflag:s11] =	ssyncset.done @p1 $0x0  }
0x110: {  	[sflag:s11] =	ssyncadd.s32 @p1 $0xFFFFCFE0;
	s11 =	rddreg [dreg:$0x9]  }
0x111: {  	[hbm:s11], [sflag:s9] =	dma.local @!p1 [spmem:s7], $0x30E0  }
.Ltmp5:
0x112: {  	_ = 	snop;
	(pc) =	sbr.rel .LBB2_10-.Ltmp5, $4  }
0x113: {  	s7 =	simm.s32 @!p1 $0x3  }
0x114: {  	_ =	swait.ge @!p1 [sflag:s7], $0x30E0  }
0x115: {  	[sflag:s7] =	ssyncset.done @!p1 $0x0  }
0x116: {  	[sflag:s7] =	ssyncadd.s32 @!p1 $0xFFFFCF20  }
.LBB2_4:
0x117: {  	[tilespmem:s3], [sflag:$0x3] =	stream.linear.gather [hbm4b:s14+s3], $0x200, $0x38;
	[tilespmem:$0x1CB00] =	vst v63  }
0x118: {  	_ =	swait.ge [sflag:s23], $0x200  }
0x119: {  	[sflag:s23] =	ssyncset.done $0x0  }
0x11a: {  	s18 =	sadd.s32 $0x0, s20;
	[sflag:s23] =	ssyncadd.s32 $0xFFFFFE00  }
0x11b: {  	[tilespmem:s24], [sflag:$0x3] =	stream.linear.gather [hbm4b:s18+s3], $0x200, $0x38;
	[tilespmem:$0x1CB00] =	vst v63  }
0x11c: {  	_ =	swait.ge [sflag:s23], $0x200  }
0x11d: {  	[sflag:s23] =	ssyncset.done $0x0  }
0x11e: {  	[sflag:s23] =	ssyncadd.s32 $0xFFFFFE00  }
0x11f: {  	[tilespmem:s22], [sflag:$0x1] =	stream.indirect.gather [hbm4b:s4+s25], $0x20, s3, s25, $0xb8;
	[tilespmem:$0x1CB00] =	vst v63  }
0x120: {  	_ = 	snop  }
0x121: {  	[tilespmem:s26], [sflag:$0x1] =	stream.indirect.gather [hbm4b:s4+s25], $0x20, s25, s25, $0xb8;
	[tilespmem:$0x1CB00] =	vst v63  }
0x122: {  	_ = 	snop  }
0x123: {  	[tilespmem:s29], [sflag:$0x1] =	stream.indirect.gather [hbm4b:s4+s25], $0x20, s28, s25, $0xb8;
	[tilespmem:$0x1CB00] =	vst v63  }
0x124: {  	_ = 	snop  }
0x125: {  	[tilespmem:s31], [sflag:$0x1] =	stream.indirect.gather [hbm4b:s4+s25], $0x20, s30, s25, $0xb8;
	[tilespmem:$0x1CB00] =	vst v63  }
0x126: {  	_ =	swait.ge [sflag:s0], $0x1000  }
0x127: {  	[sflag:s0] =	ssyncset.done $0x0  }
0x128: {  	[sflag:s0] =	ssyncadd.s32 $0xFFFFF000  }
0x129: {  	_ =	swait.ge [sflag:s0], $0x1000  }
0x12a: {  	[sflag:s0] =	ssyncset.done $0x0  }
0x12b: {  	[sflag:s0] =	ssyncadd.s32 $0xFFFFF000  }
0x12c: {  	_ =	swait.ge [sflag:s0], $0x1000  }
0x12d: {  	[sflag:s0] =	ssyncset.done $0x0  }
0x12e: {  	[sflag:s0] =	ssyncadd.s32 $0xFFFFF000  }
0x12f: {  	_ =	swait.ge [sflag:s0], $0x1000  }
0x130: {  	[sflag:s0] =	ssyncset.done $0x0  }
0x131: {  	[sflag:s0] =	ssyncadd.s32 $0xFFFFF000  }
0x132: {  	[spmem:s2] =	stream.indirect.scatter.add.f32 [tilespmem:s22], [sflag:$0x2], $0x20, s24, s25, $0xb8;
	[tilespmem:$0x1CB00] =	vst v63  }
0x133: {  	_ = 	snop  }
0x134: {  	[spmem:s2] =	stream.indirect.scatter.add.f32 [tilespmem:s26], [sflag:$0x2], $0x20, s8, s25, $0xb8;
	[tilespmem:$0x1CB00] =	vst v63  }
0x135: {  	_ = 	snop  }
0x136: {  	[spmem:s2] =	stream.indirect.scatter.add.f32 [tilespmem:s29], [sflag:$0x2], $0x20, s10, s25, $0xb8;
	[tilespmem:$0x1CB00] =	vst v63  }
0x137: {  	_ = 	snop  }
0x138: {  	[spmem:s2] =	stream.indirect.scatter.add.f32 [tilespmem:s31], [sflag:$0x2], $0x20, s12, s25, $0xb8;
	[tilespmem:$0x1CB00] =	vst v63  }
0x139: {  	_ =	swait.ge [sflag:s13], $0x1000  }
0x13a: {  	[sflag:s13] =	ssyncset.done $0x0  }
0x13b: {  	[sflag:s13] =	ssyncadd.s32 $0xFFFFF000  }
0x13c: {  	_ =	swait.ge [sflag:s13], $0x1000  }
0x13d: {  	[sflag:s13] =	ssyncset.done $0x0  }
0x13e: {  	[sflag:s13] =	ssyncadd.s32 $0xFFFFF000  }
0x13f: {  	_ =	swait.ge [sflag:s13], $0x1000  }
0x140: {  	[sflag:s13] =	ssyncset.done $0x0  }
0x141: {  	[sflag:s13] =	ssyncadd.s32 $0xFFFFF000  }
0x142: {  	_ =	swait.ge [sflag:s13], $0x1000  }
0x143: {  	s14 =	simm.s32 $0x40;
	s15 =	simm.s32 $0x80;
	[sflag:s13] =	ssyncset.done $0x0  }
.LBB2_5:
0x144: {  	s17 =	sadd.s32 s14, s21  }
0x145: {  	[sflag:s13] =	ssyncadd.s32 $0xFFFFF000;
	s18 =	smov.u32 s15;
	s16 =	sadd.s32 $0x40, s15  }
0x146: {  	[tilespmem:s3], [sflag:$0x3] =	stream.linear.gather [hbm4b:s17+s3], $0x200, $0x38;
	[tilespmem:$0x1CB00] =	vst v63  }
0x147: {  	p2 =	sne.s32 s15, $0x19C0;
	_ =	swait.ge [sflag:s23], $0x200  }
0x148: {  	[sflag:s23] =	ssyncset.done $0x0  }
0x149: {  	s15 =	sadd.s32 s14, s20;
	s14 =	smov.u32 s18;
	[sflag:s23] =	ssyncadd.s32 $0xFFFFFE00  }
0x14a: {  	[tilespmem:s24], [sflag:$0x3] =	stream.linear.gather [hbm4b:s15+s3], $0x200, $0x38;
	[tilespmem:$0x1CB00] =	vst v63  }
0x14b: {  	_ =	swait.ge [sflag:s23], $0x200  }
0x14c: {  	[sflag:s23] =	ssyncset.done $0x0  }
0x14d: {  	[sflag:s23] =	ssyncadd.s32 $0xFFFFFE00  }
0x14e: {  	[tilespmem:s22], [sflag:$0x1] =	stream.indirect.gather [hbm4b:s4+s25], $0x20, s3, s25, $0xb8;
	[tilespmem:$0x1CB00] =	vst v63  }
0x14f: {  	_ = 	snop  }
0x150: {  	[tilespmem:s26], [sflag:$0x1] =	stream.indirect.gather [hbm4b:s4+s25], $0x20, s25, s25, $0xb8;
	[tilespmem:$0x1CB00] =	vst v63  }
0x151: {  	_ = 	snop  }
0x152: {  	[tilespmem:s29], [sflag:$0x1] =	stream.indirect.gather [hbm4b:s4+s25], $0x20, s28, s25, $0xb8;
	[tilespmem:$0x1CB00] =	vst v63  }
0x153: {  	_ = 	snop  }
0x154: {  	[tilespmem:s31], [sflag:$0x1] =	stream.indirect.gather [hbm4b:s4+s25], $0x20, s30, s25, $0xb8;
	[tilespmem:$0x1CB00] =	vst v63  }
0x155: {  	_ =	swait.ge [sflag:s0], $0x1000  }
0x156: {  	[sflag:s0] =	ssyncset.done $0x0  }
0x157: {  	[sflag:s0] =	ssyncadd.s32 $0xFFFFF000  }
0x158: {  	_ =	swait.ge [sflag:s0], $0x1000  }
0x159: {  	[sflag:s0] =	ssyncset.done $0x0  }
0x15a: {  	[sflag:s0] =	ssyncadd.s32 $0xFFFFF000  }
0x15b: {  	_ =	swait.ge [sflag:s0], $0x1000  }
0x15c: {  	[sflag:s0] =	ssyncset.done $0x0  }
0x15d: {  	[sflag:s0] =	ssyncadd.s32 $0xFFFFF000  }
0x15e: {  	_ =	swait.ge [sflag:s0], $0x1000  }
0x15f: {  	[sflag:s0] =	ssyncset.done $0x0  }
0x160: {  	[sflag:s0] =	ssyncadd.s32 $0xFFFFF000  }
0x161: {  	[spmem:s2] =	stream.indirect.scatter.add.f32 [tilespmem:s22], [sflag:$0x2], $0x20, s24, s25, $0xb8;
	[tilespmem:$0x1CB00] =	vst v63  }
0x162: {  	_ = 	snop  }
0x163: {  	[spmem:s2] =	stream.indirect.scatter.add.f32 [tilespmem:s26], [sflag:$0x2], $0x20, s8, s25, $0xb8;
	[tilespmem:$0x1CB00] =	vst v63  }
0x164: {  	_ = 	snop  }
0x165: {  	[spmem:s2] =	stream.indirect.scatter.add.f32 [tilespmem:s29], [sflag:$0x2], $0x20, s10, s25, $0xb8;
	[tilespmem:$0x1CB00] =	vst v63  }
0x166: {  	_ = 	snop  }
0x167: {  	[spmem:s2] =	stream.indirect.scatter.add.f32 [tilespmem:s31], [sflag:$0x2], $0x20, s12, s25, $0xb8;
	[tilespmem:$0x1CB00] =	vst v63  }
0x168: {  	_ =	swait.ge [sflag:s13], $0x1000  }
0x169: {  	[sflag:s13] =	ssyncset.done $0x0  }
0x16a: {  	[sflag:s13] =	ssyncadd.s32 $0xFFFFF000  }
0x16b: {  	_ =	swait.ge [sflag:s13], $0x1000  }
0x16c: {  	[sflag:s13] =	ssyncset.done $0x0  }
0x16d: {  	[sflag:s13] =	ssyncadd.s32 $0xFFFFF000  }
.Ltmp6:
0x16e: {  	_ =	swait.ge [sflag:s13], $0x1000;
	(pc) =	sbr.rel @p2 .LBB2_5-.Ltmp6, $4  }
0x16f: {  	[sflag:s13] =	ssyncset.done $0x0  }
0x170: {  	[sflag:s13] =	ssyncadd.s32 $0xFFFFF000  }
0x171: {  	_ =	swait.ge [sflag:s13], $0x1000  }
0x172: {  	s15 =	smov.u32 s16;
	[sflag:s13] =	ssyncset.done $0x0  }
.Ltmp7:
0x173: {  	_ = 	snop;
	(pc) =	sbr.rel .LBB2_6-.Ltmp7, $1  }
0x174: {  	_ =	sdelay $0x3  }
.LBB2_11:
0x175: {  	_ =	sfence.sel $0x180000  }
0x176: {  	[bflag:$0x0] =	sbarrier.arrive $0xFFFF  }
0x177: {  	_ =	strace $0x90000047  }
0x178: {  	s0 =	stileid.u32;
	[bflag:$0x2] =	sbarrier.arrive $0xFFFF  }
0x179: {  	p0 =	sne.s32 s0, $0x0;
	s0 =	rddreg [dreg:$0x3]  }
0x17a: {  	s0 =	sadd.s32 @!p0 $0x100000, s0  }
0x17b: {  	[sflag:s0] =	ssyncadd.tile.s32 @!p0 $0x1;
	_ =	shalt  }
.Lfunc_end2:
_tile_overlayer_lowered:
.L_overlay_start_2:
0x17c: {  	(tag) =	ssettag $0x2  }
0x17d: {  	s0 =	rddreg [dreg:$0x0];
	s2 =	stileid.u32  }
0x17e: {  	s1 =	rddreg [dreg:$0x1];
	p0 =	sne.s32 s2, $0x0  }
0x17f: {  	s3 =	rddreg [dreg:$0x2];
	[bflag:$0x3] =	sbarrier.arrive $0xFFFF;
	s2 =	simm.s32 @!p0 $0x1C03  }
0x180: {  	[timem:s3], [sflag:s2] =	dma.local @!p0 [hbm:s0], s1  }
0x181: {  	s0 =	simm.s32 @!p0 $0x3  }
0x182: {  	_ =	swait.ge @!p0 [sflag:s0], s1  }
0x183: {  	s1 =	ssub.s32 @!p0 $0x0, s1;
	[sflag:s0] =	ssyncset.done @!p0 $0x0  }
0x184: {  	[sflag:s0] =	ssyncadd.s32 @!p0 s1  }
0x185: {  	[bflag:$0x3] =	sbarrier.arrive $0xFFFF  }
0x186: {  	_ =	shalt  }

</sc_bundles>
